<compile_context>
chip_gen: v7x
topology: tpu7x:2x2x1
jax: 0.10.2.dev20260603
libtpu: 0.0.44.dev20260713+nightly
codegen_flags: <defaults>
</compile_context>

<pallas_src>
import jax
import jax.numpy as jnp
from jax import lax
from jax.experimental import pallas as pl
from jax.experimental.pallas import tpu as pltpu
from jax.experimental.pallas import tpu_sc as plsc

_N = 20000
_K = 4000
_U = 8
_CH = 50
_TAB = 100064


def _greedy_body(packed_hbm, ztab_hbm, fill_hbm, kvec_hbm, out_hbm,
                 packed_v, table_v, top_v, kv):
    cid = lax.axis_index("c")
    sid = lax.axis_index("s")

    @pl.when(jnp.logical_and(cid == 0, sid == 0))
    def _():
        pltpu.sync_copy(packed_hbm, packed_v)
        pltpu.sync_copy(ztab_hbm, table_v)
        pltpu.sync_copy(fill_hbm, top_v)
        pltpu.sync_copy(kvec_hbm, kv)
        kk = kv[...][0]
        lanes = lax.iota(jnp.int32, 16)
        d1 = lanes + 16

        def crosscheck(v0, v1, w1, lim):
            bad0 = ((lanes >= 1) & (lanes <= w1) & ((v0 >> 5) > lim - lanes)) | \
                   ((lanes < w1) & ((v0 & 31) > lanes + 1))
            bad1 = ((d1 <= w1) & ((v1 >> 5) > lim - d1)) | \
                   ((d1 < w1) & ((v1 & 31) > d1 + 1))
            return jnp.any(bad0 | bad1)

        def step(i, cnt):
            t0 = _U * i
            s, w1, lim, e, v0, v1 = [], [], [], [], [], []
            for j in range(_U):
                swj = plsc.load_gather(
                    packed_v, [jnp.full((16,), t0 + j, jnp.int32)])[0]
                sj = swj >> 5
                w1j = swj & 31
                s.append(sj)
                w1.append(w1j)
                lim.append(w1j + 1)
                e.append(sj + w1j)
            for j in range(_U):
                v0.append(plsc.load_gather(table_v, [s[j] + lanes]))
                v1.append(plsc.load_gather(table_v, [s[j] + lanes + 16]))

            def cross(m, j):
                return ((s[m] < s[j]) & (s[j] <= e[m]) & (e[m] < e[j])) | \
                       ((s[j] < s[m]) & (s[m] <= e[j]) & (e[j] < e[m]))

            ok = []
            cs = [cnt]
            for j in range(_U):
                okj = jnp.logical_not(crosscheck(v0[j], v1[j], w1[j], lim[j]))
                for m in range(j):
                    okj = okj & jnp.logical_not(ok[m] & cross(m, j))
                okj = okj & (cs[j] < kk)
                ok.append(okj)
                cs.append(cs[j] + jnp.where(okj, jnp.int32(1), jnp.int32(0)))

            pv = jnp.zeros((16,), jnp.int32)
            maskp = jnp.zeros((16,), jnp.bool_)
            for j in range(_U):
                pv = jnp.where(lanes == 2 * j, s[j], pv)
                pv = jnp.where(lanes == 2 * j + 1, e[j], pv)
                maskp = maskp | (((lanes >> 1) == j) & ok[j])
            pre = plsc.load_gather(table_v, [pv])
            aval = jnp.int32(0)
            bval = jnp.int32(0)
            zero = jnp.zeros((16,), jnp.int32)
            for m in range(_U):
                aval = jnp.maximum(
                    aval, jnp.where(ok[m] & (pv == s[m]), lim[m], zero))
                bval = jnp.maximum(
                    bval, jnp.where(ok[m] & (pv == e[m]), lim[m], zero))
            val = (jnp.maximum(pre >> 5, aval) << 5) | \
                jnp.maximum(pre & 31, bval)
            plsc.store_scatter(table_v, [pv], val, mask=maskp)

            idxt = jnp.zeros((16,), jnp.int32)
            maskt = jnp.zeros((16,), jnp.bool_)
            for j in range(_U):
                idxt = jnp.where(lanes == j, cs[j], idxt)
                maskt = maskt | ((lanes == j) & ok[j])
            plsc.store_scatter(top_v, [idxt],
                               t0 + jnp.minimum(lanes, _U - 1),
                               mask=maskt)
            return cs[_U]

        def chunk(ci, cnt):
            return lax.cond(
                cnt < kk,
                lambda c: lax.fori_loop(ci * _CH, (ci + 1) * _CH, step, c),
                lambda c: c,
                cnt)

        lax.fori_loop(0, (_N // _U) // _CH, chunk, jnp.int32(0))
        pltpu.sync_copy(top_v, out_hbm)


def kernel(ment_starts, ment_ends, ment_scores, k):
    starts = ment_starts.astype(jnp.int32)
    ends = ment_ends.astype(jnp.int32)
    scores = jnp.asarray(ment_scores)
    order = jnp.argsort(-scores, stable=True).astype(jnp.int32)
    ssort = starts[order]
    wsort = ends[order] - ssort
    packed = ssort * 32 + wsort

    ztab = jnp.zeros((_TAB,), jnp.int32)
    fill = jnp.full((_K,), -1, jnp.int32)
    kvec = jnp.full((16,), jnp.asarray(k, jnp.int32))

    mesh = plsc.VectorSubcoreMesh(core_axis_name="c", subcore_axis_name="s",
                                  num_cores=2, num_subcores=16)
    ranks = pl.kernel(
        _greedy_body,
        out_type=jax.ShapeDtypeStruct((_K,), jnp.int32),
        mesh=mesh,
        scratch_types=[
            pltpu.VMEM((_N,), jnp.int32),
            pltpu.VMEM((_TAB,), jnp.int32),
            pltpu.VMEM((_K,), jnp.int32),
            pltpu.VMEM((16,), jnp.int32),
        ],
        compiler_params=pltpu.CompilerParams(needs_layout_passes=False),
    )(packed, ztab, fill, kvec)

    valid_sel = ranks >= 0
    top = jnp.where(valid_sel, order[jnp.where(valid_sel, ranks, 0)], -1)

    big = jnp.int32(1 << 30)
    safe_top = jnp.where(valid_sel, top, 0)
    s_sel = starts[safe_top]
    e_sel = ends[safe_top]
    m_last = ends[-1]
    a = (s_sel // 256) * m_last
    b = (s_sel % 256) * m_last + e_sel
    t_lo = (a % 256) * 256 + b
    lo = t_lo % 65536
    hi = (a // 256) + t_lo // 65536
    hi = jnp.where(valid_sel, hi, big)
    lo = jnp.where(valid_sel, lo, jnp.int32(0))
    _, _, idx = lax.sort((hi, lo, top), num_keys=2, is_stable=True)

    valid = idx >= 0
    safe = jnp.where(valid, idx, 0)
    sel_scores = jnp.where(valid, jnp.take(scores, safe), 0.0)
    return (idx, sel_scores)

# --- scband reference (transcript-rebuilt; emitter-appended) ---
"""Pipeline reference for scband-model-45380624450145 (READ-ONLY COPY).

The authoritative reference and input builder live on the scoring server;
editing this copy changes nothing except your own understanding.
"""

import jax, jax.numpy as jnp
import numpy as np

N = 20000
K = 4000
MAXW = 30


def setup_inputs(seed: int = 0) -> dict:
    key = jax.random.key(seed)
    k1, k2, k3 = jax.random.split(key, 3)
    ment_starts = jax.random.randint(k1, (N,), 0, 100000)
    widths = jax.random.randint(k2, (N,), 1, MAXW + 1)
    ment_ends = ment_starts + widths - 1
    ment_scores = jax.random.normal(k3, (N,), dtype=jnp.float32)
    return {
        "ment_starts": ment_starts,
        "ment_ends": ment_ends,
        "ment_scores": ment_scores,
        "k": K,
    }


def _prune_mentions_np(starts, ends, scores, k):
    # Faithful port of ModelTask.prune_mentions: greedy, score-descending
    # acceptance of spans, rejecting any span that *crosses* an already
    # accepted span (partial overlap), exactly as in the torch loop.
    order = np.argsort(-scores, kind="stable")
    max_span_start = {}
    max_span_end = {}
    top = []
    for idx in order:
        s = int(starts[idx])
        e = int(ends[idx])
        ok = True
        for i in range(s, e + 1):
            if i in max_span_end and i > s and e < max_span_end[i]:
                ok = False
                break
            if i in max_span_start and i < e and s > max_span_start[i]:
                ok = False
                break
        if ok:
            top.append(int(idx))
            if s not in max_span_end or e > max_span_end[s]:
                max_span_end[s] = e
            if e not in max_span_start or s < max_span_start[e]:
                max_span_start[e] = s
            if len(top) == k:
                break
    top = np.asarray(top, dtype=np.int64)
    # re-sort survivors by document position: start * ends[-1] + end
    ment_pos = starts[top].astype(np.int64) * int(ends[-1]) + ends[top].astype(np.int64)
    o = np.argsort(ment_pos, kind="stable")
    return top[o]


_MAXPOS = 100000 + MAXW


def reference(ment_starts, ment_ends, ment_scores, k):
    starts = ment_starts.astype(jnp.int32)
    ends = ment_ends.astype(jnp.int32)
    scores = ment_scores
    order = jnp.argsort(-scores, stable=True).astype(jnp.int32)
    big = jnp.int32(1 << 30)
    max_end = jnp.full((_MAXPOS,), -1, dtype=jnp.int32)
    min_start = jnp.full((_MAXPOS,), big, dtype=jnp.int32)
    top0 = jnp.full((K,), -1, dtype=jnp.int32)
    offs = jnp.arange(MAXW, dtype=jnp.int32)

    def body(t, carry):
        me, ms, top, count = carry
        mi = order[t]
        s = starts[mi]
        e = ends[mi]
        pos = s + offs
        inside = pos <= e
        me_i = me[pos]
        ms_i = ms[pos]
        bad1 = inside & (pos > s) & (e < me_i)
        bad2 = inside & (pos < e) & (s > ms_i)
        ok = jnp.logical_not(jnp.any(bad1 | bad2)) & (count < k)
        me2 = me.at[jnp.where(ok, s, _MAXPOS)].max(e, mode="drop")
        ms2 = ms.at[jnp.where(ok, e, _MAXPOS)].min(s, mode="drop")
        top2 = top.at[jnp.where(ok, count, K)].set(mi, mode="drop")
        count2 = count + jnp.where(ok, jnp.int32(1), jnp.int32(0))
        return me2, ms2, top2, count2

    _, _, top, _ = jax.lax.fori_loop(
        0, N, body, (max_end, min_start, top0, jnp.int32(0))
    )

    # re-sort survivors by document position: start * ends[-1] + end,
    # computed exactly in 16-bit limbs to avoid int64 (pos < 2**34).
    valid_sel = top >= 0
    safe_top = jnp.where(valid_sel, top, 0)
    s_sel = starts[safe_top]
    e_sel = ends[safe_top]
    m_last = ends[-1]
    a = (s_sel // 256) * m_last
    b = (s_sel % 256) * m_last + e_sel
    t_lo = (a % 256) * 256 + b
    lo = t_lo % 65536
    hi = (a // 256) + t_lo // 65536
    hi = jnp.where(valid_sel, hi, big)
    lo = jnp.where(valid_sel, lo, jnp.int32(0))
    _, _, idx = jax.lax.sort((hi, lo, top), num_keys=2, is_stable=True)

    valid = idx >= 0
    safe = jnp.where(valid, idx, 0)
    sel_scores = jnp.where(valid, jnp.take(jnp.asarray(ment_scores), safe), 0.0)
    return (idx, sel_scores)


if False:  # reference __main__ guard neutralized (emitter)
    out = reference(**setup_inputs())
    print(out[0].shape, out[1].shape)

if __name__ == "__main__":
    import jax
    _d = setup_inputs()
    print(jax.jit(kernel)(*tuple(_d.values())))

</pallas_src>

<mosaic_0001>
#map = affine_map<(d0, d1) -> (0)>
module attributes {stable_mosaic.version = 14 : i64} {
  func.func @_greedy_body(%arg0: i32, %arg1: i32, %arg2: memref<20000xi32, #tpu.memory_space<hbm>>, %arg3: memref<100064xi32, #tpu.memory_space<hbm>>, %arg4: memref<4000xi32, #tpu.memory_space<hbm>>, %arg5: memref<16xi32, #tpu.memory_space<hbm>>, %arg6: memref<4000xi32, #tpu.memory_space<hbm>>, %arg7: memref<20000xi32, #tpu.memory_space<vmem>>, %arg8: memref<100064xi32, #tpu.memory_space<vmem>>, %arg9: memref<4000xi32, #tpu.memory_space<vmem>>, %arg10: memref<16xi32, #tpu.memory_space<vmem>>) attributes {dimension_semantics = [#tpu.dimension_semantics<core_parallel>, #tpu.dimension_semantics<subcore_parallel>], iteration_bounds = array<i64: 2, 16>, scalar_prefetch = 0 : i64, scratch_operands = 4 : i64, tpu.core_type = #tpu.core_type<sc_vector_subcore>, window_params = [{transform_indices = #map}, {transform_indices = #map}, {transform_indices = #map}, {transform_indices = #map}, {transform_indices = #map}]} {
    %eq3A = arith.constant 0 : i32
    %eq3A_0 = arith.cmpi eq, %arg0, %eq3A : i32
    %eq3A_1 = arith.constant 0 : i32
    %eq3A_2 = arith.cmpi eq, %arg1, %eq3A_1 : i32
    %and3A = arith.andi %eq3A_0, %eq3A_2 : i1
    %convert_element_type3A = arith.extui %and3A : i1 to i32
    %cond3A = arith.constant 0 : i32
    %cond3A_3 = arith.cmpi ne, %convert_element_type3A, %cond3A : i32
    scf.if %cond3A_3 {
      "tpu.region"() ({
        %run_scoped3A = tpu.sem_alloc : memref<!tpu.dma_semaphore, #tpu.memory_space<semaphore_mem>>
        tpu.enqueue_dma source(%arg2 : memref<20000xi32, #tpu.memory_space<hbm>>) target(%arg7 : memref<20000xi32, #tpu.memory_space<vmem>>) target_semaphore(%run_scoped3A : memref<!tpu.dma_semaphore, #tpu.memory_space<semaphore_mem>>)
        tpu.wait_dma2 semaphore(%run_scoped3A : memref<!tpu.dma_semaphore, #tpu.memory_space<semaphore_mem>>) src(%arg2 : memref<20000xi32, #tpu.memory_space<hbm>>) dst(%arg7 : memref<20000xi32, #tpu.memory_space<vmem>>)
        tpu.yield
      }) : () -> ()
      "tpu.region"() ({
        %run_scoped3A = tpu.sem_alloc : memref<!tpu.dma_semaphore, #tpu.memory_space<semaphore_mem>>
        tpu.enqueue_dma source(%arg3 : memref<100064xi32, #tpu.memory_space<hbm>>) target(%arg8 : memref<100064xi32, #tpu.memory_space<vmem>>) target_semaphore(%run_scoped3A : memref<!tpu.dma_semaphore, #tpu.memory_space<semaphore_mem>>)
        tpu.wait_dma2 semaphore(%run_scoped3A : memref<!tpu.dma_semaphore, #tpu.memory_space<semaphore_mem>>) src(%arg3 : memref<100064xi32, #tpu.memory_space<hbm>>) dst(%arg8 : memref<100064xi32, #tpu.memory_space<vmem>>)
        tpu.yield
      }) : () -> ()
      "tpu.region"() ({
        %run_scoped3A = tpu.sem_alloc : memref<!tpu.dma_semaphore, #tpu.memory_space<semaphore_mem>>
        tpu.enqueue_dma source(%arg4 : memref<4000xi32, #tpu.memory_space<hbm>>) target(%arg9 : memref<4000xi32, #tpu.memory_space<vmem>>) target_semaphore(%run_scoped3A : memref<!tpu.dma_semaphore, #tpu.memory_space<semaphore_mem>>)
        tpu.wait_dma2 semaphore(%run_scoped3A : memref<!tpu.dma_semaphore, #tpu.memory_space<semaphore_mem>>) src(%arg4 : memref<4000xi32, #tpu.memory_space<hbm>>) dst(%arg9 : memref<4000xi32, #tpu.memory_space<vmem>>)
        tpu.yield
      }) : () -> ()
      "tpu.region"() ({
        %run_scoped3A = tpu.sem_alloc : memref<!tpu.dma_semaphore, #tpu.memory_space<semaphore_mem>>
        tpu.enqueue_dma source(%arg5 : memref<16xi32, #tpu.memory_space<hbm>>) target(%arg10 : memref<16xi32, #tpu.memory_space<vmem>>) target_semaphore(%run_scoped3A : memref<!tpu.dma_semaphore, #tpu.memory_space<semaphore_mem>>)
        tpu.wait_dma2 semaphore(%run_scoped3A : memref<!tpu.dma_semaphore, #tpu.memory_space<semaphore_mem>>) src(%arg5 : memref<16xi32, #tpu.memory_space<hbm>>) dst(%arg10 : memref<16xi32, #tpu.memory_space<vmem>>)
        tpu.yield
      }) : () -> ()
      %get3A = arith.constant 0 : index
      %get3A_4 = tpu.vector_load %arg10[%get3A] {strides = array<i32>} : memref<16xi32, #tpu.memory_space<vmem>>, vector<16xi32>,
      %slice3A = vector.extract_strided_slice %get3A_4 {offsets = [0], sizes = [1], strides = [1]} : vector<16xi32> to vector<1xi32>
      %squeeze3A = vector.extract %slice3A[0] : i32 from vector<1xi32>
      %iota3A = tpu.iota {dimensions = array<i32: 0>} : vector<16xi32>
      %add3A = arith.constant 16 : i32
      %add3A_5 = vector.broadcast %add3A : i32 to vector<16xi32>
      %add3A_6 = arith.addi %iota3A, %add3A_5 : vector<16xi32>
      %scan3A = arith.constant 0 : i32
      %scan3A_7 = arith.constant 0 : i32
      %scan3A_8 = arith.constant 50 : i32
      %scan3A_9 = arith.addi %scan3A_7, %scan3A_8 : i32
      %scan3A_10 = arith.constant 1 : i32
      %scan3A_11 = scf.for %scan3A_13 = %scan3A_7 to %scan3A_9 step %scan3A_10 iter_args(%scan3A_14 = %scan3A) -> (i32)  : i32 {
        %lt3A = arith.cmpi slt, %scan3A_14, %squeeze3A : i32
        %convert_element_type3A_15 = arith.extui %lt3A : i1 to i32
        %cond3A_16 = arith.constant 0 : i32
        %cond3A_17 = arith.cmpi ne, %convert_element_type3A_15, %cond3A_16 : i32
        %cond3A_18 = scf.if %cond3A_17 -> (i32) {
          %mul3A = arith.constant 50 : i32
          %mul3A_19 = arith.muli %scan3A_13, %mul3A : i32
          %add3A_20 = arith.constant 1 : i32
          %add3A_21 = arith.addi %scan3A_13, %add3A_20 : i32
          %mul3A_22 = arith.constant 50 : i32
          %mul3A_23 = arith.muli %add3A_21, %mul3A_22 : i32
          %while3A = arith.subi %mul3A_23, %mul3A_19 : i32
          %while3A_24 = arith.addi %mul3A_19, %while3A : i32
          %while3A_25 = arith.constant 1 : i32
          %while3A_26 = arith.divsi %while3A, %while3A_25 : i32
          %while3A_27 = arith.muli %while3A_26, %while3A_25 : i32
          %while3A_28 = arith.addi %mul3A_19, %while3A_27 : i32
          %while3A_29 = arith.constant 1 : i32
          %while3A_30 = scf.for %while3A_33 = %mul3A_19 to %while3A_28 step %while3A_29 iter_args(%while3A_34 = %scan3A_14) -> (i32)  : i32 {
            %mul3A_35 = arith.constant 8 : i32
            %mul3A_36 = arith.muli %mul3A_35, %while3A_33 : i32
            %add3A_37 = arith.constant 0 : i32
            %add3A_38 = arith.addi %mul3A_36, %add3A_37 : i32
            %broadcast_in_dim3A = vector.broadcast %add3A_38 : i32 to vector<16xi32>
            %gather3A = tpu.vector_load_idx %arg7[%broadcast_in_dim3A] : memref<20000xi32, #tpu.memory_space<vmem>>[vector<16xi32>], vector<16xi32>,
            %slice3A_39 = vector.extract_strided_slice %gather3A {offsets = [0], sizes = [1], strides = [1]} : vector<16xi32> to vector<1xi32>
            %squeeze3A_40 = vector.extract %slice3A_39[0] : i32 from vector<1xi32>
            %shift_right_arithmetic3A = arith.constant 5 : i32
            %shift_right_arithmetic3A_41 = arith.shrsi %squeeze3A_40, %shift_right_arithmetic3A : i32
            %and3A_42 = arith.constant 31 : i32
            %and3A_43 = arith.andi %squeeze3A_40, %and3A_42 : i32
            %add3A_44 = arith.constant 1 : i32
            %add3A_45 = arith.addi %and3A_43, %add3A_44 : i32
            %add3A_46 = arith.addi %shift_right_arithmetic3A_41, %and3A_43 : i32
            %add3A_47 = arith.constant 1 : i32
            %add3A_48 = arith.addi %mul3A_36, %add3A_47 : i32
            %broadcast_in_dim3A_49 = vector.broadcast %add3A_48 : i32 to vector<16xi32>
            %gather3A_50 = tpu.vector_load_idx %arg7[%broadcast_in_dim3A_49] : memref<20000xi32, #tpu.memory_space<vmem>>[vector<16xi32>], vector<16xi32>,
            %slice3A_51 = vector.extract_strided_slice %gather3A_50 {offsets = [0], sizes = [1], strides = [1]} : vector<16xi32> to vector<1xi32>
            %squeeze3A_52 = vector.extract %slice3A_51[0] : i32 from vector<1xi32>
            %shift_right_arithmetic3A_53 = arith.constant 5 : i32
            %shift_right_arithmetic3A_54 = arith.shrsi %squeeze3A_52, %shift_right_arithmetic3A_53 : i32
            %and3A_55 = arith.constant 31 : i32
            %and3A_56 = arith.andi %squeeze3A_52, %and3A_55 : i32
            %add3A_57 = arith.constant 1 : i32
            %add3A_58 = arith.addi %and3A_56, %add3A_57 : i32
            %add3A_59 = arith.addi %shift_right_arithmetic3A_54, %and3A_56 : i32
            %add3A_60 = arith.constant 2 : i32
            %add3A_61 = arith.addi %mul3A_36, %add3A_60 : i32
            %broadcast_in_dim3A_62 = vector.broadcast %add3A_61 : i32 to vector<16xi32>
            %gather3A_63 = tpu.vector_load_idx %arg7[%broadcast_in_dim3A_62] : memref<20000xi32, #tpu.memory_space<vmem>>[vector<16xi32>], vector<16xi32>,
            %slice3A_64 = vector.extract_strided_slice %gather3A_63 {offsets = [0], sizes = [1], strides = [1]} : vector<16xi32> to vector<1xi32>
            %squeeze3A_65 = vector.extract %slice3A_64[0] : i32 from vector<1xi32>
            %shift_right_arithmetic3A_66 = arith.constant 5 : i32
            %shift_right_arithmetic3A_67 = arith.shrsi %squeeze3A_65, %shift_right_arithmetic3A_66 : i32
            %and3A_68 = arith.constant 31 : i32
            %and3A_69 = arith.andi %squeeze3A_65, %and3A_68 : i32
            %add3A_70 = arith.constant 1 : i32
            %add3A_71 = arith.addi %and3A_69, %add3A_70 : i32
            %add3A_72 = arith.addi %shift_right_arithmetic3A_67, %and3A_69 : i32
            %add3A_73 = arith.constant 3 : i32
            %add3A_74 = arith.addi %mul3A_36, %add3A_73 : i32
            %broadcast_in_dim3A_75 = vector.broadcast %add3A_74 : i32 to vector<16xi32>
            %gather3A_76 = tpu.vector_load_idx %arg7[%broadcast_in_dim3A_75] : memref<20000xi32, #tpu.memory_space<vmem>>[vector<16xi32>], vector<16xi32>,
            %slice3A_77 = vector.extract_strided_slice %gather3A_76 {offsets = [0], sizes = [1], strides = [1]} : vector<16xi32> to vector<1xi32>
            %squeeze3A_78 = vector.extract %slice3A_77[0] : i32 from vector<1xi32>
            %shift_right_arithmetic3A_79 = arith.constant 5 : i32
            %shift_right_arithmetic3A_80 = arith.shrsi %squeeze3A_78, %shift_right_arithmetic3A_79 : i32
            %and3A_81 = arith.constant 31 : i32
            %and3A_82 = arith.andi %squeeze3A_78, %and3A_81 : i32
            %add3A_83 = arith.constant 1 : i32
            %add3A_84 = arith.addi %and3A_82, %add3A_83 : i32
            %add3A_85 = arith.addi %shift_right_arithmetic3A_80, %and3A_82 : i32
            %add3A_86 = arith.constant 4 : i32
            %add3A_87 = arith.addi %mul3A_36, %add3A_86 : i32
            %broadcast_in_dim3A_88 = vector.broadcast %add3A_87 : i32 to vector<16xi32>
            %gather3A_89 = tpu.vector_load_idx %arg7[%broadcast_in_dim3A_88] : memref<20000xi32, #tpu.memory_space<vmem>>[vector<16xi32>], vector<16xi32>,
            %slice3A_90 = vector.extract_strided_slice %gather3A_89 {offsets = [0], sizes = [1], strides = [1]} : vector<16xi32> to vector<1xi32>
            %squeeze3A_91 = vector.extract %slice3A_90[0] : i32 from vector<1xi32>
            %shift_right_arithmetic3A_92 = arith.constant 5 : i32
            %shift_right_arithmetic3A_93 = arith.shrsi %squeeze3A_91, %shift_right_arithmetic3A_92 : i32
            %and3A_94 = arith.constant 31 : i32
            %and3A_95 = arith.andi %squeeze3A_91, %and3A_94 : i32
            %add3A_96 = arith.constant 1 : i32
            %add3A_97 = arith.addi %and3A_95, %add3A_96 : i32
            %add3A_98 = arith.addi %shift_right_arithmetic3A_93, %and3A_95 : i32
            %add3A_99 = arith.constant 5 : i32
            %add3A_100 = arith.addi %mul3A_36, %add3A_99 : i32
            %broadcast_in_dim3A_101 = vector.broadcast %add3A_100 : i32 to vector<16xi32>
            %gather3A_102 = tpu.vector_load_idx %arg7[%broadcast_in_dim3A_101] : memref<20000xi32, #tpu.memory_space<vmem>>[vector<16xi32>], vector<16xi32>,
            %slice3A_103 = vector.extract_strided_slice %gather3A_102 {offsets = [0], sizes = [1], strides = [1]} : vector<16xi32> to vector<1xi32>
            %squeeze3A_104 = vector.extract %slice3A_103[0] : i32 from vector<1xi32>
            %shift_right_arithmetic3A_105 = arith.constant 5 : i32
            %shift_right_arithmetic3A_106 = arith.shrsi %squeeze3A_104, %shift_right_arithmetic3A_105 : i32
            %and3A_107 = arith.constant 31 : i32
            %and3A_108 = arith.andi %squeeze3A_104, %and3A_107 : i32
            %add3A_109 = arith.constant 1 : i32
            %add3A_110 = arith.addi %and3A_108, %add3A_109 : i32
            %add3A_111 = arith.addi %shift_right_arithmetic3A_106, %and3A_108 : i32
            %add3A_112 = arith.constant 6 : i32
            %add3A_113 = arith.addi %mul3A_36, %add3A_112 : i32
            %broadcast_in_dim3A_114 = vector.broadcast %add3A_113 : i32 to vector<16xi32>
            %gather3A_115 = tpu.vector_load_idx %arg7[%broadcast_in_dim3A_114] : memref<20000xi32, #tpu.memory_space<vmem>>[vector<16xi32>], vector<16xi32>,
            %slice3A_116 = vector.extract_strided_slice %gather3A_115 {offsets = [0], sizes = [1], strides = [1]} : vector<16xi32> to vector<1xi32>
            %squeeze3A_117 = vector.extract %slice3A_116[0] : i32 from vector<1xi32>
            %shift_right_arithmetic3A_118 = arith.constant 5 : i32
            %shift_right_arithmetic3A_119 = arith.shrsi %squeeze3A_117, %shift_right_arithmetic3A_118 : i32
            %and3A_120 = arith.constant 31 : i32
            %and3A_121 = arith.andi %squeeze3A_117, %and3A_120 : i32
            %add3A_122 = arith.constant 1 : i32
            %add3A_123 = arith.addi %and3A_121, %add3A_122 : i32
            %add3A_124 = arith.addi %shift_right_arithmetic3A_119, %and3A_121 : i32
            %add3A_125 = arith.constant 7 : i32
            %add3A_126 = arith.addi %mul3A_36, %add3A_125 : i32
            %broadcast_in_dim3A_127 = vector.broadcast %add3A_126 : i32 to vector<16xi32>
            %gather3A_128 = tpu.vector_load_idx %arg7[%broadcast_in_dim3A_127] : memref<20000xi32, #tpu.memory_space<vmem>>[vector<16xi32>], vector<16xi32>,
            %slice3A_129 = vector.extract_strided_slice %gather3A_128 {offsets = [0], sizes = [1], strides = [1]} : vector<16xi32> to vector<1xi32>
            %squeeze3A_130 = vector.extract %slice3A_129[0] : i32 from vector<1xi32>
            %shift_right_arithmetic3A_131 = arith.constant 5 : i32
            %shift_right_arithmetic3A_132 = arith.shrsi %squeeze3A_130, %shift_right_arithmetic3A_131 : i32
            %and3A_133 = arith.constant 31 : i32
            %and3A_134 = arith.andi %squeeze3A_130, %and3A_133 : i32
            %add3A_135 = arith.constant 1 : i32
            %add3A_136 = arith.addi %and3A_134, %add3A_135 : i32
            %add3A_137 = arith.addi %shift_right_arithmetic3A_132, %and3A_134 : i32
            %add3A_138 = vector.broadcast %shift_right_arithmetic3A_41 : i32 to vector<16xi32>
            %add3A_139 = arith.addi %add3A_138, %iota3A : vector<16xi32>
            %gather3A_140 = tpu.vector_load_idx %arg8[%add3A_139] : memref<100064xi32, #tpu.memory_space<vmem>>[vector<16xi32>], vector<16xi32>,
            %add3A_141 = vector.broadcast %shift_right_arithmetic3A_41 : i32 to vector<16xi32>
            %add3A_142 = arith.addi %add3A_141, %iota3A : vector<16xi32>
            %add3A_143 = arith.constant 16 : i32
            %add3A_144 = vector.broadcast %add3A_143 : i32 to vector<16xi32>
            %add3A_145 = arith.addi %add3A_142, %add3A_144 : vector<16xi32>
            %gather3A_146 = tpu.vector_load_idx %arg8[%add3A_145] : memref<100064xi32, #tpu.memory_space<vmem>>[vector<16xi32>], vector<16xi32>,
            %add3A_147 = vector.broadcast %shift_right_arithmetic3A_54 : i32 to vector<16xi32>
            %add3A_148 = arith.addi %add3A_147, %iota3A : vector<16xi32>
            %gather3A_149 = tpu.vector_load_idx %arg8[%add3A_148] : memref<100064xi32, #tpu.memory_space<vmem>>[vector<16xi32>], vector<16xi32>,
            %add3A_150 = vector.broadcast %shift_right_arithmetic3A_54 : i32 to vector<16xi32>
            %add3A_151 = arith.addi %add3A_150, %iota3A : vector<16xi32>
            %add3A_152 = arith.constant 16 : i32
            %add3A_153 = vector.broadcast %add3A_152 : i32 to vector<16xi32>
            %add3A_154 = arith.addi %add3A_151, %add3A_153 : vector<16xi32>
            %gather3A_155 = tpu.vector_load_idx %arg8[%add3A_154] : memref<100064xi32, #tpu.memory_space<vmem>>[vector<16xi32>], vector<16xi32>,
            %add3A_156 = vector.broadcast %shift_right_arithmetic3A_67 : i32 to vector<16xi32>
            %add3A_157 = arith.addi %add3A_156, %iota3A : vector<16xi32>
            %gather3A_158 = tpu.vector_load_idx %arg8[%add3A_157] : memref<100064xi32, #tpu.memory_space<vmem>>[vector<16xi32>], vector<16xi32>,
            %add3A_159 = vector.broadcast %shift_right_arithmetic3A_67 : i32 to vector<16xi32>
            %add3A_160 = arith.addi %add3A_159, %iota3A : vector<16xi32>
            %add3A_161 = arith.constant 16 : i32
            %add3A_162 = vector.broadcast %add3A_161 : i32 to vector<16xi32>
            %add3A_163 = arith.addi %add3A_160, %add3A_162 : vector<16xi32>
            %gather3A_164 = tpu.vector_load_idx %arg8[%add3A_163] : memref<100064xi32, #tpu.memory_space<vmem>>[vector<16xi32>], vector<16xi32>,
            %add3A_165 = vector.broadcast %shift_right_arithmetic3A_80 : i32 to vector<16xi32>
            %add3A_166 = arith.addi %add3A_165, %iota3A : vector<16xi32>
            %gather3A_167 = tpu.vector_load_idx %arg8[%add3A_166] : memref<100064xi32, #tpu.memory_space<vmem>>[vector<16xi32>], vector<16xi32>,
            %add3A_168 = vector.broadcast %shift_right_arithmetic3A_80 : i32 to vector<16xi32>
            %add3A_169 = arith.addi %add3A_168, %iota3A : vector<16xi32>
            %add3A_170 = arith.constant 16 : i32
            %add3A_171 = vector.broadcast %add3A_170 : i32 to vector<16xi32>
            %add3A_172 = arith.addi %add3A_169, %add3A_171 : vector<16xi32>
            %gather3A_173 = tpu.vector_load_idx %arg8[%add3A_172] : memref<100064xi32, #tpu.memory_space<vmem>>[vector<16xi32>], vector<16xi32>,
            %add3A_174 = vector.broadcast %shift_right_arithmetic3A_93 : i32 to vector<16xi32>
            %add3A_175 = arith.addi %add3A_174, %iota3A : vector<16xi32>
            %gather3A_176 = tpu.vector_load_idx %arg8[%add3A_175] : memref<100064xi32, #tpu.memory_space<vmem>>[vector<16xi32>], vector<16xi32>,
            %add3A_177 = vector.broadcast %shift_right_arithmetic3A_93 : i32 to vector<16xi32>
            %add3A_178 = arith.addi %add3A_177, %iota3A : vector<16xi32>
            %add3A_179 = arith.constant 16 : i32
            %add3A_180 = vector.broadcast %add3A_179 : i32 to vector<16xi32>
            %add3A_181 = arith.addi %add3A_178, %add3A_180 : vector<16xi32>
            %gather3A_182 = tpu.vector_load_idx %arg8[%add3A_181] : memref<100064xi32, #tpu.memory_space<vmem>>[vector<16xi32>], vector<16xi32>,
            %add3A_183 = vector.broadcast %shift_right_arithmetic3A_106 : i32 to vector<16xi32>
            %add3A_184 = arith.addi %add3A_183, %iota3A : vector<16xi32>
            %gather3A_185 = tpu.vector_load_idx %arg8[%add3A_184] : memref<100064xi32, #tpu.memory_space<vmem>>[vector<16xi32>], vector<16xi32>,
            %add3A_186 = vector.broadcast %shift_right_arithmetic3A_106 : i32 to vector<16xi32>
            %add3A_187 = arith.addi %add3A_186, %iota3A : vector<16xi32>
            %add3A_188 = arith.constant 16 : i32
            %add3A_189 = vector.broadcast %add3A_188 : i32 to vector<16xi32>
            %add3A_190 = arith.addi %add3A_187, %add3A_189 : vector<16xi32>
            %gather3A_191 = tpu.vector_load_idx %arg8[%add3A_190] : memref<100064xi32, #tpu.memory_space<vmem>>[vector<16xi32>], vector<16xi32>,
            %add3A_192 = vector.broadcast %shift_right_arithmetic3A_119 : i32 to vector<16xi32>
            %add3A_193 = arith.addi %add3A_192, %iota3A : vector<16xi32>
            %gather3A_194 = tpu.vector_load_idx %arg8[%add3A_193] : memref<100064xi32, #tpu.memory_space<vmem>>[vector<16xi32>], vector<16xi32>,
            %add3A_195 = vector.broadcast %shift_right_arithmetic3A_119 : i32 to vector<16xi32>
            %add3A_196 = arith.addi %add3A_195, %iota3A : vector<16xi32>
            %add3A_197 = arith.constant 16 : i32
            %add3A_198 = vector.broadcast %add3A_197 : i32 to vector<16xi32>
            %add3A_199 = arith.addi %add3A_196, %add3A_198 : vector<16xi32>
            %gather3A_200 = tpu.vector_load_idx %arg8[%add3A_199] : memref<100064xi32, #tpu.memory_space<vmem>>[vector<16xi32>], vector<16xi32>,
            %add3A_201 = vector.broadcast %shift_right_arithmetic3A_132 : i32 to vector<16xi32>
            %add3A_202 = arith.addi %add3A_201, %iota3A : vector<16xi32>
            %gather3A_203 = tpu.vector_load_idx %arg8[%add3A_202] : memref<100064xi32, #tpu.memory_space<vmem>>[vector<16xi32>], vector<16xi32>,
            %add3A_204 = vector.broadcast %shift_right_arithmetic3A_132 : i32 to vector<16xi32>
            %add3A_205 = arith.addi %add3A_204, %iota3A : vector<16xi32>
            %add3A_206 = arith.constant 16 : i32
            %add3A_207 = vector.broadcast %add3A_206 : i32 to vector<16xi32>
            %add3A_208 = arith.addi %add3A_205, %add3A_207 : vector<16xi32>
            %gather3A_209 = tpu.vector_load_idx %arg8[%add3A_208] : memref<100064xi32, #tpu.memory_space<vmem>>[vector<16xi32>], vector<16xi32>,
            %ge3A = arith.constant 1 : i32
            %ge3A_210 = vector.broadcast %ge3A : i32 to vector<16xi32>
            %ge3A_211 = arith.cmpi sge, %iota3A, %ge3A_210 : vector<16xi32>
            %le3A = vector.broadcast %and3A_43 : i32 to vector<16xi32>
            %le3A_212 = arith.cmpi sle, %iota3A, %le3A : vector<16xi32>
            %and3A_213 = arith.andi %ge3A_211, %le3A_212 : vector<16xi1>
            %shift_right_arithmetic3A_214 = arith.constant 5 : i32
            %shift_right_arithmetic3A_215 = vector.broadcast %shift_right_arithmetic3A_214 : i32 to vector<16xi32>
            %shift_right_arithmetic3A_216 = arith.shrsi %gather3A_140, %shift_right_arithmetic3A_215 : vector<16xi32>
            %sub3A = vector.broadcast %add3A_45 : i32 to vector<16xi32>
            %sub3A_217 = arith.subi %sub3A, %iota3A : vector<16xi32>
            %gt3A = arith.cmpi sgt, %shift_right_arithmetic3A_216, %sub3A_217 : vector<16xi32>
            %and3A_218 = arith.andi %and3A_213, %gt3A : vector<16xi1>
            %lt3A_219 = vector.broadcast %and3A_43 : i32 to vector<16xi32>
            %lt3A_220 = arith.cmpi slt, %iota3A, %lt3A_219 : vector<16xi32>
            %and3A_221 = arith.constant 31 : i32
            %and3A_222 = vector.broadcast %and3A_221 : i32 to vector<16xi32>
            %and3A_223 = arith.andi %gather3A_140, %and3A_222 : vector<16xi32>
            %add3A_224 = arith.constant 1 : i32
            %add3A_225 = vector.broadcast %add3A_224 : i32 to vector<16xi32>
            %add3A_226 = arith.addi %iota3A, %add3A_225 : vector<16xi32>
            %gt3A_227 = arith.cmpi sgt, %and3A_223, %add3A_226 : vector<16xi32>
            %and3A_228 = arith.andi %lt3A_220, %gt3A_227 : vector<16xi1>
            %or3A = arith.ori %and3A_218, %and3A_228 : vector<16xi1>
            %le3A_229 = vector.broadcast %and3A_43 : i32 to vector<16xi32>
            %le3A_230 = arith.cmpi sle, %add3A_6, %le3A_229 : vector<16xi32>
            %shift_right_arithmetic3A_231 = arith.constant 5 : i32
            %shift_right_arithmetic3A_232 = vector.broadcast %shift_right_arithmetic3A_231 : i32 to vector<16xi32>
            %shift_right_arithmetic3A_233 = arith.shrsi %gather3A_146, %shift_right_arithmetic3A_232 : vector<16xi32>
            %sub3A_234 = vector.broadcast %add3A_45 : i32 to vector<16xi32>
            %sub3A_235 = arith.subi %sub3A_234, %add3A_6 : vector<16xi32>
            %gt3A_236 = arith.cmpi sgt, %shift_right_arithmetic3A_233, %sub3A_235 : vector<16xi32>
            %and3A_237 = arith.andi %le3A_230, %gt3A_236 : vector<16xi1>
            %lt3A_238 = vector.broadcast %and3A_43 : i32 to vector<16xi32>
            %lt3A_239 = arith.cmpi slt, %add3A_6, %lt3A_238 : vector<16xi32>
            %and3A_240 = arith.constant 31 : i32
            %and3A_241 = vector.broadcast %and3A_240 : i32 to vector<16xi32>
            %and3A_242 = arith.andi %gather3A_146, %and3A_241 : vector<16xi32>
            %add3A_243 = arith.constant 1 : i32
            %add3A_244 = vector.broadcast %add3A_243 : i32 to vector<16xi32>
            %add3A_245 = arith.addi %add3A_6, %add3A_244 : vector<16xi32>
            %gt3A_246 = arith.cmpi sgt, %and3A_242, %add3A_245 : vector<16xi32>
            %and3A_247 = arith.andi %lt3A_239, %gt3A_246 : vector<16xi1>
            %or3A_248 = arith.ori %and3A_237, %and3A_247 : vector<16xi1>
            %or3A_249 = arith.ori %or3A, %or3A_248 : vector<16xi1>
            %reduce_or3A = arith.constant 1.000000e+00 : f32
            %reduce_or3A_250 = arith.constant 0.000000e+00 : f32
            %reduce_or3A_251 = vector.broadcast %reduce_or3A : f32 to vector<16xf32>
            %reduce_or3A_252 = vector.broadcast %reduce_or3A_250 : f32 to vector<16xf32>
            %reduce_or3A_253 = arith.select %or3A_249, %reduce_or3A_251, %reduce_or3A_252 : vector<16xi1>, vector<16xf32>
            %reduce_or3A_254 = arith.constant true
            %reduce_or3A_255 = vector.broadcast %reduce_or3A_254 : i1 to vector<16xi1>
            %reduce_or3A_256 = tpu.scan <max>, %reduce_or3A_253 masked %reduce_or3A_255 : vector<16xf32>, vector<16xi1> -> vector<16xf32>
            %reduce_or3A_257 = vector.extract %reduce_or3A_256[15] : f32 from vector<16xf32>
            %reduce_or3A_258 = arith.constant 0.000000e+00 : f32
            %reduce_or3A_259 = arith.cmpf ogt, %reduce_or3A_257, %reduce_or3A_258 : f32
            %not3A = arith.constant true
            %not3A_260 = arith.xori %reduce_or3A_259, %not3A : i1
            %lt3A_261 = arith.cmpi slt, %while3A_34, %squeeze3A : i32
            %and3A_262 = arith.andi %not3A_260, %lt3A_261 : i1
            %jit3A = arith.constant 1 : i32
            %jit3A_263 = arith.constant 0 : i32
            %select_n3A = arith.select %and3A_262, %jit3A, %jit3A_263 : i32
            %add3A_264 = arith.addi %while3A_34, %select_n3A : i32
            %ge3A_265 = arith.constant 1 : i32
            %ge3A_266 = vector.broadcast %ge3A_265 : i32 to vector<16xi32>
            %ge3A_267 = arith.cmpi sge, %iota3A, %ge3A_266 : vector<16xi32>
            %le3A_268 = vector.broadcast %and3A_56 : i32 to vector<16xi32>
            %le3A_269 = arith.cmpi sle, %iota3A, %le3A_268 : vector<16xi32>
            %and3A_270 = arith.andi %ge3A_267, %le3A_269 : vector<16xi1>
            %shift_right_arithmetic3A_271 = arith.constant 5 : i32
            %shift_right_arithmetic3A_272 = vector.broadcast %shift_right_arithmetic3A_271 : i32 to vector<16xi32>
            %shift_right_arithmetic3A_273 = arith.shrsi %gather3A_149, %shift_right_arithmetic3A_272 : vector<16xi32>
            %sub3A_274 = vector.broadcast %add3A_58 : i32 to vector<16xi32>
            %sub3A_275 = arith.subi %sub3A_274, %iota3A : vector<16xi32>
            %gt3A_276 = arith.cmpi sgt, %shift_right_arithmetic3A_273, %sub3A_275 : vector<16xi32>
            %and3A_277 = arith.andi %and3A_270, %gt3A_276 : vector<16xi1>
            %lt3A_278 = vector.broadcast %and3A_56 : i32 to vector<16xi32>
            %lt3A_279 = arith.cmpi slt, %iota3A, %lt3A_278 : vector<16xi32>
            %and3A_280 = arith.constant 31 : i32
            %and3A_281 = vector.broadcast %and3A_280 : i32 to vector<16xi32>
            %and3A_282 = arith.andi %gather3A_149, %and3A_281 : vector<16xi32>
            %add3A_283 = arith.constant 1 : i32
            %add3A_284 = vector.broadcast %add3A_283 : i32 to vector<16xi32>
            %add3A_285 = arith.addi %iota3A, %add3A_284 : vector<16xi32>
            %gt3A_286 = arith.cmpi sgt, %and3A_282, %add3A_285 : vector<16xi32>
            %and3A_287 = arith.andi %lt3A_279, %gt3A_286 : vector<16xi1>
            %or3A_288 = arith.ori %and3A_277, %and3A_287 : vector<16xi1>
            %le3A_289 = vector.broadcast %and3A_56 : i32 to vector<16xi32>
            %le3A_290 = arith.cmpi sle, %add3A_6, %le3A_289 : vector<16xi32>
            %shift_right_arithmetic3A_291 = arith.constant 5 : i32
            %shift_right_arithmetic3A_292 = vector.broadcast %shift_right_arithmetic3A_291 : i32 to vector<16xi32>
            %shift_right_arithmetic3A_293 = arith.shrsi %gather3A_155, %shift_right_arithmetic3A_292 : vector<16xi32>
            %sub3A_294 = vector.broadcast %add3A_58 : i32 to vector<16xi32>
            %sub3A_295 = arith.subi %sub3A_294, %add3A_6 : vector<16xi32>
            %gt3A_296 = arith.cmpi sgt, %shift_right_arithmetic3A_293, %sub3A_295 : vector<16xi32>
            %and3A_297 = arith.andi %le3A_290, %gt3A_296 : vector<16xi1>
            %lt3A_298 = vector.broadcast %and3A_56 : i32 to vector<16xi32>
            %lt3A_299 = arith.cmpi slt, %add3A_6, %lt3A_298 : vector<16xi32>
            %and3A_300 = arith.constant 31 : i32
            %and3A_301 = vector.broadcast %and3A_300 : i32 to vector<16xi32>
            %and3A_302 = arith.andi %gather3A_155, %and3A_301 : vector<16xi32>
            %add3A_303 = arith.constant 1 : i32
            %add3A_304 = vector.broadcast %add3A_303 : i32 to vector<16xi32>
            %add3A_305 = arith.addi %add3A_6, %add3A_304 : vector<16xi32>
            %gt3A_306 = arith.cmpi sgt, %and3A_302, %add3A_305 : vector<16xi32>
            %and3A_307 = arith.andi %lt3A_299, %gt3A_306 : vector<16xi1>
            %or3A_308 = arith.ori %and3A_297, %and3A_307 : vector<16xi1>
            %or3A_309 = arith.ori %or3A_288, %or3A_308 : vector<16xi1>
            %reduce_or3A_310 = arith.constant 1.000000e+00 : f32
            %reduce_or3A_311 = arith.constant 0.000000e+00 : f32
            %reduce_or3A_312 = vector.broadcast %reduce_or3A_310 : f32 to vector<16xf32>
            %reduce_or3A_313 = vector.broadcast %reduce_or3A_311 : f32 to vector<16xf32>
            %reduce_or3A_314 = arith.select %or3A_309, %reduce_or3A_312, %reduce_or3A_313 : vector<16xi1>, vector<16xf32>
            %reduce_or3A_315 = arith.constant true
            %reduce_or3A_316 = vector.broadcast %reduce_or3A_315 : i1 to vector<16xi1>
            %reduce_or3A_317 = tpu.scan <max>, %reduce_or3A_314 masked %reduce_or3A_316 : vector<16xf32>, vector<16xi1> -> vector<16xf32>
            %reduce_or3A_318 = vector.extract %reduce_or3A_317[15] : f32 from vector<16xf32>
            %reduce_or3A_319 = arith.constant 0.000000e+00 : f32
            %reduce_or3A_320 = arith.cmpf ogt, %reduce_or3A_318, %reduce_or3A_319 : f32
            %not3A_321 = arith.constant true
            %not3A_322 = arith.xori %reduce_or3A_320, %not3A_321 : i1
            %lt3A_323 = arith.cmpi slt, %shift_right_arithmetic3A_41, %shift_right_arithmetic3A_54 : i32
            %le3A_324 = arith.cmpi sle, %shift_right_arithmetic3A_54, %add3A_46 : i32
            %and3A_325 = arith.andi %lt3A_323, %le3A_324 : i1
            %lt3A_326 = arith.cmpi slt, %add3A_46, %add3A_59 : i32
            %and3A_327 = arith.andi %and3A_325, %lt3A_326 : i1
            %lt3A_328 = arith.cmpi slt, %shift_right_arithmetic3A_54, %shift_right_arithmetic3A_41 : i32
            %le3A_329 = arith.cmpi sle, %shift_right_arithmetic3A_41, %add3A_59 : i32
            %and3A_330 = arith.andi %lt3A_328, %le3A_329 : i1
            %lt3A_331 = arith.cmpi slt, %add3A_59, %add3A_46 : i32
            %and3A_332 = arith.andi %and3A_330, %lt3A_331 : i1
            %or3A_333 = arith.ori %and3A_327, %and3A_332 : i1
            %and3A_334 = arith.andi %and3A_262, %or3A_333 : i1
            %not3A_335 = arith.constant true
            %not3A_336 = arith.xori %and3A_334, %not3A_335 : i1
            %and3A_337 = arith.andi %not3A_322, %not3A_336 : i1
            %lt3A_338 = arith.cmpi slt, %add3A_264, %squeeze3A : i32
            %and3A_339 = arith.andi %and3A_337, %lt3A_338 : i1
            %jit3A_340 = arith.constant 1 : i32
            %jit3A_341 = arith.constant 0 : i32
            %select_n3A_342 = arith.select %and3A_339, %jit3A_340, %jit3A_341 : i32
            %add3A_343 = arith.addi %add3A_264, %select_n3A_342 : i32
            %ge3A_344 = arith.constant 1 : i32
            %ge3A_345 = vector.broadcast %ge3A_344 : i32 to vector<16xi32>
            %ge3A_346 = arith.cmpi sge, %iota3A, %ge3A_345 : vector<16xi32>
            %le3A_347 = vector.broadcast %and3A_69 : i32 to vector<16xi32>
            %le3A_348 = arith.cmpi sle, %iota3A, %le3A_347 : vector<16xi32>
            %and3A_349 = arith.andi %ge3A_346, %le3A_348 : vector<16xi1>
            %shift_right_arithmetic3A_350 = arith.constant 5 : i32
            %shift_right_arithmetic3A_351 = vector.broadcast %shift_right_arithmetic3A_350 : i32 to vector<16xi32>
            %shift_right_arithmetic3A_352 = arith.shrsi %gather3A_158, %shift_right_arithmetic3A_351 : vector<16xi32>
            %sub3A_353 = vector.broadcast %add3A_71 : i32 to vector<16xi32>
            %sub3A_354 = arith.subi %sub3A_353, %iota3A : vector<16xi32>
            %gt3A_355 = arith.cmpi sgt, %shift_right_arithmetic3A_352, %sub3A_354 : vector<16xi32>
            %and3A_356 = arith.andi %and3A_349, %gt3A_355 : vector<16xi1>
            %lt3A_357 = vector.broadcast %and3A_69 : i32 to vector<16xi32>
            %lt3A_358 = arith.cmpi slt, %iota3A, %lt3A_357 : vector<16xi32>
            %and3A_359 = arith.constant 31 : i32
            %and3A_360 = vector.broadcast %and3A_359 : i32 to vector<16xi32>
            %and3A_361 = arith.andi %gather3A_158, %and3A_360 : vector<16xi32>
            %add3A_362 = arith.constant 1 : i32
            %add3A_363 = vector.broadcast %add3A_362 : i32 to vector<16xi32>
            %add3A_364 = arith.addi %iota3A, %add3A_363 : vector<16xi32>
            %gt3A_365 = arith.cmpi sgt, %and3A_361, %add3A_364 : vector<16xi32>
            %and3A_366 = arith.andi %lt3A_358, %gt3A_365 : vector<16xi1>
            %or3A_367 = arith.ori %and3A_356, %and3A_366 : vector<16xi1>
            %le3A_368 = vector.broadcast %and3A_69 : i32 to vector<16xi32>
            %le3A_369 = arith.cmpi sle, %add3A_6, %le3A_368 : vector<16xi32>
            %shift_right_arithmetic3A_370 = arith.constant 5 : i32
            %shift_right_arithmetic3A_371 = vector.broadcast %shift_right_arithmetic3A_370 : i32 to vector<16xi32>
            %shift_right_arithmetic3A_372 = arith.shrsi %gather3A_164, %shift_right_arithmetic3A_371 : vector<16xi32>
            %sub3A_373 = vector.broadcast %add3A_71 : i32 to vector<16xi32>
            %sub3A_374 = arith.subi %sub3A_373, %add3A_6 : vector<16xi32>
            %gt3A_375 = arith.cmpi sgt, %shift_right_arithmetic3A_372, %sub3A_374 : vector<16xi32>
            %and3A_376 = arith.andi %le3A_369, %gt3A_375 : vector<16xi1>
            %lt3A_377 = vector.broadcast %and3A_69 : i32 to vector<16xi32>
            %lt3A_378 = arith.cmpi slt, %add3A_6, %lt3A_377 : vector<16xi32>
            %and3A_379 = arith.constant 31 : i32
            %and3A_380 = vector.broadcast %and3A_379 : i32 to vector<16xi32>
            %and3A_381 = arith.andi %gather3A_164, %and3A_380 : vector<16xi32>
            %add3A_382 = arith.constant 1 : i32
            %add3A_383 = vector.broadcast %add3A_382 : i32 to vector<16xi32>
            %add3A_384 = arith.addi %add3A_6, %add3A_383 : vector<16xi32>
            %gt3A_385 = arith.cmpi sgt, %and3A_381, %add3A_384 : vector<16xi32>
            %and3A_386 = arith.andi %lt3A_378, %gt3A_385 : vector<16xi1>
            %or3A_387 = arith.ori %and3A_376, %and3A_386 : vector<16xi1>
            %or3A_388 = arith.ori %or3A_367, %or3A_387 : vector<16xi1>
            %reduce_or3A_389 = arith.constant 1.000000e+00 : f32
            %reduce_or3A_390 = arith.constant 0.000000e+00 : f32
            %reduce_or3A_391 = vector.broadcast %reduce_or3A_389 : f32 to vector<16xf32>
            %reduce_or3A_392 = vector.broadcast %reduce_or3A_390 : f32 to vector<16xf32>
            %reduce_or3A_393 = arith.select %or3A_388, %reduce_or3A_391, %reduce_or3A_392 : vector<16xi1>, vector<16xf32>
            %reduce_or3A_394 = arith.constant true
            %reduce_or3A_395 = vector.broadcast %reduce_or3A_394 : i1 to vector<16xi1>
            %reduce_or3A_396 = tpu.scan <max>, %reduce_or3A_393 masked %reduce_or3A_395 : vector<16xf32>, vector<16xi1> -> vector<16xf32>
            %reduce_or3A_397 = vector.extract %reduce_or3A_396[15] : f32 from vector<16xf32>
            %reduce_or3A_398 = arith.constant 0.000000e+00 : f32
            %reduce_or3A_399 = arith.cmpf ogt, %reduce_or3A_397, %reduce_or3A_398 : f32
            %not3A_400 = arith.constant true
            %not3A_401 = arith.xori %reduce_or3A_399, %not3A_400 : i1
            %lt3A_402 = arith.cmpi slt, %shift_right_arithmetic3A_41, %shift_right_arithmetic3A_67 : i32
            %le3A_403 = arith.cmpi sle, %shift_right_arithmetic3A_67, %add3A_46 : i32
            %and3A_404 = arith.andi %lt3A_402, %le3A_403 : i1
            %lt3A_405 = arith.cmpi slt, %add3A_46, %add3A_72 : i32
            %and3A_406 = arith.andi %and3A_404, %lt3A_405 : i1
            %lt3A_407 = arith.cmpi slt, %shift_right_arithmetic3A_67, %shift_right_arithmetic3A_41 : i32
            %le3A_408 = arith.cmpi sle, %shift_right_arithmetic3A_41, %add3A_72 : i32
            %and3A_409 = arith.andi %lt3A_407, %le3A_408 : i1
            %lt3A_410 = arith.cmpi slt, %add3A_72, %add3A_46 : i32
            %and3A_411 = arith.andi %and3A_409, %lt3A_410 : i1
            %or3A_412 = arith.ori %and3A_406, %and3A_411 : i1
            %and3A_413 = arith.andi %and3A_262, %or3A_412 : i1
            %not3A_414 = arith.constant true
            %not3A_415 = arith.xori %and3A_413, %not3A_414 : i1
            %and3A_416 = arith.andi %not3A_401, %not3A_415 : i1
            %lt3A_417 = arith.cmpi slt, %shift_right_arithmetic3A_54, %shift_right_arithmetic3A_67 : i32
            %le3A_418 = arith.cmpi sle, %shift_right_arithmetic3A_67, %add3A_59 : i32
            %and3A_419 = arith.andi %lt3A_417, %le3A_418 : i1
            %lt3A_420 = arith.cmpi slt, %add3A_59, %add3A_72 : i32
            %and3A_421 = arith.andi %and3A_419, %lt3A_420 : i1
            %lt3A_422 = arith.cmpi slt, %shift_right_arithmetic3A_67, %shift_right_arithmetic3A_54 : i32
            %le3A_423 = arith.cmpi sle, %shift_right_arithmetic3A_54, %add3A_72 : i32
            %and3A_424 = arith.andi %lt3A_422, %le3A_423 : i1
            %lt3A_425 = arith.cmpi slt, %add3A_72, %add3A_59 : i32
            %and3A_426 = arith.andi %and3A_424, %lt3A_425 : i1
            %or3A_427 = arith.ori %and3A_421, %and3A_426 : i1
            %and3A_428 = arith.andi %and3A_339, %or3A_427 : i1
            %not3A_429 = arith.constant true
            %not3A_430 = arith.xori %and3A_428, %not3A_429 : i1
            %and3A_431 = arith.andi %and3A_416, %not3A_430 : i1
            %lt3A_432 = arith.cmpi slt, %add3A_343, %squeeze3A : i32
            %and3A_433 = arith.andi %and3A_431, %lt3A_432 : i1
            %jit3A_434 = arith.constant 1 : i32
            %jit3A_435 = arith.constant 0 : i32
            %select_n3A_436 = arith.select %and3A_433, %jit3A_434, %jit3A_435 : i32
            %add3A_437 = arith.addi %add3A_343, %select_n3A_436 : i32
            %ge3A_438 = arith.constant 1 : i32
            %ge3A_439 = vector.broadcast %ge3A_438 : i32 to vector<16xi32>
            %ge3A_440 = arith.cmpi sge, %iota3A, %ge3A_439 : vector<16xi32>
            %le3A_441 = vector.broadcast %and3A_82 : i32 to vector<16xi32>
            %le3A_442 = arith.cmpi sle, %iota3A, %le3A_441 : vector<16xi32>
            %and3A_443 = arith.andi %ge3A_440, %le3A_442 : vector<16xi1>
            %shift_right_arithmetic3A_444 = arith.constant 5 : i32
            %shift_right_arithmetic3A_445 = vector.broadcast %shift_right_arithmetic3A_444 : i32 to vector<16xi32>
            %shift_right_arithmetic3A_446 = arith.shrsi %gather3A_167, %shift_right_arithmetic3A_445 : vector<16xi32>
            %sub3A_447 = vector.broadcast %add3A_84 : i32 to vector<16xi32>
            %sub3A_448 = arith.subi %sub3A_447, %iota3A : vector<16xi32>
            %gt3A_449 = arith.cmpi sgt, %shift_right_arithmetic3A_446, %sub3A_448 : vector<16xi32>
            %and3A_450 = arith.andi %and3A_443, %gt3A_449 : vector<16xi1>
            %lt3A_451 = vector.broadcast %and3A_82 : i32 to vector<16xi32>
            %lt3A_452 = arith.cmpi slt, %iota3A, %lt3A_451 : vector<16xi32>
            %and3A_453 = arith.constant 31 : i32
            %and3A_454 = vector.broadcast %and3A_453 : i32 to vector<16xi32>
            %and3A_455 = arith.andi %gather3A_167, %and3A_454 : vector<16xi32>
            %add3A_456 = arith.constant 1 : i32
            %add3A_457 = vector.broadcast %add3A_456 : i32 to vector<16xi32>
            %add3A_458 = arith.addi %iota3A, %add3A_457 : vector<16xi32>
            %gt3A_459 = arith.cmpi sgt, %and3A_455, %add3A_458 : vector<16xi32>
            %and3A_460 = arith.andi %lt3A_452, %gt3A_459 : vector<16xi1>
            %or3A_461 = arith.ori %and3A_450, %and3A_460 : vector<16xi1>
            %le3A_462 = vector.broadcast %and3A_82 : i32 to vector<16xi32>
            %le3A_463 = arith.cmpi sle, %add3A_6, %le3A_462 : vector<16xi32>
            %shift_right_arithmetic3A_464 = arith.constant 5 : i32
            %shift_right_arithmetic3A_465 = vector.broadcast %shift_right_arithmetic3A_464 : i32 to vector<16xi32>
            %shift_right_arithmetic3A_466 = arith.shrsi %gather3A_173, %shift_right_arithmetic3A_465 : vector<16xi32>
            %sub3A_467 = vector.broadcast %add3A_84 : i32 to vector<16xi32>
            %sub3A_468 = arith.subi %sub3A_467, %add3A_6 : vector<16xi32>
            %gt3A_469 = arith.cmpi sgt, %shift_right_arithmetic3A_466, %sub3A_468 : vector<16xi32>
            %and3A_470 = arith.andi %le3A_463, %gt3A_469 : vector<16xi1>
            %lt3A_471 = vector.broadcast %and3A_82 : i32 to vector<16xi32>
            %lt3A_472 = arith.cmpi slt, %add3A_6, %lt3A_471 : vector<16xi32>
            %and3A_473 = arith.constant 31 : i32
            %and3A_474 = vector.broadcast %and3A_473 : i32 to vector<16xi32>
            %and3A_475 = arith.andi %gather3A_173, %and3A_474 : vector<16xi32>
            %add3A_476 = arith.constant 1 : i32
            %add3A_477 = vector.broadcast %add3A_476 : i32 to vector<16xi32>
            %add3A_478 = arith.addi %add3A_6, %add3A_477 : vector<16xi32>
            %gt3A_479 = arith.cmpi sgt, %and3A_475, %add3A_478 : vector<16xi32>
            %and3A_480 = arith.andi %lt3A_472, %gt3A_479 : vector<16xi1>
            %or3A_481 = arith.ori %and3A_470, %and3A_480 : vector<16xi1>
            %or3A_482 = arith.ori %or3A_461, %or3A_481 : vector<16xi1>
            %reduce_or3A_483 = arith.constant 1.000000e+00 : f32
            %reduce_or3A_484 = arith.constant 0.000000e+00 : f32
            %reduce_or3A_485 = vector.broadcast %reduce_or3A_483 : f32 to vector<16xf32>
            %reduce_or3A_486 = vector.broadcast %reduce_or3A_484 : f32 to vector<16xf32>
            %reduce_or3A_487 = arith.select %or3A_482, %reduce_or3A_485, %reduce_or3A_486 : vector<16xi1>, vector<16xf32>
            %reduce_or3A_488 = arith.constant true
            %reduce_or3A_489 = vector.broadcast %reduce_or3A_488 : i1 to vector<16xi1>
            %reduce_or3A_490 = tpu.scan <max>, %reduce_or3A_487 masked %reduce_or3A_489 : vector<16xf32>, vector<16xi1> -> vector<16xf32>
            %reduce_or3A_491 = vector.extract %reduce_or3A_490[15] : f32 from vector<16xf32>
            %reduce_or3A_492 = arith.constant 0.000000e+00 : f32
            %reduce_or3A_493 = arith.cmpf ogt, %reduce_or3A_491, %reduce_or3A_492 : f32
            %not3A_494 = arith.constant true
            %not3A_495 = arith.xori %reduce_or3A_493, %not3A_494 : i1
            %lt3A_496 = arith.cmpi slt, %shift_right_arithmetic3A_41, %shift_right_arithmetic3A_80 : i32
            %le3A_497 = arith.cmpi sle, %shift_right_arithmetic3A_80, %add3A_46 : i32
            %and3A_498 = arith.andi %lt3A_496, %le3A_497 : i1
            %lt3A_499 = arith.cmpi slt, %add3A_46, %add3A_85 : i32
            %and3A_500 = arith.andi %and3A_498, %lt3A_499 : i1
            %lt3A_501 = arith.cmpi slt, %shift_right_arithmetic3A_80, %shift_right_arithmetic3A_41 : i32
            %le3A_502 = arith.cmpi sle, %shift_right_arithmetic3A_41, %add3A_85 : i32
            %and3A_503 = arith.andi %lt3A_501, %le3A_502 : i1
            %lt3A_504 = arith.cmpi slt, %add3A_85, %add3A_46 : i32
            %and3A_505 = arith.andi %and3A_503, %lt3A_504 : i1
            %or3A_506 = arith.ori %and3A_500, %and3A_505 : i1
            %and3A_507 = arith.andi %and3A_262, %or3A_506 : i1
            %not3A_508 = arith.constant true
            %not3A_509 = arith.xori %and3A_507, %not3A_508 : i1
            %and3A_510 = arith.andi %not3A_495, %not3A_509 : i1
            %lt3A_511 = arith.cmpi slt, %shift_right_arithmetic3A_54, %shift_right_arithmetic3A_80 : i32
            %le3A_512 = arith.cmpi sle, %shift_right_arithmetic3A_80, %add3A_59 : i32
            %and3A_513 = arith.andi %lt3A_511, %le3A_512 : i1
            %lt3A_514 = arith.cmpi slt, %add3A_59, %add3A_85 : i32
            %and3A_515 = arith.andi %and3A_513, %lt3A_514 : i1
            %lt3A_516 = arith.cmpi slt, %shift_right_arithmetic3A_80, %shift_right_arithmetic3A_54 : i32
            %le3A_517 = arith.cmpi sle, %shift_right_arithmetic3A_54, %add3A_85 : i32
            %and3A_518 = arith.andi %lt3A_516, %le3A_517 : i1
            %lt3A_519 = arith.cmpi slt, %add3A_85, %add3A_59 : i32
            %and3A_520 = arith.andi %and3A_518, %lt3A_519 : i1
            %or3A_521 = arith.ori %and3A_515, %and3A_520 : i1
            %and3A_522 = arith.andi %and3A_339, %or3A_521 : i1
            %not3A_523 = arith.constant true
            %not3A_524 = arith.xori %and3A_522, %not3A_523 : i1
            %and3A_525 = arith.andi %and3A_510, %not3A_524 : i1
            %lt3A_526 = arith.cmpi slt, %shift_right_arithmetic3A_67, %shift_right_arithmetic3A_80 : i32
            %le3A_527 = arith.cmpi sle, %shift_right_arithmetic3A_80, %add3A_72 : i32
            %and3A_528 = arith.andi %lt3A_526, %le3A_527 : i1
            %lt3A_529 = arith.cmpi slt, %add3A_72, %add3A_85 : i32
            %and3A_530 = arith.andi %and3A_528, %lt3A_529 : i1
            %lt3A_531 = arith.cmpi slt, %shift_right_arithmetic3A_80, %shift_right_arithmetic3A_67 : i32
            %le3A_532 = arith.cmpi sle, %shift_right_arithmetic3A_67, %add3A_85 : i32
            %and3A_533 = arith.andi %lt3A_531, %le3A_532 : i1
            %lt3A_534 = arith.cmpi slt, %add3A_85, %add3A_72 : i32
            %and3A_535 = arith.andi %and3A_533, %lt3A_534 : i1
            %or3A_536 = arith.ori %and3A_530, %and3A_535 : i1
            %and3A_537 = arith.andi %and3A_433, %or3A_536 : i1
            %not3A_538 = arith.constant true
            %not3A_539 = arith.xori %and3A_537, %not3A_538 : i1
            %and3A_540 = arith.andi %and3A_525, %not3A_539 : i1
            %lt3A_541 = arith.cmpi slt, %add3A_437, %squeeze3A : i32
            %and3A_542 = arith.andi %and3A_540, %lt3A_541 : i1
            %jit3A_543 = arith.constant 1 : i32
            %jit3A_544 = arith.constant 0 : i32
            %select_n3A_545 = arith.select %and3A_542, %jit3A_543, %jit3A_544 : i32
            %add3A_546 = arith.addi %add3A_437, %select_n3A_545 : i32
            %ge3A_547 = arith.constant 1 : i32
            %ge3A_548 = vector.broadcast %ge3A_547 : i32 to vector<16xi32>
            %ge3A_549 = arith.cmpi sge, %iota3A, %ge3A_548 : vector<16xi32>
            %le3A_550 = vector.broadcast %and3A_95 : i32 to vector<16xi32>
            %le3A_551 = arith.cmpi sle, %iota3A, %le3A_550 : vector<16xi32>
            %and3A_552 = arith.andi %ge3A_549, %le3A_551 : vector<16xi1>
            %shift_right_arithmetic3A_553 = arith.constant 5 : i32
            %shift_right_arithmetic3A_554 = vector.broadcast %shift_right_arithmetic3A_553 : i32 to vector<16xi32>
            %shift_right_arithmetic3A_555 = arith.shrsi %gather3A_176, %shift_right_arithmetic3A_554 : vector<16xi32>
            %sub3A_556 = vector.broadcast %add3A_97 : i32 to vector<16xi32>
            %sub3A_557 = arith.subi %sub3A_556, %iota3A : vector<16xi32>
            %gt3A_558 = arith.cmpi sgt, %shift_right_arithmetic3A_555, %sub3A_557 : vector<16xi32>
            %and3A_559 = arith.andi %and3A_552, %gt3A_558 : vector<16xi1>
            %lt3A_560 = vector.broadcast %and3A_95 : i32 to vector<16xi32>
            %lt3A_561 = arith.cmpi slt, %iota3A, %lt3A_560 : vector<16xi32>
            %and3A_562 = arith.constant 31 : i32
            %and3A_563 = vector.broadcast %and3A_562 : i32 to vector<16xi32>
            %and3A_564 = arith.andi %gather3A_176, %and3A_563 : vector<16xi32>
            %add3A_565 = arith.constant 1 : i32
            %add3A_566 = vector.broadcast %add3A_565 : i32 to vector<16xi32>
            %add3A_567 = arith.addi %iota3A, %add3A_566 : vector<16xi32>
            %gt3A_568 = arith.cmpi sgt, %and3A_564, %add3A_567 : vector<16xi32>
            %and3A_569 = arith.andi %lt3A_561, %gt3A_568 : vector<16xi1>
            %or3A_570 = arith.ori %and3A_559, %and3A_569 : vector<16xi1>
            %le3A_571 = vector.broadcast %and3A_95 : i32 to vector<16xi32>
            %le3A_572 = arith.cmpi sle, %add3A_6, %le3A_571 : vector<16xi32>
            %shift_right_arithmetic3A_573 = arith.constant 5 : i32
            %shift_right_arithmetic3A_574 = vector.broadcast %shift_right_arithmetic3A_573 : i32 to vector<16xi32>
            %shift_right_arithmetic3A_575 = arith.shrsi %gather3A_182, %shift_right_arithmetic3A_574 : vector<16xi32>
            %sub3A_576 = vector.broadcast %add3A_97 : i32 to vector<16xi32>
            %sub3A_577 = arith.subi %sub3A_576, %add3A_6 : vector<16xi32>
            %gt3A_578 = arith.cmpi sgt, %shift_right_arithmetic3A_575, %sub3A_577 : vector<16xi32>
            %and3A_579 = arith.andi %le3A_572, %gt3A_578 : vector<16xi1>
            %lt3A_580 = vector.broadcast %and3A_95 : i32 to vector<16xi32>
            %lt3A_581 = arith.cmpi slt, %add3A_6, %lt3A_580 : vector<16xi32>
            %and3A_582 = arith.constant 31 : i32
            %and3A_583 = vector.broadcast %and3A_582 : i32 to vector<16xi32>
            %and3A_584 = arith.andi %gather3A_182, %and3A_583 : vector<16xi32>
            %add3A_585 = arith.constant 1 : i32
            %add3A_586 = vector.broadcast %add3A_585 : i32 to vector<16xi32>
            %add3A_587 = arith.addi %add3A_6, %add3A_586 : vector<16xi32>
            %gt3A_588 = arith.cmpi sgt, %and3A_584, %add3A_587 : vector<16xi32>
            %and3A_589 = arith.andi %lt3A_581, %gt3A_588 : vector<16xi1>
            %or3A_590 = arith.ori %and3A_579, %and3A_589 : vector<16xi1>
            %or3A_591 = arith.ori %or3A_570, %or3A_590 : vector<16xi1>
            %reduce_or3A_592 = arith.constant 1.000000e+00 : f32
            %reduce_or3A_593 = arith.constant 0.000000e+00 : f32
            %reduce_or3A_594 = vector.broadcast %reduce_or3A_592 : f32 to vector<16xf32>
            %reduce_or3A_595 = vector.broadcast %reduce_or3A_593 : f32 to vector<16xf32>
            %reduce_or3A_596 = arith.select %or3A_591, %reduce_or3A_594, %reduce_or3A_595 : vector<16xi1>, vector<16xf32>
            %reduce_or3A_597 = arith.constant true
            %reduce_or3A_598 = vector.broadcast %reduce_or3A_597 : i1 to vector<16xi1>
            %reduce_or3A_599 = tpu.scan <max>, %reduce_or3A_596 masked %reduce_or3A_598 : vector<16xf32>, vector<16xi1> -> vector<16xf32>
            %reduce_or3A_600 = vector.extract %reduce_or3A_599[15] : f32 from vector<16xf32>
            %reduce_or3A_601 = arith.constant 0.000000e+00 : f32
            %reduce_or3A_602 = arith.cmpf ogt, %reduce_or3A_600, %reduce_or3A_601 : f32
            %not3A_603 = arith.constant true
            %not3A_604 = arith.xori %reduce_or3A_602, %not3A_603 : i1
            %lt3A_605 = arith.cmpi slt, %shift_right_arithmetic3A_41, %shift_right_arithmetic3A_93 : i32
            %le3A_606 = arith.cmpi sle, %shift_right_arithmetic3A_93, %add3A_46 : i32
            %and3A_607 = arith.andi %lt3A_605, %le3A_606 : i1
            %lt3A_608 = arith.cmpi slt, %add3A_46, %add3A_98 : i32
            %and3A_609 = arith.andi %and3A_607, %lt3A_608 : i1
            %lt3A_610 = arith.cmpi slt, %shift_right_arithmetic3A_93, %shift_right_arithmetic3A_41 : i32
            %le3A_611 = arith.cmpi sle, %shift_right_arithmetic3A_41, %add3A_98 : i32
            %and3A_612 = arith.andi %lt3A_610, %le3A_611 : i1
            %lt3A_613 = arith.cmpi slt, %add3A_98, %add3A_46 : i32
            %and3A_614 = arith.andi %and3A_612, %lt3A_613 : i1
            %or3A_615 = arith.ori %and3A_609, %and3A_614 : i1
            %and3A_616 = arith.andi %and3A_262, %or3A_615 : i1
            %not3A_617 = arith.constant true
            %not3A_618 = arith.xori %and3A_616, %not3A_617 : i1
            %and3A_619 = arith.andi %not3A_604, %not3A_618 : i1
            %lt3A_620 = arith.cmpi slt, %shift_right_arithmetic3A_54, %shift_right_arithmetic3A_93 : i32
            %le3A_621 = arith.cmpi sle, %shift_right_arithmetic3A_93, %add3A_59 : i32
            %and3A_622 = arith.andi %lt3A_620, %le3A_621 : i1
            %lt3A_623 = arith.cmpi slt, %add3A_59, %add3A_98 : i32
            %and3A_624 = arith.andi %and3A_622, %lt3A_623 : i1
            %lt3A_625 = arith.cmpi slt, %shift_right_arithmetic3A_93, %shift_right_arithmetic3A_54 : i32
            %le3A_626 = arith.cmpi sle, %shift_right_arithmetic3A_54, %add3A_98 : i32
            %and3A_627 = arith.andi %lt3A_625, %le3A_626 : i1
            %lt3A_628 = arith.cmpi slt, %add3A_98, %add3A_59 : i32
            %and3A_629 = arith.andi %and3A_627, %lt3A_628 : i1
            %or3A_630 = arith.ori %and3A_624, %and3A_629 : i1
            %and3A_631 = arith.andi %and3A_339, %or3A_630 : i1
            %not3A_632 = arith.constant true
            %not3A_633 = arith.xori %and3A_631, %not3A_632 : i1
            %and3A_634 = arith.andi %and3A_619, %not3A_633 : i1
            %lt3A_635 = arith.cmpi slt, %shift_right_arithmetic3A_67, %shift_right_arithmetic3A_93 : i32
            %le3A_636 = arith.cmpi sle, %shift_right_arithmetic3A_93, %add3A_72 : i32
            %and3A_637 = arith.andi %lt3A_635, %le3A_636 : i1
            %lt3A_638 = arith.cmpi slt, %add3A_72, %add3A_98 : i32
            %and3A_639 = arith.andi %and3A_637, %lt3A_638 : i1
            %lt3A_640 = arith.cmpi slt, %shift_right_arithmetic3A_93, %shift_right_arithmetic3A_67 : i32
            %le3A_641 = arith.cmpi sle, %shift_right_arithmetic3A_67, %add3A_98 : i32
            %and3A_642 = arith.andi %lt3A_640, %le3A_641 : i1
            %lt3A_643 = arith.cmpi slt, %add3A_98, %add3A_72 : i32
            %and3A_644 = arith.andi %and3A_642, %lt3A_643 : i1
            %or3A_645 = arith.ori %and3A_639, %and3A_644 : i1
            %and3A_646 = arith.andi %and3A_433, %or3A_645 : i1
            %not3A_647 = arith.constant true
            %not3A_648 = arith.xori %and3A_646, %not3A_647 : i1
            %and3A_649 = arith.andi %and3A_634, %not3A_648 : i1
            %lt3A_650 = arith.cmpi slt, %shift_right_arithmetic3A_80, %shift_right_arithmetic3A_93 : i32
            %le3A_651 = arith.cmpi sle, %shift_right_arithmetic3A_93, %add3A_85 : i32
            %and3A_652 = arith.andi %lt3A_650, %le3A_651 : i1
            %lt3A_653 = arith.cmpi slt, %add3A_85, %add3A_98 : i32
            %and3A_654 = arith.andi %and3A_652, %lt3A_653 : i1
            %lt3A_655 = arith.cmpi slt, %shift_right_arithmetic3A_93, %shift_right_arithmetic3A_80 : i32
            %le3A_656 = arith.cmpi sle, %shift_right_arithmetic3A_80, %add3A_98 : i32
            %and3A_657 = arith.andi %lt3A_655, %le3A_656 : i1
            %lt3A_658 = arith.cmpi slt, %add3A_98, %add3A_85 : i32
            %and3A_659 = arith.andi %and3A_657, %lt3A_658 : i1
            %or3A_660 = arith.ori %and3A_654, %and3A_659 : i1
            %and3A_661 = arith.andi %and3A_542, %or3A_660 : i1
            %not3A_662 = arith.constant true
            %not3A_663 = arith.xori %and3A_661, %not3A_662 : i1
            %and3A_664 = arith.andi %and3A_649, %not3A_663 : i1
            %lt3A_665 = arith.cmpi slt, %add3A_546, %squeeze3A : i32
            %and3A_666 = arith.andi %and3A_664, %lt3A_665 : i1
            %jit3A_667 = arith.constant 1 : i32
            %jit3A_668 = arith.constant 0 : i32
            %select_n3A_669 = arith.select %and3A_666, %jit3A_667, %jit3A_668 : i32
            %add3A_670 = arith.addi %add3A_546, %select_n3A_669 : i32
            %ge3A_671 = arith.constant 1 : i32
            %ge3A_672 = vector.broadcast %ge3A_671 : i32 to vector<16xi32>
            %ge3A_673 = arith.cmpi sge, %iota3A, %ge3A_672 : vector<16xi32>
            %le3A_674 = vector.broadcast %and3A_108 : i32 to vector<16xi32>
            %le3A_675 = arith.cmpi sle, %iota3A, %le3A_674 : vector<16xi32>
            %and3A_676 = arith.andi %ge3A_673, %le3A_675 : vector<16xi1>
            %shift_right_arithmetic3A_677 = arith.constant 5 : i32
            %shift_right_arithmetic3A_678 = vector.broadcast %shift_right_arithmetic3A_677 : i32 to vector<16xi32>
            %shift_right_arithmetic3A_679 = arith.shrsi %gather3A_185, %shift_right_arithmetic3A_678 : vector<16xi32>
            %sub3A_680 = vector.broadcast %add3A_110 : i32 to vector<16xi32>
            %sub3A_681 = arith.subi %sub3A_680, %iota3A : vector<16xi32>
            %gt3A_682 = arith.cmpi sgt, %shift_right_arithmetic3A_679, %sub3A_681 : vector<16xi32>
            %and3A_683 = arith.andi %and3A_676, %gt3A_682 : vector<16xi1>
            %lt3A_684 = vector.broadcast %and3A_108 : i32 to vector<16xi32>
            %lt3A_685 = arith.cmpi slt, %iota3A, %lt3A_684 : vector<16xi32>
            %and3A_686 = arith.constant 31 : i32
            %and3A_687 = vector.broadcast %and3A_686 : i32 to vector<16xi32>
            %and3A_688 = arith.andi %gather3A_185, %and3A_687 : vector<16xi32>
            %add3A_689 = arith.constant 1 : i32
            %add3A_690 = vector.broadcast %add3A_689 : i32 to vector<16xi32>
            %add3A_691 = arith.addi %iota3A, %add3A_690 : vector<16xi32>
            %gt3A_692 = arith.cmpi sgt, %and3A_688, %add3A_691 : vector<16xi32>
            %and3A_693 = arith.andi %lt3A_685, %gt3A_692 : vector<16xi1>
            %or3A_694 = arith.ori %and3A_683, %and3A_693 : vector<16xi1>
            %le3A_695 = vector.broadcast %and3A_108 : i32 to vector<16xi32>
            %le3A_696 = arith.cmpi sle, %add3A_6, %le3A_695 : vector<16xi32>
            %shift_right_arithmetic3A_697 = arith.constant 5 : i32
            %shift_right_arithmetic3A_698 = vector.broadcast %shift_right_arithmetic3A_697 : i32 to vector<16xi32>
            %shift_right_arithmetic3A_699 = arith.shrsi %gather3A_191, %shift_right_arithmetic3A_698 : vector<16xi32>
            %sub3A_700 = vector.broadcast %add3A_110 : i32 to vector<16xi32>
            %sub3A_701 = arith.subi %sub3A_700, %add3A_6 : vector<16xi32>
            %gt3A_702 = arith.cmpi sgt, %shift_right_arithmetic3A_699, %sub3A_701 : vector<16xi32>
            %and3A_703 = arith.andi %le3A_696, %gt3A_702 : vector<16xi1>
            %lt3A_704 = vector.broadcast %and3A_108 : i32 to vector<16xi32>
            %lt3A_705 = arith.cmpi slt, %add3A_6, %lt3A_704 : vector<16xi32>
            %and3A_706 = arith.constant 31 : i32
            %and3A_707 = vector.broadcast %and3A_706 : i32 to vector<16xi32>
            %and3A_708 = arith.andi %gather3A_191, %and3A_707 : vector<16xi32>
            %add3A_709 = arith.constant 1 : i32
            %add3A_710 = vector.broadcast %add3A_709 : i32 to vector<16xi32>
            %add3A_711 = arith.addi %add3A_6, %add3A_710 : vector<16xi32>
            %gt3A_712 = arith.cmpi sgt, %and3A_708, %add3A_711 : vector<16xi32>
            %and3A_713 = arith.andi %lt3A_705, %gt3A_712 : vector<16xi1>
            %or3A_714 = arith.ori %and3A_703, %and3A_713 : vector<16xi1>
            %or3A_715 = arith.ori %or3A_694, %or3A_714 : vector<16xi1>
            %reduce_or3A_716 = arith.constant 1.000000e+00 : f32
            %reduce_or3A_717 = arith.constant 0.000000e+00 : f32
            %reduce_or3A_718 = vector.broadcast %reduce_or3A_716 : f32 to vector<16xf32>
            %reduce_or3A_719 = vector.broadcast %reduce_or3A_717 : f32 to vector<16xf32>
            %reduce_or3A_720 = arith.select %or3A_715, %reduce_or3A_718, %reduce_or3A_719 : vector<16xi1>, vector<16xf32>
            %reduce_or3A_721 = arith.constant true
            %reduce_or3A_722 = vector.broadcast %reduce_or3A_721 : i1 to vector<16xi1>
            %reduce_or3A_723 = tpu.scan <max>, %reduce_or3A_720 masked %reduce_or3A_722 : vector<16xf32>, vector<16xi1> -> vector<16xf32>
            %reduce_or3A_724 = vector.extract %reduce_or3A_723[15] : f32 from vector<16xf32>
            %reduce_or3A_725 = arith.constant 0.000000e+00 : f32
            %reduce_or3A_726 = arith.cmpf ogt, %reduce_or3A_724, %reduce_or3A_725 : f32
            %not3A_727 = arith.constant true
            %not3A_728 = arith.xori %reduce_or3A_726, %not3A_727 : i1
            %lt3A_729 = arith.cmpi slt, %shift_right_arithmetic3A_41, %shift_right_arithmetic3A_106 : i32
            %le3A_730 = arith.cmpi sle, %shift_right_arithmetic3A_106, %add3A_46 : i32
            %and3A_731 = arith.andi %lt3A_729, %le3A_730 : i1
            %lt3A_732 = arith.cmpi slt, %add3A_46, %add3A_111 : i32
            %and3A_733 = arith.andi %and3A_731, %lt3A_732 : i1
            %lt3A_734 = arith.cmpi slt, %shift_right_arithmetic3A_106, %shift_right_arithmetic3A_41 : i32
            %le3A_735 = arith.cmpi sle, %shift_right_arithmetic3A_41, %add3A_111 : i32
            %and3A_736 = arith.andi %lt3A_734, %le3A_735 : i1
            %lt3A_737 = arith.cmpi slt, %add3A_111, %add3A_46 : i32
            %and3A_738 = arith.andi %and3A_736, %lt3A_737 : i1
            %or3A_739 = arith.ori %and3A_733, %and3A_738 : i1
            %and3A_740 = arith.andi %and3A_262, %or3A_739 : i1
            %not3A_741 = arith.constant true
            %not3A_742 = arith.xori %and3A_740, %not3A_741 : i1
            %and3A_743 = arith.andi %not3A_728, %not3A_742 : i1
            %lt3A_744 = arith.cmpi slt, %shift_right_arithmetic3A_54, %shift_right_arithmetic3A_106 : i32
            %le3A_745 = arith.cmpi sle, %shift_right_arithmetic3A_106, %add3A_59 : i32
            %and3A_746 = arith.andi %lt3A_744, %le3A_745 : i1
            %lt3A_747 = arith.cmpi slt, %add3A_59, %add3A_111 : i32
            %and3A_748 = arith.andi %and3A_746, %lt3A_747 : i1
            %lt3A_749 = arith.cmpi slt, %shift_right_arithmetic3A_106, %shift_right_arithmetic3A_54 : i32
            %le3A_750 = arith.cmpi sle, %shift_right_arithmetic3A_54, %add3A_111 : i32
            %and3A_751 = arith.andi %lt3A_749, %le3A_750 : i1
            %lt3A_752 = arith.cmpi slt, %add3A_111, %add3A_59 : i32
            %and3A_753 = arith.andi %and3A_751, %lt3A_752 : i1
            %or3A_754 = arith.ori %and3A_748, %and3A_753 : i1
            %and3A_755 = arith.andi %and3A_339, %or3A_754 : i1
            %not3A_756 = arith.constant true
            %not3A_757 = arith.xori %and3A_755, %not3A_756 : i1
            %and3A_758 = arith.andi %and3A_743, %not3A_757 : i1
            %lt3A_759 = arith.cmpi slt, %shift_right_arithmetic3A_67, %shift_right_arithmetic3A_106 : i32
            %le3A_760 = arith.cmpi sle, %shift_right_arithmetic3A_106, %add3A_72 : i32
            %and3A_761 = arith.andi %lt3A_759, %le3A_760 : i1
            %lt3A_762 = arith.cmpi slt, %add3A_72, %add3A_111 : i32
            %and3A_763 = arith.andi %and3A_761, %lt3A_762 : i1
            %lt3A_764 = arith.cmpi slt, %shift_right_arithmetic3A_106, %shift_right_arithmetic3A_67 : i32
            %le3A_765 = arith.cmpi sle, %shift_right_arithmetic3A_67, %add3A_111 : i32
            %and3A_766 = arith.andi %lt3A_764, %le3A_765 : i1
            %lt3A_767 = arith.cmpi slt, %add3A_111, %add3A_72 : i32
            %and3A_768 = arith.andi %and3A_766, %lt3A_767 : i1
            %or3A_769 = arith.ori %and3A_763, %and3A_768 : i1
            %and3A_770 = arith.andi %and3A_433, %or3A_769 : i1
            %not3A_771 = arith.constant true
            %not3A_772 = arith.xori %and3A_770, %not3A_771 : i1
            %and3A_773 = arith.andi %and3A_758, %not3A_772 : i1
            %lt3A_774 = arith.cmpi slt, %shift_right_arithmetic3A_80, %shift_right_arithmetic3A_106 : i32
            %le3A_775 = arith.cmpi sle, %shift_right_arithmetic3A_106, %add3A_85 : i32
            %and3A_776 = arith.andi %lt3A_774, %le3A_775 : i1
            %lt3A_777 = arith.cmpi slt, %add3A_85, %add3A_111 : i32
            %and3A_778 = arith.andi %and3A_776, %lt3A_777 : i1
            %lt3A_779 = arith.cmpi slt, %shift_right_arithmetic3A_106, %shift_right_arithmetic3A_80 : i32
            %le3A_780 = arith.cmpi sle, %shift_right_arithmetic3A_80, %add3A_111 : i32
            %and3A_781 = arith.andi %lt3A_779, %le3A_780 : i1
            %lt3A_782 = arith.cmpi slt, %add3A_111, %add3A_85 : i32
            %and3A_783 = arith.andi %and3A_781, %lt3A_782 : i1
            %or3A_784 = arith.ori %and3A_778, %and3A_783 : i1
            %and3A_785 = arith.andi %and3A_542, %or3A_784 : i1
            %not3A_786 = arith.constant true
            %not3A_787 = arith.xori %and3A_785, %not3A_786 : i1
            %and3A_788 = arith.andi %and3A_773, %not3A_787 : i1
            %lt3A_789 = arith.cmpi slt, %shift_right_arithmetic3A_93, %shift_right_arithmetic3A_106 : i32
            %le3A_790 = arith.cmpi sle, %shift_right_arithmetic3A_106, %add3A_98 : i32
            %and3A_791 = arith.andi %lt3A_789, %le3A_790 : i1
            %lt3A_792 = arith.cmpi slt, %add3A_98, %add3A_111 : i32
            %and3A_793 = arith.andi %and3A_791, %lt3A_792 : i1
            %lt3A_794 = arith.cmpi slt, %shift_right_arithmetic3A_106, %shift_right_arithmetic3A_93 : i32
            %le3A_795 = arith.cmpi sle, %shift_right_arithmetic3A_93, %add3A_111 : i32
            %and3A_796 = arith.andi %lt3A_794, %le3A_795 : i1
            %lt3A_797 = arith.cmpi slt, %add3A_111, %add3A_98 : i32
            %and3A_798 = arith.andi %and3A_796, %lt3A_797 : i1
            %or3A_799 = arith.ori %and3A_793, %and3A_798 : i1
            %and3A_800 = arith.andi %and3A_666, %or3A_799 : i1
            %not3A_801 = arith.constant true
            %not3A_802 = arith.xori %and3A_800, %not3A_801 : i1
            %and3A_803 = arith.andi %and3A_788, %not3A_802 : i1
            %lt3A_804 = arith.cmpi slt, %add3A_670, %squeeze3A : i32
            %and3A_805 = arith.andi %and3A_803, %lt3A_804 : i1
            %jit3A_806 = arith.constant 1 : i32
            %jit3A_807 = arith.constant 0 : i32
            %select_n3A_808 = arith.select %and3A_805, %jit3A_806, %jit3A_807 : i32
            %add3A_809 = arith.addi %add3A_670, %select_n3A_808 : i32
            %ge3A_810 = arith.constant 1 : i32
            %ge3A_811 = vector.broadcast %ge3A_810 : i32 to vector<16xi32>
            %ge3A_812 = arith.cmpi sge, %iota3A, %ge3A_811 : vector<16xi32>
            %le3A_813 = vector.broadcast %and3A_121 : i32 to vector<16xi32>
            %le3A_814 = arith.cmpi sle, %iota3A, %le3A_813 : vector<16xi32>
            %and3A_815 = arith.andi %ge3A_812, %le3A_814 : vector<16xi1>
            %shift_right_arithmetic3A_816 = arith.constant 5 : i32
            %shift_right_arithmetic3A_817 = vector.broadcast %shift_right_arithmetic3A_816 : i32 to vector<16xi32>
            %shift_right_arithmetic3A_818 = arith.shrsi %gather3A_194, %shift_right_arithmetic3A_817 : vector<16xi32>
            %sub3A_819 = vector.broadcast %add3A_123 : i32 to vector<16xi32>
            %sub3A_820 = arith.subi %sub3A_819, %iota3A : vector<16xi32>
            %gt3A_821 = arith.cmpi sgt, %shift_right_arithmetic3A_818, %sub3A_820 : vector<16xi32>
            %and3A_822 = arith.andi %and3A_815, %gt3A_821 : vector<16xi1>
            %lt3A_823 = vector.broadcast %and3A_121 : i32 to vector<16xi32>
            %lt3A_824 = arith.cmpi slt, %iota3A, %lt3A_823 : vector<16xi32>
            %and3A_825 = arith.constant 31 : i32
            %and3A_826 = vector.broadcast %and3A_825 : i32 to vector<16xi32>
            %and3A_827 = arith.andi %gather3A_194, %and3A_826 : vector<16xi32>
            %add3A_828 = arith.constant 1 : i32
            %add3A_829 = vector.broadcast %add3A_828 : i32 to vector<16xi32>
            %add3A_830 = arith.addi %iota3A, %add3A_829 : vector<16xi32>
            %gt3A_831 = arith.cmpi sgt, %and3A_827, %add3A_830 : vector<16xi32>
            %and3A_832 = arith.andi %lt3A_824, %gt3A_831 : vector<16xi1>
            %or3A_833 = arith.ori %and3A_822, %and3A_832 : vector<16xi1>
            %le3A_834 = vector.broadcast %and3A_121 : i32 to vector<16xi32>
            %le3A_835 = arith.cmpi sle, %add3A_6, %le3A_834 : vector<16xi32>
            %shift_right_arithmetic3A_836 = arith.constant 5 : i32
            %shift_right_arithmetic3A_837 = vector.broadcast %shift_right_arithmetic3A_836 : i32 to vector<16xi32>
            %shift_right_arithmetic3A_838 = arith.shrsi %gather3A_200, %shift_right_arithmetic3A_837 : vector<16xi32>
            %sub3A_839 = vector.broadcast %add3A_123 : i32 to vector<16xi32>
            %sub3A_840 = arith.subi %sub3A_839, %add3A_6 : vector<16xi32>
            %gt3A_841 = arith.cmpi sgt, %shift_right_arithmetic3A_838, %sub3A_840 : vector<16xi32>
            %and3A_842 = arith.andi %le3A_835, %gt3A_841 : vector<16xi1>
            %lt3A_843 = vector.broadcast %and3A_121 : i32 to vector<16xi32>
            %lt3A_844 = arith.cmpi slt, %add3A_6, %lt3A_843 : vector<16xi32>
            %and3A_845 = arith.constant 31 : i32
            %and3A_846 = vector.broadcast %and3A_845 : i32 to vector<16xi32>
            %and3A_847 = arith.andi %gather3A_200, %and3A_846 : vector<16xi32>
            %add3A_848 = arith.constant 1 : i32
            %add3A_849 = vector.broadcast %add3A_848 : i32 to vector<16xi32>
            %add3A_850 = arith.addi %add3A_6, %add3A_849 : vector<16xi32>
            %gt3A_851 = arith.cmpi sgt, %and3A_847, %add3A_850 : vector<16xi32>
            %and3A_852 = arith.andi %lt3A_844, %gt3A_851 : vector<16xi1>
            %or3A_853 = arith.ori %and3A_842, %and3A_852 : vector<16xi1>
            %or3A_854 = arith.ori %or3A_833, %or3A_853 : vector<16xi1>
            %reduce_or3A_855 = arith.constant 1.000000e+00 : f32
            %reduce_or3A_856 = arith.constant 0.000000e+00 : f32
            %reduce_or3A_857 = vector.broadcast %reduce_or3A_855 : f32 to vector<16xf32>
            %reduce_or3A_858 = vector.broadcast %reduce_or3A_856 : f32 to vector<16xf32>
            %reduce_or3A_859 = arith.select %or3A_854, %reduce_or3A_857, %reduce_or3A_858 : vector<16xi1>, vector<16xf32>
            %reduce_or3A_860 = arith.constant true
            %reduce_or3A_861 = vector.broadcast %reduce_or3A_860 : i1 to vector<16xi1>
            %reduce_or3A_862 = tpu.scan <max>, %reduce_or3A_859 masked %reduce_or3A_861 : vector<16xf32>, vector<16xi1> -> vector<16xf32>
            %reduce_or3A_863 = vector.extract %reduce_or3A_862[15] : f32 from vector<16xf32>
            %reduce_or3A_864 = arith.constant 0.000000e+00 : f32
            %reduce_or3A_865 = arith.cmpf ogt, %reduce_or3A_863, %reduce_or3A_864 : f32
            %not3A_866 = arith.constant true
            %not3A_867 = arith.xori %reduce_or3A_865, %not3A_866 : i1
            %lt3A_868 = arith.cmpi slt, %shift_right_arithmetic3A_41, %shift_right_arithmetic3A_119 : i32
            %le3A_869 = arith.cmpi sle, %shift_right_arithmetic3A_119, %add3A_46 : i32
            %and3A_870 = arith.andi %lt3A_868, %le3A_869 : i1
            %lt3A_871 = arith.cmpi slt, %add3A_46, %add3A_124 : i32
            %and3A_872 = arith.andi %and3A_870, %lt3A_871 : i1
            %lt3A_873 = arith.cmpi slt, %shift_right_arithmetic3A_119, %shift_right_arithmetic3A_41 : i32
            %le3A_874 = arith.cmpi sle, %shift_right_arithmetic3A_41, %add3A_124 : i32
            %and3A_875 = arith.andi %lt3A_873, %le3A_874 : i1
            %lt3A_876 = arith.cmpi slt, %add3A_124, %add3A_46 : i32
            %and3A_877 = arith.andi %and3A_875, %lt3A_876 : i1
            %or3A_878 = arith.ori %and3A_872, %and3A_877 : i1
            %and3A_879 = arith.andi %and3A_262, %or3A_878 : i1
            %not3A_880 = arith.constant true
            %not3A_881 = arith.xori %and3A_879, %not3A_880 : i1
            %and3A_882 = arith.andi %not3A_867, %not3A_881 : i1
            %lt3A_883 = arith.cmpi slt, %shift_right_arithmetic3A_54, %shift_right_arithmetic3A_119 : i32
            %le3A_884 = arith.cmpi sle, %shift_right_arithmetic3A_119, %add3A_59 : i32
            %and3A_885 = arith.andi %lt3A_883, %le3A_884 : i1
            %lt3A_886 = arith.cmpi slt, %add3A_59, %add3A_124 : i32
            %and3A_887 = arith.andi %and3A_885, %lt3A_886 : i1
            %lt3A_888 = arith.cmpi slt, %shift_right_arithmetic3A_119, %shift_right_arithmetic3A_54 : i32
            %le3A_889 = arith.cmpi sle, %shift_right_arithmetic3A_54, %add3A_124 : i32
            %and3A_890 = arith.andi %lt3A_888, %le3A_889 : i1
            %lt3A_891 = arith.cmpi slt, %add3A_124, %add3A_59 : i32
            %and3A_892 = arith.andi %and3A_890, %lt3A_891 : i1
            %or3A_893 = arith.ori %and3A_887, %and3A_892 : i1
            %and3A_894 = arith.andi %and3A_339, %or3A_893 : i1
            %not3A_895 = arith.constant true
            %not3A_896 = arith.xori %and3A_894, %not3A_895 : i1
            %and3A_897 = arith.andi %and3A_882, %not3A_896 : i1
            %lt3A_898 = arith.cmpi slt, %shift_right_arithmetic3A_67, %shift_right_arithmetic3A_119 : i32
            %le3A_899 = arith.cmpi sle, %shift_right_arithmetic3A_119, %add3A_72 : i32
            %and3A_900 = arith.andi %lt3A_898, %le3A_899 : i1
            %lt3A_901 = arith.cmpi slt, %add3A_72, %add3A_124 : i32
            %and3A_902 = arith.andi %and3A_900, %lt3A_901 : i1
            %lt3A_903 = arith.cmpi slt, %shift_right_arithmetic3A_119, %shift_right_arithmetic3A_67 : i32
            %le3A_904 = arith.cmpi sle, %shift_right_arithmetic3A_67, %add3A_124 : i32
            %and3A_905 = arith.andi %lt3A_903, %le3A_904 : i1
            %lt3A_906 = arith.cmpi slt, %add3A_124, %add3A_72 : i32
            %and3A_907 = arith.andi %and3A_905, %lt3A_906 : i1
            %or3A_908 = arith.ori %and3A_902, %and3A_907 : i1
            %and3A_909 = arith.andi %and3A_433, %or3A_908 : i1
            %not3A_910 = arith.constant true
            %not3A_911 = arith.xori %and3A_909, %not3A_910 : i1
            %and3A_912 = arith.andi %and3A_897, %not3A_911 : i1
            %lt3A_913 = arith.cmpi slt, %shift_right_arithmetic3A_80, %shift_right_arithmetic3A_119 : i32
            %le3A_914 = arith.cmpi sle, %shift_right_arithmetic3A_119, %add3A_85 : i32
            %and3A_915 = arith.andi %lt3A_913, %le3A_914 : i1
            %lt3A_916 = arith.cmpi slt, %add3A_85, %add3A_124 : i32
            %and3A_917 = arith.andi %and3A_915, %lt3A_916 : i1
            %lt3A_918 = arith.cmpi slt, %shift_right_arithmetic3A_119, %shift_right_arithmetic3A_80 : i32
            %le3A_919 = arith.cmpi sle, %shift_right_arithmetic3A_80, %add3A_124 : i32
            %and3A_920 = arith.andi %lt3A_918, %le3A_919 : i1
            %lt3A_921 = arith.cmpi slt, %add3A_124, %add3A_85 : i32
            %and3A_922 = arith.andi %and3A_920, %lt3A_921 : i1
            %or3A_923 = arith.ori %and3A_917, %and3A_922 : i1
            %and3A_924 = arith.andi %and3A_542, %or3A_923 : i1
            %not3A_925 = arith.constant true
            %not3A_926 = arith.xori %and3A_924, %not3A_925 : i1
            %and3A_927 = arith.andi %and3A_912, %not3A_926 : i1
            %lt3A_928 = arith.cmpi slt, %shift_right_arithmetic3A_93, %shift_right_arithmetic3A_119 : i32
            %le3A_929 = arith.cmpi sle, %shift_right_arithmetic3A_119, %add3A_98 : i32
            %and3A_930 = arith.andi %lt3A_928, %le3A_929 : i1
            %lt3A_931 = arith.cmpi slt, %add3A_98, %add3A_124 : i32
            %and3A_932 = arith.andi %and3A_930, %lt3A_931 : i1
            %lt3A_933 = arith.cmpi slt, %shift_right_arithmetic3A_119, %shift_right_arithmetic3A_93 : i32
            %le3A_934 = arith.cmpi sle, %shift_right_arithmetic3A_93, %add3A_124 : i32
            %and3A_935 = arith.andi %lt3A_933, %le3A_934 : i1
            %lt3A_936 = arith.cmpi slt, %add3A_124, %add3A_98 : i32
            %and3A_937 = arith.andi %and3A_935, %lt3A_936 : i1
            %or3A_938 = arith.ori %and3A_932, %and3A_937 : i1
            %and3A_939 = arith.andi %and3A_666, %or3A_938 : i1
            %not3A_940 = arith.constant true
            %not3A_941 = arith.xori %and3A_939, %not3A_940 : i1
            %and3A_942 = arith.andi %and3A_927, %not3A_941 : i1
            %lt3A_943 = arith.cmpi slt, %shift_right_arithmetic3A_106, %shift_right_arithmetic3A_119 : i32
            %le3A_944 = arith.cmpi sle, %shift_right_arithmetic3A_119, %add3A_111 : i32
            %and3A_945 = arith.andi %lt3A_943, %le3A_944 : i1
            %lt3A_946 = arith.cmpi slt, %add3A_111, %add3A_124 : i32
            %and3A_947 = arith.andi %and3A_945, %lt3A_946 : i1
            %lt3A_948 = arith.cmpi slt, %shift_right_arithmetic3A_119, %shift_right_arithmetic3A_106 : i32
            %le3A_949 = arith.cmpi sle, %shift_right_arithmetic3A_106, %add3A_124 : i32
            %and3A_950 = arith.andi %lt3A_948, %le3A_949 : i1
            %lt3A_951 = arith.cmpi slt, %add3A_124, %add3A_111 : i32
            %and3A_952 = arith.andi %and3A_950, %lt3A_951 : i1
            %or3A_953 = arith.ori %and3A_947, %and3A_952 : i1
            %and3A_954 = arith.andi %and3A_805, %or3A_953 : i1
            %not3A_955 = arith.constant true
            %not3A_956 = arith.xori %and3A_954, %not3A_955 : i1
            %and3A_957 = arith.andi %and3A_942, %not3A_956 : i1
            %lt3A_958 = arith.cmpi slt, %add3A_809, %squeeze3A : i32
            %and3A_959 = arith.andi %and3A_957, %lt3A_958 : i1
            %jit3A_960 = arith.constant 1 : i32
            %jit3A_961 = arith.constant 0 : i32
            %select_n3A_962 = arith.select %and3A_959, %jit3A_960, %jit3A_961 : i32
            %add3A_963 = arith.addi %add3A_809, %select_n3A_962 : i32
            %ge3A_964 = arith.constant 1 : i32
            %ge3A_965 = vector.broadcast %ge3A_964 : i32 to vector<16xi32>
            %ge3A_966 = arith.cmpi sge, %iota3A, %ge3A_965 : vector<16xi32>
            %le3A_967 = vector.broadcast %and3A_134 : i32 to vector<16xi32>
            %le3A_968 = arith.cmpi sle, %iota3A, %le3A_967 : vector<16xi32>
            %and3A_969 = arith.andi %ge3A_966, %le3A_968 : vector<16xi1>
            %shift_right_arithmetic3A_970 = arith.constant 5 : i32
            %shift_right_arithmetic3A_971 = vector.broadcast %shift_right_arithmetic3A_970 : i32 to vector<16xi32>
            %shift_right_arithmetic3A_972 = arith.shrsi %gather3A_203, %shift_right_arithmetic3A_971 : vector<16xi32>
            %sub3A_973 = vector.broadcast %add3A_136 : i32 to vector<16xi32>
            %sub3A_974 = arith.subi %sub3A_973, %iota3A : vector<16xi32>
            %gt3A_975 = arith.cmpi sgt, %shift_right_arithmetic3A_972, %sub3A_974 : vector<16xi32>
            %and3A_976 = arith.andi %and3A_969, %gt3A_975 : vector<16xi1>
            %lt3A_977 = vector.broadcast %and3A_134 : i32 to vector<16xi32>
            %lt3A_978 = arith.cmpi slt, %iota3A, %lt3A_977 : vector<16xi32>
            %and3A_979 = arith.constant 31 : i32
            %and3A_980 = vector.broadcast %and3A_979 : i32 to vector<16xi32>
            %and3A_981 = arith.andi %gather3A_203, %and3A_980 : vector<16xi32>
            %add3A_982 = arith.constant 1 : i32
            %add3A_983 = vector.broadcast %add3A_982 : i32 to vector<16xi32>
            %add3A_984 = arith.addi %iota3A, %add3A_983 : vector<16xi32>
            %gt3A_985 = arith.cmpi sgt, %and3A_981, %add3A_984 : vector<16xi32>
            %and3A_986 = arith.andi %lt3A_978, %gt3A_985 : vector<16xi1>
            %or3A_987 = arith.ori %and3A_976, %and3A_986 : vector<16xi1>
            %le3A_988 = vector.broadcast %and3A_134 : i32 to vector<16xi32>
            %le3A_989 = arith.cmpi sle, %add3A_6, %le3A_988 : vector<16xi32>
            %shift_right_arithmetic3A_990 = arith.constant 5 : i32
            %shift_right_arithmetic3A_991 = vector.broadcast %shift_right_arithmetic3A_990 : i32 to vector<16xi32>
            %shift_right_arithmetic3A_992 = arith.shrsi %gather3A_209, %shift_right_arithmetic3A_991 : vector<16xi32>
            %sub3A_993 = vector.broadcast %add3A_136 : i32 to vector<16xi32>
            %sub3A_994 = arith.subi %sub3A_993, %add3A_6 : vector<16xi32>
            %gt3A_995 = arith.cmpi sgt, %shift_right_arithmetic3A_992, %sub3A_994 : vector<16xi32>
            %and3A_996 = arith.andi %le3A_989, %gt3A_995 : vector<16xi1>
            %lt3A_997 = vector.broadcast %and3A_134 : i32 to vector<16xi32>
            %lt3A_998 = arith.cmpi slt, %add3A_6, %lt3A_997 : vector<16xi32>
            %and3A_999 = arith.constant 31 : i32
            %and3A_1000 = vector.broadcast %and3A_999 : i32 to vector<16xi32>
            %and3A_1001 = arith.andi %gather3A_209, %and3A_1000 : vector<16xi32>
            %add3A_1002 = arith.constant 1 : i32
            %add3A_1003 = vector.broadcast %add3A_1002 : i32 to vector<16xi32>
            %add3A_1004 = arith.addi %add3A_6, %add3A_1003 : vector<16xi32>
            %gt3A_1005 = arith.cmpi sgt, %and3A_1001, %add3A_1004 : vector<16xi32>
            %and3A_1006 = arith.andi %lt3A_998, %gt3A_1005 : vector<16xi1>
            %or3A_1007 = arith.ori %and3A_996, %and3A_1006 : vector<16xi1>
            %or3A_1008 = arith.ori %or3A_987, %or3A_1007 : vector<16xi1>
            %reduce_or3A_1009 = arith.constant 1.000000e+00 : f32
            %reduce_or3A_1010 = arith.constant 0.000000e+00 : f32
            %reduce_or3A_1011 = vector.broadcast %reduce_or3A_1009 : f32 to vector<16xf32>
            %reduce_or3A_1012 = vector.broadcast %reduce_or3A_1010 : f32 to vector<16xf32>
            %reduce_or3A_1013 = arith.select %or3A_1008, %reduce_or3A_1011, %reduce_or3A_1012 : vector<16xi1>, vector<16xf32>
            %reduce_or3A_1014 = arith.constant true
            %reduce_or3A_1015 = vector.broadcast %reduce_or3A_1014 : i1 to vector<16xi1>
            %reduce_or3A_1016 = tpu.scan <max>, %reduce_or3A_1013 masked %reduce_or3A_1015 : vector<16xf32>, vector<16xi1> -> vector<16xf32>
            %reduce_or3A_1017 = vector.extract %reduce_or3A_1016[15] : f32 from vector<16xf32>
            %reduce_or3A_1018 = arith.constant 0.000000e+00 : f32
            %reduce_or3A_1019 = arith.cmpf ogt, %reduce_or3A_1017, %reduce_or3A_1018 : f32
            %not3A_1020 = arith.constant true
            %not3A_1021 = arith.xori %reduce_or3A_1019, %not3A_1020 : i1
            %lt3A_1022 = arith.cmpi slt, %shift_right_arithmetic3A_41, %shift_right_arithmetic3A_132 : i32
            %le3A_1023 = arith.cmpi sle, %shift_right_arithmetic3A_132, %add3A_46 : i32
            %and3A_1024 = arith.andi %lt3A_1022, %le3A_1023 : i1
            %lt3A_1025 = arith.cmpi slt, %add3A_46, %add3A_137 : i32
            %and3A_1026 = arith.andi %and3A_1024, %lt3A_1025 : i1
            %lt3A_1027 = arith.cmpi slt, %shift_right_arithmetic3A_132, %shift_right_arithmetic3A_41 : i32
            %le3A_1028 = arith.cmpi sle, %shift_right_arithmetic3A_41, %add3A_137 : i32
            %and3A_1029 = arith.andi %lt3A_1027, %le3A_1028 : i1
            %lt3A_1030 = arith.cmpi slt, %add3A_137, %add3A_46 : i32
            %and3A_1031 = arith.andi %and3A_1029, %lt3A_1030 : i1
            %or3A_1032 = arith.ori %and3A_1026, %and3A_1031 : i1
            %and3A_1033 = arith.andi %and3A_262, %or3A_1032 : i1
            %not3A_1034 = arith.constant true
            %not3A_1035 = arith.xori %and3A_1033, %not3A_1034 : i1
            %and3A_1036 = arith.andi %not3A_1021, %not3A_1035 : i1
            %lt3A_1037 = arith.cmpi slt, %shift_right_arithmetic3A_54, %shift_right_arithmetic3A_132 : i32
            %le3A_1038 = arith.cmpi sle, %shift_right_arithmetic3A_132, %add3A_59 : i32
            %and3A_1039 = arith.andi %lt3A_1037, %le3A_1038 : i1
            %lt3A_1040 = arith.cmpi slt, %add3A_59, %add3A_137 : i32
            %and3A_1041 = arith.andi %and3A_1039, %lt3A_1040 : i1
            %lt3A_1042 = arith.cmpi slt, %shift_right_arithmetic3A_132, %shift_right_arithmetic3A_54 : i32
            %le3A_1043 = arith.cmpi sle, %shift_right_arithmetic3A_54, %add3A_137 : i32
            %and3A_1044 = arith.andi %lt3A_1042, %le3A_1043 : i1
            %lt3A_1045 = arith.cmpi slt, %add3A_137, %add3A_59 : i32
            %and3A_1046 = arith.andi %and3A_1044, %lt3A_1045 : i1
            %or3A_1047 = arith.ori %and3A_1041, %and3A_1046 : i1
            %and3A_1048 = arith.andi %and3A_339, %or3A_1047 : i1
            %not3A_1049 = arith.constant true
            %not3A_1050 = arith.xori %and3A_1048, %not3A_1049 : i1
            %and3A_1051 = arith.andi %and3A_1036, %not3A_1050 : i1
            %lt3A_1052 = arith.cmpi slt, %shift_right_arithmetic3A_67, %shift_right_arithmetic3A_132 : i32
            %le3A_1053 = arith.cmpi sle, %shift_right_arithmetic3A_132, %add3A_72 : i32
            %and3A_1054 = arith.andi %lt3A_1052, %le3A_1053 : i1
            %lt3A_1055 = arith.cmpi slt, %add3A_72, %add3A_137 : i32
            %and3A_1056 = arith.andi %and3A_1054, %lt3A_1055 : i1
            %lt3A_1057 = arith.cmpi slt, %shift_right_arithmetic3A_132, %shift_right_arithmetic3A_67 : i32
            %le3A_1058 = arith.cmpi sle, %shift_right_arithmetic3A_67, %add3A_137 : i32
            %and3A_1059 = arith.andi %lt3A_1057, %le3A_1058 : i1
            %lt3A_1060 = arith.cmpi slt, %add3A_137, %add3A_72 : i32
            %and3A_1061 = arith.andi %and3A_1059, %lt3A_1060 : i1
            %or3A_1062 = arith.ori %and3A_1056, %and3A_1061 : i1
            %and3A_1063 = arith.andi %and3A_433, %or3A_1062 : i1
            %not3A_1064 = arith.constant true
            %not3A_1065 = arith.xori %and3A_1063, %not3A_1064 : i1
            %and3A_1066 = arith.andi %and3A_1051, %not3A_1065 : i1
            %lt3A_1067 = arith.cmpi slt, %shift_right_arithmetic3A_80, %shift_right_arithmetic3A_132 : i32
            %le3A_1068 = arith.cmpi sle, %shift_right_arithmetic3A_132, %add3A_85 : i32
            %and3A_1069 = arith.andi %lt3A_1067, %le3A_1068 : i1
            %lt3A_1070 = arith.cmpi slt, %add3A_85, %add3A_137 : i32
            %and3A_1071 = arith.andi %and3A_1069, %lt3A_1070 : i1
            %lt3A_1072 = arith.cmpi slt, %shift_right_arithmetic3A_132, %shift_right_arithmetic3A_80 : i32
            %le3A_1073 = arith.cmpi sle, %shift_right_arithmetic3A_80, %add3A_137 : i32
            %and3A_1074 = arith.andi %lt3A_1072, %le3A_1073 : i1
            %lt3A_1075 = arith.cmpi slt, %add3A_137, %add3A_85 : i32
            %and3A_1076 = arith.andi %and3A_1074, %lt3A_1075 : i1
            %or3A_1077 = arith.ori %and3A_1071, %and3A_1076 : i1
            %and3A_1078 = arith.andi %and3A_542, %or3A_1077 : i1
            %not3A_1079 = arith.constant true
            %not3A_1080 = arith.xori %and3A_1078, %not3A_1079 : i1
            %and3A_1081 = arith.andi %and3A_1066, %not3A_1080 : i1
            %lt3A_1082 = arith.cmpi slt, %shift_right_arithmetic3A_93, %shift_right_arithmetic3A_132 : i32
            %le3A_1083 = arith.cmpi sle, %shift_right_arithmetic3A_132, %add3A_98 : i32
            %and3A_1084 = arith.andi %lt3A_1082, %le3A_1083 : i1
            %lt3A_1085 = arith.cmpi slt, %add3A_98, %add3A_137 : i32
            %and3A_1086 = arith.andi %and3A_1084, %lt3A_1085 : i1
            %lt3A_1087 = arith.cmpi slt, %shift_right_arithmetic3A_132, %shift_right_arithmetic3A_93 : i32
            %le3A_1088 = arith.cmpi sle, %shift_right_arithmetic3A_93, %add3A_137 : i32
            %and3A_1089 = arith.andi %lt3A_1087, %le3A_1088 : i1
            %lt3A_1090 = arith.cmpi slt, %add3A_137, %add3A_98 : i32
            %and3A_1091 = arith.andi %and3A_1089, %lt3A_1090 : i1
            %or3A_1092 = arith.ori %and3A_1086, %and3A_1091 : i1
            %and3A_1093 = arith.andi %and3A_666, %or3A_1092 : i1
            %not3A_1094 = arith.constant true
            %not3A_1095 = arith.xori %and3A_1093, %not3A_1094 : i1
            %and3A_1096 = arith.andi %and3A_1081, %not3A_1095 : i1
            %lt3A_1097 = arith.cmpi slt, %shift_right_arithmetic3A_106, %shift_right_arithmetic3A_132 : i32
            %le3A_1098 = arith.cmpi sle, %shift_right_arithmetic3A_132, %add3A_111 : i32
            %and3A_1099 = arith.andi %lt3A_1097, %le3A_1098 : i1
            %lt3A_1100 = arith.cmpi slt, %add3A_111, %add3A_137 : i32
            %and3A_1101 = arith.andi %and3A_1099, %lt3A_1100 : i1
            %lt3A_1102 = arith.cmpi slt, %shift_right_arithmetic3A_132, %shift_right_arithmetic3A_106 : i32
            %le3A_1103 = arith.cmpi sle, %shift_right_arithmetic3A_106, %add3A_137 : i32
            %and3A_1104 = arith.andi %lt3A_1102, %le3A_1103 : i1
            %lt3A_1105 = arith.cmpi slt, %add3A_137, %add3A_111 : i32
            %and3A_1106 = arith.andi %and3A_1104, %lt3A_1105 : i1
            %or3A_1107 = arith.ori %and3A_1101, %and3A_1106 : i1
            %and3A_1108 = arith.andi %and3A_805, %or3A_1107 : i1
            %not3A_1109 = arith.constant true
            %not3A_1110 = arith.xori %and3A_1108, %not3A_1109 : i1
            %and3A_1111 = arith.andi %and3A_1096, %not3A_1110 : i1
            %lt3A_1112 = arith.cmpi slt, %shift_right_arithmetic3A_119, %shift_right_arithmetic3A_132 : i32
            %le3A_1113 = arith.cmpi sle, %shift_right_arithmetic3A_132, %add3A_124 : i32
            %and3A_1114 = arith.andi %lt3A_1112, %le3A_1113 : i1
            %lt3A_1115 = arith.cmpi slt, %add3A_124, %add3A_137 : i32
            %and3A_1116 = arith.andi %and3A_1114, %lt3A_1115 : i1
            %lt3A_1117 = arith.cmpi slt, %shift_right_arithmetic3A_132, %shift_right_arithmetic3A_119 : i32
            %le3A_1118 = arith.cmpi sle, %shift_right_arithmetic3A_119, %add3A_137 : i32
            %and3A_1119 = arith.andi %lt3A_1117, %le3A_1118 : i1
            %lt3A_1120 = arith.cmpi slt, %add3A_137, %add3A_124 : i32
            %and3A_1121 = arith.andi %and3A_1119, %lt3A_1120 : i1
            %or3A_1122 = arith.ori %and3A_1116, %and3A_1121 : i1
            %and3A_1123 = arith.andi %and3A_959, %or3A_1122 : i1
            %not3A_1124 = arith.constant true
            %not3A_1125 = arith.xori %and3A_1123, %not3A_1124 : i1
            %and3A_1126 = arith.andi %and3A_1111, %not3A_1125 : i1
            %lt3A_1127 = arith.cmpi slt, %add3A_963, %squeeze3A : i32
            %and3A_1128 = arith.andi %and3A_1126, %lt3A_1127 : i1
            %jit3A_1129 = arith.constant 1 : i32
            %jit3A_1130 = arith.constant 0 : i32
            %select_n3A_1131 = arith.select %and3A_1128, %jit3A_1129, %jit3A_1130 : i32
            %add3A_1132 = arith.addi %add3A_963, %select_n3A_1131 : i32
            %broadcast_in_dim3A_1133 = arith.constant 0 : i32
            %broadcast_in_dim3A_1134 = vector.broadcast %broadcast_in_dim3A_1133 : i32 to vector<16xi32>
            %broadcast_in_dim3A_1135 = arith.constant false
            %broadcast_in_dim3A_1136 = vector.broadcast %broadcast_in_dim3A_1135 : i1 to vector<16xi1>
            %eq3A_1137 = arith.constant 0 : i32
            %eq3A_1138 = vector.broadcast %eq3A_1137 : i32 to vector<16xi32>
            %eq3A_1139 = arith.cmpi eq, %iota3A, %eq3A_1138 : vector<16xi32>
            %broadcast_in_dim3A_1140 = vector.broadcast %shift_right_arithmetic3A_41 : i32 to vector<16xi32>
            %select_n3A_1141 = arith.select %eq3A_1139, %broadcast_in_dim3A_1140, %broadcast_in_dim3A_1134 : vector<16xi1>, vector<16xi32>
            %eq3A_1142 = arith.constant 1 : i32
            %eq3A_1143 = vector.broadcast %eq3A_1142 : i32 to vector<16xi32>
            %eq3A_1144 = arith.cmpi eq, %iota3A, %eq3A_1143 : vector<16xi32>
            %broadcast_in_dim3A_1145 = vector.broadcast %add3A_46 : i32 to vector<16xi32>
            %select_n3A_1146 = arith.select %eq3A_1144, %broadcast_in_dim3A_1145, %select_n3A_1141 : vector<16xi1>, vector<16xi32>
            %shift_right_arithmetic3A_1147 = arith.constant 1 : i32
            %shift_right_arithmetic3A_1148 = vector.broadcast %shift_right_arithmetic3A_1147 : i32 to vector<16xi32>
            %shift_right_arithmetic3A_1149 = arith.shrsi %iota3A, %shift_right_arithmetic3A_1148 : vector<16xi32>
            %eq3A_1150 = arith.constant 0 : i32
            %eq3A_1151 = vector.broadcast %eq3A_1150 : i32 to vector<16xi32>
            %eq3A_1152 = arith.cmpi eq, %shift_right_arithmetic3A_1149, %eq3A_1151 : vector<16xi32>
            %and3A_1153 = vector.broadcast %and3A_262 : i1 to vector<16xi1>
            %and3A_1154 = arith.andi %eq3A_1152, %and3A_1153 : vector<16xi1>
            %or3A_1155 = arith.ori %broadcast_in_dim3A_1136, %and3A_1154 : vector<16xi1>
            %eq3A_1156 = arith.constant 2 : i32
            %eq3A_1157 = vector.broadcast %eq3A_1156 : i32 to vector<16xi32>
            %eq3A_1158 = arith.cmpi eq, %iota3A, %eq3A_1157 : vector<16xi32>
            %broadcast_in_dim3A_1159 = vector.broadcast %shift_right_arithmetic3A_54 : i32 to vector<16xi32>
            %select_n3A_1160 = arith.select %eq3A_1158, %broadcast_in_dim3A_1159, %select_n3A_1146 : vector<16xi1>, vector<16xi32>
            %eq3A_1161 = arith.constant 3 : i32
            %eq3A_1162 = vector.broadcast %eq3A_1161 : i32 to vector<16xi32>
            %eq3A_1163 = arith.cmpi eq, %iota3A, %eq3A_1162 : vector<16xi32>
            %broadcast_in_dim3A_1164 = vector.broadcast %add3A_59 : i32 to vector<16xi32>
            %select_n3A_1165 = arith.select %eq3A_1163, %broadcast_in_dim3A_1164, %select_n3A_1160 : vector<16xi1>, vector<16xi32>
            %shift_right_arithmetic3A_1166 = arith.constant 1 : i32
            %shift_right_arithmetic3A_1167 = vector.broadcast %shift_right_arithmetic3A_1166 : i32 to vector<16xi32>
            %shift_right_arithmetic3A_1168 = arith.shrsi %iota3A, %shift_right_arithmetic3A_1167 : vector<16xi32>
            %eq3A_1169 = arith.constant 1 : i32
            %eq3A_1170 = vector.broadcast %eq3A_1169 : i32 to vector<16xi32>
            %eq3A_1171 = arith.cmpi eq, %shift_right_arithmetic3A_1168, %eq3A_1170 : vector<16xi32>
            %and3A_1172 = vector.broadcast %and3A_339 : i1 to vector<16xi1>
            %and3A_1173 = arith.andi %eq3A_1171, %and3A_1172 : vector<16xi1>
            %or3A_1174 = arith.ori %or3A_1155, %and3A_1173 : vector<16xi1>
            %eq3A_1175 = arith.constant 4 : i32
            %eq3A_1176 = vector.broadcast %eq3A_1175 : i32 to vector<16xi32>
            %eq3A_1177 = arith.cmpi eq, %iota3A, %eq3A_1176 : vector<16xi32>
            %broadcast_in_dim3A_1178 = vector.broadcast %shift_right_arithmetic3A_67 : i32 to vector<16xi32>
            %select_n3A_1179 = arith.select %eq3A_1177, %broadcast_in_dim3A_1178, %select_n3A_1165 : vector<16xi1>, vector<16xi32>
            %eq3A_1180 = arith.constant 5 : i32
            %eq3A_1181 = vector.broadcast %eq3A_1180 : i32 to vector<16xi32>
            %eq3A_1182 = arith.cmpi eq, %iota3A, %eq3A_1181 : vector<16xi32>
            %broadcast_in_dim3A_1183 = vector.broadcast %add3A_72 : i32 to vector<16xi32>
            %select_n3A_1184 = arith.select %eq3A_1182, %broadcast_in_dim3A_1183, %select_n3A_1179 : vector<16xi1>, vector<16xi32>
            %shift_right_arithmetic3A_1185 = arith.constant 1 : i32
            %shift_right_arithmetic3A_1186 = vector.broadcast %shift_right_arithmetic3A_1185 : i32 to vector<16xi32>
            %shift_right_arithmetic3A_1187 = arith.shrsi %iota3A, %shift_right_arithmetic3A_1186 : vector<16xi32>
            %eq3A_1188 = arith.constant 2 : i32
            %eq3A_1189 = vector.broadcast %eq3A_1188 : i32 to vector<16xi32>
            %eq3A_1190 = arith.cmpi eq, %shift_right_arithmetic3A_1187, %eq3A_1189 : vector<16xi32>
            %and3A_1191 = vector.broadcast %and3A_433 : i1 to vector<16xi1>
            %and3A_1192 = arith.andi %eq3A_1190, %and3A_1191 : vector<16xi1>
            %or3A_1193 = arith.ori %or3A_1174, %and3A_1192 : vector<16xi1>
            %eq3A_1194 = arith.constant 6 : i32
            %eq3A_1195 = vector.broadcast %eq3A_1194 : i32 to vector<16xi32>
            %eq3A_1196 = arith.cmpi eq, %iota3A, %eq3A_1195 : vector<16xi32>
            %broadcast_in_dim3A_1197 = vector.broadcast %shift_right_arithmetic3A_80 : i32 to vector<16xi32>
            %select_n3A_1198 = arith.select %eq3A_1196, %broadcast_in_dim3A_1197, %select_n3A_1184 : vector<16xi1>, vector<16xi32>
            %eq3A_1199 = arith.constant 7 : i32
            %eq3A_1200 = vector.broadcast %eq3A_1199 : i32 to vector<16xi32>
            %eq3A_1201 = arith.cmpi eq, %iota3A, %eq3A_1200 : vector<16xi32>
            %broadcast_in_dim3A_1202 = vector.broadcast %add3A_85 : i32 to vector<16xi32>
            %select_n3A_1203 = arith.select %eq3A_1201, %broadcast_in_dim3A_1202, %select_n3A_1198 : vector<16xi1>, vector<16xi32>
            %shift_right_arithmetic3A_1204 = arith.constant 1 : i32
            %shift_right_arithmetic3A_1205 = vector.broadcast %shift_right_arithmetic3A_1204 : i32 to vector<16xi32>
            %shift_right_arithmetic3A_1206 = arith.shrsi %iota3A, %shift_right_arithmetic3A_1205 : vector<16xi32>
            %eq3A_1207 = arith.constant 3 : i32
            %eq3A_1208 = vector.broadcast %eq3A_1207 : i32 to vector<16xi32>
            %eq3A_1209 = arith.cmpi eq, %shift_right_arithmetic3A_1206, %eq3A_1208 : vector<16xi32>
            %and3A_1210 = vector.broadcast %and3A_542 : i1 to vector<16xi1>
            %and3A_1211 = arith.andi %eq3A_1209, %and3A_1210 : vector<16xi1>
            %or3A_1212 = arith.ori %or3A_1193, %and3A_1211 : vector<16xi1>
            %eq3A_1213 = arith.constant 8 : i32
            %eq3A_1214 = vector.broadcast %eq3A_1213 : i32 to vector<16xi32>
            %eq3A_1215 = arith.cmpi eq, %iota3A, %eq3A_1214 : vector<16xi32>
            %broadcast_in_dim3A_1216 = vector.broadcast %shift_right_arithmetic3A_93 : i32 to vector<16xi32>
            %select_n3A_1217 = arith.select %eq3A_1215, %broadcast_in_dim3A_1216, %select_n3A_1203 : vector<16xi1>, vector<16xi32>
            %eq3A_1218 = arith.constant 9 : i32
            %eq3A_1219 = vector.broadcast %eq3A_1218 : i32 to vector<16xi32>
            %eq3A_1220 = arith.cmpi eq, %iota3A, %eq3A_1219 : vector<16xi32>
            %broadcast_in_dim3A_1221 = vector.broadcast %add3A_98 : i32 to vector<16xi32>
            %select_n3A_1222 = arith.select %eq3A_1220, %broadcast_in_dim3A_1221, %select_n3A_1217 : vector<16xi1>, vector<16xi32>
            %shift_right_arithmetic3A_1223 = arith.constant 1 : i32
            %shift_right_arithmetic3A_1224 = vector.broadcast %shift_right_arithmetic3A_1223 : i32 to vector<16xi32>
            %shift_right_arithmetic3A_1225 = arith.shrsi %iota3A, %shift_right_arithmetic3A_1224 : vector<16xi32>
            %eq3A_1226 = arith.constant 4 : i32
            %eq3A_1227 = vector.broadcast %eq3A_1226 : i32 to vector<16xi32>
            %eq3A_1228 = arith.cmpi eq, %shift_right_arithmetic3A_1225, %eq3A_1227 : vector<16xi32>
            %and3A_1229 = vector.broadcast %and3A_666 : i1 to vector<16xi1>
            %and3A_1230 = arith.andi %eq3A_1228, %and3A_1229 : vector<16xi1>
            %or3A_1231 = arith.ori %or3A_1212, %and3A_1230 : vector<16xi1>
            %eq3A_1232 = arith.constant 10 : i32
            %eq3A_1233 = vector.broadcast %eq3A_1232 : i32 to vector<16xi32>
            %eq3A_1234 = arith.cmpi eq, %iota3A, %eq3A_1233 : vector<16xi32>
            %broadcast_in_dim3A_1235 = vector.broadcast %shift_right_arithmetic3A_106 : i32 to vector<16xi32>
            %select_n3A_1236 = arith.select %eq3A_1234, %broadcast_in_dim3A_1235, %select_n3A_1222 : vector<16xi1>, vector<16xi32>
            %eq3A_1237 = arith.constant 11 : i32
            %eq3A_1238 = vector.broadcast %eq3A_1237 : i32 to vector<16xi32>
            %eq3A_1239 = arith.cmpi eq, %iota3A, %eq3A_1238 : vector<16xi32>
            %broadcast_in_dim3A_1240 = vector.broadcast %add3A_111 : i32 to vector<16xi32>
            %select_n3A_1241 = arith.select %eq3A_1239, %broadcast_in_dim3A_1240, %select_n3A_1236 : vector<16xi1>, vector<16xi32>
            %shift_right_arithmetic3A_1242 = arith.constant 1 : i32
            %shift_right_arithmetic3A_1243 = vector.broadcast %shift_right_arithmetic3A_1242 : i32 to vector<16xi32>
            %shift_right_arithmetic3A_1244 = arith.shrsi %iota3A, %shift_right_arithmetic3A_1243 : vector<16xi32>
            %eq3A_1245 = arith.constant 5 : i32
            %eq3A_1246 = vector.broadcast %eq3A_1245 : i32 to vector<16xi32>
            %eq3A_1247 = arith.cmpi eq, %shift_right_arithmetic3A_1244, %eq3A_1246 : vector<16xi32>
            %and3A_1248 = vector.broadcast %and3A_805 : i1 to vector<16xi1>
            %and3A_1249 = arith.andi %eq3A_1247, %and3A_1248 : vector<16xi1>
            %or3A_1250 = arith.ori %or3A_1231, %and3A_1249 : vector<16xi1>
            %eq3A_1251 = arith.constant 12 : i32
            %eq3A_1252 = vector.broadcast %eq3A_1251 : i32 to vector<16xi32>
            %eq3A_1253 = arith.cmpi eq, %iota3A, %eq3A_1252 : vector<16xi32>
            %broadcast_in_dim3A_1254 = vector.broadcast %shift_right_arithmetic3A_119 : i32 to vector<16xi32>
            %select_n3A_1255 = arith.select %eq3A_1253, %broadcast_in_dim3A_1254, %select_n3A_1241 : vector<16xi1>, vector<16xi32>
            %eq3A_1256 = arith.constant 13 : i32
            %eq3A_1257 = vector.broadcast %eq3A_1256 : i32 to vector<16xi32>
            %eq3A_1258 = arith.cmpi eq, %iota3A, %eq3A_1257 : vector<16xi32>
            %broadcast_in_dim3A_1259 = vector.broadcast %add3A_124 : i32 to vector<16xi32>
            %select_n3A_1260 = arith.select %eq3A_1258, %broadcast_in_dim3A_1259, %select_n3A_1255 : vector<16xi1>, vector<16xi32>
            %shift_right_arithmetic3A_1261 = arith.constant 1 : i32
            %shift_right_arithmetic3A_1262 = vector.broadcast %shift_right_arithmetic3A_1261 : i32 to vector<16xi32>
            %shift_right_arithmetic3A_1263 = arith.shrsi %iota3A, %shift_right_arithmetic3A_1262 : vector<16xi32>
            %eq3A_1264 = arith.constant 6 : i32
            %eq3A_1265 = vector.broadcast %eq3A_1264 : i32 to vector<16xi32>
            %eq3A_1266 = arith.cmpi eq, %shift_right_arithmetic3A_1263, %eq3A_1265 : vector<16xi32>
            %and3A_1267 = vector.broadcast %and3A_959 : i1 to vector<16xi1>
            %and3A_1268 = arith.andi %eq3A_1266, %and3A_1267 : vector<16xi1>
            %or3A_1269 = arith.ori %or3A_1250, %and3A_1268 : vector<16xi1>
            %eq3A_1270 = arith.constant 14 : i32
            %eq3A_1271 = vector.broadcast %eq3A_1270 : i32 to vector<16xi32>
            %eq3A_1272 = arith.cmpi eq, %iota3A, %eq3A_1271 : vector<16xi32>
            %broadcast_in_dim3A_1273 = vector.broadcast %shift_right_arithmetic3A_132 : i32 to vector<16xi32>
            %select_n3A_1274 = arith.select %eq3A_1272, %broadcast_in_dim3A_1273, %select_n3A_1260 : vector<16xi1>, vector<16xi32>
            %eq3A_1275 = arith.constant 15 : i32
            %eq3A_1276 = vector.broadcast %eq3A_1275 : i32 to vector<16xi32>
            %eq3A_1277 = arith.cmpi eq, %iota3A, %eq3A_1276 : vector<16xi32>
            %broadcast_in_dim3A_1278 = vector.broadcast %add3A_137 : i32 to vector<16xi32>
            %select_n3A_1279 = arith.select %eq3A_1277, %broadcast_in_dim3A_1278, %select_n3A_1274 : vector<16xi1>, vector<16xi32>
            %shift_right_arithmetic3A_1280 = arith.constant 1 : i32
            %shift_right_arithmetic3A_1281 = vector.broadcast %shift_right_arithmetic3A_1280 : i32 to vector<16xi32>
            %shift_right_arithmetic3A_1282 = arith.shrsi %iota3A, %shift_right_arithmetic3A_1281 : vector<16xi32>
            %eq3A_1283 = arith.constant 7 : i32
            %eq3A_1284 = vector.broadcast %eq3A_1283 : i32 to vector<16xi32>
            %eq3A_1285 = arith.cmpi eq, %shift_right_arithmetic3A_1282, %eq3A_1284 : vector<16xi32>
            %and3A_1286 = vector.broadcast %and3A_1128 : i1 to vector<16xi1>
            %and3A_1287 = arith.andi %eq3A_1285, %and3A_1286 : vector<16xi1>
            %or3A_1288 = arith.ori %or3A_1269, %and3A_1287 : vector<16xi1>
            %gather3A_1289 = tpu.vector_load_idx %arg8[%select_n3A_1279] : memref<100064xi32, #tpu.memory_space<vmem>>[vector<16xi32>], vector<16xi32>,
            %broadcast_in_dim3A_1290 = arith.constant 0 : i32
            %broadcast_in_dim3A_1291 = vector.broadcast %broadcast_in_dim3A_1290 : i32 to vector<16xi32>
            %eq3A_1292 = vector.broadcast %shift_right_arithmetic3A_41 : i32 to vector<16xi32>
            %eq3A_1293 = arith.cmpi eq, %select_n3A_1279, %eq3A_1292 : vector<16xi32>
            %and3A_1294 = vector.broadcast %and3A_262 : i1 to vector<16xi1>
            %and3A_1295 = arith.andi %and3A_1294, %eq3A_1293 : vector<16xi1>
            %broadcast_in_dim3A_1296 = vector.broadcast %add3A_45 : i32 to vector<16xi32>
            %select_n3A_1297 = arith.select %and3A_1295, %broadcast_in_dim3A_1296, %broadcast_in_dim3A_1291 : vector<16xi1>, vector<16xi32>
            %max3A = arith.constant 0 : i32
            %max3A_1298 = vector.broadcast %max3A : i32 to vector<16xi32>
            %max3A_1299 = arith.maxsi %max3A_1298, %select_n3A_1297 : vector<16xi32>
            %eq3A_1300 = vector.broadcast %add3A_46 : i32 to vector<16xi32>
            %eq3A_1301 = arith.cmpi eq, %select_n3A_1279, %eq3A_1300 : vector<16xi32>
            %and3A_1302 = vector.broadcast %and3A_262 : i1 to vector<16xi1>
            %and3A_1303 = arith.andi %and3A_1302, %eq3A_1301 : vector<16xi1>
            %broadcast_in_dim3A_1304 = vector.broadcast %add3A_45 : i32 to vector<16xi32>
            %select_n3A_1305 = arith.select %and3A_1303, %broadcast_in_dim3A_1304, %broadcast_in_dim3A_1291 : vector<16xi1>, vector<16xi32>
            %max3A_1306 = arith.constant 0 : i32
            %max3A_1307 = vector.broadcast %max3A_1306 : i32 to vector<16xi32>
            %max3A_1308 = arith.maxsi %max3A_1307, %select_n3A_1305 : vector<16xi32>
            %eq3A_1309 = vector.broadcast %shift_right_arithmetic3A_54 : i32 to vector<16xi32>
            %eq3A_1310 = arith.cmpi eq, %select_n3A_1279, %eq3A_1309 : vector<16xi32>
            %and3A_1311 = vector.broadcast %and3A_339 : i1 to vector<16xi1>
            %and3A_1312 = arith.andi %and3A_1311, %eq3A_1310 : vector<16xi1>
            %broadcast_in_dim3A_1313 = vector.broadcast %add3A_58 : i32 to vector<16xi32>
            %select_n3A_1314 = arith.select %and3A_1312, %broadcast_in_dim3A_1313, %broadcast_in_dim3A_1291 : vector<16xi1>, vector<16xi32>
            %max3A_1315 = arith.maxsi %max3A_1299, %select_n3A_1314 : vector<16xi32>
            %eq3A_1316 = vector.broadcast %add3A_59 : i32 to vector<16xi32>
            %eq3A_1317 = arith.cmpi eq, %select_n3A_1279, %eq3A_1316 : vector<16xi32>
            %and3A_1318 = vector.broadcast %and3A_339 : i1 to vector<16xi1>
            %and3A_1319 = arith.andi %and3A_1318, %eq3A_1317 : vector<16xi1>
            %broadcast_in_dim3A_1320 = vector.broadcast %add3A_58 : i32 to vector<16xi32>
            %select_n3A_1321 = arith.select %and3A_1319, %broadcast_in_dim3A_1320, %broadcast_in_dim3A_1291 : vector<16xi1>, vector<16xi32>
            %max3A_1322 = arith.maxsi %max3A_1308, %select_n3A_1321 : vector<16xi32>
            %eq3A_1323 = vector.broadcast %shift_right_arithmetic3A_67 : i32 to vector<16xi32>
            %eq3A_1324 = arith.cmpi eq, %select_n3A_1279, %eq3A_1323 : vector<16xi32>
            %and3A_1325 = vector.broadcast %and3A_433 : i1 to vector<16xi1>
            %and3A_1326 = arith.andi %and3A_1325, %eq3A_1324 : vector<16xi1>
            %broadcast_in_dim3A_1327 = vector.broadcast %add3A_71 : i32 to vector<16xi32>
            %select_n3A_1328 = arith.select %and3A_1326, %broadcast_in_dim3A_1327, %broadcast_in_dim3A_1291 : vector<16xi1>, vector<16xi32>
            %max3A_1329 = arith.maxsi %max3A_1315, %select_n3A_1328 : vector<16xi32>
            %eq3A_1330 = vector.broadcast %add3A_72 : i32 to vector<16xi32>
            %eq3A_1331 = arith.cmpi eq, %select_n3A_1279, %eq3A_1330 : vector<16xi32>
            %and3A_1332 = vector.broadcast %and3A_433 : i1 to vector<16xi1>
            %and3A_1333 = arith.andi %and3A_1332, %eq3A_1331 : vector<16xi1>
            %broadcast_in_dim3A_1334 = vector.broadcast %add3A_71 : i32 to vector<16xi32>
            %select_n3A_1335 = arith.select %and3A_1333, %broadcast_in_dim3A_1334, %broadcast_in_dim3A_1291 : vector<16xi1>, vector<16xi32>
            %max3A_1336 = arith.maxsi %max3A_1322, %select_n3A_1335 : vector<16xi32>
            %eq3A_1337 = vector.broadcast %shift_right_arithmetic3A_80 : i32 to vector<16xi32>
            %eq3A_1338 = arith.cmpi eq, %select_n3A_1279, %eq3A_1337 : vector<16xi32>
            %and3A_1339 = vector.broadcast %and3A_542 : i1 to vector<16xi1>
            %and3A_1340 = arith.andi %and3A_1339, %eq3A_1338 : vector<16xi1>
            %broadcast_in_dim3A_1341 = vector.broadcast %add3A_84 : i32 to vector<16xi32>
            %select_n3A_1342 = arith.select %and3A_1340, %broadcast_in_dim3A_1341, %broadcast_in_dim3A_1291 : vector<16xi1>, vector<16xi32>
            %max3A_1343 = arith.maxsi %max3A_1329, %select_n3A_1342 : vector<16xi32>
            %eq3A_1344 = vector.broadcast %add3A_85 : i32 to vector<16xi32>
            %eq3A_1345 = arith.cmpi eq, %select_n3A_1279, %eq3A_1344 : vector<16xi32>
            %and3A_1346 = vector.broadcast %and3A_542 : i1 to vector<16xi1>
            %and3A_1347 = arith.andi %and3A_1346, %eq3A_1345 : vector<16xi1>
            %broadcast_in_dim3A_1348 = vector.broadcast %add3A_84 : i32 to vector<16xi32>
            %select_n3A_1349 = arith.select %and3A_1347, %broadcast_in_dim3A_1348, %broadcast_in_dim3A_1291 : vector<16xi1>, vector<16xi32>
            %max3A_1350 = arith.maxsi %max3A_1336, %select_n3A_1349 : vector<16xi32>
            %eq3A_1351 = vector.broadcast %shift_right_arithmetic3A_93 : i32 to vector<16xi32>
            %eq3A_1352 = arith.cmpi eq, %select_n3A_1279, %eq3A_1351 : vector<16xi32>
            %and3A_1353 = vector.broadcast %and3A_666 : i1 to vector<16xi1>
            %and3A_1354 = arith.andi %and3A_1353, %eq3A_1352 : vector<16xi1>
            %broadcast_in_dim3A_1355 = vector.broadcast %add3A_97 : i32 to vector<16xi32>
            %select_n3A_1356 = arith.select %and3A_1354, %broadcast_in_dim3A_1355, %broadcast_in_dim3A_1291 : vector<16xi1>, vector<16xi32>
            %max3A_1357 = arith.maxsi %max3A_1343, %select_n3A_1356 : vector<16xi32>
            %eq3A_1358 = vector.broadcast %add3A_98 : i32 to vector<16xi32>
            %eq3A_1359 = arith.cmpi eq, %select_n3A_1279, %eq3A_1358 : vector<16xi32>
            %and3A_1360 = vector.broadcast %and3A_666 : i1 to vector<16xi1>
            %and3A_1361 = arith.andi %and3A_1360, %eq3A_1359 : vector<16xi1>
            %broadcast_in_dim3A_1362 = vector.broadcast %add3A_97 : i32 to vector<16xi32>
            %select_n3A_1363 = arith.select %and3A_1361, %broadcast_in_dim3A_1362, %broadcast_in_dim3A_1291 : vector<16xi1>, vector<16xi32>
            %max3A_1364 = arith.maxsi %max3A_1350, %select_n3A_1363 : vector<16xi32>
            %eq3A_1365 = vector.broadcast %shift_right_arithmetic3A_106 : i32 to vector<16xi32>
            %eq3A_1366 = arith.cmpi eq, %select_n3A_1279, %eq3A_1365 : vector<16xi32>
            %and3A_1367 = vector.broadcast %and3A_805 : i1 to vector<16xi1>
            %and3A_1368 = arith.andi %and3A_1367, %eq3A_1366 : vector<16xi1>
            %broadcast_in_dim3A_1369 = vector.broadcast %add3A_110 : i32 to vector<16xi32>
            %select_n3A_1370 = arith.select %and3A_1368, %broadcast_in_dim3A_1369, %broadcast_in_dim3A_1291 : vector<16xi1>, vector<16xi32>
            %max3A_1371 = arith.maxsi %max3A_1357, %select_n3A_1370 : vector<16xi32>
            %eq3A_1372 = vector.broadcast %add3A_111 : i32 to vector<16xi32>
            %eq3A_1373 = arith.cmpi eq, %select_n3A_1279, %eq3A_1372 : vector<16xi32>
            %and3A_1374 = vector.broadcast %and3A_805 : i1 to vector<16xi1>
            %and3A_1375 = arith.andi %and3A_1374, %eq3A_1373 : vector<16xi1>
            %broadcast_in_dim3A_1376 = vector.broadcast %add3A_110 : i32 to vector<16xi32>
            %select_n3A_1377 = arith.select %and3A_1375, %broadcast_in_dim3A_1376, %broadcast_in_dim3A_1291 : vector<16xi1>, vector<16xi32>
            %max3A_1378 = arith.maxsi %max3A_1364, %select_n3A_1377 : vector<16xi32>
            %eq3A_1379 = vector.broadcast %shift_right_arithmetic3A_119 : i32 to vector<16xi32>
            %eq3A_1380 = arith.cmpi eq, %select_n3A_1279, %eq3A_1379 : vector<16xi32>
            %and3A_1381 = vector.broadcast %and3A_959 : i1 to vector<16xi1>
            %and3A_1382 = arith.andi %and3A_1381, %eq3A_1380 : vector<16xi1>
            %broadcast_in_dim3A_1383 = vector.broadcast %add3A_123 : i32 to vector<16xi32>
            %select_n3A_1384 = arith.select %and3A_1382, %broadcast_in_dim3A_1383, %broadcast_in_dim3A_1291 : vector<16xi1>, vector<16xi32>
            %max3A_1385 = arith.maxsi %max3A_1371, %select_n3A_1384 : vector<16xi32>
            %eq3A_1386 = vector.broadcast %add3A_124 : i32 to vector<16xi32>
            %eq3A_1387 = arith.cmpi eq, %select_n3A_1279, %eq3A_1386 : vector<16xi32>
            %and3A_1388 = vector.broadcast %and3A_959 : i1 to vector<16xi1>
            %and3A_1389 = arith.andi %and3A_1388, %eq3A_1387 : vector<16xi1>
            %broadcast_in_dim3A_1390 = vector.broadcast %add3A_123 : i32 to vector<16xi32>
            %select_n3A_1391 = arith.select %and3A_1389, %broadcast_in_dim3A_1390, %broadcast_in_dim3A_1291 : vector<16xi1>, vector<16xi32>
            %max3A_1392 = arith.maxsi %max3A_1378, %select_n3A_1391 : vector<16xi32>
            %eq3A_1393 = vector.broadcast %shift_right_arithmetic3A_132 : i32 to vector<16xi32>
            %eq3A_1394 = arith.cmpi eq, %select_n3A_1279, %eq3A_1393 : vector<16xi32>
            %and3A_1395 = vector.broadcast %and3A_1128 : i1 to vector<16xi1>
            %and3A_1396 = arith.andi %and3A_1395, %eq3A_1394 : vector<16xi1>
            %broadcast_in_dim3A_1397 = vector.broadcast %add3A_136 : i32 to vector<16xi32>
            %select_n3A_1398 = arith.select %and3A_1396, %broadcast_in_dim3A_1397, %broadcast_in_dim3A_1291 : vector<16xi1>, vector<16xi32>
            %max3A_1399 = arith.maxsi %max3A_1385, %select_n3A_1398 : vector<16xi32>
            %eq3A_1400 = vector.broadcast %add3A_137 : i32 to vector<16xi32>
            %eq3A_1401 = arith.cmpi eq, %select_n3A_1279, %eq3A_1400 : vector<16xi32>
            %and3A_1402 = vector.broadcast %and3A_1128 : i1 to vector<16xi1>
            %and3A_1403 = arith.andi %and3A_1402, %eq3A_1401 : vector<16xi1>
            %broadcast_in_dim3A_1404 = vector.broadcast %add3A_136 : i32 to vector<16xi32>
            %select_n3A_1405 = arith.select %and3A_1403, %broadcast_in_dim3A_1404, %broadcast_in_dim3A_1291 : vector<16xi1>, vector<16xi32>
            %max3A_1406 = arith.maxsi %max3A_1392, %select_n3A_1405 : vector<16xi32>
            %shift_right_arithmetic3A_1407 = arith.constant 5 : i32
            %shift_right_arithmetic3A_1408 = vector.broadcast %shift_right_arithmetic3A_1407 : i32 to vector<16xi32>
            %shift_right_arithmetic3A_1409 = arith.shrsi %gather3A_1289, %shift_right_arithmetic3A_1408 : vector<16xi32>
            %max3A_1410 = arith.maxsi %shift_right_arithmetic3A_1409, %max3A_1399 : vector<16xi32>
            %shift_left3A = arith.constant 5 : i32
            %shift_left3A_1411 = vector.broadcast %shift_left3A : i32 to vector<16xi32>
            %shift_left3A_1412 = arith.shli %max3A_1410, %shift_left3A_1411 : vector<16xi32>
            %and3A_1413 = arith.constant 31 : i32
            %and3A_1414 = vector.broadcast %and3A_1413 : i32 to vector<16xi32>
            %and3A_1415 = arith.andi %gather3A_1289, %and3A_1414 : vector<16xi32>
            %max3A_1416 = arith.maxsi %and3A_1415, %max3A_1406 : vector<16xi32>
            %or3A_1417 = arith.ori %shift_left3A_1412, %max3A_1416 : vector<16xi32>
            tpu.vector_store_idx %arg8[%select_n3A_1279], %or3A_1417 masked %or3A_1288 : memref<100064xi32, #tpu.memory_space<vmem>>[vector<16xi32>], vector<16xi32>, vector<16xi1>
            %broadcast_in_dim3A_1418 = arith.constant 0 : i32
            %broadcast_in_dim3A_1419 = vector.broadcast %broadcast_in_dim3A_1418 : i32 to vector<16xi32>
            %broadcast_in_dim3A_1420 = arith.constant false
            %broadcast_in_dim3A_1421 = vector.broadcast %broadcast_in_dim3A_1420 : i1 to vector<16xi1>
            %eq3A_1422 = arith.constant 0 : i32
            %eq3A_1423 = vector.broadcast %eq3A_1422 : i32 to vector<16xi32>
            %eq3A_1424 = arith.cmpi eq, %iota3A, %eq3A_1423 : vector<16xi32>
            %broadcast_in_dim3A_1425 = vector.broadcast %while3A_34 : i32 to vector<16xi32>
            %select_n3A_1426 = arith.select %eq3A_1424, %broadcast_in_dim3A_1425, %broadcast_in_dim3A_1419 : vector<16xi1>, vector<16xi32>
            %eq3A_1427 = arith.constant 0 : i32
            %eq3A_1428 = vector.broadcast %eq3A_1427 : i32 to vector<16xi32>
            %eq3A_1429 = arith.cmpi eq, %iota3A, %eq3A_1428 : vector<16xi32>
            %and3A_1430 = vector.broadcast %and3A_262 : i1 to vector<16xi1>
            %and3A_1431 = arith.andi %eq3A_1429, %and3A_1430 : vector<16xi1>
            %or3A_1432 = arith.ori %broadcast_in_dim3A_1421, %and3A_1431 : vector<16xi1>
            %eq3A_1433 = arith.constant 1 : i32
            %eq3A_1434 = vector.broadcast %eq3A_1433 : i32 to vector<16xi32>
            %eq3A_1435 = arith.cmpi eq, %iota3A, %eq3A_1434 : vector<16xi32>
            %broadcast_in_dim3A_1436 = vector.broadcast %add3A_264 : i32 to vector<16xi32>
            %select_n3A_1437 = arith.select %eq3A_1435, %broadcast_in_dim3A_1436, %select_n3A_1426 : vector<16xi1>, vector<16xi32>
            %eq3A_1438 = arith.constant 1 : i32
            %eq3A_1439 = vector.broadcast %eq3A_1438 : i32 to vector<16xi32>
            %eq3A_1440 = arith.cmpi eq, %iota3A, %eq3A_1439 : vector<16xi32>
            %and3A_1441 = vector.broadcast %and3A_339 : i1 to vector<16xi1>
            %and3A_1442 = arith.andi %eq3A_1440, %and3A_1441 : vector<16xi1>
            %or3A_1443 = arith.ori %or3A_1432, %and3A_1442 : vector<16xi1>
            %eq3A_1444 = arith.constant 2 : i32
            %eq3A_1445 = vector.broadcast %eq3A_1444 : i32 to vector<16xi32>
            %eq3A_1446 = arith.cmpi eq, %iota3A, %eq3A_1445 : vector<16xi32>
            %broadcast_in_dim3A_1447 = vector.broadcast %add3A_343 : i32 to vector<16xi32>
            %select_n3A_1448 = arith.select %eq3A_1446, %broadcast_in_dim3A_1447, %select_n3A_1437 : vector<16xi1>, vector<16xi32>
            %eq3A_1449 = arith.constant 2 : i32
            %eq3A_1450 = vector.broadcast %eq3A_1449 : i32 to vector<16xi32>
            %eq3A_1451 = arith.cmpi eq, %iota3A, %eq3A_1450 : vector<16xi32>
            %and3A_1452 = vector.broadcast %and3A_433 : i1 to vector<16xi1>
            %and3A_1453 = arith.andi %eq3A_1451, %and3A_1452 : vector<16xi1>
            %or3A_1454 = arith.ori %or3A_1443, %and3A_1453 : vector<16xi1>
            %eq3A_1455 = arith.constant 3 : i32
            %eq3A_1456 = vector.broadcast %eq3A_1455 : i32 to vector<16xi32>
            %eq3A_1457 = arith.cmpi eq, %iota3A, %eq3A_1456 : vector<16xi32>
            %broadcast_in_dim3A_1458 = vector.broadcast %add3A_437 : i32 to vector<16xi32>
            %select_n3A_1459 = arith.select %eq3A_1457, %broadcast_in_dim3A_1458, %select_n3A_1448 : vector<16xi1>, vector<16xi32>
            %eq3A_1460 = arith.constant 3 : i32
            %eq3A_1461 = vector.broadcast %eq3A_1460 : i32 to vector<16xi32>
            %eq3A_1462 = arith.cmpi eq, %iota3A, %eq3A_1461 : vector<16xi32>
            %and3A_1463 = vector.broadcast %and3A_542 : i1 to vector<16xi1>
            %and3A_1464 = arith.andi %eq3A_1462, %and3A_1463 : vector<16xi1>
            %or3A_1465 = arith.ori %or3A_1454, %and3A_1464 : vector<16xi1>
            %eq3A_1466 = arith.constant 4 : i32
            %eq3A_1467 = vector.broadcast %eq3A_1466 : i32 to vector<16xi32>
            %eq3A_1468 = arith.cmpi eq, %iota3A, %eq3A_1467 : vector<16xi32>
            %broadcast_in_dim3A_1469 = vector.broadcast %add3A_546 : i32 to vector<16xi32>
            %select_n3A_1470 = arith.select %eq3A_1468, %broadcast_in_dim3A_1469, %select_n3A_1459 : vector<16xi1>, vector<16xi32>
            %eq3A_1471 = arith.constant 4 : i32
            %eq3A_1472 = vector.broadcast %eq3A_1471 : i32 to vector<16xi32>
            %eq3A_1473 = arith.cmpi eq, %iota3A, %eq3A_1472 : vector<16xi32>
            %and3A_1474 = vector.broadcast %and3A_666 : i1 to vector<16xi1>
            %and3A_1475 = arith.andi %eq3A_1473, %and3A_1474 : vector<16xi1>
            %or3A_1476 = arith.ori %or3A_1465, %and3A_1475 : vector<16xi1>
            %eq3A_1477 = arith.constant 5 : i32
            %eq3A_1478 = vector.broadcast %eq3A_1477 : i32 to vector<16xi32>
            %eq3A_1479 = arith.cmpi eq, %iota3A, %eq3A_1478 : vector<16xi32>
            %broadcast_in_dim3A_1480 = vector.broadcast %add3A_670 : i32 to vector<16xi32>
            %select_n3A_1481 = arith.select %eq3A_1479, %broadcast_in_dim3A_1480, %select_n3A_1470 : vector<16xi1>, vector<16xi32>
            %eq3A_1482 = arith.constant 5 : i32
            %eq3A_1483 = vector.broadcast %eq3A_1482 : i32 to vector<16xi32>
            %eq3A_1484 = arith.cmpi eq, %iota3A, %eq3A_1483 : vector<16xi32>
            %and3A_1485 = vector.broadcast %and3A_805 : i1 to vector<16xi1>
            %and3A_1486 = arith.andi %eq3A_1484, %and3A_1485 : vector<16xi1>
            %or3A_1487 = arith.ori %or3A_1476, %and3A_1486 : vector<16xi1>
            %eq3A_1488 = arith.constant 6 : i32
            %eq3A_1489 = vector.broadcast %eq3A_1488 : i32 to vector<16xi32>
            %eq3A_1490 = arith.cmpi eq, %iota3A, %eq3A_1489 : vector<16xi32>
            %broadcast_in_dim3A_1491 = vector.broadcast %add3A_809 : i32 to vector<16xi32>
            %select_n3A_1492 = arith.select %eq3A_1490, %broadcast_in_dim3A_1491, %select_n3A_1481 : vector<16xi1>, vector<16xi32>
            %eq3A_1493 = arith.constant 6 : i32
            %eq3A_1494 = vector.broadcast %eq3A_1493 : i32 to vector<16xi32>
            %eq3A_1495 = arith.cmpi eq, %iota3A, %eq3A_1494 : vector<16xi32>
            %and3A_1496 = vector.broadcast %and3A_959 : i1 to vector<16xi1>
            %and3A_1497 = arith.andi %eq3A_1495, %and3A_1496 : vector<16xi1>
            %or3A_1498 = arith.ori %or3A_1487, %and3A_1497 : vector<16xi1>
            %eq3A_1499 = arith.constant 7 : i32
            %eq3A_1500 = vector.broadcast %eq3A_1499 : i32 to vector<16xi32>
            %eq3A_1501 = arith.cmpi eq, %iota3A, %eq3A_1500 : vector<16xi32>
            %broadcast_in_dim3A_1502 = vector.broadcast %add3A_963 : i32 to vector<16xi32>
            %select_n3A_1503 = arith.select %eq3A_1501, %broadcast_in_dim3A_1502, %select_n3A_1492 : vector<16xi1>, vector<16xi32>
            %eq3A_1504 = arith.constant 7 : i32
            %eq3A_1505 = vector.broadcast %eq3A_1504 : i32 to vector<16xi32>
            %eq3A_1506 = arith.cmpi eq, %iota3A, %eq3A_1505 : vector<16xi32>
            %and3A_1507 = vector.broadcast %and3A_1128 : i1 to vector<16xi1>
            %and3A_1508 = arith.andi %eq3A_1506, %and3A_1507 : vector<16xi1>
            %or3A_1509 = arith.ori %or3A_1498, %and3A_1508 : vector<16xi1>
            %min3A = arith.constant 7 : i32
            %min3A_1510 = vector.broadcast %min3A : i32 to vector<16xi32>
            %min3A_1511 = arith.minsi %iota3A, %min3A_1510 : vector<16xi32>
            %add3A_1512 = vector.broadcast %mul3A_36 : i32 to vector<16xi32>
            %add3A_1513 = arith.addi %add3A_1512, %min3A_1511 : vector<16xi32>
            tpu.vector_store_idx %arg9[%select_n3A_1503], %add3A_1513 masked %or3A_1509 : memref<4000xi32, #tpu.memory_space<vmem>>[vector<16xi32>], vector<16xi32>, vector<16xi1>
            scf.yield %add3A_1132 : i32
          }
          %while3A_31 = arith.constant 1 : i32
          %while3A_32 = scf.for %while3A_33 = %while3A_28 to %while3A_24 step %while3A_31 iter_args(%while3A_34 = %while3A_30) -> (i32)  : i32 {
            %mul3A_35 = arith.constant 8 : i32
            %mul3A_36 = arith.muli %mul3A_35, %while3A_33 : i32
            %add3A_37 = arith.constant 0 : i32
            %add3A_38 = arith.addi %mul3A_36, %add3A_37 : i32
            %broadcast_in_dim3A = vector.broadcast %add3A_38 : i32 to vector<16xi32>
            %gather3A = tpu.vector_load_idx %arg7[%broadcast_in_dim3A] : memref<20000xi32, #tpu.memory_space<vmem>>[vector<16xi32>], vector<16xi32>,
            %slice3A_39 = vector.extract_strided_slice %gather3A {offsets = [0], sizes = [1], strides = [1]} : vector<16xi32> to vector<1xi32>
            %squeeze3A_40 = vector.extract %slice3A_39[0] : i32 from vector<1xi32>
            %shift_right_arithmetic3A = arith.constant 5 : i32
            %shift_right_arithmetic3A_41 = arith.shrsi %squeeze3A_40, %shift_right_arithmetic3A : i32
            %and3A_42 = arith.constant 31 : i32
            %and3A_43 = arith.andi %squeeze3A_40, %and3A_42 : i32
            %add3A_44 = arith.constant 1 : i32
            %add3A_45 = arith.addi %and3A_43, %add3A_44 : i32
            %add3A_46 = arith.addi %shift_right_arithmetic3A_41, %and3A_43 : i32
            %add3A_47 = arith.constant 1 : i32
            %add3A_48 = arith.addi %mul3A_36, %add3A_47 : i32
            %broadcast_in_dim3A_49 = vector.broadcast %add3A_48 : i32 to vector<16xi32>
            %gather3A_50 = tpu.vector_load_idx %arg7[%broadcast_in_dim3A_49] : memref<20000xi32, #tpu.memory_space<vmem>>[vector<16xi32>], vector<16xi32>,
            %slice3A_51 = vector.extract_strided_slice %gather3A_50 {offsets = [0], sizes = [1], strides = [1]} : vector<16xi32> to vector<1xi32>
            %squeeze3A_52 = vector.extract %slice3A_51[0] : i32 from vector<1xi32>
            %shift_right_arithmetic3A_53 = arith.constant 5 : i32
            %shift_right_arithmetic3A_54 = arith.shrsi %squeeze3A_52, %shift_right_arithmetic3A_53 : i32
            %and3A_55 = arith.constant 31 : i32
            %and3A_56 = arith.andi %squeeze3A_52, %and3A_55 : i32
            %add3A_57 = arith.constant 1 : i32
            %add3A_58 = arith.addi %and3A_56, %add3A_57 : i32
            %add3A_59 = arith.addi %shift_right_arithmetic3A_54, %and3A_56 : i32
            %add3A_60 = arith.constant 2 : i32
            %add3A_61 = arith.addi %mul3A_36, %add3A_60 : i32
            %broadcast_in_dim3A_62 = vector.broadcast %add3A_61 : i32 to vector<16xi32>
            %gather3A_63 = tpu.vector_load_idx %arg7[%broadcast_in_dim3A_62] : memref<20000xi32, #tpu.memory_space<vmem>>[vector<16xi32>], vector<16xi32>,
            %slice3A_64 = vector.extract_strided_slice %gather3A_63 {offsets = [0], sizes = [1], strides = [1]} : vector<16xi32> to vector<1xi32>
            %squeeze3A_65 = vector.extract %slice3A_64[0] : i32 from vector<1xi32>
            %shift_right_arithmetic3A_66 = arith.constant 5 : i32
            %shift_right_arithmetic3A_67 = arith.shrsi %squeeze3A_65, %shift_right_arithmetic3A_66 : i32
            %and3A_68 = arith.constant 31 : i32
            %and3A_69 = arith.andi %squeeze3A_65, %and3A_68 : i32
            %add3A_70 = arith.constant 1 : i32
            %add3A_71 = arith.addi %and3A_69, %add3A_70 : i32
            %add3A_72 = arith.addi %shift_right_arithmetic3A_67, %and3A_69 : i32
            %add3A_73 = arith.constant 3 : i32
            %add3A_74 = arith.addi %mul3A_36, %add3A_73 : i32
            %broadcast_in_dim3A_75 = vector.broadcast %add3A_74 : i32 to vector<16xi32>
            %gather3A_76 = tpu.vector_load_idx %arg7[%broadcast_in_dim3A_75] : memref<20000xi32, #tpu.memory_space<vmem>>[vector<16xi32>], vector<16xi32>,
            %slice3A_77 = vector.extract_strided_slice %gather3A_76 {offsets = [0], sizes = [1], strides = [1]} : vector<16xi32> to vector<1xi32>
            %squeeze3A_78 = vector.extract %slice3A_77[0] : i32 from vector<1xi32>
            %shift_right_arithmetic3A_79 = arith.constant 5 : i32
            %shift_right_arithmetic3A_80 = arith.shrsi %squeeze3A_78, %shift_right_arithmetic3A_79 : i32
            %and3A_81 = arith.constant 31 : i32
            %and3A_82 = arith.andi %squeeze3A_78, %and3A_81 : i32
            %add3A_83 = arith.constant 1 : i32
            %add3A_84 = arith.addi %and3A_82, %add3A_83 : i32
            %add3A_85 = arith.addi %shift_right_arithmetic3A_80, %and3A_82 : i32
            %add3A_86 = arith.constant 4 : i32
            %add3A_87 = arith.addi %mul3A_36, %add3A_86 : i32
            %broadcast_in_dim3A_88 = vector.broadcast %add3A_87 : i32 to vector<16xi32>
            %gather3A_89 = tpu.vector_load_idx %arg7[%broadcast_in_dim3A_88] : memref<20000xi32, #tpu.memory_space<vmem>>[vector<16xi32>], vector<16xi32>,
            %slice3A_90 = vector.extract_strided_slice %gather3A_89 {offsets = [0], sizes = [1], strides = [1]} : vector<16xi32> to vector<1xi32>
            %squeeze3A_91 = vector.extract %slice3A_90[0] : i32 from vector<1xi32>
            %shift_right_arithmetic3A_92 = arith.constant 5 : i32
            %shift_right_arithmetic3A_93 = arith.shrsi %squeeze3A_91, %shift_right_arithmetic3A_92 : i32
            %and3A_94 = arith.constant 31 : i32
            %and3A_95 = arith.andi %squeeze3A_91, %and3A_94 : i32
            %add3A_96 = arith.constant 1 : i32
            %add3A_97 = arith.addi %and3A_95, %add3A_96 : i32
            %add3A_98 = arith.addi %shift_right_arithmetic3A_93, %and3A_95 : i32
            %add3A_99 = arith.constant 5 : i32
            %add3A_100 = arith.addi %mul3A_36, %add3A_99 : i32
            %broadcast_in_dim3A_101 = vector.broadcast %add3A_100 : i32 to vector<16xi32>
            %gather3A_102 = tpu.vector_load_idx %arg7[%broadcast_in_dim3A_101] : memref<20000xi32, #tpu.memory_space<vmem>>[vector<16xi32>], vector<16xi32>,
            %slice3A_103 = vector.extract_strided_slice %gather3A_102 {offsets = [0], sizes = [1], strides = [1]} : vector<16xi32> to vector<1xi32>
            %squeeze3A_104 = vector.extract %slice3A_103[0] : i32 from vector<1xi32>
            %shift_right_arithmetic3A_105 = arith.constant 5 : i32
            %shift_right_arithmetic3A_106 = arith.shrsi %squeeze3A_104, %shift_right_arithmetic3A_105 : i32
            %and3A_107 = arith.constant 31 : i32
            %and3A_108 = arith.andi %squeeze3A_104, %and3A_107 : i32
            %add3A_109 = arith.constant 1 : i32
            %add3A_110 = arith.addi %and3A_108, %add3A_109 : i32
            %add3A_111 = arith.addi %shift_right_arithmetic3A_106, %and3A_108 : i32
            %add3A_112 = arith.constant 6 : i32
            %add3A_113 = arith.addi %mul3A_36, %add3A_112 : i32
            %broadcast_in_dim3A_114 = vector.broadcast %add3A_113 : i32 to vector<16xi32>
            %gather3A_115 = tpu.vector_load_idx %arg7[%broadcast_in_dim3A_114] : memref<20000xi32, #tpu.memory_space<vmem>>[vector<16xi32>], vector<16xi32>,
            %slice3A_116 = vector.extract_strided_slice %gather3A_115 {offsets = [0], sizes = [1], strides = [1]} : vector<16xi32> to vector<1xi32>
            %squeeze3A_117 = vector.extract %slice3A_116[0] : i32 from vector<1xi32>
            %shift_right_arithmetic3A_118 = arith.constant 5 : i32
            %shift_right_arithmetic3A_119 = arith.shrsi %squeeze3A_117, %shift_right_arithmetic3A_118 : i32
            %and3A_120 = arith.constant 31 : i32
            %and3A_121 = arith.andi %squeeze3A_117, %and3A_120 : i32
            %add3A_122 = arith.constant 1 : i32
            %add3A_123 = arith.addi %and3A_121, %add3A_122 : i32
            %add3A_124 = arith.addi %shift_right_arithmetic3A_119, %and3A_121 : i32
            %add3A_125 = arith.constant 7 : i32
            %add3A_126 = arith.addi %mul3A_36, %add3A_125 : i32
            %broadcast_in_dim3A_127 = vector.broadcast %add3A_126 : i32 to vector<16xi32>
            %gather3A_128 = tpu.vector_load_idx %arg7[%broadcast_in_dim3A_127] : memref<20000xi32, #tpu.memory_space<vmem>>[vector<16xi32>], vector<16xi32>,
            %slice3A_129 = vector.extract_strided_slice %gather3A_128 {offsets = [0], sizes = [1], strides = [1]} : vector<16xi32> to vector<1xi32>
            %squeeze3A_130 = vector.extract %slice3A_129[0] : i32 from vector<1xi32>
            %shift_right_arithmetic3A_131 = arith.constant 5 : i32
            %shift_right_arithmetic3A_132 = arith.shrsi %squeeze3A_130, %shift_right_arithmetic3A_131 : i32
            %and3A_133 = arith.constant 31 : i32
            %and3A_134 = arith.andi %squeeze3A_130, %and3A_133 : i32
            %add3A_135 = arith.constant 1 : i32
            %add3A_136 = arith.addi %and3A_134, %add3A_135 : i32
            %add3A_137 = arith.addi %shift_right_arithmetic3A_132, %and3A_134 : i32
            %add3A_138 = vector.broadcast %shift_right_arithmetic3A_41 : i32 to vector<16xi32>
            %add3A_139 = arith.addi %add3A_138, %iota3A : vector<16xi32>
            %gather3A_140 = tpu.vector_load_idx %arg8[%add3A_139] : memref<100064xi32, #tpu.memory_space<vmem>>[vector<16xi32>], vector<16xi32>,
            %add3A_141 = vector.broadcast %shift_right_arithmetic3A_41 : i32 to vector<16xi32>
            %add3A_142 = arith.addi %add3A_141, %iota3A : vector<16xi32>
            %add3A_143 = arith.constant 16 : i32
            %add3A_144 = vector.broadcast %add3A_143 : i32 to vector<16xi32>
            %add3A_145 = arith.addi %add3A_142, %add3A_144 : vector<16xi32>
            %gather3A_146 = tpu.vector_load_idx %arg8[%add3A_145] : memref<100064xi32, #tpu.memory_space<vmem>>[vector<16xi32>], vector<16xi32>,
            %add3A_147 = vector.broadcast %shift_right_arithmetic3A_54 : i32 to vector<16xi32>
            %add3A_148 = arith.addi %add3A_147, %iota3A : vector<16xi32>
            %gather3A_149 = tpu.vector_load_idx %arg8[%add3A_148] : memref<100064xi32, #tpu.memory_space<vmem>>[vector<16xi32>], vector<16xi32>,
            %add3A_150 = vector.broadcast %shift_right_arithmetic3A_54 : i32 to vector<16xi32>
            %add3A_151 = arith.addi %add3A_150, %iota3A : vector<16xi32>
            %add3A_152 = arith.constant 16 : i32
            %add3A_153 = vector.broadcast %add3A_152 : i32 to vector<16xi32>
            %add3A_154 = arith.addi %add3A_151, %add3A_153 : vector<16xi32>
            %gather3A_155 = tpu.vector_load_idx %arg8[%add3A_154] : memref<100064xi32, #tpu.memory_space<vmem>>[vector<16xi32>], vector<16xi32>,
            %add3A_156 = vector.broadcast %shift_right_arithmetic3A_67 : i32 to vector<16xi32>
            %add3A_157 = arith.addi %add3A_156, %iota3A : vector<16xi32>
            %gather3A_158 = tpu.vector_load_idx %arg8[%add3A_157] : memref<100064xi32, #tpu.memory_space<vmem>>[vector<16xi32>], vector<16xi32>,
            %add3A_159 = vector.broadcast %shift_right_arithmetic3A_67 : i32 to vector<16xi32>
            %add3A_160 = arith.addi %add3A_159, %iota3A : vector<16xi32>
            %add3A_161 = arith.constant 16 : i32
            %add3A_162 = vector.broadcast %add3A_161 : i32 to vector<16xi32>
            %add3A_163 = arith.addi %add3A_160, %add3A_162 : vector<16xi32>
            %gather3A_164 = tpu.vector_load_idx %arg8[%add3A_163] : memref<100064xi32, #tpu.memory_space<vmem>>[vector<16xi32>], vector<16xi32>,
            %add3A_165 = vector.broadcast %shift_right_arithmetic3A_80 : i32 to vector<16xi32>
            %add3A_166 = arith.addi %add3A_165, %iota3A : vector<16xi32>
            %gather3A_167 = tpu.vector_load_idx %arg8[%add3A_166] : memref<100064xi32, #tpu.memory_space<vmem>>[vector<16xi32>], vector<16xi32>,
            %add3A_168 = vector.broadcast %shift_right_arithmetic3A_80 : i32 to vector<16xi32>
            %add3A_169 = arith.addi %add3A_168, %iota3A : vector<16xi32>
            %add3A_170 = arith.constant 16 : i32
            %add3A_171 = vector.broadcast %add3A_170 : i32 to vector<16xi32>
            %add3A_172 = arith.addi %add3A_169, %add3A_171 : vector<16xi32>
            %gather3A_173 = tpu.vector_load_idx %arg8[%add3A_172] : memref<100064xi32, #tpu.memory_space<vmem>>[vector<16xi32>], vector<16xi32>,
            %add3A_174 = vector.broadcast %shift_right_arithmetic3A_93 : i32 to vector<16xi32>
            %add3A_175 = arith.addi %add3A_174, %iota3A : vector<16xi32>
            %gather3A_176 = tpu.vector_load_idx %arg8[%add3A_175] : memref<100064xi32, #tpu.memory_space<vmem>>[vector<16xi32>], vector<16xi32>,
            %add3A_177 = vector.broadcast %shift_right_arithmetic3A_93 : i32 to vector<16xi32>
            %add3A_178 = arith.addi %add3A_177, %iota3A : vector<16xi32>
            %add3A_179 = arith.constant 16 : i32
            %add3A_180 = vector.broadcast %add3A_179 : i32 to vector<16xi32>
            %add3A_181 = arith.addi %add3A_178, %add3A_180 : vector<16xi32>
            %gather3A_182 = tpu.vector_load_idx %arg8[%add3A_181] : memref<100064xi32, #tpu.memory_space<vmem>>[vector<16xi32>], vector<16xi32>,
            %add3A_183 = vector.broadcast %shift_right_arithmetic3A_106 : i32 to vector<16xi32>
            %add3A_184 = arith.addi %add3A_183, %iota3A : vector<16xi32>
            %gather3A_185 = tpu.vector_load_idx %arg8[%add3A_184] : memref<100064xi32, #tpu.memory_space<vmem>>[vector<16xi32>], vector<16xi32>,
            %add3A_186 = vector.broadcast %shift_right_arithmetic3A_106 : i32 to vector<16xi32>
            %add3A_187 = arith.addi %add3A_186, %iota3A : vector<16xi32>
            %add3A_188 = arith.constant 16 : i32
            %add3A_189 = vector.broadcast %add3A_188 : i32 to vector<16xi32>
            %add3A_190 = arith.addi %add3A_187, %add3A_189 : vector<16xi32>
            %gather3A_191 = tpu.vector_load_idx %arg8[%add3A_190] : memref<100064xi32, #tpu.memory_space<vmem>>[vector<16xi32>], vector<16xi32>,
            %add3A_192 = vector.broadcast %shift_right_arithmetic3A_119 : i32 to vector<16xi32>
            %add3A_193 = arith.addi %add3A_192, %iota3A : vector<16xi32>
            %gather3A_194 = tpu.vector_load_idx %arg8[%add3A_193] : memref<100064xi32, #tpu.memory_space<vmem>>[vector<16xi32>], vector<16xi32>,
            %add3A_195 = vector.broadcast %shift_right_arithmetic3A_119 : i32 to vector<16xi32>
            %add3A_196 = arith.addi %add3A_195, %iota3A : vector<16xi32>
            %add3A_197 = arith.constant 16 : i32
            %add3A_198 = vector.broadcast %add3A_197 : i32 to vector<16xi32>
            %add3A_199 = arith.addi %add3A_196, %add3A_198 : vector<16xi32>
            %gather3A_200 = tpu.vector_load_idx %arg8[%add3A_199] : memref<100064xi32, #tpu.memory_space<vmem>>[vector<16xi32>], vector<16xi32>,
            %add3A_201 = vector.broadcast %shift_right_arithmetic3A_132 : i32 to vector<16xi32>
            %add3A_202 = arith.addi %add3A_201, %iota3A : vector<16xi32>
            %gather3A_203 = tpu.vector_load_idx %arg8[%add3A_202] : memref<100064xi32, #tpu.memory_space<vmem>>[vector<16xi32>], vector<16xi32>,
            %add3A_204 = vector.broadcast %shift_right_arithmetic3A_132 : i32 to vector<16xi32>
            %add3A_205 = arith.addi %add3A_204, %iota3A : vector<16xi32>
            %add3A_206 = arith.constant 16 : i32
            %add3A_207 = vector.broadcast %add3A_206 : i32 to vector<16xi32>
            %add3A_208 = arith.addi %add3A_205, %add3A_207 : vector<16xi32>
            %gather3A_209 = tpu.vector_load_idx %arg8[%add3A_208] : memref<100064xi32, #tpu.memory_space<vmem>>[vector<16xi32>], vector<16xi32>,
            %ge3A = arith.constant 1 : i32
            %ge3A_210 = vector.broadcast %ge3A : i32 to vector<16xi32>
            %ge3A_211 = arith.cmpi sge, %iota3A, %ge3A_210 : vector<16xi32>
            %le3A = vector.broadcast %and3A_43 : i32 to vector<16xi32>
            %le3A_212 = arith.cmpi sle, %iota3A, %le3A : vector<16xi32>
            %and3A_213 = arith.andi %ge3A_211, %le3A_212 : vector<16xi1>
            %shift_right_arithmetic3A_214 = arith.constant 5 : i32
            %shift_right_arithmetic3A_215 = vector.broadcast %shift_right_arithmetic3A_214 : i32 to vector<16xi32>
            %shift_right_arithmetic3A_216 = arith.shrsi %gather3A_140, %shift_right_arithmetic3A_215 : vector<16xi32>
            %sub3A = vector.broadcast %add3A_45 : i32 to vector<16xi32>
            %sub3A_217 = arith.subi %sub3A, %iota3A : vector<16xi32>
            %gt3A = arith.cmpi sgt, %shift_right_arithmetic3A_216, %sub3A_217 : vector<16xi32>
            %and3A_218 = arith.andi %and3A_213, %gt3A : vector<16xi1>
            %lt3A_219 = vector.broadcast %and3A_43 : i32 to vector<16xi32>
            %lt3A_220 = arith.cmpi slt, %iota3A, %lt3A_219 : vector<16xi32>
            %and3A_221 = arith.constant 31 : i32
            %and3A_222 = vector.broadcast %and3A_221 : i32 to vector<16xi32>
            %and3A_223 = arith.andi %gather3A_140, %and3A_222 : vector<16xi32>
            %add3A_224 = arith.constant 1 : i32
            %add3A_225 = vector.broadcast %add3A_224 : i32 to vector<16xi32>
            %add3A_226 = arith.addi %iota3A, %add3A_225 : vector<16xi32>
            %gt3A_227 = arith.cmpi sgt, %and3A_223, %add3A_226 : vector<16xi32>
            %and3A_228 = arith.andi %lt3A_220, %gt3A_227 : vector<16xi1>
            %or3A = arith.ori %and3A_218, %and3A_228 : vector<16xi1>
            %le3A_229 = vector.broadcast %and3A_43 : i32 to vector<16xi32>
            %le3A_230 = arith.cmpi sle, %add3A_6, %le3A_229 : vector<16xi32>
            %shift_right_arithmetic3A_231 = arith.constant 5 : i32
            %shift_right_arithmetic3A_232 = vector.broadcast %shift_right_arithmetic3A_231 : i32 to vector<16xi32>
            %shift_right_arithmetic3A_233 = arith.shrsi %gather3A_146, %shift_right_arithmetic3A_232 : vector<16xi32>
            %sub3A_234 = vector.broadcast %add3A_45 : i32 to vector<16xi32>
            %sub3A_235 = arith.subi %sub3A_234, %add3A_6 : vector<16xi32>
            %gt3A_236 = arith.cmpi sgt, %shift_right_arithmetic3A_233, %sub3A_235 : vector<16xi32>
            %and3A_237 = arith.andi %le3A_230, %gt3A_236 : vector<16xi1>
            %lt3A_238 = vector.broadcast %and3A_43 : i32 to vector<16xi32>
            %lt3A_239 = arith.cmpi slt, %add3A_6, %lt3A_238 : vector<16xi32>
            %and3A_240 = arith.constant 31 : i32
            %and3A_241 = vector.broadcast %and3A_240 : i32 to vector<16xi32>
            %and3A_242 = arith.andi %gather3A_146, %and3A_241 : vector<16xi32>
            %add3A_243 = arith.constant 1 : i32
            %add3A_244 = vector.broadcast %add3A_243 : i32 to vector<16xi32>
            %add3A_245 = arith.addi %add3A_6, %add3A_244 : vector<16xi32>
            %gt3A_246 = arith.cmpi sgt, %and3A_242, %add3A_245 : vector<16xi32>
            %and3A_247 = arith.andi %lt3A_239, %gt3A_246 : vector<16xi1>
            %or3A_248 = arith.ori %and3A_237, %and3A_247 : vector<16xi1>
            %or3A_249 = arith.ori %or3A, %or3A_248 : vector<16xi1>
            %reduce_or3A = arith.constant 1.000000e+00 : f32
            %reduce_or3A_250 = arith.constant 0.000000e+00 : f32
            %reduce_or3A_251 = vector.broadcast %reduce_or3A : f32 to vector<16xf32>
            %reduce_or3A_252 = vector.broadcast %reduce_or3A_250 : f32 to vector<16xf32>
            %reduce_or3A_253 = arith.select %or3A_249, %reduce_or3A_251, %reduce_or3A_252 : vector<16xi1>, vector<16xf32>
            %reduce_or3A_254 = arith.constant true
            %reduce_or3A_255 = vector.broadcast %reduce_or3A_254 : i1 to vector<16xi1>
            %reduce_or3A_256 = tpu.scan <max>, %reduce_or3A_253 masked %reduce_or3A_255 : vector<16xf32>, vector<16xi1> -> vector<16xf32>
            %reduce_or3A_257 = vector.extract %reduce_or3A_256[15] : f32 from vector<16xf32>
            %reduce_or3A_258 = arith.constant 0.000000e+00 : f32
            %reduce_or3A_259 = arith.cmpf ogt, %reduce_or3A_257, %reduce_or3A_258 : f32
            %not3A = arith.constant true
            %not3A_260 = arith.xori %reduce_or3A_259, %not3A : i1
            %lt3A_261 = arith.cmpi slt, %while3A_34, %squeeze3A : i32
            %and3A_262 = arith.andi %not3A_260, %lt3A_261 : i1
            %jit3A = arith.constant 1 : i32
            %jit3A_263 = arith.constant 0 : i32
            %select_n3A = arith.select %and3A_262, %jit3A, %jit3A_263 : i32
            %add3A_264 = arith.addi %while3A_34, %select_n3A : i32
            %ge3A_265 = arith.constant 1 : i32
            %ge3A_266 = vector.broadcast %ge3A_265 : i32 to vector<16xi32>
            %ge3A_267 = arith.cmpi sge, %iota3A, %ge3A_266 : vector<16xi32>
            %le3A_268 = vector.broadcast %and3A_56 : i32 to vector<16xi32>
            %le3A_269 = arith.cmpi sle, %iota3A, %le3A_268 : vector<16xi32>
            %and3A_270 = arith.andi %ge3A_267, %le3A_269 : vector<16xi1>
            %shift_right_arithmetic3A_271 = arith.constant 5 : i32
            %shift_right_arithmetic3A_272 = vector.broadcast %shift_right_arithmetic3A_271 : i32 to vector<16xi32>
            %shift_right_arithmetic3A_273 = arith.shrsi %gather3A_149, %shift_right_arithmetic3A_272 : vector<16xi32>
            %sub3A_274 = vector.broadcast %add3A_58 : i32 to vector<16xi32>
            %sub3A_275 = arith.subi %sub3A_274, %iota3A : vector<16xi32>
            %gt3A_276 = arith.cmpi sgt, %shift_right_arithmetic3A_273, %sub3A_275 : vector<16xi32>
            %and3A_277 = arith.andi %and3A_270, %gt3A_276 : vector<16xi1>
            %lt3A_278 = vector.broadcast %and3A_56 : i32 to vector<16xi32>
            %lt3A_279 = arith.cmpi slt, %iota3A, %lt3A_278 : vector<16xi32>
            %and3A_280 = arith.constant 31 : i32
            %and3A_281 = vector.broadcast %and3A_280 : i32 to vector<16xi32>
            %and3A_282 = arith.andi %gather3A_149, %and3A_281 : vector<16xi32>
            %add3A_283 = arith.constant 1 : i32
            %add3A_284 = vector.broadcast %add3A_283 : i32 to vector<16xi32>
            %add3A_285 = arith.addi %iota3A, %add3A_284 : vector<16xi32>
            %gt3A_286 = arith.cmpi sgt, %and3A_282, %add3A_285 : vector<16xi32>
            %and3A_287 = arith.andi %lt3A_279, %gt3A_286 : vector<16xi1>
            %or3A_288 = arith.ori %and3A_277, %and3A_287 : vector<16xi1>
            %le3A_289 = vector.broadcast %and3A_56 : i32 to vector<16xi32>
            %le3A_290 = arith.cmpi sle, %add3A_6, %le3A_289 : vector<16xi32>
            %shift_right_arithmetic3A_291 = arith.constant 5 : i32
            %shift_right_arithmetic3A_292 = vector.broadcast %shift_right_arithmetic3A_291 : i32 to vector<16xi32>
            %shift_right_arithmetic3A_293 = arith.shrsi %gather3A_155, %shift_right_arithmetic3A_292 : vector<16xi32>
            %sub3A_294 = vector.broadcast %add3A_58 : i32 to vector<16xi32>
            %sub3A_295 = arith.subi %sub3A_294, %add3A_6 : vector<16xi32>
            %gt3A_296 = arith.cmpi sgt, %shift_right_arithmetic3A_293, %sub3A_295 : vector<16xi32>
            %and3A_297 = arith.andi %le3A_290, %gt3A_296 : vector<16xi1>
            %lt3A_298 = vector.broadcast %and3A_56 : i32 to vector<16xi32>
            %lt3A_299 = arith.cmpi slt, %add3A_6, %lt3A_298 : vector<16xi32>
            %and3A_300 = arith.constant 31 : i32
            %and3A_301 = vector.broadcast %and3A_300 : i32 to vector<16xi32>
            %and3A_302 = arith.andi %gather3A_155, %and3A_301 : vector<16xi32>
            %add3A_303 = arith.constant 1 : i32
            %add3A_304 = vector.broadcast %add3A_303 : i32 to vector<16xi32>
            %add3A_305 = arith.addi %add3A_6, %add3A_304 : vector<16xi32>
            %gt3A_306 = arith.cmpi sgt, %and3A_302, %add3A_305 : vector<16xi32>
            %and3A_307 = arith.andi %lt3A_299, %gt3A_306 : vector<16xi1>
            %or3A_308 = arith.ori %and3A_297, %and3A_307 : vector<16xi1>
            %or3A_309 = arith.ori %or3A_288, %or3A_308 : vector<16xi1>
            %reduce_or3A_310 = arith.constant 1.000000e+00 : f32
            %reduce_or3A_311 = arith.constant 0.000000e+00 : f32
            %reduce_or3A_312 = vector.broadcast %reduce_or3A_310 : f32 to vector<16xf32>
            %reduce_or3A_313 = vector.broadcast %reduce_or3A_311 : f32 to vector<16xf32>
            %reduce_or3A_314 = arith.select %or3A_309, %reduce_or3A_312, %reduce_or3A_313 : vector<16xi1>, vector<16xf32>
            %reduce_or3A_315 = arith.constant true
            %reduce_or3A_316 = vector.broadcast %reduce_or3A_315 : i1 to vector<16xi1>
            %reduce_or3A_317 = tpu.scan <max>, %reduce_or3A_314 masked %reduce_or3A_316 : vector<16xf32>, vector<16xi1> -> vector<16xf32>
            %reduce_or3A_318 = vector.extract %reduce_or3A_317[15] : f32 from vector<16xf32>
            %reduce_or3A_319 = arith.constant 0.000000e+00 : f32
            %reduce_or3A_320 = arith.cmpf ogt, %reduce_or3A_318, %reduce_or3A_319 : f32
            %not3A_321 = arith.constant true
            %not3A_322 = arith.xori %reduce_or3A_320, %not3A_321 : i1
            %lt3A_323 = arith.cmpi slt, %shift_right_arithmetic3A_41, %shift_right_arithmetic3A_54 : i32
            %le3A_324 = arith.cmpi sle, %shift_right_arithmetic3A_54, %add3A_46 : i32
            %and3A_325 = arith.andi %lt3A_323, %le3A_324 : i1
            %lt3A_326 = arith.cmpi slt, %add3A_46, %add3A_59 : i32
            %and3A_327 = arith.andi %and3A_325, %lt3A_326 : i1
            %lt3A_328 = arith.cmpi slt, %shift_right_arithmetic3A_54, %shift_right_arithmetic3A_41 : i32
            %le3A_329 = arith.cmpi sle, %shift_right_arithmetic3A_41, %add3A_59 : i32
            %and3A_330 = arith.andi %lt3A_328, %le3A_329 : i1
            %lt3A_331 = arith.cmpi slt, %add3A_59, %add3A_46 : i32
            %and3A_332 = arith.andi %and3A_330, %lt3A_331 : i1
            %or3A_333 = arith.ori %and3A_327, %and3A_332 : i1
            %and3A_334 = arith.andi %and3A_262, %or3A_333 : i1
            %not3A_335 = arith.constant true
            %not3A_336 = arith.xori %and3A_334, %not3A_335 : i1
            %and3A_337 = arith.andi %not3A_322, %not3A_336 : i1
            %lt3A_338 = arith.cmpi slt, %add3A_264, %squeeze3A : i32
            %and3A_339 = arith.andi %and3A_337, %lt3A_338 : i1
            %jit3A_340 = arith.constant 1 : i32
            %jit3A_341 = arith.constant 0 : i32
            %select_n3A_342 = arith.select %and3A_339, %jit3A_340, %jit3A_341 : i32
            %add3A_343 = arith.addi %add3A_264, %select_n3A_342 : i32
            %ge3A_344 = arith.constant 1 : i32
            %ge3A_345 = vector.broadcast %ge3A_344 : i32 to vector<16xi32>
            %ge3A_346 = arith.cmpi sge, %iota3A, %ge3A_345 : vector<16xi32>
            %le3A_347 = vector.broadcast %and3A_69 : i32 to vector<16xi32>
            %le3A_348 = arith.cmpi sle, %iota3A, %le3A_347 : vector<16xi32>
            %and3A_349 = arith.andi %ge3A_346, %le3A_348 : vector<16xi1>
            %shift_right_arithmetic3A_350 = arith.constant 5 : i32
            %shift_right_arithmetic3A_351 = vector.broadcast %shift_right_arithmetic3A_350 : i32 to vector<16xi32>
            %shift_right_arithmetic3A_352 = arith.shrsi %gather3A_158, %shift_right_arithmetic3A_351 : vector<16xi32>
            %sub3A_353 = vector.broadcast %add3A_71 : i32 to vector<16xi32>
            %sub3A_354 = arith.subi %sub3A_353, %iota3A : vector<16xi32>
            %gt3A_355 = arith.cmpi sgt, %shift_right_arithmetic3A_352, %sub3A_354 : vector<16xi32>
            %and3A_356 = arith.andi %and3A_349, %gt3A_355 : vector<16xi1>
            %lt3A_357 = vector.broadcast %and3A_69 : i32 to vector<16xi32>
            %lt3A_358 = arith.cmpi slt, %iota3A, %lt3A_357 : vector<16xi32>
            %and3A_359 = arith.constant 31 : i32
            %and3A_360 = vector.broadcast %and3A_359 : i32 to vector<16xi32>
            %and3A_361 = arith.andi %gather3A_158, %and3A_360 : vector<16xi32>
            %add3A_362 = arith.constant 1 : i32
            %add3A_363 = vector.broadcast %add3A_362 : i32 to vector<16xi32>
            %add3A_364 = arith.addi %iota3A, %add3A_363 : vector<16xi32>
            %gt3A_365 = arith.cmpi sgt, %and3A_361, %add3A_364 : vector<16xi32>
            %and3A_366 = arith.andi %lt3A_358, %gt3A_365 : vector<16xi1>
            %or3A_367 = arith.ori %and3A_356, %and3A_366 : vector<16xi1>
            %le3A_368 = vector.broadcast %and3A_69 : i32 to vector<16xi32>
            %le3A_369 = arith.cmpi sle, %add3A_6, %le3A_368 : vector<16xi32>
            %shift_right_arithmetic3A_370 = arith.constant 5 : i32
            %shift_right_arithmetic3A_371 = vector.broadcast %shift_right_arithmetic3A_370 : i32 to vector<16xi32>
            %shift_right_arithmetic3A_372 = arith.shrsi %gather3A_164, %shift_right_arithmetic3A_371 : vector<16xi32>
            %sub3A_373 = vector.broadcast %add3A_71 : i32 to vector<16xi32>
            %sub3A_374 = arith.subi %sub3A_373, %add3A_6 : vector<16xi32>
            %gt3A_375 = arith.cmpi sgt, %shift_right_arithmetic3A_372, %sub3A_374 : vector<16xi32>
            %and3A_376 = arith.andi %le3A_369, %gt3A_375 : vector<16xi1>
            %lt3A_377 = vector.broadcast %and3A_69 : i32 to vector<16xi32>
            %lt3A_378 = arith.cmpi slt, %add3A_6, %lt3A_377 : vector<16xi32>
            %and3A_379 = arith.constant 31 : i32
            %and3A_380 = vector.broadcast %and3A_379 : i32 to vector<16xi32>
            %and3A_381 = arith.andi %gather3A_164, %and3A_380 : vector<16xi32>
            %add3A_382 = arith.constant 1 : i32
            %add3A_383 = vector.broadcast %add3A_382 : i32 to vector<16xi32>
            %add3A_384 = arith.addi %add3A_6, %add3A_383 : vector<16xi32>
            %gt3A_385 = arith.cmpi sgt, %and3A_381, %add3A_384 : vector<16xi32>
            %and3A_386 = arith.andi %lt3A_378, %gt3A_385 : vector<16xi1>
            %or3A_387 = arith.ori %and3A_376, %and3A_386 : vector<16xi1>
            %or3A_388 = arith.ori %or3A_367, %or3A_387 : vector<16xi1>
            %reduce_or3A_389 = arith.constant 1.000000e+00 : f32
            %reduce_or3A_390 = arith.constant 0.000000e+00 : f32
            %reduce_or3A_391 = vector.broadcast %reduce_or3A_389 : f32 to vector<16xf32>
            %reduce_or3A_392 = vector.broadcast %reduce_or3A_390 : f32 to vector<16xf32>
            %reduce_or3A_393 = arith.select %or3A_388, %reduce_or3A_391, %reduce_or3A_392 : vector<16xi1>, vector<16xf32>
            %reduce_or3A_394 = arith.constant true
            %reduce_or3A_395 = vector.broadcast %reduce_or3A_394 : i1 to vector<16xi1>
            %reduce_or3A_396 = tpu.scan <max>, %reduce_or3A_393 masked %reduce_or3A_395 : vector<16xf32>, vector<16xi1> -> vector<16xf32>
            %reduce_or3A_397 = vector.extract %reduce_or3A_396[15] : f32 from vector<16xf32>
            %reduce_or3A_398 = arith.constant 0.000000e+00 : f32
            %reduce_or3A_399 = arith.cmpf ogt, %reduce_or3A_397, %reduce_or3A_398 : f32
            %not3A_400 = arith.constant true
            %not3A_401 = arith.xori %reduce_or3A_399, %not3A_400 : i1
            %lt3A_402 = arith.cmpi slt, %shift_right_arithmetic3A_41, %shift_right_arithmetic3A_67 : i32
            %le3A_403 = arith.cmpi sle, %shift_right_arithmetic3A_67, %add3A_46 : i32
            %and3A_404 = arith.andi %lt3A_402, %le3A_403 : i1
            %lt3A_405 = arith.cmpi slt, %add3A_46, %add3A_72 : i32
            %and3A_406 = arith.andi %and3A_404, %lt3A_405 : i1
            %lt3A_407 = arith.cmpi slt, %shift_right_arithmetic3A_67, %shift_right_arithmetic3A_41 : i32
            %le3A_408 = arith.cmpi sle, %shift_right_arithmetic3A_41, %add3A_72 : i32
            %and3A_409 = arith.andi %lt3A_407, %le3A_408 : i1
            %lt3A_410 = arith.cmpi slt, %add3A_72, %add3A_46 : i32
            %and3A_411 = arith.andi %and3A_409, %lt3A_410 : i1
            %or3A_412 = arith.ori %and3A_406, %and3A_411 : i1
            %and3A_413 = arith.andi %and3A_262, %or3A_412 : i1
            %not3A_414 = arith.constant true
            %not3A_415 = arith.xori %and3A_413, %not3A_414 : i1
            %and3A_416 = arith.andi %not3A_401, %not3A_415 : i1
            %lt3A_417 = arith.cmpi slt, %shift_right_arithmetic3A_54, %shift_right_arithmetic3A_67 : i32
            %le3A_418 = arith.cmpi sle, %shift_right_arithmetic3A_67, %add3A_59 : i32
            %and3A_419 = arith.andi %lt3A_417, %le3A_418 : i1
            %lt3A_420 = arith.cmpi slt, %add3A_59, %add3A_72 : i32
            %and3A_421 = arith.andi %and3A_419, %lt3A_420 : i1
            %lt3A_422 = arith.cmpi slt, %shift_right_arithmetic3A_67, %shift_right_arithmetic3A_54 : i32
            %le3A_423 = arith.cmpi sle, %shift_right_arithmetic3A_54, %add3A_72 : i32
            %and3A_424 = arith.andi %lt3A_422, %le3A_423 : i1
            %lt3A_425 = arith.cmpi slt, %add3A_72, %add3A_59 : i32
            %and3A_426 = arith.andi %and3A_424, %lt3A_425 : i1
            %or3A_427 = arith.ori %and3A_421, %and3A_426 : i1
            %and3A_428 = arith.andi %and3A_339, %or3A_427 : i1
            %not3A_429 = arith.constant true
            %not3A_430 = arith.xori %and3A_428, %not3A_429 : i1
            %and3A_431 = arith.andi %and3A_416, %not3A_430 : i1
            %lt3A_432 = arith.cmpi slt, %add3A_343, %squeeze3A : i32
            %and3A_433 = arith.andi %and3A_431, %lt3A_432 : i1
            %jit3A_434 = arith.constant 1 : i32
            %jit3A_435 = arith.constant 0 : i32
            %select_n3A_436 = arith.select %and3A_433, %jit3A_434, %jit3A_435 : i32
            %add3A_437 = arith.addi %add3A_343, %select_n3A_436 : i32
            %ge3A_438 = arith.constant 1 : i32
            %ge3A_439 = vector.broadcast %ge3A_438 : i32 to vector<16xi32>
            %ge3A_440 = arith.cmpi sge, %iota3A, %ge3A_439 : vector<16xi32>
            %le3A_441 = vector.broadcast %and3A_82 : i32 to vector<16xi32>
            %le3A_442 = arith.cmpi sle, %iota3A, %le3A_441 : vector<16xi32>
            %and3A_443 = arith.andi %ge3A_440, %le3A_442 : vector<16xi1>
            %shift_right_arithmetic3A_444 = arith.constant 5 : i32
            %shift_right_arithmetic3A_445 = vector.broadcast %shift_right_arithmetic3A_444 : i32 to vector<16xi32>
            %shift_right_arithmetic3A_446 = arith.shrsi %gather3A_167, %shift_right_arithmetic3A_445 : vector<16xi32>
            %sub3A_447 = vector.broadcast %add3A_84 : i32 to vector<16xi32>
            %sub3A_448 = arith.subi %sub3A_447, %iota3A : vector<16xi32>
            %gt3A_449 = arith.cmpi sgt, %shift_right_arithmetic3A_446, %sub3A_448 : vector<16xi32>
            %and3A_450 = arith.andi %and3A_443, %gt3A_449 : vector<16xi1>
            %lt3A_451 = vector.broadcast %and3A_82 : i32 to vector<16xi32>
            %lt3A_452 = arith.cmpi slt, %iota3A, %lt3A_451 : vector<16xi32>
            %and3A_453 = arith.constant 31 : i32
            %and3A_454 = vector.broadcast %and3A_453 : i32 to vector<16xi32>
            %and3A_455 = arith.andi %gather3A_167, %and3A_454 : vector<16xi32>
            %add3A_456 = arith.constant 1 : i32
            %add3A_457 = vector.broadcast %add3A_456 : i32 to vector<16xi32>
            %add3A_458 = arith.addi %iota3A, %add3A_457 : vector<16xi32>
            %gt3A_459 = arith.cmpi sgt, %and3A_455, %add3A_458 : vector<16xi32>
            %and3A_460 = arith.andi %lt3A_452, %gt3A_459 : vector<16xi1>
            %or3A_461 = arith.ori %and3A_450, %and3A_460 : vector<16xi1>
            %le3A_462 = vector.broadcast %and3A_82 : i32 to vector<16xi32>
            %le3A_463 = arith.cmpi sle, %add3A_6, %le3A_462 : vector<16xi32>
            %shift_right_arithmetic3A_464 = arith.constant 5 : i32
            %shift_right_arithmetic3A_465 = vector.broadcast %shift_right_arithmetic3A_464 : i32 to vector<16xi32>
            %shift_right_arithmetic3A_466 = arith.shrsi %gather3A_173, %shift_right_arithmetic3A_465 : vector<16xi32>
            %sub3A_467 = vector.broadcast %add3A_84 : i32 to vector<16xi32>
            %sub3A_468 = arith.subi %sub3A_467, %add3A_6 : vector<16xi32>
            %gt3A_469 = arith.cmpi sgt, %shift_right_arithmetic3A_466, %sub3A_468 : vector<16xi32>
            %and3A_470 = arith.andi %le3A_463, %gt3A_469 : vector<16xi1>
            %lt3A_471 = vector.broadcast %and3A_82 : i32 to vector<16xi32>
            %lt3A_472 = arith.cmpi slt, %add3A_6, %lt3A_471 : vector<16xi32>
            %and3A_473 = arith.constant 31 : i32
            %and3A_474 = vector.broadcast %and3A_473 : i32 to vector<16xi32>
            %and3A_475 = arith.andi %gather3A_173, %and3A_474 : vector<16xi32>
            %add3A_476 = arith.constant 1 : i32
            %add3A_477 = vector.broadcast %add3A_476 : i32 to vector<16xi32>
            %add3A_478 = arith.addi %add3A_6, %add3A_477 : vector<16xi32>
            %gt3A_479 = arith.cmpi sgt, %and3A_475, %add3A_478 : vector<16xi32>
            %and3A_480 = arith.andi %lt3A_472, %gt3A_479 : vector<16xi1>
            %or3A_481 = arith.ori %and3A_470, %and3A_480 : vector<16xi1>
            %or3A_482 = arith.ori %or3A_461, %or3A_481 : vector<16xi1>
            %reduce_or3A_483 = arith.constant 1.000000e+00 : f32
            %reduce_or3A_484 = arith.constant 0.000000e+00 : f32
            %reduce_or3A_485 = vector.broadcast %reduce_or3A_483 : f32 to vector<16xf32>
            %reduce_or3A_486 = vector.broadcast %reduce_or3A_484 : f32 to vector<16xf32>
            %reduce_or3A_487 = arith.select %or3A_482, %reduce_or3A_485, %reduce_or3A_486 : vector<16xi1>, vector<16xf32>
            %reduce_or3A_488 = arith.constant true
            %reduce_or3A_489 = vector.broadcast %reduce_or3A_488 : i1 to vector<16xi1>
            %reduce_or3A_490 = tpu.scan <max>, %reduce_or3A_487 masked %reduce_or3A_489 : vector<16xf32>, vector<16xi1> -> vector<16xf32>
            %reduce_or3A_491 = vector.extract %reduce_or3A_490[15] : f32 from vector<16xf32>
            %reduce_or3A_492 = arith.constant 0.000000e+00 : f32
            %reduce_or3A_493 = arith.cmpf ogt, %reduce_or3A_491, %reduce_or3A_492 : f32
            %not3A_494 = arith.constant true
            %not3A_495 = arith.xori %reduce_or3A_493, %not3A_494 : i1
            %lt3A_496 = arith.cmpi slt, %shift_right_arithmetic3A_41, %shift_right_arithmetic3A_80 : i32
            %le3A_497 = arith.cmpi sle, %shift_right_arithmetic3A_80, %add3A_46 : i32
            %and3A_498 = arith.andi %lt3A_496, %le3A_497 : i1
            %lt3A_499 = arith.cmpi slt, %add3A_46, %add3A_85 : i32
            %and3A_500 = arith.andi %and3A_498, %lt3A_499 : i1
            %lt3A_501 = arith.cmpi slt, %shift_right_arithmetic3A_80, %shift_right_arithmetic3A_41 : i32
            %le3A_502 = arith.cmpi sle, %shift_right_arithmetic3A_41, %add3A_85 : i32
            %and3A_503 = arith.andi %lt3A_501, %le3A_502 : i1
            %lt3A_504 = arith.cmpi slt, %add3A_85, %add3A_46 : i32
            %and3A_505 = arith.andi %and3A_503, %lt3A_504 : i1
            %or3A_506 = arith.ori %and3A_500, %and3A_505 : i1
            %and3A_507 = arith.andi %and3A_262, %or3A_506 : i1
            %not3A_508 = arith.constant true
            %not3A_509 = arith.xori %and3A_507, %not3A_508 : i1
            %and3A_510 = arith.andi %not3A_495, %not3A_509 : i1
            %lt3A_511 = arith.cmpi slt, %shift_right_arithmetic3A_54, %shift_right_arithmetic3A_80 : i32
            %le3A_512 = arith.cmpi sle, %shift_right_arithmetic3A_80, %add3A_59 : i32
            %and3A_513 = arith.andi %lt3A_511, %le3A_512 : i1
            %lt3A_514 = arith.cmpi slt, %add3A_59, %add3A_85 : i32
            %and3A_515 = arith.andi %and3A_513, %lt3A_514 : i1
            %lt3A_516 = arith.cmpi slt, %shift_right_arithmetic3A_80, %shift_right_arithmetic3A_54 : i32
            %le3A_517 = arith.cmpi sle, %shift_right_arithmetic3A_54, %add3A_85 : i32
            %and3A_518 = arith.andi %lt3A_516, %le3A_517 : i1
            %lt3A_519 = arith.cmpi slt, %add3A_85, %add3A_59 : i32
            %and3A_520 = arith.andi %and3A_518, %lt3A_519 : i1
            %or3A_521 = arith.ori %and3A_515, %and3A_520 : i1
            %and3A_522 = arith.andi %and3A_339, %or3A_521 : i1
            %not3A_523 = arith.constant true
            %not3A_524 = arith.xori %and3A_522, %not3A_523 : i1
            %and3A_525 = arith.andi %and3A_510, %not3A_524 : i1
            %lt3A_526 = arith.cmpi slt, %shift_right_arithmetic3A_67, %shift_right_arithmetic3A_80 : i32
            %le3A_527 = arith.cmpi sle, %shift_right_arithmetic3A_80, %add3A_72 : i32
            %and3A_528 = arith.andi %lt3A_526, %le3A_527 : i1
            %lt3A_529 = arith.cmpi slt, %add3A_72, %add3A_85 : i32
            %and3A_530 = arith.andi %and3A_528, %lt3A_529 : i1
            %lt3A_531 = arith.cmpi slt, %shift_right_arithmetic3A_80, %shift_right_arithmetic3A_67 : i32
            %le3A_532 = arith.cmpi sle, %shift_right_arithmetic3A_67, %add3A_85 : i32
            %and3A_533 = arith.andi %lt3A_531, %le3A_532 : i1
            %lt3A_534 = arith.cmpi slt, %add3A_85, %add3A_72 : i32
            %and3A_535 = arith.andi %and3A_533, %lt3A_534 : i1
            %or3A_536 = arith.ori %and3A_530, %and3A_535 : i1
            %and3A_537 = arith.andi %and3A_433, %or3A_536 : i1
            %not3A_538 = arith.constant true
            %not3A_539 = arith.xori %and3A_537, %not3A_538 : i1
            %and3A_540 = arith.andi %and3A_525, %not3A_539 : i1
            %lt3A_541 = arith.cmpi slt, %add3A_437, %squeeze3A : i32
            %and3A_542 = arith.andi %and3A_540, %lt3A_541 : i1
            %jit3A_543 = arith.constant 1 : i32
            %jit3A_544 = arith.constant 0 : i32
            %select_n3A_545 = arith.select %and3A_542, %jit3A_543, %jit3A_544 : i32
            %add3A_546 = arith.addi %add3A_437, %select_n3A_545 : i32
            %ge3A_547 = arith.constant 1 : i32
            %ge3A_548 = vector.broadcast %ge3A_547 : i32 to vector<16xi32>
            %ge3A_549 = arith.cmpi sge, %iota3A, %ge3A_548 : vector<16xi32>
            %le3A_550 = vector.broadcast %and3A_95 : i32 to vector<16xi32>
            %le3A_551 = arith.cmpi sle, %iota3A, %le3A_550 : vector<16xi32>
            %and3A_552 = arith.andi %ge3A_549, %le3A_551 : vector<16xi1>
            %shift_right_arithmetic3A_553 = arith.constant 5 : i32
            %shift_right_arithmetic3A_554 = vector.broadcast %shift_right_arithmetic3A_553 : i32 to vector<16xi32>
            %shift_right_arithmetic3A_555 = arith.shrsi %gather3A_176, %shift_right_arithmetic3A_554 : vector<16xi32>
            %sub3A_556 = vector.broadcast %add3A_97 : i32 to vector<16xi32>
            %sub3A_557 = arith.subi %sub3A_556, %iota3A : vector<16xi32>
            %gt3A_558 = arith.cmpi sgt, %shift_right_arithmetic3A_555, %sub3A_557 : vector<16xi32>
            %and3A_559 = arith.andi %and3A_552, %gt3A_558 : vector<16xi1>
            %lt3A_560 = vector.broadcast %and3A_95 : i32 to vector<16xi32>
            %lt3A_561 = arith.cmpi slt, %iota3A, %lt3A_560 : vector<16xi32>
            %and3A_562 = arith.constant 31 : i32
            %and3A_563 = vector.broadcast %and3A_562 : i32 to vector<16xi32>
            %and3A_564 = arith.andi %gather3A_176, %and3A_563 : vector<16xi32>
            %add3A_565 = arith.constant 1 : i32
            %add3A_566 = vector.broadcast %add3A_565 : i32 to vector<16xi32>
            %add3A_567 = arith.addi %iota3A, %add3A_566 : vector<16xi32>
            %gt3A_568 = arith.cmpi sgt, %and3A_564, %add3A_567 : vector<16xi32>
            %and3A_569 = arith.andi %lt3A_561, %gt3A_568 : vector<16xi1>
            %or3A_570 = arith.ori %and3A_559, %and3A_569 : vector<16xi1>
            %le3A_571 = vector.broadcast %and3A_95 : i32 to vector<16xi32>
            %le3A_572 = arith.cmpi sle, %add3A_6, %le3A_571 : vector<16xi32>
            %shift_right_arithmetic3A_573 = arith.constant 5 : i32
            %shift_right_arithmetic3A_574 = vector.broadcast %shift_right_arithmetic3A_573 : i32 to vector<16xi32>
            %shift_right_arithmetic3A_575 = arith.shrsi %gather3A_182, %shift_right_arithmetic3A_574 : vector<16xi32>
            %sub3A_576 = vector.broadcast %add3A_97 : i32 to vector<16xi32>
            %sub3A_577 = arith.subi %sub3A_576, %add3A_6 : vector<16xi32>
            %gt3A_578 = arith.cmpi sgt, %shift_right_arithmetic3A_575, %sub3A_577 : vector<16xi32>
            %and3A_579 = arith.andi %le3A_572, %gt3A_578 : vector<16xi1>
            %lt3A_580 = vector.broadcast %and3A_95 : i32 to vector<16xi32>
            %lt3A_581 = arith.cmpi slt, %add3A_6, %lt3A_580 : vector<16xi32>
            %and3A_582 = arith.constant 31 : i32
            %and3A_583 = vector.broadcast %and3A_582 : i32 to vector<16xi32>
            %and3A_584 = arith.andi %gather3A_182, %and3A_583 : vector<16xi32>
            %add3A_585 = arith.constant 1 : i32
            %add3A_586 = vector.broadcast %add3A_585 : i32 to vector<16xi32>
            %add3A_587 = arith.addi %add3A_6, %add3A_586 : vector<16xi32>
            %gt3A_588 = arith.cmpi sgt, %and3A_584, %add3A_587 : vector<16xi32>
            %and3A_589 = arith.andi %lt3A_581, %gt3A_588 : vector<16xi1>
            %or3A_590 = arith.ori %and3A_579, %and3A_589 : vector<16xi1>
            %or3A_591 = arith.ori %or3A_570, %or3A_590 : vector<16xi1>
            %reduce_or3A_592 = arith.constant 1.000000e+00 : f32
            %reduce_or3A_593 = arith.constant 0.000000e+00 : f32
            %reduce_or3A_594 = vector.broadcast %reduce_or3A_592 : f32 to vector<16xf32>
            %reduce_or3A_595 = vector.broadcast %reduce_or3A_593 : f32 to vector<16xf32>
            %reduce_or3A_596 = arith.select %or3A_591, %reduce_or3A_594, %reduce_or3A_595 : vector<16xi1>, vector<16xf32>
            %reduce_or3A_597 = arith.constant true
            %reduce_or3A_598 = vector.broadcast %reduce_or3A_597 : i1 to vector<16xi1>
            %reduce_or3A_599 = tpu.scan <max>, %reduce_or3A_596 masked %reduce_or3A_598 : vector<16xf32>, vector<16xi1> -> vector<16xf32>
            %reduce_or3A_600 = vector.extract %reduce_or3A_599[15] : f32 from vector<16xf32>
            %reduce_or3A_601 = arith.constant 0.000000e+00 : f32
            %reduce_or3A_602 = arith.cmpf ogt, %reduce_or3A_600, %reduce_or3A_601 : f32
            %not3A_603 = arith.constant true
            %not3A_604 = arith.xori %reduce_or3A_602, %not3A_603 : i1
            %lt3A_605 = arith.cmpi slt, %shift_right_arithmetic3A_41, %shift_right_arithmetic3A_93 : i32
            %le3A_606 = arith.cmpi sle, %shift_right_arithmetic3A_93, %add3A_46 : i32
            %and3A_607 = arith.andi %lt3A_605, %le3A_606 : i1
            %lt3A_608 = arith.cmpi slt, %add3A_46, %add3A_98 : i32
            %and3A_609 = arith.andi %and3A_607, %lt3A_608 : i1
            %lt3A_610 = arith.cmpi slt, %shift_right_arithmetic3A_93, %shift_right_arithmetic3A_41 : i32
            %le3A_611 = arith.cmpi sle, %shift_right_arithmetic3A_41, %add3A_98 : i32
            %and3A_612 = arith.andi %lt3A_610, %le3A_611 : i1
            %lt3A_613 = arith.cmpi slt, %add3A_98, %add3A_46 : i32
            %and3A_614 = arith.andi %and3A_612, %lt3A_613 : i1
            %or3A_615 = arith.ori %and3A_609, %and3A_614 : i1
            %and3A_616 = arith.andi %and3A_262, %or3A_615 : i1
            %not3A_617 = arith.constant true
            %not3A_618 = arith.xori %and3A_616, %not3A_617 : i1
            %and3A_619 = arith.andi %not3A_604, %not3A_618 : i1
            %lt3A_620 = arith.cmpi slt, %shift_right_arithmetic3A_54, %shift_right_arithmetic3A_93 : i32
            %le3A_621 = arith.cmpi sle, %shift_right_arithmetic3A_93, %add3A_59 : i32
            %and3A_622 = arith.andi %lt3A_620, %le3A_621 : i1
            %lt3A_623 = arith.cmpi slt, %add3A_59, %add3A_98 : i32
            %and3A_624 = arith.andi %and3A_622, %lt3A_623 : i1
            %lt3A_625 = arith.cmpi slt, %shift_right_arithmetic3A_93, %shift_right_arithmetic3A_54 : i32
            %le3A_626 = arith.cmpi sle, %shift_right_arithmetic3A_54, %add3A_98 : i32
            %and3A_627 = arith.andi %lt3A_625, %le3A_626 : i1
            %lt3A_628 = arith.cmpi slt, %add3A_98, %add3A_59 : i32
            %and3A_629 = arith.andi %and3A_627, %lt3A_628 : i1
            %or3A_630 = arith.ori %and3A_624, %and3A_629 : i1
            %and3A_631 = arith.andi %and3A_339, %or3A_630 : i1
            %not3A_632 = arith.constant true
            %not3A_633 = arith.xori %and3A_631, %not3A_632 : i1
            %and3A_634 = arith.andi %and3A_619, %not3A_633 : i1
            %lt3A_635 = arith.cmpi slt, %shift_right_arithmetic3A_67, %shift_right_arithmetic3A_93 : i32
            %le3A_636 = arith.cmpi sle, %shift_right_arithmetic3A_93, %add3A_72 : i32
            %and3A_637 = arith.andi %lt3A_635, %le3A_636 : i1
            %lt3A_638 = arith.cmpi slt, %add3A_72, %add3A_98 : i32
            %and3A_639 = arith.andi %and3A_637, %lt3A_638 : i1
            %lt3A_640 = arith.cmpi slt, %shift_right_arithmetic3A_93, %shift_right_arithmetic3A_67 : i32
            %le3A_641 = arith.cmpi sle, %shift_right_arithmetic3A_67, %add3A_98 : i32
            %and3A_642 = arith.andi %lt3A_640, %le3A_641 : i1
            %lt3A_643 = arith.cmpi slt, %add3A_98, %add3A_72 : i32
            %and3A_644 = arith.andi %and3A_642, %lt3A_643 : i1
            %or3A_645 = arith.ori %and3A_639, %and3A_644 : i1
            %and3A_646 = arith.andi %and3A_433, %or3A_645 : i1
            %not3A_647 = arith.constant true
            %not3A_648 = arith.xori %and3A_646, %not3A_647 : i1
            %and3A_649 = arith.andi %and3A_634, %not3A_648 : i1
            %lt3A_650 = arith.cmpi slt, %shift_right_arithmetic3A_80, %shift_right_arithmetic3A_93 : i32
            %le3A_651 = arith.cmpi sle, %shift_right_arithmetic3A_93, %add3A_85 : i32
            %and3A_652 = arith.andi %lt3A_650, %le3A_651 : i1
            %lt3A_653 = arith.cmpi slt, %add3A_85, %add3A_98 : i32
            %and3A_654 = arith.andi %and3A_652, %lt3A_653 : i1
            %lt3A_655 = arith.cmpi slt, %shift_right_arithmetic3A_93, %shift_right_arithmetic3A_80 : i32
            %le3A_656 = arith.cmpi sle, %shift_right_arithmetic3A_80, %add3A_98 : i32
            %and3A_657 = arith.andi %lt3A_655, %le3A_656 : i1
            %lt3A_658 = arith.cmpi slt, %add3A_98, %add3A_85 : i32
            %and3A_659 = arith.andi %and3A_657, %lt3A_658 : i1
            %or3A_660 = arith.ori %and3A_654, %and3A_659 : i1
            %and3A_661 = arith.andi %and3A_542, %or3A_660 : i1
            %not3A_662 = arith.constant true
            %not3A_663 = arith.xori %and3A_661, %not3A_662 : i1
            %and3A_664 = arith.andi %and3A_649, %not3A_663 : i1
            %lt3A_665 = arith.cmpi slt, %add3A_546, %squeeze3A : i32
            %and3A_666 = arith.andi %and3A_664, %lt3A_665 : i1
            %jit3A_667 = arith.constant 1 : i32
            %jit3A_668 = arith.constant 0 : i32
            %select_n3A_669 = arith.select %and3A_666, %jit3A_667, %jit3A_668 : i32
            %add3A_670 = arith.addi %add3A_546, %select_n3A_669 : i32
            %ge3A_671 = arith.constant 1 : i32
            %ge3A_672 = vector.broadcast %ge3A_671 : i32 to vector<16xi32>
            %ge3A_673 = arith.cmpi sge, %iota3A, %ge3A_672 : vector<16xi32>
            %le3A_674 = vector.broadcast %and3A_108 : i32 to vector<16xi32>
            %le3A_675 = arith.cmpi sle, %iota3A, %le3A_674 : vector<16xi32>
            %and3A_676 = arith.andi %ge3A_673, %le3A_675 : vector<16xi1>
            %shift_right_arithmetic3A_677 = arith.constant 5 : i32
            %shift_right_arithmetic3A_678 = vector.broadcast %shift_right_arithmetic3A_677 : i32 to vector<16xi32>
            %shift_right_arithmetic3A_679 = arith.shrsi %gather3A_185, %shift_right_arithmetic3A_678 : vector<16xi32>
            %sub3A_680 = vector.broadcast %add3A_110 : i32 to vector<16xi32>
            %sub3A_681 = arith.subi %sub3A_680, %iota3A : vector<16xi32>
            %gt3A_682 = arith.cmpi sgt, %shift_right_arithmetic3A_679, %sub3A_681 : vector<16xi32>
            %and3A_683 = arith.andi %and3A_676, %gt3A_682 : vector<16xi1>
            %lt3A_684 = vector.broadcast %and3A_108 : i32 to vector<16xi32>
            %lt3A_685 = arith.cmpi slt, %iota3A, %lt3A_684 : vector<16xi32>
            %and3A_686 = arith.constant 31 : i32
            %and3A_687 = vector.broadcast %and3A_686 : i32 to vector<16xi32>
            %and3A_688 = arith.andi %gather3A_185, %and3A_687 : vector<16xi32>
            %add3A_689 = arith.constant 1 : i32
            %add3A_690 = vector.broadcast %add3A_689 : i32 to vector<16xi32>
            %add3A_691 = arith.addi %iota3A, %add3A_690 : vector<16xi32>
            %gt3A_692 = arith.cmpi sgt, %and3A_688, %add3A_691 : vector<16xi32>
            %and3A_693 = arith.andi %lt3A_685, %gt3A_692 : vector<16xi1>
            %or3A_694 = arith.ori %and3A_683, %and3A_693 : vector<16xi1>
            %le3A_695 = vector.broadcast %and3A_108 : i32 to vector<16xi32>
            %le3A_696 = arith.cmpi sle, %add3A_6, %le3A_695 : vector<16xi32>
            %shift_right_arithmetic3A_697 = arith.constant 5 : i32
            %shift_right_arithmetic3A_698 = vector.broadcast %shift_right_arithmetic3A_697 : i32 to vector<16xi32>
            %shift_right_arithmetic3A_699 = arith.shrsi %gather3A_191, %shift_right_arithmetic3A_698 : vector<16xi32>
            %sub3A_700 = vector.broadcast %add3A_110 : i32 to vector<16xi32>
            %sub3A_701 = arith.subi %sub3A_700, %add3A_6 : vector<16xi32>
            %gt3A_702 = arith.cmpi sgt, %shift_right_arithmetic3A_699, %sub3A_701 : vector<16xi32>
            %and3A_703 = arith.andi %le3A_696, %gt3A_702 : vector<16xi1>
            %lt3A_704 = vector.broadcast %and3A_108 : i32 to vector<16xi32>
            %lt3A_705 = arith.cmpi slt, %add3A_6, %lt3A_704 : vector<16xi32>
            %and3A_706 = arith.constant 31 : i32
            %and3A_707 = vector.broadcast %and3A_706 : i32 to vector<16xi32>
            %and3A_708 = arith.andi %gather3A_191, %and3A_707 : vector<16xi32>
            %add3A_709 = arith.constant 1 : i32
            %add3A_710 = vector.broadcast %add3A_709 : i32 to vector<16xi32>
            %add3A_711 = arith.addi %add3A_6, %add3A_710 : vector<16xi32>
            %gt3A_712 = arith.cmpi sgt, %and3A_708, %add3A_711 : vector<16xi32>
            %and3A_713 = arith.andi %lt3A_705, %gt3A_712 : vector<16xi1>
            %or3A_714 = arith.ori %and3A_703, %and3A_713 : vector<16xi1>
            %or3A_715 = arith.ori %or3A_694, %or3A_714 : vector<16xi1>
            %reduce_or3A_716 = arith.constant 1.000000e+00 : f32
            %reduce_or3A_717 = arith.constant 0.000000e+00 : f32
            %reduce_or3A_718 = vector.broadcast %reduce_or3A_716 : f32 to vector<16xf32>
            %reduce_or3A_719 = vector.broadcast %reduce_or3A_717 : f32 to vector<16xf32>
            %reduce_or3A_720 = arith.select %or3A_715, %reduce_or3A_718, %reduce_or3A_719 : vector<16xi1>, vector<16xf32>
            %reduce_or3A_721 = arith.constant true
            %reduce_or3A_722 = vector.broadcast %reduce_or3A_721 : i1 to vector<16xi1>
            %reduce_or3A_723 = tpu.scan <max>, %reduce_or3A_720 masked %reduce_or3A_722 : vector<16xf32>, vector<16xi1> -> vector<16xf32>
            %reduce_or3A_724 = vector.extract %reduce_or3A_723[15] : f32 from vector<16xf32>
            %reduce_or3A_725 = arith.constant 0.000000e+00 : f32
            %reduce_or3A_726 = arith.cmpf ogt, %reduce_or3A_724, %reduce_or3A_725 : f32
            %not3A_727 = arith.constant true
            %not3A_728 = arith.xori %reduce_or3A_726, %not3A_727 : i1
            %lt3A_729 = arith.cmpi slt, %shift_right_arithmetic3A_41, %shift_right_arithmetic3A_106 : i32
            %le3A_730 = arith.cmpi sle, %shift_right_arithmetic3A_106, %add3A_46 : i32
            %and3A_731 = arith.andi %lt3A_729, %le3A_730 : i1
            %lt3A_732 = arith.cmpi slt, %add3A_46, %add3A_111 : i32
            %and3A_733 = arith.andi %and3A_731, %lt3A_732 : i1
            %lt3A_734 = arith.cmpi slt, %shift_right_arithmetic3A_106, %shift_right_arithmetic3A_41 : i32
            %le3A_735 = arith.cmpi sle, %shift_right_arithmetic3A_41, %add3A_111 : i32
            %and3A_736 = arith.andi %lt3A_734, %le3A_735 : i1
            %lt3A_737 = arith.cmpi slt, %add3A_111, %add3A_46 : i32
            %and3A_738 = arith.andi %and3A_736, %lt3A_737 : i1
            %or3A_739 = arith.ori %and3A_733, %and3A_738 : i1
            %and3A_740 = arith.andi %and3A_262, %or3A_739 : i1
            %not3A_741 = arith.constant true
            %not3A_742 = arith.xori %and3A_740, %not3A_741 : i1
            %and3A_743 = arith.andi %not3A_728, %not3A_742 : i1
            %lt3A_744 = arith.cmpi slt, %shift_right_arithmetic3A_54, %shift_right_arithmetic3A_106 : i32
            %le3A_745 = arith.cmpi sle, %shift_right_arithmetic3A_106, %add3A_59 : i32
            %and3A_746 = arith.andi %lt3A_744, %le3A_745 : i1
            %lt3A_747 = arith.cmpi slt, %add3A_59, %add3A_111 : i32
            %and3A_748 = arith.andi %and3A_746, %lt3A_747 : i1
            %lt3A_749 = arith.cmpi slt, %shift_right_arithmetic3A_106, %shift_right_arithmetic3A_54 : i32
            %le3A_750 = arith.cmpi sle, %shift_right_arithmetic3A_54, %add3A_111 : i32
            %and3A_751 = arith.andi %lt3A_749, %le3A_750 : i1
            %lt3A_752 = arith.cmpi slt, %add3A_111, %add3A_59 : i32
            %and3A_753 = arith.andi %and3A_751, %lt3A_752 : i1
            %or3A_754 = arith.ori %and3A_748, %and3A_753 : i1
            %and3A_755 = arith.andi %and3A_339, %or3A_754 : i1
            %not3A_756 = arith.constant true
            %not3A_757 = arith.xori %and3A_755, %not3A_756 : i1
            %and3A_758 = arith.andi %and3A_743, %not3A_757 : i1
            %lt3A_759 = arith.cmpi slt, %shift_right_arithmetic3A_67, %shift_right_arithmetic3A_106 : i32
            %le3A_760 = arith.cmpi sle, %shift_right_arithmetic3A_106, %add3A_72 : i32
            %and3A_761 = arith.andi %lt3A_759, %le3A_760 : i1
            %lt3A_762 = arith.cmpi slt, %add3A_72, %add3A_111 : i32
            %and3A_763 = arith.andi %and3A_761, %lt3A_762 : i1
            %lt3A_764 = arith.cmpi slt, %shift_right_arithmetic3A_106, %shift_right_arithmetic3A_67 : i32
            %le3A_765 = arith.cmpi sle, %shift_right_arithmetic3A_67, %add3A_111 : i32
            %and3A_766 = arith.andi %lt3A_764, %le3A_765 : i1
            %lt3A_767 = arith.cmpi slt, %add3A_111, %add3A_72 : i32
            %and3A_768 = arith.andi %and3A_766, %lt3A_767 : i1
            %or3A_769 = arith.ori %and3A_763, %and3A_768 : i1
            %and3A_770 = arith.andi %and3A_433, %or3A_769 : i1
            %not3A_771 = arith.constant true
            %not3A_772 = arith.xori %and3A_770, %not3A_771 : i1
            %and3A_773 = arith.andi %and3A_758, %not3A_772 : i1
            %lt3A_774 = arith.cmpi slt, %shift_right_arithmetic3A_80, %shift_right_arithmetic3A_106 : i32
            %le3A_775 = arith.cmpi sle, %shift_right_arithmetic3A_106, %add3A_85 : i32
            %and3A_776 = arith.andi %lt3A_774, %le3A_775 : i1
            %lt3A_777 = arith.cmpi slt, %add3A_85, %add3A_111 : i32
            %and3A_778 = arith.andi %and3A_776, %lt3A_777 : i1
            %lt3A_779 = arith.cmpi slt, %shift_right_arithmetic3A_106, %shift_right_arithmetic3A_80 : i32
            %le3A_780 = arith.cmpi sle, %shift_right_arithmetic3A_80, %add3A_111 : i32
            %and3A_781 = arith.andi %lt3A_779, %le3A_780 : i1
            %lt3A_782 = arith.cmpi slt, %add3A_111, %add3A_85 : i32
            %and3A_783 = arith.andi %and3A_781, %lt3A_782 : i1
            %or3A_784 = arith.ori %and3A_778, %and3A_783 : i1
            %and3A_785 = arith.andi %and3A_542, %or3A_784 : i1
            %not3A_786 = arith.constant true
            %not3A_787 = arith.xori %and3A_785, %not3A_786 : i1
            %and3A_788 = arith.andi %and3A_773, %not3A_787 : i1
            %lt3A_789 = arith.cmpi slt, %shift_right_arithmetic3A_93, %shift_right_arithmetic3A_106 : i32
            %le3A_790 = arith.cmpi sle, %shift_right_arithmetic3A_106, %add3A_98 : i32
            %and3A_791 = arith.andi %lt3A_789, %le3A_790 : i1
            %lt3A_792 = arith.cmpi slt, %add3A_98, %add3A_111 : i32
            %and3A_793 = arith.andi %and3A_791, %lt3A_792 : i1
            %lt3A_794 = arith.cmpi slt, %shift_right_arithmetic3A_106, %shift_right_arithmetic3A_93 : i32
            %le3A_795 = arith.cmpi sle, %shift_right_arithmetic3A_93, %add3A_111 : i32
            %and3A_796 = arith.andi %lt3A_794, %le3A_795 : i1
            %lt3A_797 = arith.cmpi slt, %add3A_111, %add3A_98 : i32
            %and3A_798 = arith.andi %and3A_796, %lt3A_797 : i1
            %or3A_799 = arith.ori %and3A_793, %and3A_798 : i1
            %and3A_800 = arith.andi %and3A_666, %or3A_799 : i1
            %not3A_801 = arith.constant true
            %not3A_802 = arith.xori %and3A_800, %not3A_801 : i1
            %and3A_803 = arith.andi %and3A_788, %not3A_802 : i1
            %lt3A_804 = arith.cmpi slt, %add3A_670, %squeeze3A : i32
            %and3A_805 = arith.andi %and3A_803, %lt3A_804 : i1
            %jit3A_806 = arith.constant 1 : i32
            %jit3A_807 = arith.constant 0 : i32
            %select_n3A_808 = arith.select %and3A_805, %jit3A_806, %jit3A_807 : i32
            %add3A_809 = arith.addi %add3A_670, %select_n3A_808 : i32
            %ge3A_810 = arith.constant 1 : i32
            %ge3A_811 = vector.broadcast %ge3A_810 : i32 to vector<16xi32>
            %ge3A_812 = arith.cmpi sge, %iota3A, %ge3A_811 : vector<16xi32>
            %le3A_813 = vector.broadcast %and3A_121 : i32 to vector<16xi32>
            %le3A_814 = arith.cmpi sle, %iota3A, %le3A_813 : vector<16xi32>
            %and3A_815 = arith.andi %ge3A_812, %le3A_814 : vector<16xi1>
            %shift_right_arithmetic3A_816 = arith.constant 5 : i32
            %shift_right_arithmetic3A_817 = vector.broadcast %shift_right_arithmetic3A_816 : i32 to vector<16xi32>
            %shift_right_arithmetic3A_818 = arith.shrsi %gather3A_194, %shift_right_arithmetic3A_817 : vector<16xi32>
            %sub3A_819 = vector.broadcast %add3A_123 : i32 to vector<16xi32>
            %sub3A_820 = arith.subi %sub3A_819, %iota3A : vector<16xi32>
            %gt3A_821 = arith.cmpi sgt, %shift_right_arithmetic3A_818, %sub3A_820 : vector<16xi32>
            %and3A_822 = arith.andi %and3A_815, %gt3A_821 : vector<16xi1>
            %lt3A_823 = vector.broadcast %and3A_121 : i32 to vector<16xi32>
            %lt3A_824 = arith.cmpi slt, %iota3A, %lt3A_823 : vector<16xi32>
            %and3A_825 = arith.constant 31 : i32
            %and3A_826 = vector.broadcast %and3A_825 : i32 to vector<16xi32>
            %and3A_827 = arith.andi %gather3A_194, %and3A_826 : vector<16xi32>
            %add3A_828 = arith.constant 1 : i32
            %add3A_829 = vector.broadcast %add3A_828 : i32 to vector<16xi32>
            %add3A_830 = arith.addi %iota3A, %add3A_829 : vector<16xi32>
            %gt3A_831 = arith.cmpi sgt, %and3A_827, %add3A_830 : vector<16xi32>
            %and3A_832 = arith.andi %lt3A_824, %gt3A_831 : vector<16xi1>
            %or3A_833 = arith.ori %and3A_822, %and3A_832 : vector<16xi1>
            %le3A_834 = vector.broadcast %and3A_121 : i32 to vector<16xi32>
            %le3A_835 = arith.cmpi sle, %add3A_6, %le3A_834 : vector<16xi32>
            %shift_right_arithmetic3A_836 = arith.constant 5 : i32
            %shift_right_arithmetic3A_837 = vector.broadcast %shift_right_arithmetic3A_836 : i32 to vector<16xi32>
            %shift_right_arithmetic3A_838 = arith.shrsi %gather3A_200, %shift_right_arithmetic3A_837 : vector<16xi32>
            %sub3A_839 = vector.broadcast %add3A_123 : i32 to vector<16xi32>
            %sub3A_840 = arith.subi %sub3A_839, %add3A_6 : vector<16xi32>
            %gt3A_841 = arith.cmpi sgt, %shift_right_arithmetic3A_838, %sub3A_840 : vector<16xi32>
            %and3A_842 = arith.andi %le3A_835, %gt3A_841 : vector<16xi1>
            %lt3A_843 = vector.broadcast %and3A_121 : i32 to vector<16xi32>
            %lt3A_844 = arith.cmpi slt, %add3A_6, %lt3A_843 : vector<16xi32>
            %and3A_845 = arith.constant 31 : i32
            %and3A_846 = vector.broadcast %and3A_845 : i32 to vector<16xi32>
            %and3A_847 = arith.andi %gather3A_200, %and3A_846 : vector<16xi32>
            %add3A_848 = arith.constant 1 : i32
            %add3A_849 = vector.broadcast %add3A_848 : i32 to vector<16xi32>
            %add3A_850 = arith.addi %add3A_6, %add3A_849 : vector<16xi32>
            %gt3A_851 = arith.cmpi sgt, %and3A_847, %add3A_850 : vector<16xi32>
            %and3A_852 = arith.andi %lt3A_844, %gt3A_851 : vector<16xi1>
            %or3A_853 = arith.ori %and3A_842, %and3A_852 : vector<16xi1>
            %or3A_854 = arith.ori %or3A_833, %or3A_853 : vector<16xi1>
            %reduce_or3A_855 = arith.constant 1.000000e+00 : f32
            %reduce_or3A_856 = arith.constant 0.000000e+00 : f32
            %reduce_or3A_857 = vector.broadcast %reduce_or3A_855 : f32 to vector<16xf32>
            %reduce_or3A_858 = vector.broadcast %reduce_or3A_856 : f32 to vector<16xf32>
            %reduce_or3A_859 = arith.select %or3A_854, %reduce_or3A_857, %reduce_or3A_858 : vector<16xi1>, vector<16xf32>
            %reduce_or3A_860 = arith.constant true
            %reduce_or3A_861 = vector.broadcast %reduce_or3A_860 : i1 to vector<16xi1>
            %reduce_or3A_862 = tpu.scan <max>, %reduce_or3A_859 masked %reduce_or3A_861 : vector<16xf32>, vector<16xi1> -> vector<16xf32>
            %reduce_or3A_863 = vector.extract %reduce_or3A_862[15] : f32 from vector<16xf32>
            %reduce_or3A_864 = arith.constant 0.000000e+00 : f32
            %reduce_or3A_865 = arith.cmpf ogt, %reduce_or3A_863, %reduce_or3A_864 : f32
            %not3A_866 = arith.constant true
            %not3A_867 = arith.xori %reduce_or3A_865, %not3A_866 : i1
            %lt3A_868 = arith.cmpi slt, %shift_right_arithmetic3A_41, %shift_right_arithmetic3A_119 : i32
            %le3A_869 = arith.cmpi sle, %shift_right_arithmetic3A_119, %add3A_46 : i32
            %and3A_870 = arith.andi %lt3A_868, %le3A_869 : i1
            %lt3A_871 = arith.cmpi slt, %add3A_46, %add3A_124 : i32
            %and3A_872 = arith.andi %and3A_870, %lt3A_871 : i1
            %lt3A_873 = arith.cmpi slt, %shift_right_arithmetic3A_119, %shift_right_arithmetic3A_41 : i32
            %le3A_874 = arith.cmpi sle, %shift_right_arithmetic3A_41, %add3A_124 : i32
            %and3A_875 = arith.andi %lt3A_873, %le3A_874 : i1
            %lt3A_876 = arith.cmpi slt, %add3A_124, %add3A_46 : i32
            %and3A_877 = arith.andi %and3A_875, %lt3A_876 : i1
            %or3A_878 = arith.ori %and3A_872, %and3A_877 : i1
            %and3A_879 = arith.andi %and3A_262, %or3A_878 : i1
            %not3A_880 = arith.constant true
            %not3A_881 = arith.xori %and3A_879, %not3A_880 : i1
            %and3A_882 = arith.andi %not3A_867, %not3A_881 : i1
            %lt3A_883 = arith.cmpi slt, %shift_right_arithmetic3A_54, %shift_right_arithmetic3A_119 : i32
            %le3A_884 = arith.cmpi sle, %shift_right_arithmetic3A_119, %add3A_59 : i32
            %and3A_885 = arith.andi %lt3A_883, %le3A_884 : i1
            %lt3A_886 = arith.cmpi slt, %add3A_59, %add3A_124 : i32
            %and3A_887 = arith.andi %and3A_885, %lt3A_886 : i1
            %lt3A_888 = arith.cmpi slt, %shift_right_arithmetic3A_119, %shift_right_arithmetic3A_54 : i32
            %le3A_889 = arith.cmpi sle, %shift_right_arithmetic3A_54, %add3A_124 : i32
            %and3A_890 = arith.andi %lt3A_888, %le3A_889 : i1
            %lt3A_891 = arith.cmpi slt, %add3A_124, %add3A_59 : i32
            %and3A_892 = arith.andi %and3A_890, %lt3A_891 : i1
            %or3A_893 = arith.ori %and3A_887, %and3A_892 : i1
            %and3A_894 = arith.andi %and3A_339, %or3A_893 : i1
            %not3A_895 = arith.constant true
            %not3A_896 = arith.xori %and3A_894, %not3A_895 : i1
            %and3A_897 = arith.andi %and3A_882, %not3A_896 : i1
            %lt3A_898 = arith.cmpi slt, %shift_right_arithmetic3A_67, %shift_right_arithmetic3A_119 : i32
            %le3A_899 = arith.cmpi sle, %shift_right_arithmetic3A_119, %add3A_72 : i32
            %and3A_900 = arith.andi %lt3A_898, %le3A_899 : i1
            %lt3A_901 = arith.cmpi slt, %add3A_72, %add3A_124 : i32
            %and3A_902 = arith.andi %and3A_900, %lt3A_901 : i1
            %lt3A_903 = arith.cmpi slt, %shift_right_arithmetic3A_119, %shift_right_arithmetic3A_67 : i32
            %le3A_904 = arith.cmpi sle, %shift_right_arithmetic3A_67, %add3A_124 : i32
            %and3A_905 = arith.andi %lt3A_903, %le3A_904 : i1
            %lt3A_906 = arith.cmpi slt, %add3A_124, %add3A_72 : i32
            %and3A_907 = arith.andi %and3A_905, %lt3A_906 : i1
            %or3A_908 = arith.ori %and3A_902, %and3A_907 : i1
            %and3A_909 = arith.andi %and3A_433, %or3A_908 : i1
            %not3A_910 = arith.constant true
            %not3A_911 = arith.xori %and3A_909, %not3A_910 : i1
            %and3A_912 = arith.andi %and3A_897, %not3A_911 : i1
            %lt3A_913 = arith.cmpi slt, %shift_right_arithmetic3A_80, %shift_right_arithmetic3A_119 : i32
            %le3A_914 = arith.cmpi sle, %shift_right_arithmetic3A_119, %add3A_85 : i32
            %and3A_915 = arith.andi %lt3A_913, %le3A_914 : i1
            %lt3A_916 = arith.cmpi slt, %add3A_85, %add3A_124 : i32
            %and3A_917 = arith.andi %and3A_915, %lt3A_916 : i1
            %lt3A_918 = arith.cmpi slt, %shift_right_arithmetic3A_119, %shift_right_arithmetic3A_80 : i32
            %le3A_919 = arith.cmpi sle, %shift_right_arithmetic3A_80, %add3A_124 : i32
            %and3A_920 = arith.andi %lt3A_918, %le3A_919 : i1
            %lt3A_921 = arith.cmpi slt, %add3A_124, %add3A_85 : i32
            %and3A_922 = arith.andi %and3A_920, %lt3A_921 : i1
            %or3A_923 = arith.ori %and3A_917, %and3A_922 : i1
            %and3A_924 = arith.andi %and3A_542, %or3A_923 : i1
            %not3A_925 = arith.constant true
            %not3A_926 = arith.xori %and3A_924, %not3A_925 : i1
            %and3A_927 = arith.andi %and3A_912, %not3A_926 : i1
            %lt3A_928 = arith.cmpi slt, %shift_right_arithmetic3A_93, %shift_right_arithmetic3A_119 : i32
            %le3A_929 = arith.cmpi sle, %shift_right_arithmetic3A_119, %add3A_98 : i32
            %and3A_930 = arith.andi %lt3A_928, %le3A_929 : i1
            %lt3A_931 = arith.cmpi slt, %add3A_98, %add3A_124 : i32
            %and3A_932 = arith.andi %and3A_930, %lt3A_931 : i1
            %lt3A_933 = arith.cmpi slt, %shift_right_arithmetic3A_119, %shift_right_arithmetic3A_93 : i32
            %le3A_934 = arith.cmpi sle, %shift_right_arithmetic3A_93, %add3A_124 : i32
            %and3A_935 = arith.andi %lt3A_933, %le3A_934 : i1
            %lt3A_936 = arith.cmpi slt, %add3A_124, %add3A_98 : i32
            %and3A_937 = arith.andi %and3A_935, %lt3A_936 : i1
            %or3A_938 = arith.ori %and3A_932, %and3A_937 : i1
            %and3A_939 = arith.andi %and3A_666, %or3A_938 : i1
            %not3A_940 = arith.constant true
            %not3A_941 = arith.xori %and3A_939, %not3A_940 : i1
            %and3A_942 = arith.andi %and3A_927, %not3A_941 : i1
            %lt3A_943 = arith.cmpi slt, %shift_right_arithmetic3A_106, %shift_right_arithmetic3A_119 : i32
            %le3A_944 = arith.cmpi sle, %shift_right_arithmetic3A_119, %add3A_111 : i32
            %and3A_945 = arith.andi %lt3A_943, %le3A_944 : i1
            %lt3A_946 = arith.cmpi slt, %add3A_111, %add3A_124 : i32
            %and3A_947 = arith.andi %and3A_945, %lt3A_946 : i1
            %lt3A_948 = arith.cmpi slt, %shift_right_arithmetic3A_119, %shift_right_arithmetic3A_106 : i32
            %le3A_949 = arith.cmpi sle, %shift_right_arithmetic3A_106, %add3A_124 : i32
            %and3A_950 = arith.andi %lt3A_948, %le3A_949 : i1
            %lt3A_951 = arith.cmpi slt, %add3A_124, %add3A_111 : i32
            %and3A_952 = arith.andi %and3A_950, %lt3A_951 : i1
            %or3A_953 = arith.ori %and3A_947, %and3A_952 : i1
            %and3A_954 = arith.andi %and3A_805, %or3A_953 : i1
            %not3A_955 = arith.constant true
            %not3A_956 = arith.xori %and3A_954, %not3A_955 : i1
            %and3A_957 = arith.andi %and3A_942, %not3A_956 : i1
            %lt3A_958 = arith.cmpi slt, %add3A_809, %squeeze3A : i32
            %and3A_959 = arith.andi %and3A_957, %lt3A_958 : i1
            %jit3A_960 = arith.constant 1 : i32
            %jit3A_961 = arith.constant 0 : i32
            %select_n3A_962 = arith.select %and3A_959, %jit3A_960, %jit3A_961 : i32
            %add3A_963 = arith.addi %add3A_809, %select_n3A_962 : i32
            %ge3A_964 = arith.constant 1 : i32
            %ge3A_965 = vector.broadcast %ge3A_964 : i32 to vector<16xi32>
            %ge3A_966 = arith.cmpi sge, %iota3A, %ge3A_965 : vector<16xi32>
            %le3A_967 = vector.broadcast %and3A_134 : i32 to vector<16xi32>
            %le3A_968 = arith.cmpi sle, %iota3A, %le3A_967 : vector<16xi32>
            %and3A_969 = arith.andi %ge3A_966, %le3A_968 : vector<16xi1>
            %shift_right_arithmetic3A_970 = arith.constant 5 : i32
            %shift_right_arithmetic3A_971 = vector.broadcast %shift_right_arithmetic3A_970 : i32 to vector<16xi32>
            %shift_right_arithmetic3A_972 = arith.shrsi %gather3A_203, %shift_right_arithmetic3A_971 : vector<16xi32>
            %sub3A_973 = vector.broadcast %add3A_136 : i32 to vector<16xi32>
            %sub3A_974 = arith.subi %sub3A_973, %iota3A : vector<16xi32>
            %gt3A_975 = arith.cmpi sgt, %shift_right_arithmetic3A_972, %sub3A_974 : vector<16xi32>
            %and3A_976 = arith.andi %and3A_969, %gt3A_975 : vector<16xi1>
            %lt3A_977 = vector.broadcast %and3A_134 : i32 to vector<16xi32>
            %lt3A_978 = arith.cmpi slt, %iota3A, %lt3A_977 : vector<16xi32>
            %and3A_979 = arith.constant 31 : i32
            %and3A_980 = vector.broadcast %and3A_979 : i32 to vector<16xi32>
            %and3A_981 = arith.andi %gather3A_203, %and3A_980 : vector<16xi32>
            %add3A_982 = arith.constant 1 : i32
            %add3A_983 = vector.broadcast %add3A_982 : i32 to vector<16xi32>
            %add3A_984 = arith.addi %iota3A, %add3A_983 : vector<16xi32>
            %gt3A_985 = arith.cmpi sgt, %and3A_981, %add3A_984 : vector<16xi32>
            %and3A_986 = arith.andi %lt3A_978, %gt3A_985 : vector<16xi1>
            %or3A_987 = arith.ori %and3A_976, %and3A_986 : vector<16xi1>
            %le3A_988 = vector.broadcast %and3A_134 : i32 to vector<16xi32>
            %le3A_989 = arith.cmpi sle, %add3A_6, %le3A_988 : vector<16xi32>
            %shift_right_arithmetic3A_990 = arith.constant 5 : i32
            %shift_right_arithmetic3A_991 = vector.broadcast %shift_right_arithmetic3A_990 : i32 to vector<16xi32>
            %shift_right_arithmetic3A_992 = arith.shrsi %gather3A_209, %shift_right_arithmetic3A_991 : vector<16xi32>
            %sub3A_993 = vector.broadcast %add3A_136 : i32 to vector<16xi32>
            %sub3A_994 = arith.subi %sub3A_993, %add3A_6 : vector<16xi32>
            %gt3A_995 = arith.cmpi sgt, %shift_right_arithmetic3A_992, %sub3A_994 : vector<16xi32>
            %and3A_996 = arith.andi %le3A_989, %gt3A_995 : vector<16xi1>
            %lt3A_997 = vector.broadcast %and3A_134 : i32 to vector<16xi32>
            %lt3A_998 = arith.cmpi slt, %add3A_6, %lt3A_997 : vector<16xi32>
            %and3A_999 = arith.constant 31 : i32
            %and3A_1000 = vector.broadcast %and3A_999 : i32 to vector<16xi32>
            %and3A_1001 = arith.andi %gather3A_209, %and3A_1000 : vector<16xi32>
            %add3A_1002 = arith.constant 1 : i32
            %add3A_1003 = vector.broadcast %add3A_1002 : i32 to vector<16xi32>
            %add3A_1004 = arith.addi %add3A_6, %add3A_1003 : vector<16xi32>
            %gt3A_1005 = arith.cmpi sgt, %and3A_1001, %add3A_1004 : vector<16xi32>
            %and3A_1006 = arith.andi %lt3A_998, %gt3A_1005 : vector<16xi1>
            %or3A_1007 = arith.ori %and3A_996, %and3A_1006 : vector<16xi1>
            %or3A_1008 = arith.ori %or3A_987, %or3A_1007 : vector<16xi1>
            %reduce_or3A_1009 = arith.constant 1.000000e+00 : f32
            %reduce_or3A_1010 = arith.constant 0.000000e+00 : f32
            %reduce_or3A_1011 = vector.broadcast %reduce_or3A_1009 : f32 to vector<16xf32>
            %reduce_or3A_1012 = vector.broadcast %reduce_or3A_1010 : f32 to vector<16xf32>
            %reduce_or3A_1013 = arith.select %or3A_1008, %reduce_or3A_1011, %reduce_or3A_1012 : vector<16xi1>, vector<16xf32>
            %reduce_or3A_1014 = arith.constant true
            %reduce_or3A_1015 = vector.broadcast %reduce_or3A_1014 : i1 to vector<16xi1>
            %reduce_or3A_1016 = tpu.scan <max>, %reduce_or3A_1013 masked %reduce_or3A_1015 : vector<16xf32>, vector<16xi1> -> vector<16xf32>
            %reduce_or3A_1017 = vector.extract %reduce_or3A_1016[15] : f32 from vector<16xf32>
            %reduce_or3A_1018 = arith.constant 0.000000e+00 : f32
            %reduce_or3A_1019 = arith.cmpf ogt, %reduce_or3A_1017, %reduce_or3A_1018 : f32
            %not3A_1020 = arith.constant true
            %not3A_1021 = arith.xori %reduce_or3A_1019, %not3A_1020 : i1
            %lt3A_1022 = arith.cmpi slt, %shift_right_arithmetic3A_41, %shift_right_arithmetic3A_132 : i32
            %le3A_1023 = arith.cmpi sle, %shift_right_arithmetic3A_132, %add3A_46 : i32
            %and3A_1024 = arith.andi %lt3A_1022, %le3A_1023 : i1
            %lt3A_1025 = arith.cmpi slt, %add3A_46, %add3A_137 : i32
            %and3A_1026 = arith.andi %and3A_1024, %lt3A_1025 : i1
            %lt3A_1027 = arith.cmpi slt, %shift_right_arithmetic3A_132, %shift_right_arithmetic3A_41 : i32
            %le3A_1028 = arith.cmpi sle, %shift_right_arithmetic3A_41, %add3A_137 : i32
            %and3A_1029 = arith.andi %lt3A_1027, %le3A_1028 : i1
            %lt3A_1030 = arith.cmpi slt, %add3A_137, %add3A_46 : i32
            %and3A_1031 = arith.andi %and3A_1029, %lt3A_1030 : i1
            %or3A_1032 = arith.ori %and3A_1026, %and3A_1031 : i1
            %and3A_1033 = arith.andi %and3A_262, %or3A_1032 : i1
            %not3A_1034 = arith.constant true
            %not3A_1035 = arith.xori %and3A_1033, %not3A_1034 : i1
            %and3A_1036 = arith.andi %not3A_1021, %not3A_1035 : i1
            %lt3A_1037 = arith.cmpi slt, %shift_right_arithmetic3A_54, %shift_right_arithmetic3A_132 : i32
            %le3A_1038 = arith.cmpi sle, %shift_right_arithmetic3A_132, %add3A_59 : i32
            %and3A_1039 = arith.andi %lt3A_1037, %le3A_1038 : i1
            %lt3A_1040 = arith.cmpi slt, %add3A_59, %add3A_137 : i32
            %and3A_1041 = arith.andi %and3A_1039, %lt3A_1040 : i1
            %lt3A_1042 = arith.cmpi slt, %shift_right_arithmetic3A_132, %shift_right_arithmetic3A_54 : i32
            %le3A_1043 = arith.cmpi sle, %shift_right_arithmetic3A_54, %add3A_137 : i32
            %and3A_1044 = arith.andi %lt3A_1042, %le3A_1043 : i1
            %lt3A_1045 = arith.cmpi slt, %add3A_137, %add3A_59 : i32
            %and3A_1046 = arith.andi %and3A_1044, %lt3A_1045 : i1
            %or3A_1047 = arith.ori %and3A_1041, %and3A_1046 : i1
            %and3A_1048 = arith.andi %and3A_339, %or3A_1047 : i1
            %not3A_1049 = arith.constant true
            %not3A_1050 = arith.xori %and3A_1048, %not3A_1049 : i1
            %and3A_1051 = arith.andi %and3A_1036, %not3A_1050 : i1
            %lt3A_1052 = arith.cmpi slt, %shift_right_arithmetic3A_67, %shift_right_arithmetic3A_132 : i32
            %le3A_1053 = arith.cmpi sle, %shift_right_arithmetic3A_132, %add3A_72 : i32
            %and3A_1054 = arith.andi %lt3A_1052, %le3A_1053 : i1
            %lt3A_1055 = arith.cmpi slt, %add3A_72, %add3A_137 : i32
            %and3A_1056 = arith.andi %and3A_1054, %lt3A_1055 : i1
            %lt3A_1057 = arith.cmpi slt, %shift_right_arithmetic3A_132, %shift_right_arithmetic3A_67 : i32
            %le3A_1058 = arith.cmpi sle, %shift_right_arithmetic3A_67, %add3A_137 : i32
            %and3A_1059 = arith.andi %lt3A_1057, %le3A_1058 : i1
            %lt3A_1060 = arith.cmpi slt, %add3A_137, %add3A_72 : i32
            %and3A_1061 = arith.andi %and3A_1059, %lt3A_1060 : i1
            %or3A_1062 = arith.ori %and3A_1056, %and3A_1061 : i1
            %and3A_1063 = arith.andi %and3A_433, %or3A_1062 : i1
            %not3A_1064 = arith.constant true
            %not3A_1065 = arith.xori %and3A_1063, %not3A_1064 : i1
            %and3A_1066 = arith.andi %and3A_1051, %not3A_1065 : i1
            %lt3A_1067 = arith.cmpi slt, %shift_right_arithmetic3A_80, %shift_right_arithmetic3A_132 : i32
            %le3A_1068 = arith.cmpi sle, %shift_right_arithmetic3A_132, %add3A_85 : i32
            %and3A_1069 = arith.andi %lt3A_1067, %le3A_1068 : i1
            %lt3A_1070 = arith.cmpi slt, %add3A_85, %add3A_137 : i32
            %and3A_1071 = arith.andi %and3A_1069, %lt3A_1070 : i1
            %lt3A_1072 = arith.cmpi slt, %shift_right_arithmetic3A_132, %shift_right_arithmetic3A_80 : i32
            %le3A_1073 = arith.cmpi sle, %shift_right_arithmetic3A_80, %add3A_137 : i32
            %and3A_1074 = arith.andi %lt3A_1072, %le3A_1073 : i1
            %lt3A_1075 = arith.cmpi slt, %add3A_137, %add3A_85 : i32
            %and3A_1076 = arith.andi %and3A_1074, %lt3A_1075 : i1
            %or3A_1077 = arith.ori %and3A_1071, %and3A_1076 : i1
            %and3A_1078 = arith.andi %and3A_542, %or3A_1077 : i1
            %not3A_1079 = arith.constant true
            %not3A_1080 = arith.xori %and3A_1078, %not3A_1079 : i1
            %and3A_1081 = arith.andi %and3A_1066, %not3A_1080 : i1
            %lt3A_1082 = arith.cmpi slt, %shift_right_arithmetic3A_93, %shift_right_arithmetic3A_132 : i32
            %le3A_1083 = arith.cmpi sle, %shift_right_arithmetic3A_132, %add3A_98 : i32
            %and3A_1084 = arith.andi %lt3A_1082, %le3A_1083 : i1
            %lt3A_1085 = arith.cmpi slt, %add3A_98, %add3A_137 : i32
            %and3A_1086 = arith.andi %and3A_1084, %lt3A_1085 : i1
            %lt3A_1087 = arith.cmpi slt, %shift_right_arithmetic3A_132, %shift_right_arithmetic3A_93 : i32
            %le3A_1088 = arith.cmpi sle, %shift_right_arithmetic3A_93, %add3A_137 : i32
            %and3A_1089 = arith.andi %lt3A_1087, %le3A_1088 : i1
            %lt3A_1090 = arith.cmpi slt, %add3A_137, %add3A_98 : i32
            %and3A_1091 = arith.andi %and3A_1089, %lt3A_1090 : i1
            %or3A_1092 = arith.ori %and3A_1086, %and3A_1091 : i1
            %and3A_1093 = arith.andi %and3A_666, %or3A_1092 : i1
            %not3A_1094 = arith.constant true
            %not3A_1095 = arith.xori %and3A_1093, %not3A_1094 : i1
            %and3A_1096 = arith.andi %and3A_1081, %not3A_1095 : i1
            %lt3A_1097 = arith.cmpi slt, %shift_right_arithmetic3A_106, %shift_right_arithmetic3A_132 : i32
            %le3A_1098 = arith.cmpi sle, %shift_right_arithmetic3A_132, %add3A_111 : i32
            %and3A_1099 = arith.andi %lt3A_1097, %le3A_1098 : i1
            %lt3A_1100 = arith.cmpi slt, %add3A_111, %add3A_137 : i32
            %and3A_1101 = arith.andi %and3A_1099, %lt3A_1100 : i1
            %lt3A_1102 = arith.cmpi slt, %shift_right_arithmetic3A_132, %shift_right_arithmetic3A_106 : i32
            %le3A_1103 = arith.cmpi sle, %shift_right_arithmetic3A_106, %add3A_137 : i32
            %and3A_1104 = arith.andi %lt3A_1102, %le3A_1103 : i1
            %lt3A_1105 = arith.cmpi slt, %add3A_137, %add3A_111 : i32
            %and3A_1106 = arith.andi %and3A_1104, %lt3A_1105 : i1
            %or3A_1107 = arith.ori %and3A_1101, %and3A_1106 : i1
            %and3A_1108 = arith.andi %and3A_805, %or3A_1107 : i1
            %not3A_1109 = arith.constant true
            %not3A_1110 = arith.xori %and3A_1108, %not3A_1109 : i1
            %and3A_1111 = arith.andi %and3A_1096, %not3A_1110 : i1
            %lt3A_1112 = arith.cmpi slt, %shift_right_arithmetic3A_119, %shift_right_arithmetic3A_132 : i32
            %le3A_1113 = arith.cmpi sle, %shift_right_arithmetic3A_132, %add3A_124 : i32
            %and3A_1114 = arith.andi %lt3A_1112, %le3A_1113 : i1
            %lt3A_1115 = arith.cmpi slt, %add3A_124, %add3A_137 : i32
            %and3A_1116 = arith.andi %and3A_1114, %lt3A_1115 : i1
            %lt3A_1117 = arith.cmpi slt, %shift_right_arithmetic3A_132, %shift_right_arithmetic3A_119 : i32
            %le3A_1118 = arith.cmpi sle, %shift_right_arithmetic3A_119, %add3A_137 : i32
            %and3A_1119 = arith.andi %lt3A_1117, %le3A_1118 : i1
            %lt3A_1120 = arith.cmpi slt, %add3A_137, %add3A_124 : i32
            %and3A_1121 = arith.andi %and3A_1119, %lt3A_1120 : i1
            %or3A_1122 = arith.ori %and3A_1116, %and3A_1121 : i1
            %and3A_1123 = arith.andi %and3A_959, %or3A_1122 : i1
            %not3A_1124 = arith.constant true
            %not3A_1125 = arith.xori %and3A_1123, %not3A_1124 : i1
            %and3A_1126 = arith.andi %and3A_1111, %not3A_1125 : i1
            %lt3A_1127 = arith.cmpi slt, %add3A_963, %squeeze3A : i32
            %and3A_1128 = arith.andi %and3A_1126, %lt3A_1127 : i1
            %jit3A_1129 = arith.constant 1 : i32
            %jit3A_1130 = arith.constant 0 : i32
            %select_n3A_1131 = arith.select %and3A_1128, %jit3A_1129, %jit3A_1130 : i32
            %add3A_1132 = arith.addi %add3A_963, %select_n3A_1131 : i32
            %broadcast_in_dim3A_1133 = arith.constant 0 : i32
            %broadcast_in_dim3A_1134 = vector.broadcast %broadcast_in_dim3A_1133 : i32 to vector<16xi32>
            %broadcast_in_dim3A_1135 = arith.constant false
            %broadcast_in_dim3A_1136 = vector.broadcast %broadcast_in_dim3A_1135 : i1 to vector<16xi1>
            %eq3A_1137 = arith.constant 0 : i32
            %eq3A_1138 = vector.broadcast %eq3A_1137 : i32 to vector<16xi32>
            %eq3A_1139 = arith.cmpi eq, %iota3A, %eq3A_1138 : vector<16xi32>
            %broadcast_in_dim3A_1140 = vector.broadcast %shift_right_arithmetic3A_41 : i32 to vector<16xi32>
            %select_n3A_1141 = arith.select %eq3A_1139, %broadcast_in_dim3A_1140, %broadcast_in_dim3A_1134 : vector<16xi1>, vector<16xi32>
            %eq3A_1142 = arith.constant 1 : i32
            %eq3A_1143 = vector.broadcast %eq3A_1142 : i32 to vector<16xi32>
            %eq3A_1144 = arith.cmpi eq, %iota3A, %eq3A_1143 : vector<16xi32>
            %broadcast_in_dim3A_1145 = vector.broadcast %add3A_46 : i32 to vector<16xi32>
            %select_n3A_1146 = arith.select %eq3A_1144, %broadcast_in_dim3A_1145, %select_n3A_1141 : vector<16xi1>, vector<16xi32>
            %shift_right_arithmetic3A_1147 = arith.constant 1 : i32
            %shift_right_arithmetic3A_1148 = vector.broadcast %shift_right_arithmetic3A_1147 : i32 to vector<16xi32>
            %shift_right_arithmetic3A_1149 = arith.shrsi %iota3A, %shift_right_arithmetic3A_1148 : vector<16xi32>
            %eq3A_1150 = arith.constant 0 : i32
            %eq3A_1151 = vector.broadcast %eq3A_1150 : i32 to vector<16xi32>
            %eq3A_1152 = arith.cmpi eq, %shift_right_arithmetic3A_1149, %eq3A_1151 : vector<16xi32>
            %and3A_1153 = vector.broadcast %and3A_262 : i1 to vector<16xi1>
            %and3A_1154 = arith.andi %eq3A_1152, %and3A_1153 : vector<16xi1>
            %or3A_1155 = arith.ori %broadcast_in_dim3A_1136, %and3A_1154 : vector<16xi1>
            %eq3A_1156 = arith.constant 2 : i32
            %eq3A_1157 = vector.broadcast %eq3A_1156 : i32 to vector<16xi32>
            %eq3A_1158 = arith.cmpi eq, %iota3A, %eq3A_1157 : vector<16xi32>
            %broadcast_in_dim3A_1159 = vector.broadcast %shift_right_arithmetic3A_54 : i32 to vector<16xi32>
            %select_n3A_1160 = arith.select %eq3A_1158, %broadcast_in_dim3A_1159, %select_n3A_1146 : vector<16xi1>, vector<16xi32>
            %eq3A_1161 = arith.constant 3 : i32
            %eq3A_1162 = vector.broadcast %eq3A_1161 : i32 to vector<16xi32>
            %eq3A_1163 = arith.cmpi eq, %iota3A, %eq3A_1162 : vector<16xi32>
            %broadcast_in_dim3A_1164 = vector.broadcast %add3A_59 : i32 to vector<16xi32>
            %select_n3A_1165 = arith.select %eq3A_1163, %broadcast_in_dim3A_1164, %select_n3A_1160 : vector<16xi1>, vector<16xi32>
            %shift_right_arithmetic3A_1166 = arith.constant 1 : i32
            %shift_right_arithmetic3A_1167 = vector.broadcast %shift_right_arithmetic3A_1166 : i32 to vector<16xi32>
            %shift_right_arithmetic3A_1168 = arith.shrsi %iota3A, %shift_right_arithmetic3A_1167 : vector<16xi32>
            %eq3A_1169 = arith.constant 1 : i32
            %eq3A_1170 = vector.broadcast %eq3A_1169 : i32 to vector<16xi32>
            %eq3A_1171 = arith.cmpi eq, %shift_right_arithmetic3A_1168, %eq3A_1170 : vector<16xi32>
            %and3A_1172 = vector.broadcast %and3A_339 : i1 to vector<16xi1>
            %and3A_1173 = arith.andi %eq3A_1171, %and3A_1172 : vector<16xi1>
            %or3A_1174 = arith.ori %or3A_1155, %and3A_1173 : vector<16xi1>
            %eq3A_1175 = arith.constant 4 : i32
            %eq3A_1176 = vector.broadcast %eq3A_1175 : i32 to vector<16xi32>
            %eq3A_1177 = arith.cmpi eq, %iota3A, %eq3A_1176 : vector<16xi32>
            %broadcast_in_dim3A_1178 = vector.broadcast %shift_right_arithmetic3A_67 : i32 to vector<16xi32>
            %select_n3A_1179 = arith.select %eq3A_1177, %broadcast_in_dim3A_1178, %select_n3A_1165 : vector<16xi1>, vector<16xi32>
            %eq3A_1180 = arith.constant 5 : i32
            %eq3A_1181 = vector.broadcast %eq3A_1180 : i32 to vector<16xi32>
            %eq3A_1182 = arith.cmpi eq, %iota3A, %eq3A_1181 : vector<16xi32>
            %broadcast_in_dim3A_1183 = vector.broadcast %add3A_72 : i32 to vector<16xi32>
            %select_n3A_1184 = arith.select %eq3A_1182, %broadcast_in_dim3A_1183, %select_n3A_1179 : vector<16xi1>, vector<16xi32>
            %shift_right_arithmetic3A_1185 = arith.constant 1 : i32
            %shift_right_arithmetic3A_1186 = vector.broadcast %shift_right_arithmetic3A_1185 : i32 to vector<16xi32>
            %shift_right_arithmetic3A_1187 = arith.shrsi %iota3A, %shift_right_arithmetic3A_1186 : vector<16xi32>
            %eq3A_1188 = arith.constant 2 : i32
            %eq3A_1189 = vector.broadcast %eq3A_1188 : i32 to vector<16xi32>
            %eq3A_1190 = arith.cmpi eq, %shift_right_arithmetic3A_1187, %eq3A_1189 : vector<16xi32>
            %and3A_1191 = vector.broadcast %and3A_433 : i1 to vector<16xi1>
            %and3A_1192 = arith.andi %eq3A_1190, %and3A_1191 : vector<16xi1>
            %or3A_1193 = arith.ori %or3A_1174, %and3A_1192 : vector<16xi1>
            %eq3A_1194 = arith.constant 6 : i32
            %eq3A_1195 = vector.broadcast %eq3A_1194 : i32 to vector<16xi32>
            %eq3A_1196 = arith.cmpi eq, %iota3A, %eq3A_1195 : vector<16xi32>
            %broadcast_in_dim3A_1197 = vector.broadcast %shift_right_arithmetic3A_80 : i32 to vector<16xi32>
            %select_n3A_1198 = arith.select %eq3A_1196, %broadcast_in_dim3A_1197, %select_n3A_1184 : vector<16xi1>, vector<16xi32>
            %eq3A_1199 = arith.constant 7 : i32
            %eq3A_1200 = vector.broadcast %eq3A_1199 : i32 to vector<16xi32>
            %eq3A_1201 = arith.cmpi eq, %iota3A, %eq3A_1200 : vector<16xi32>
            %broadcast_in_dim3A_1202 = vector.broadcast %add3A_85 : i32 to vector<16xi32>
            %select_n3A_1203 = arith.select %eq3A_1201, %broadcast_in_dim3A_1202, %select_n3A_1198 : vector<16xi1>, vector<16xi32>
            %shift_right_arithmetic3A_1204 = arith.constant 1 : i32
            %shift_right_arithmetic3A_1205 = vector.broadcast %shift_right_arithmetic3A_1204 : i32 to vector<16xi32>
            %shift_right_arithmetic3A_1206 = arith.shrsi %iota3A, %shift_right_arithmetic3A_1205 : vector<16xi32>
            %eq3A_1207 = arith.constant 3 : i32
            %eq3A_1208 = vector.broadcast %eq3A_1207 : i32 to vector<16xi32>
            %eq3A_1209 = arith.cmpi eq, %shift_right_arithmetic3A_1206, %eq3A_1208 : vector<16xi32>
            %and3A_1210 = vector.broadcast %and3A_542 : i1 to vector<16xi1>
            %and3A_1211 = arith.andi %eq3A_1209, %and3A_1210 : vector<16xi1>
            %or3A_1212 = arith.ori %or3A_1193, %and3A_1211 : vector<16xi1>
            %eq3A_1213 = arith.constant 8 : i32
            %eq3A_1214 = vector.broadcast %eq3A_1213 : i32 to vector<16xi32>
            %eq3A_1215 = arith.cmpi eq, %iota3A, %eq3A_1214 : vector<16xi32>
            %broadcast_in_dim3A_1216 = vector.broadcast %shift_right_arithmetic3A_93 : i32 to vector<16xi32>
            %select_n3A_1217 = arith.select %eq3A_1215, %broadcast_in_dim3A_1216, %select_n3A_1203 : vector<16xi1>, vector<16xi32>
            %eq3A_1218 = arith.constant 9 : i32
            %eq3A_1219 = vector.broadcast %eq3A_1218 : i32 to vector<16xi32>
            %eq3A_1220 = arith.cmpi eq, %iota3A, %eq3A_1219 : vector<16xi32>
            %broadcast_in_dim3A_1221 = vector.broadcast %add3A_98 : i32 to vector<16xi32>
            %select_n3A_1222 = arith.select %eq3A_1220, %broadcast_in_dim3A_1221, %select_n3A_1217 : vector<16xi1>, vector<16xi32>
            %shift_right_arithmetic3A_1223 = arith.constant 1 : i32
            %shift_right_arithmetic3A_1224 = vector.broadcast %shift_right_arithmetic3A_1223 : i32 to vector<16xi32>
            %shift_right_arithmetic3A_1225 = arith.shrsi %iota3A, %shift_right_arithmetic3A_1224 : vector<16xi32>
            %eq3A_1226 = arith.constant 4 : i32
            %eq3A_1227 = vector.broadcast %eq3A_1226 : i32 to vector<16xi32>
            %eq3A_1228 = arith.cmpi eq, %shift_right_arithmetic3A_1225, %eq3A_1227 : vector<16xi32>
            %and3A_1229 = vector.broadcast %and3A_666 : i1 to vector<16xi1>
            %and3A_1230 = arith.andi %eq3A_1228, %and3A_1229 : vector<16xi1>
            %or3A_1231 = arith.ori %or3A_1212, %and3A_1230 : vector<16xi1>
            %eq3A_1232 = arith.constant 10 : i32
            %eq3A_1233 = vector.broadcast %eq3A_1232 : i32 to vector<16xi32>
            %eq3A_1234 = arith.cmpi eq, %iota3A, %eq3A_1233 : vector<16xi32>
            %broadcast_in_dim3A_1235 = vector.broadcast %shift_right_arithmetic3A_106 : i32 to vector<16xi32>
            %select_n3A_1236 = arith.select %eq3A_1234, %broadcast_in_dim3A_1235, %select_n3A_1222 : vector<16xi1>, vector<16xi32>
            %eq3A_1237 = arith.constant 11 : i32
            %eq3A_1238 = vector.broadcast %eq3A_1237 : i32 to vector<16xi32>
            %eq3A_1239 = arith.cmpi eq, %iota3A, %eq3A_1238 : vector<16xi32>
            %broadcast_in_dim3A_1240 = vector.broadcast %add3A_111 : i32 to vector<16xi32>
            %select_n3A_1241 = arith.select %eq3A_1239, %broadcast_in_dim3A_1240, %select_n3A_1236 : vector<16xi1>, vector<16xi32>
            %shift_right_arithmetic3A_1242 = arith.constant 1 : i32
            %shift_right_arithmetic3A_1243 = vector.broadcast %shift_right_arithmetic3A_1242 : i32 to vector<16xi32>
            %shift_right_arithmetic3A_1244 = arith.shrsi %iota3A, %shift_right_arithmetic3A_1243 : vector<16xi32>
            %eq3A_1245 = arith.constant 5 : i32
            %eq3A_1246 = vector.broadcast %eq3A_1245 : i32 to vector<16xi32>
            %eq3A_1247 = arith.cmpi eq, %shift_right_arithmetic3A_1244, %eq3A_1246 : vector<16xi32>
            %and3A_1248 = vector.broadcast %and3A_805 : i1 to vector<16xi1>
            %and3A_1249 = arith.andi %eq3A_1247, %and3A_1248 : vector<16xi1>
            %or3A_1250 = arith.ori %or3A_1231, %and3A_1249 : vector<16xi1>
            %eq3A_1251 = arith.constant 12 : i32
            %eq3A_1252 = vector.broadcast %eq3A_1251 : i32 to vector<16xi32>
            %eq3A_1253 = arith.cmpi eq, %iota3A, %eq3A_1252 : vector<16xi32>
            %broadcast_in_dim3A_1254 = vector.broadcast %shift_right_arithmetic3A_119 : i32 to vector<16xi32>
            %select_n3A_1255 = arith.select %eq3A_1253, %broadcast_in_dim3A_1254, %select_n3A_1241 : vector<16xi1>, vector<16xi32>
            %eq3A_1256 = arith.constant 13 : i32
            %eq3A_1257 = vector.broadcast %eq3A_1256 : i32 to vector<16xi32>
            %eq3A_1258 = arith.cmpi eq, %iota3A, %eq3A_1257 : vector<16xi32>
            %broadcast_in_dim3A_1259 = vector.broadcast %add3A_124 : i32 to vector<16xi32>
            %select_n3A_1260 = arith.select %eq3A_1258, %broadcast_in_dim3A_1259, %select_n3A_1255 : vector<16xi1>, vector<16xi32>
            %shift_right_arithmetic3A_1261 = arith.constant 1 : i32
            %shift_right_arithmetic3A_1262 = vector.broadcast %shift_right_arithmetic3A_1261 : i32 to vector<16xi32>
            %shift_right_arithmetic3A_1263 = arith.shrsi %iota3A, %shift_right_arithmetic3A_1262 : vector<16xi32>
            %eq3A_1264 = arith.constant 6 : i32
            %eq3A_1265 = vector.broadcast %eq3A_1264 : i32 to vector<16xi32>
            %eq3A_1266 = arith.cmpi eq, %shift_right_arithmetic3A_1263, %eq3A_1265 : vector<16xi32>
            %and3A_1267 = vector.broadcast %and3A_959 : i1 to vector<16xi1>
            %and3A_1268 = arith.andi %eq3A_1266, %and3A_1267 : vector<16xi1>
            %or3A_1269 = arith.ori %or3A_1250, %and3A_1268 : vector<16xi1>
            %eq3A_1270 = arith.constant 14 : i32
            %eq3A_1271 = vector.broadcast %eq3A_1270 : i32 to vector<16xi32>
            %eq3A_1272 = arith.cmpi eq, %iota3A, %eq3A_1271 : vector<16xi32>
            %broadcast_in_dim3A_1273 = vector.broadcast %shift_right_arithmetic3A_132 : i32 to vector<16xi32>
            %select_n3A_1274 = arith.select %eq3A_1272, %broadcast_in_dim3A_1273, %select_n3A_1260 : vector<16xi1>, vector<16xi32>
            %eq3A_1275 = arith.constant 15 : i32
            %eq3A_1276 = vector.broadcast %eq3A_1275 : i32 to vector<16xi32>
            %eq3A_1277 = arith.cmpi eq, %iota3A, %eq3A_1276 : vector<16xi32>
            %broadcast_in_dim3A_1278 = vector.broadcast %add3A_137 : i32 to vector<16xi32>
            %select_n3A_1279 = arith.select %eq3A_1277, %broadcast_in_dim3A_1278, %select_n3A_1274 : vector<16xi1>, vector<16xi32>
            %shift_right_arithmetic3A_1280 = arith.constant 1 : i32
            %shift_right_arithmetic3A_1281 = vector.broadcast %shift_right_arithmetic3A_1280 : i32 to vector<16xi32>
            %shift_right_arithmetic3A_1282 = arith.shrsi %iota3A, %shift_right_arithmetic3A_1281 : vector<16xi32>
            %eq3A_1283 = arith.constant 7 : i32
            %eq3A_1284 = vector.broadcast %eq3A_1283 : i32 to vector<16xi32>
            %eq3A_1285 = arith.cmpi eq, %shift_right_arithmetic3A_1282, %eq3A_1284 : vector<16xi32>
            %and3A_1286 = vector.broadcast %and3A_1128 : i1 to vector<16xi1>
            %and3A_1287 = arith.andi %eq3A_1285, %and3A_1286 : vector<16xi1>
            %or3A_1288 = arith.ori %or3A_1269, %and3A_1287 : vector<16xi1>
            %gather3A_1289 = tpu.vector_load_idx %arg8[%select_n3A_1279] : memref<100064xi32, #tpu.memory_space<vmem>>[vector<16xi32>], vector<16xi32>,
            %broadcast_in_dim3A_1290 = arith.constant 0 : i32
            %broadcast_in_dim3A_1291 = vector.broadcast %broadcast_in_dim3A_1290 : i32 to vector<16xi32>
            %eq3A_1292 = vector.broadcast %shift_right_arithmetic3A_41 : i32 to vector<16xi32>
            %eq3A_1293 = arith.cmpi eq, %select_n3A_1279, %eq3A_1292 : vector<16xi32>
            %and3A_1294 = vector.broadcast %and3A_262 : i1 to vector<16xi1>
            %and3A_1295 = arith.andi %and3A_1294, %eq3A_1293 : vector<16xi1>
            %broadcast_in_dim3A_1296 = vector.broadcast %add3A_45 : i32 to vector<16xi32>
            %select_n3A_1297 = arith.select %and3A_1295, %broadcast_in_dim3A_1296, %broadcast_in_dim3A_1291 : vector<16xi1>, vector<16xi32>
            %max3A = arith.constant 0 : i32
            %max3A_1298 = vector.broadcast %max3A : i32 to vector<16xi32>
            %max3A_1299 = arith.maxsi %max3A_1298, %select_n3A_1297 : vector<16xi32>
            %eq3A_1300 = vector.broadcast %add3A_46 : i32 to vector<16xi32>
            %eq3A_1301 = arith.cmpi eq, %select_n3A_1279, %eq3A_1300 : vector<16xi32>
            %and3A_1302 = vector.broadcast %and3A_262 : i1 to vector<16xi1>
            %and3A_1303 = arith.andi %and3A_1302, %eq3A_1301 : vector<16xi1>
            %broadcast_in_dim3A_1304 = vector.broadcast %add3A_45 : i32 to vector<16xi32>
            %select_n3A_1305 = arith.select %and3A_1303, %broadcast_in_dim3A_1304, %broadcast_in_dim3A_1291 : vector<16xi1>, vector<16xi32>
            %max3A_1306 = arith.constant 0 : i32
            %max3A_1307 = vector.broadcast %max3A_1306 : i32 to vector<16xi32>
            %max3A_1308 = arith.maxsi %max3A_1307, %select_n3A_1305 : vector<16xi32>
            %eq3A_1309 = vector.broadcast %shift_right_arithmetic3A_54 : i32 to vector<16xi32>
            %eq3A_1310 = arith.cmpi eq, %select_n3A_1279, %eq3A_1309 : vector<16xi32>
            %and3A_1311 = vector.broadcast %and3A_339 : i1 to vector<16xi1>
            %and3A_1312 = arith.andi %and3A_1311, %eq3A_1310 : vector<16xi1>
            %broadcast_in_dim3A_1313 = vector.broadcast %add3A_58 : i32 to vector<16xi32>
            %select_n3A_1314 = arith.select %and3A_1312, %broadcast_in_dim3A_1313, %broadcast_in_dim3A_1291 : vector<16xi1>, vector<16xi32>
            %max3A_1315 = arith.maxsi %max3A_1299, %select_n3A_1314 : vector<16xi32>
            %eq3A_1316 = vector.broadcast %add3A_59 : i32 to vector<16xi32>
            %eq3A_1317 = arith.cmpi eq, %select_n3A_1279, %eq3A_1316 : vector<16xi32>
            %and3A_1318 = vector.broadcast %and3A_339 : i1 to vector<16xi1>
            %and3A_1319 = arith.andi %and3A_1318, %eq3A_1317 : vector<16xi1>
            %broadcast_in_dim3A_1320 = vector.broadcast %add3A_58 : i32 to vector<16xi32>
            %select_n3A_1321 = arith.select %and3A_1319, %broadcast_in_dim3A_1320, %broadcast_in_dim3A_1291 : vector<16xi1>, vector<16xi32>
            %max3A_1322 = arith.maxsi %max3A_1308, %select_n3A_1321 : vector<16xi32>
            %eq3A_1323 = vector.broadcast %shift_right_arithmetic3A_67 : i32 to vector<16xi32>
            %eq3A_1324 = arith.cmpi eq, %select_n3A_1279, %eq3A_1323 : vector<16xi32>
            %and3A_1325 = vector.broadcast %and3A_433 : i1 to vector<16xi1>
            %and3A_1326 = arith.andi %and3A_1325, %eq3A_1324 : vector<16xi1>
            %broadcast_in_dim3A_1327 = vector.broadcast %add3A_71 : i32 to vector<16xi32>
            %select_n3A_1328 = arith.select %and3A_1326, %broadcast_in_dim3A_1327, %broadcast_in_dim3A_1291 : vector<16xi1>, vector<16xi32>
            %max3A_1329 = arith.maxsi %max3A_1315, %select_n3A_1328 : vector<16xi32>
            %eq3A_1330 = vector.broadcast %add3A_72 : i32 to vector<16xi32>
            %eq3A_1331 = arith.cmpi eq, %select_n3A_1279, %eq3A_1330 : vector<16xi32>
            %and3A_1332 = vector.broadcast %and3A_433 : i1 to vector<16xi1>
            %and3A_1333 = arith.andi %and3A_1332, %eq3A_1331 : vector<16xi1>
            %broadcast_in_dim3A_1334 = vector.broadcast %add3A_71 : i32 to vector<16xi32>
            %select_n3A_1335 = arith.select %and3A_1333, %broadcast_in_dim3A_1334, %broadcast_in_dim3A_1291 : vector<16xi1>, vector<16xi32>
            %max3A_1336 = arith.maxsi %max3A_1322, %select_n3A_1335 : vector<16xi32>
            %eq3A_1337 = vector.broadcast %shift_right_arithmetic3A_80 : i32 to vector<16xi32>
            %eq3A_1338 = arith.cmpi eq, %select_n3A_1279, %eq3A_1337 : vector<16xi32>
            %and3A_1339 = vector.broadcast %and3A_542 : i1 to vector<16xi1>
            %and3A_1340 = arith.andi %and3A_1339, %eq3A_1338 : vector<16xi1>
            %broadcast_in_dim3A_1341 = vector.broadcast %add3A_84 : i32 to vector<16xi32>
            %select_n3A_1342 = arith.select %and3A_1340, %broadcast_in_dim3A_1341, %broadcast_in_dim3A_1291 : vector<16xi1>, vector<16xi32>
            %max3A_1343 = arith.maxsi %max3A_1329, %select_n3A_1342 : vector<16xi32>
            %eq3A_1344 = vector.broadcast %add3A_85 : i32 to vector<16xi32>
            %eq3A_1345 = arith.cmpi eq, %select_n3A_1279, %eq3A_1344 : vector<16xi32>
            %and3A_1346 = vector.broadcast %and3A_542 : i1 to vector<16xi1>
            %and3A_1347 = arith.andi %and3A_1346, %eq3A_1345 : vector<16xi1>
            %broadcast_in_dim3A_1348 = vector.broadcast %add3A_84 : i32 to vector<16xi32>
            %select_n3A_1349 = arith.select %and3A_1347, %broadcast_in_dim3A_1348, %broadcast_in_dim3A_1291 : vector<16xi1>, vector<16xi32>
            %max3A_1350 = arith.maxsi %max3A_1336, %select_n3A_1349 : vector<16xi32>
            %eq3A_1351 = vector.broadcast %shift_right_arithmetic3A_93 : i32 to vector<16xi32>
            %eq3A_1352 = arith.cmpi eq, %select_n3A_1279, %eq3A_1351 : vector<16xi32>
            %and3A_1353 = vector.broadcast %and3A_666 : i1 to vector<16xi1>
            %and3A_1354 = arith.andi %and3A_1353, %eq3A_1352 : vector<16xi1>
            %broadcast_in_dim3A_1355 = vector.broadcast %add3A_97 : i32 to vector<16xi32>
            %select_n3A_1356 = arith.select %and3A_1354, %broadcast_in_dim3A_1355, %broadcast_in_dim3A_1291 : vector<16xi1>, vector<16xi32>
            %max3A_1357 = arith.maxsi %max3A_1343, %select_n3A_1356 : vector<16xi32>
            %eq3A_1358 = vector.broadcast %add3A_98 : i32 to vector<16xi32>
            %eq3A_1359 = arith.cmpi eq, %select_n3A_1279, %eq3A_1358 : vector<16xi32>
            %and3A_1360 = vector.broadcast %and3A_666 : i1 to vector<16xi1>
            %and3A_1361 = arith.andi %and3A_1360, %eq3A_1359 : vector<16xi1>
            %broadcast_in_dim3A_1362 = vector.broadcast %add3A_97 : i32 to vector<16xi32>
            %select_n3A_1363 = arith.select %and3A_1361, %broadcast_in_dim3A_1362, %broadcast_in_dim3A_1291 : vector<16xi1>, vector<16xi32>
            %max3A_1364 = arith.maxsi %max3A_1350, %select_n3A_1363 : vector<16xi32>
            %eq3A_1365 = vector.broadcast %shift_right_arithmetic3A_106 : i32 to vector<16xi32>
            %eq3A_1366 = arith.cmpi eq, %select_n3A_1279, %eq3A_1365 : vector<16xi32>
            %and3A_1367 = vector.broadcast %and3A_805 : i1 to vector<16xi1>
            %and3A_1368 = arith.andi %and3A_1367, %eq3A_1366 : vector<16xi1>
            %broadcast_in_dim3A_1369 = vector.broadcast %add3A_110 : i32 to vector<16xi32>
            %select_n3A_1370 = arith.select %and3A_1368, %broadcast_in_dim3A_1369, %broadcast_in_dim3A_1291 : vector<16xi1>, vector<16xi32>
            %max3A_1371 = arith.maxsi %max3A_1357, %select_n3A_1370 : vector<16xi32>
            %eq3A_1372 = vector.broadcast %add3A_111 : i32 to vector<16xi32>
            %eq3A_1373 = arith.cmpi eq, %select_n3A_1279, %eq3A_1372 : vector<16xi32>
            %and3A_1374 = vector.broadcast %and3A_805 : i1 to vector<16xi1>
            %and3A_1375 = arith.andi %and3A_1374, %eq3A_1373 : vector<16xi1>
            %broadcast_in_dim3A_1376 = vector.broadcast %add3A_110 : i32 to vector<16xi32>
            %select_n3A_1377 = arith.select %and3A_1375, %broadcast_in_dim3A_1376, %broadcast_in_dim3A_1291 : vector<16xi1>, vector<16xi32>
            %max3A_1378 = arith.maxsi %max3A_1364, %select_n3A_1377 : vector<16xi32>
            %eq3A_1379 = vector.broadcast %shift_right_arithmetic3A_119 : i32 to vector<16xi32>
            %eq3A_1380 = arith.cmpi eq, %select_n3A_1279, %eq3A_1379 : vector<16xi32>
            %and3A_1381 = vector.broadcast %and3A_959 : i1 to vector<16xi1>
            %and3A_1382 = arith.andi %and3A_1381, %eq3A_1380 : vector<16xi1>
            %broadcast_in_dim3A_1383 = vector.broadcast %add3A_123 : i32 to vector<16xi32>
            %select_n3A_1384 = arith.select %and3A_1382, %broadcast_in_dim3A_1383, %broadcast_in_dim3A_1291 : vector<16xi1>, vector<16xi32>
            %max3A_1385 = arith.maxsi %max3A_1371, %select_n3A_1384 : vector<16xi32>
            %eq3A_1386 = vector.broadcast %add3A_124 : i32 to vector<16xi32>
            %eq3A_1387 = arith.cmpi eq, %select_n3A_1279, %eq3A_1386 : vector<16xi32>
            %and3A_1388 = vector.broadcast %and3A_959 : i1 to vector<16xi1>
            %and3A_1389 = arith.andi %and3A_1388, %eq3A_1387 : vector<16xi1>
            %broadcast_in_dim3A_1390 = vector.broadcast %add3A_123 : i32 to vector<16xi32>
            %select_n3A_1391 = arith.select %and3A_1389, %broadcast_in_dim3A_1390, %broadcast_in_dim3A_1291 : vector<16xi1>, vector<16xi32>
            %max3A_1392 = arith.maxsi %max3A_1378, %select_n3A_1391 : vector<16xi32>
            %eq3A_1393 = vector.broadcast %shift_right_arithmetic3A_132 : i32 to vector<16xi32>
            %eq3A_1394 = arith.cmpi eq, %select_n3A_1279, %eq3A_1393 : vector<16xi32>
            %and3A_1395 = vector.broadcast %and3A_1128 : i1 to vector<16xi1>
            %and3A_1396 = arith.andi %and3A_1395, %eq3A_1394 : vector<16xi1>
            %broadcast_in_dim3A_1397 = vector.broadcast %add3A_136 : i32 to vector<16xi32>
            %select_n3A_1398 = arith.select %and3A_1396, %broadcast_in_dim3A_1397, %broadcast_in_dim3A_1291 : vector<16xi1>, vector<16xi32>
            %max3A_1399 = arith.maxsi %max3A_1385, %select_n3A_1398 : vector<16xi32>
            %eq3A_1400 = vector.broadcast %add3A_137 : i32 to vector<16xi32>
            %eq3A_1401 = arith.cmpi eq, %select_n3A_1279, %eq3A_1400 : vector<16xi32>
            %and3A_1402 = vector.broadcast %and3A_1128 : i1 to vector<16xi1>
            %and3A_1403 = arith.andi %and3A_1402, %eq3A_1401 : vector<16xi1>
            %broadcast_in_dim3A_1404 = vector.broadcast %add3A_136 : i32 to vector<16xi32>
            %select_n3A_1405 = arith.select %and3A_1403, %broadcast_in_dim3A_1404, %broadcast_in_dim3A_1291 : vector<16xi1>, vector<16xi32>
            %max3A_1406 = arith.maxsi %max3A_1392, %select_n3A_1405 : vector<16xi32>
            %shift_right_arithmetic3A_1407 = arith.constant 5 : i32
            %shift_right_arithmetic3A_1408 = vector.broadcast %shift_right_arithmetic3A_1407 : i32 to vector<16xi32>
            %shift_right_arithmetic3A_1409 = arith.shrsi %gather3A_1289, %shift_right_arithmetic3A_1408 : vector<16xi32>
            %max3A_1410 = arith.maxsi %shift_right_arithmetic3A_1409, %max3A_1399 : vector<16xi32>
            %shift_left3A = arith.constant 5 : i32
            %shift_left3A_1411 = vector.broadcast %shift_left3A : i32 to vector<16xi32>
            %shift_left3A_1412 = arith.shli %max3A_1410, %shift_left3A_1411 : vector<16xi32>
            %and3A_1413 = arith.constant 31 : i32
            %and3A_1414 = vector.broadcast %and3A_1413 : i32 to vector<16xi32>
            %and3A_1415 = arith.andi %gather3A_1289, %and3A_1414 : vector<16xi32>
            %max3A_1416 = arith.maxsi %and3A_1415, %max3A_1406 : vector<16xi32>
            %or3A_1417 = arith.ori %shift_left3A_1412, %max3A_1416 : vector<16xi32>
            tpu.vector_store_idx %arg8[%select_n3A_1279], %or3A_1417 masked %or3A_1288 : memref<100064xi32, #tpu.memory_space<vmem>>[vector<16xi32>], vector<16xi32>, vector<16xi1>
            %broadcast_in_dim3A_1418 = arith.constant 0 : i32
            %broadcast_in_dim3A_1419 = vector.broadcast %broadcast_in_dim3A_1418 : i32 to vector<16xi32>
            %broadcast_in_dim3A_1420 = arith.constant false
            %broadcast_in_dim3A_1421 = vector.broadcast %broadcast_in_dim3A_1420 : i1 to vector<16xi1>
            %eq3A_1422 = arith.constant 0 : i32
            %eq3A_1423 = vector.broadcast %eq3A_1422 : i32 to vector<16xi32>
            %eq3A_1424 = arith.cmpi eq, %iota3A, %eq3A_1423 : vector<16xi32>
            %broadcast_in_dim3A_1425 = vector.broadcast %while3A_34 : i32 to vector<16xi32>
            %select_n3A_1426 = arith.select %eq3A_1424, %broadcast_in_dim3A_1425, %broadcast_in_dim3A_1419 : vector<16xi1>, vector<16xi32>
            %eq3A_1427 = arith.constant 0 : i32
            %eq3A_1428 = vector.broadcast %eq3A_1427 : i32 to vector<16xi32>
            %eq3A_1429 = arith.cmpi eq, %iota3A, %eq3A_1428 : vector<16xi32>
            %and3A_1430 = vector.broadcast %and3A_262 : i1 to vector<16xi1>
            %and3A_1431 = arith.andi %eq3A_1429, %and3A_1430 : vector<16xi1>
            %or3A_1432 = arith.ori %broadcast_in_dim3A_1421, %and3A_1431 : vector<16xi1>
            %eq3A_1433 = arith.constant 1 : i32
            %eq3A_1434 = vector.broadcast %eq3A_1433 : i32 to vector<16xi32>
            %eq3A_1435 = arith.cmpi eq, %iota3A, %eq3A_1434 : vector<16xi32>
            %broadcast_in_dim3A_1436 = vector.broadcast %add3A_264 : i32 to vector<16xi32>
            %select_n3A_1437 = arith.select %eq3A_1435, %broadcast_in_dim3A_1436, %select_n3A_1426 : vector<16xi1>, vector<16xi32>
            %eq3A_1438 = arith.constant 1 : i32
            %eq3A_1439 = vector.broadcast %eq3A_1438 : i32 to vector<16xi32>
            %eq3A_1440 = arith.cmpi eq, %iota3A, %eq3A_1439 : vector<16xi32>
            %and3A_1441 = vector.broadcast %and3A_339 : i1 to vector<16xi1>
            %and3A_1442 = arith.andi %eq3A_1440, %and3A_1441 : vector<16xi1>
            %or3A_1443 = arith.ori %or3A_1432, %and3A_1442 : vector<16xi1>
            %eq3A_1444 = arith.constant 2 : i32
            %eq3A_1445 = vector.broadcast %eq3A_1444 : i32 to vector<16xi32>
            %eq3A_1446 = arith.cmpi eq, %iota3A, %eq3A_1445 : vector<16xi32>
            %broadcast_in_dim3A_1447 = vector.broadcast %add3A_343 : i32 to vector<16xi32>
            %select_n3A_1448 = arith.select %eq3A_1446, %broadcast_in_dim3A_1447, %select_n3A_1437 : vector<16xi1>, vector<16xi32>
            %eq3A_1449 = arith.constant 2 : i32
            %eq3A_1450 = vector.broadcast %eq3A_1449 : i32 to vector<16xi32>
            %eq3A_1451 = arith.cmpi eq, %iota3A, %eq3A_1450 : vector<16xi32>
            %and3A_1452 = vector.broadcast %and3A_433 : i1 to vector<16xi1>
            %and3A_1453 = arith.andi %eq3A_1451, %and3A_1452 : vector<16xi1>
            %or3A_1454 = arith.ori %or3A_1443, %and3A_1453 : vector<16xi1>
            %eq3A_1455 = arith.constant 3 : i32
            %eq3A_1456 = vector.broadcast %eq3A_1455 : i32 to vector<16xi32>
            %eq3A_1457 = arith.cmpi eq, %iota3A, %eq3A_1456 : vector<16xi32>
            %broadcast_in_dim3A_1458 = vector.broadcast %add3A_437 : i32 to vector<16xi32>
            %select_n3A_1459 = arith.select %eq3A_1457, %broadcast_in_dim3A_1458, %select_n3A_1448 : vector<16xi1>, vector<16xi32>
            %eq3A_1460 = arith.constant 3 : i32
            %eq3A_1461 = vector.broadcast %eq3A_1460 : i32 to vector<16xi32>
            %eq3A_1462 = arith.cmpi eq, %iota3A, %eq3A_1461 : vector<16xi32>
            %and3A_1463 = vector.broadcast %and3A_542 : i1 to vector<16xi1>
            %and3A_1464 = arith.andi %eq3A_1462, %and3A_1463 : vector<16xi1>
            %or3A_1465 = arith.ori %or3A_1454, %and3A_1464 : vector<16xi1>
            %eq3A_1466 = arith.constant 4 : i32
            %eq3A_1467 = vector.broadcast %eq3A_1466 : i32 to vector<16xi32>
            %eq3A_1468 = arith.cmpi eq, %iota3A, %eq3A_1467 : vector<16xi32>
            %broadcast_in_dim3A_1469 = vector.broadcast %add3A_546 : i32 to vector<16xi32>
            %select_n3A_1470 = arith.select %eq3A_1468, %broadcast_in_dim3A_1469, %select_n3A_1459 : vector<16xi1>, vector<16xi32>
            %eq3A_1471 = arith.constant 4 : i32
            %eq3A_1472 = vector.broadcast %eq3A_1471 : i32 to vector<16xi32>
            %eq3A_1473 = arith.cmpi eq, %iota3A, %eq3A_1472 : vector<16xi32>
            %and3A_1474 = vector.broadcast %and3A_666 : i1 to vector<16xi1>
            %and3A_1475 = arith.andi %eq3A_1473, %and3A_1474 : vector<16xi1>
            %or3A_1476 = arith.ori %or3A_1465, %and3A_1475 : vector<16xi1>
            %eq3A_1477 = arith.constant 5 : i32
            %eq3A_1478 = vector.broadcast %eq3A_1477 : i32 to vector<16xi32>
            %eq3A_1479 = arith.cmpi eq, %iota3A, %eq3A_1478 : vector<16xi32>
            %broadcast_in_dim3A_1480 = vector.broadcast %add3A_670 : i32 to vector<16xi32>
            %select_n3A_1481 = arith.select %eq3A_1479, %broadcast_in_dim3A_1480, %select_n3A_1470 : vector<16xi1>, vector<16xi32>
            %eq3A_1482 = arith.constant 5 : i32
            %eq3A_1483 = vector.broadcast %eq3A_1482 : i32 to vector<16xi32>
            %eq3A_1484 = arith.cmpi eq, %iota3A, %eq3A_1483 : vector<16xi32>
            %and3A_1485 = vector.broadcast %and3A_805 : i1 to vector<16xi1>
            %and3A_1486 = arith.andi %eq3A_1484, %and3A_1485 : vector<16xi1>
            %or3A_1487 = arith.ori %or3A_1476, %and3A_1486 : vector<16xi1>
            %eq3A_1488 = arith.constant 6 : i32
            %eq3A_1489 = vector.broadcast %eq3A_1488 : i32 to vector<16xi32>
            %eq3A_1490 = arith.cmpi eq, %iota3A, %eq3A_1489 : vector<16xi32>
            %broadcast_in_dim3A_1491 = vector.broadcast %add3A_809 : i32 to vector<16xi32>
            %select_n3A_1492 = arith.select %eq3A_1490, %broadcast_in_dim3A_1491, %select_n3A_1481 : vector<16xi1>, vector<16xi32>
            %eq3A_1493 = arith.constant 6 : i32
            %eq3A_1494 = vector.broadcast %eq3A_1493 : i32 to vector<16xi32>
            %eq3A_1495 = arith.cmpi eq, %iota3A, %eq3A_1494 : vector<16xi32>
            %and3A_1496 = vector.broadcast %and3A_959 : i1 to vector<16xi1>
            %and3A_1497 = arith.andi %eq3A_1495, %and3A_1496 : vector<16xi1>
            %or3A_1498 = arith.ori %or3A_1487, %and3A_1497 : vector<16xi1>
            %eq3A_1499 = arith.constant 7 : i32
            %eq3A_1500 = vector.broadcast %eq3A_1499 : i32 to vector<16xi32>
            %eq3A_1501 = arith.cmpi eq, %iota3A, %eq3A_1500 : vector<16xi32>
            %broadcast_in_dim3A_1502 = vector.broadcast %add3A_963 : i32 to vector<16xi32>
            %select_n3A_1503 = arith.select %eq3A_1501, %broadcast_in_dim3A_1502, %select_n3A_1492 : vector<16xi1>, vector<16xi32>
            %eq3A_1504 = arith.constant 7 : i32
            %eq3A_1505 = vector.broadcast %eq3A_1504 : i32 to vector<16xi32>
            %eq3A_1506 = arith.cmpi eq, %iota3A, %eq3A_1505 : vector<16xi32>
            %and3A_1507 = vector.broadcast %and3A_1128 : i1 to vector<16xi1>
            %and3A_1508 = arith.andi %eq3A_1506, %and3A_1507 : vector<16xi1>
            %or3A_1509 = arith.ori %or3A_1498, %and3A_1508 : vector<16xi1>
            %min3A = arith.constant 7 : i32
            %min3A_1510 = vector.broadcast %min3A : i32 to vector<16xi32>
            %min3A_1511 = arith.minsi %iota3A, %min3A_1510 : vector<16xi32>
            %add3A_1512 = vector.broadcast %mul3A_36 : i32 to vector<16xi32>
            %add3A_1513 = arith.addi %add3A_1512, %min3A_1511 : vector<16xi32>
            tpu.vector_store_idx %arg9[%select_n3A_1503], %add3A_1513 masked %or3A_1509 : memref<4000xi32, #tpu.memory_space<vmem>>[vector<16xi32>], vector<16xi32>, vector<16xi1>
            scf.yield %add3A_1132 : i32
          }
          scf.yield %while3A_32 : i32
        } else {
          scf.yield %scan3A_14 : i32
        }
        scf.yield %cond3A_18 : i32
      }
      %scan3A_12 = arith.constant 50 : i32
      "tpu.region"() ({
        %run_scoped3A = tpu.sem_alloc : memref<!tpu.dma_semaphore, #tpu.memory_space<semaphore_mem>>
        tpu.enqueue_dma source(%arg9 : memref<4000xi32, #tpu.memory_space<vmem>>) target(%arg6 : memref<4000xi32, #tpu.memory_space<hbm>>) target_semaphore(%run_scoped3A : memref<!tpu.dma_semaphore, #tpu.memory_space<semaphore_mem>>)
        tpu.wait_dma2 semaphore(%run_scoped3A : memref<!tpu.dma_semaphore, #tpu.memory_space<semaphore_mem>>) src(%arg9 : memref<4000xi32, #tpu.memory_space<vmem>>) dst(%arg6 : memref<4000xi32, #tpu.memory_space<hbm>>)
        tpu.yield
      }) : () -> ()
    } else {
    }
    return
  }
}

</mosaic_0001>

<sc_bundles>
// kernel: gather_offload_async_start.1
scs
__scs_entry_jumppad:
0x0: {  	(pc) =	sbr.rel $0x88, $3  }
0x1: {  	(tag) =	ssettag $0x0;
	lr =	simm.s32 $0x1  }
0x2: {  	[smem:$0x3F9D] =	sst lr;
	_ =	strace $0xD0000000  }
0x3: {  	_ = 	snop  }
0x4: {  	_ = 	snop  }
0x5: {  	_ = 	snop  }
0x6: {  	_ = 	snop  }
0x7: {  	_ = 	snop  }
__scs_overlays_trampoline_lowered:
0x8: {  	[smem:$0x3FAC] =	sst s0  }
0x9: {  	[smem:$0x3FAD] =	sst s1  }
0xa: {  	[smem:$0x3FAE] =	sst s2  }
0xb: {  	[smem:$0x3FAF] =	sst s3  }
0xc: {  	[smem:$0x3FB0] =	sst s4  }
0xd: {  	[smem:$0x3FB1] =	sst s5  }
0xe: {  	[smem:$0x3FB2] =	sst s6  }
0xf: {  	[smem:$0x3FB3] =	sst s7  }
0x10: {  	[smem:$0x3FB4] =	sst s8  }
0x11: {  	[smem:$0x3FB5] =	sst s9;
	s0 =	simm.s32 @!p0 $0x0  }
0x12: {  	s1 =	sld [smem:$0x3F9B];
	s0 =	simm.s32 @p0 $0x1  }
0x13: {  	[smem:$0x3FB6] =	sst s0;
	s0 =	simm.s32 @!p1 $0x0  }
0x14: {  	s2 =	sld [smem:$0x3F9A];
	s0 =	simm.s32 @p1 $0x1  }
0x15: {  	[smem:$0x3FB7] =	sst s0;
	s0 =	simm.s32 @!p2 $0x0  }
0x16: {  	s3 =	sld [smem:$0x3FDB];
	s0 =	simm.s32 @p2 $0x1  }
0x17: {  	s4 =	simm.s32 $0x1BF5;
	[smem:$0x3FB9] =	sst s0  }
0x18: {  	s0 =	sld [smem:$0x3F9C];
	_ =	swait.ge [sflag:s4], $0x0  }
0x19: {  	s7 =	sld [smem:$0x3F9D]  }
0x1a: {  	s8 =	sadd.s32 $0xFFFFE003, lr  }
0x1b: {  	s9 =	sadd.s32 $0xFFFFFEF7, lr;
	s5 =	simm.s32 $0xFFFFFFFF;
	p2 =	slt.u32 s8, $0xFFFFF086  }
0x1c: {  	p1 =	slt.u32 s9, $0xF7A;
	s5 =	simm.s32 @!p2 $0x0  }
0x1d: {  	s5 =	simm.s32 @p1 $0x1;
	p0 =	seq.s32 s7, s2  }
0x1e: {  	s7 =	smul.u32 @!p0 $0xF7A, s2;
	p2 =	seq.s32 @!p0 s5, $0x0  }
0x1f: {  	s9 =	smul.u32 $0xF7A, s1;
	s8 =	simm.s32 @!p0 $0x1BF5;
	p2 =	por !p2, p0  }
0x20: {  	[sflag:s8] =	ssyncset.s32 @!p0 $0xFFFFF086;
	s6 =	sadd.s32 @!p0 s3, s7;
	s7 =	simm.s32 @!p0 $0x108  }
0x21: {  	s3 =	sadd.s32 s3, s9;
	s6 =	sadd.s32 @!p0 $0x88, s6;
	s7 =	simm.s32 @p2 $0x1082  }
0x22: {  	[simem:s7], [sflag:s8] =	dma.local @!p0 [hbm:s6], $0xF7A  }
0x23: {  	s9 =	sor.u32 $0xD0000000, s2;
	s6 =	simm.s32 $0x108;
	_ =	swait.ge @!p0 [sflag:s8], $0x0  }
0x24: {  	s3 =	sadd.s32 $0x88, s3;
	s6 =	simm.s32 @!p1 $0x1082;
	[sflag:s4] =	ssyncset.s32 $0xFFFFF086  }
0x25: {  	[simem:s6], [sflag:s4] =	dma.local [hbm:s3], $0xF7A  }
0x26: {  	[smem:$0x3F9D] =	sst s1;
	(tag) =	ssettag s2;
	_ =	strace s9  }
0x27: {  	s1 =	sld [smem:$0x3FAD]  }
0x28: {  	s2 =	sld [smem:$0x3FAE]  }
0x29: {  	s4 =	sld [smem:$0x3FB0]  }
0x2a: {  	p0 =	seq.s32 s5, $0x0;
	s5 =	sld [smem:$0x3FB1]  }
0x2b: {  	s6 =	sld [smem:$0x3FB2]  }
0x2c: {  	s7 =	sld [smem:$0x3FB3]  }
0x2d: {  	s3 =	simm.s32 $0x108;
	s8 =	sld [smem:$0x3FB4]  }
0x2e: {  	s3 =	simm.s32 @!p0 $0x1082;
	s9 =	sld [smem:$0x3FB5]  }
0x2f: {  	lr =	sadd.s32 s0, s3;
	s0 =	sld [smem:$0x3FAC]  }
0x30: {  	s3 =	sld [smem:$0x3FAF]  }
0x31: {  	[smem:$0x3FB8] =	sst s10  }
0x32: {  	s10 =	sld [smem:$0x3FB6];
	_ =	sdelay $0x3  }
0x33: {  	p0 =	seq.s32 s10, $0x1;
	s10 =	sld [smem:$0x3FB8];
	_ =	sdelay $0x3  }
0x34: {  	[smem:$0x3FB8] =	sst s10  }
0x35: {  	s10 =	sld [smem:$0x3FB7];
	_ =	sdelay $0x3  }
0x36: {  	p1 =	seq.s32 s10, $0x1;
	s10 =	sld [smem:$0x3FB8];
	_ =	sdelay $0x3  }
0x37: {  	[smem:$0x3FB8] =	sst s10  }
0x38: {  	s10 =	sld [smem:$0x3FB9]  }
0x39: {  	_ = 	snop;
	(pc) =	sbr.ind lr, $3  }
0x3a: {  	_ = 	snop  }
0x3b: {  	_ = 	snop  }
0x3c: {  	p2 =	seq.s32 s10, $0x1;
	s10 =	sld [smem:$0x3FB8]  }
0x3d: {  	_ =	shalt  }
0x3e: {  	_ =	shalt  }
0x3f: {  	_ =	shalt  }
0x40: {  	_ =	shalt  }
0x41: {  	_ =	shalt  }
0x42: {  	_ =	shalt  }
0x43: {  	_ =	shalt  }
0x44: {  	_ =	shalt  }
0x45: {  	_ =	shalt  }
0x46: {  	_ =	shalt  }
0x47: {  	_ =	shalt  }
0x48: {  	_ =	shalt  }
0x49: {  	_ =	shalt  }
0x4a: {  	_ =	shalt  }
0x4b: {  	_ =	shalt  }
0x4c: {  	_ =	shalt  }
0x4d: {  	_ =	shalt  }
0x4e: {  	_ =	shalt  }
0x4f: {  	_ =	shalt  }
0x50: {  	_ =	shalt  }
0x51: {  	_ =	shalt  }
0x52: {  	_ =	shalt  }
0x53: {  	_ =	shalt  }
0x54: {  	_ =	shalt  }
0x55: {  	_ =	shalt  }
0x56: {  	_ =	shalt  }
0x57: {  	_ =	shalt  }
0x58: {  	_ =	shalt  }
0x59: {  	_ =	shalt  }
0x5a: {  	_ =	shalt  }
0x5b: {  	_ =	shalt  }
0x5c: {  	_ =	shalt  }
0x5d: {  	_ =	shalt  }
0x5e: {  	_ =	shalt  }
0x5f: {  	_ =	shalt  }
0x60: {  	_ =	shalt  }
0x61: {  	_ =	shalt  }
0x62: {  	_ =	shalt  }
0x63: {  	_ =	shalt  }
0x64: {  	_ =	shalt  }
0x65: {  	_ =	shalt  }
0x66: {  	_ =	shalt  }
0x67: {  	_ =	shalt  }
0x68: {  	_ =	shalt  }
0x69: {  	_ =	shalt  }
0x6a: {  	_ =	shalt  }
0x6b: {  	_ =	shalt  }
0x6c: {  	_ =	shalt  }
0x6d: {  	_ =	shalt  }
0x6e: {  	_ =	shalt  }
0x6f: {  	_ =	shalt  }
0x70: {  	_ =	shalt  }
0x71: {  	_ =	shalt  }
0x72: {  	_ =	shalt  }
0x73: {  	_ =	shalt  }
0x74: {  	_ =	shalt  }
0x75: {  	_ =	shalt  }
0x76: {  	_ =	shalt  }
0x77: {  	_ =	shalt  }
0x78: {  	_ =	shalt  }
0x79: {  	_ =	shalt  }
0x7a: {  	_ =	shalt  }
0x7b: {  	_ =	shalt  }
0x7c: {  	_ =	shalt  }
0x7d: {  	_ =	shalt  }
0x7e: {  	_ =	shalt  }
0x7f: {  	_ =	shalt  }
0x80: {  	_ =	shalt  }
0x81: {  	_ =	shalt  }
0x82: {  	_ =	shalt  }
0x83: {  	_ =	shalt  }
0x84: {  	_ =	shalt  }
0x85: {  	_ =	shalt  }
0x86: {  	_ =	shalt  }
0x87: {  	_ =	shalt  }
.Lfunc_end0:
.L_simem_size_0:
called_computation.1_lowered:
.L_overlay_start_0:
0x88: {  	s2 =	sld [smem:$0x3FD9]  }
0x89: {  	s3 =	sld [smem:$0x3FFE];
	_ =	sdelay $0x1  }
0x8a: {  	s1 =	srdreg.scid  }
0x8b: {  	s0 =	sand.u32 $0x1, s1  }
0x8c: {  	s17 =	sshll.u32 s0, $0xA;
	s2 =	sadd.s32 s3, s2  }
0x8d: {  	s2 =	sadd.s32 s2, s17  }
0x8e: {  	[smem:$0x3FC4] =	sst s2  }
0x8f: {  	_ = 	snop  }
0x90: {  	s18 =	sld [smem:$0x3FC8];
	(tm) =	ssettm $0x1  }
0x91: {  	s19 =	sld [smem:$0x3FFB];
	_ =	sdelay $0x3  }
0x92: {  	_ =	strace s19  }
0x93: {  	s2 =	sld [smem:$0x3FFC];
	_ =	sdelay $0x3  }
0x94: {  	_ =	strace s2  }
0x95: {  	s2 =	sld [smem:$0x3FFD];
	_ =	sdelay $0x3  }
0x96: {  	_ =	strace s2  }
0x97: {  	_ =	strace $0x8FFFFFFF  }
0x98: {  	s20 =	sld [smem:$0x3FDB];
	_ =	sdelay $0x1  }
0x99: {  	s4 =	simm.s32 $_scs_section_size  }
0x9a: {  	s5 =	simm.s32 $_size__tile_overlayer_lowered;
	s6 =	simm.s32 $_tile_overlayer_lowered  }
0x9b: {  	s7 =	simm.s32 $0x1BFF;
	s21 =	sshll.u32 s6, $0x1;
	s4 =	sadd.s32 s4, s20  }
0x9c: {  	s22 =	simm.s32 $0x0;
	s5 =	sshll.u32 s5, $0x1;
	s6 =	sadd.s32 s21, s4  }
0x9d: {  	[timem:s22], [sflag:s7] =	dma.local [hbm:s6], s5  }
0x9e: {  	_ =	swait.ge [sflag:s7], s5  }
0x9f: {  	s5 =	ssub.s32 $0x0, s5;
	[sflag:s7] =	ssyncset.done $0x0  }
0xa0: {  	[sflag:s7] =	ssyncadd.s32 s5;
	_ =	sdelay $0x1  }
0xa1: {  	s23 =	simm.s32 $0x1B8B  }
0xa2: {  	_ =	swait.ge [sflag:s23], $0x1  }
0xa3: {  	[sflag:s23] =	ssyncset.done $0x0  }
0xa4: {  	[sflag:s23] =	ssyncadd.s32 $0xFFFFFFFF  }
0xa5: {  	s5 =	sld [smem:$0x0]  }
0xa6: {  	s6 =	sand.u32 $0xFFFFFFFE, s1  }
0xa7: {  	p0 =	sne.s32 s1, s6  }
0xa8: {  	s6 =	sshll.u32 @p0 s6, $0xE  }
0xa9: {  	s6 =	sadd.s32 @p0 $0x11B8D, s6;
	s7 =	sshll.u32 @p0 s5, $0x11  }
0xaa: {  	s6 =	sor.u32 @p0 s7, s6  }
0xab: {  	[sflag:s6] =	ssyncadd.remote.s32 @p0 $0x1;
	_ =	sdelay $0x1  }
0xac: {  	s6 =	simm.s32 @p0 $0x1B8D  }
0xad: {  	_ =	swait.eq @p0 [sflag:s6], $0x1  }
0xae: {  	[sflag:s6] =	ssyncadd.s32 @p0 $0xFFFFFFFF  }
0xaf: {  	s7 =	sshll.u32 @!p0 s1, $0xE  }
0xb0: {  	s7 =	sor.u32 @!p0 $0x4000, s7;
	s6 =	simm.s32 @!p0 $0x1B8D  }
0xb1: {  	s5 =	sshll.u32 @!p0 s5, $0x11;
	s7 =	sadd.s32 @!p0 $0x11B8D, s7;
	_ =	swait.eq @!p0 [sflag:s6], $0x1  }
0xb2: {  	s5 =	sor.u32 @!p0 s5, s7;
	[sflag:s6] =	ssyncadd.s32 @!p0 $0xFFFFFFFF  }
0xb3: {  	s25 =	simm.s32 $0x1B8E;
	s24 =	sld [smem:$0x3FFE];
	[sflag:s5] =	ssyncadd.remote.s32 @!p0 $0x1  }
0xb4: {  	s26 =	simm.s32 $execute0_lowered;
	[smem:$0x3FD2] =	sst s25  }
0xb5: {  	s6 =	sshll.u32 s26, $0x1;
	_ =	strace $0x80000049;
	[dreg:$0x1] =	wrdreg $0xFFFFFFFF  }
0xb6: {  	s28 =	simm.s32 $_size_execute0_lowered;
	s4 =	sadd.s32 s4, s6;
	[dreg:$0x0] =	wrdreg $0x0  }
0xb7: {  	s6 =	sshll.u32 s28, $0x1;
	[dreg:$0x2] =	wrdreg s4  }
0xb8: {  	[dreg:$0x3] =	wrdreg s6  }
0xb9: {  	[dreg:$0x4] =	wrdreg $0xC0  }
0xba: {  	_ =	task [dreg:s22], $0x5FFFF  }
0xbb: {  	[dreg:$0x1] =	wrdreg $0xFFFFFFFF  }
0xbc: {  	[dreg:$0x0] =	wrdreg $0x60  }
0xbd: {  	[dreg:$0x2] =	wrdreg s18  }
0xbe: {  	[dreg:$0x3] =	wrdreg s24  }
0xbf: {  	[dreg:$0x4] =	wrdreg $0xA  }
0xc0: {  	_ =	task.clear_ibuf [dreg:s22], $0x5FFFF;
	_ =	strace $0x90000049  }
0xc1: {  	s29 =	simm.s32 $0xA;
	_ =	strace $0x8000004B  }
0xc2: {  	_ =	swait.ge [sflag:s29], $0x1  }
0xc3: {  	[sflag:s29] =	ssyncadd.s32 $0xFFFFFFFF  }
0xc4: {  	_ =	strace $0x9000004B  }
0xc5: {  	_ =	sfence  }
0xc6: {  	s30 =	sld [smem:$0x0];
	_ =	sdelay $0x2  }
0xc7: {  	s31 =	sshll.u32 s1, $0xD;
	s1 =	sshrl.u32 s1, $0x2  }
0xc8: {  	s4 =	sand.u32 $0x4000, s31;
	s1 =	sadd.s32 s1, s30  }
0xc9: {  	s0 =	sor.u32 s4, s0;
	s1 =	sshll.u32 s1, $0x11  }
0xca: {  	s0 =	sor.u32 s1, s0  }
0xcb: {  	s0 =	sadd.s32 $0x8F2B, s0  }
0xcc: {  	[sflag:s0] =	ssyncadd.remote.s32 $0x1  }
0xcd: {  	_ =	sfence.sel $0xFFFF  }
0xce: {  	[dreg:$0x0] =	wrdreg $0xFFFFFFFF;
	(pc) =	sbr.abs _section_cstart, $3  }
0xcf: {  	[dreg:$0x1] =	wrdreg $0xFFFFFFFF  }
0xd0: {  	_ =	task.clear_ibuf [dreg:s22], $0x2FFFF;
	_ =	strace $0x9FFFFFFF  }
0xd1: {  	(tm) =	ssettm $0x7FFFFFFF  }
tec
execute0_lowered:
.L_overlay_start_1:
0x0: {  	(tag) =	ssettag $0x1  }
0x1: {  	s2 =	rddreg [dreg:$0x0]  }
0x2: {  	s8 =	rddreg [dreg:$0x1]  }
0x3: {  	s0 =	rddreg [dreg:$0x2];
	s1 =	stileid.u32  }
0x4: {  	s3 =	srdreg.scid;
	_ =	strace $0x8000004A;
	s4 =	simm.s32 $0x1  }
0x5: {  	s7 =	simm.s32 $0x1;
	s9 =	simm.s32 $0x1;
	s10 =	simm.s32 $0x3  }
0x6: {  	s13 =	simm.s32 $0x0;
	s5 =	sand.u32 $0x1, s3;
	s6 =	sshll.u32 s1, $0x1  }
0x7: {  	s12 =	simm.s32 $0x0;
	s3 =	sadd.s32 $0xA00, s8;
	s5 =	sor.u32 s6, s5  }
.Ltmp0:
0x8: {  	[sflag:s4] =	ssyncpa.u1 $0x0;
	p0 =	slt.u32 s5, $0x13;
	(pc) =	sbr.rel .LBB2_1-.Ltmp0, $4  }
0x9: {  	s6 =	simm.s32 $0x2;
	s7 =	simm.s32 @!p0 $0x0;
	p0 =	sne.s32 s5, $0x12  }
0xa: {  	[sflag:s6] =	ssyncpa.u1 $0x0;
	s5 =	smul.u32 $0x190, s5;
	s9 =	simm.s32 @!p0 $0x0  }
0xb: {  	s8 =	sadd.s32 $0x1E00, s8;
	[sflag:s10] =	ssyncpa.u1 $0x0;
	s7 =	sadd.s32 s9, s7  }
0xc: {  	vm0 =	vmmov $0xffff;
	s10 =	simm.s32 $0x0;
	s11 =	smov.u32 s5;
	s9 =	sadd.s32 $0x1, s7  }
.LBB2_4:
0xd: {  	v2 =	vnsel vm1, $0x0, v2  }
0xe: {  	vm1 =	vgt.s32 v0, $0x0;
	v2 =	vmin.u32 v2, $0x4E1F  }
0xf: {  	v0 =	vnsel vm1, $0x0, v0  }
0x10: {  	v0 =	vmin.u32 v0, $0x4E1F  }
0x11: {  	[tilespmem:s18], [sflag:$0x1] =	stream.indirect_vreg.gather [hbm4b:s2+s10], $0x1, v1, vm0, $0x4038;
	[tilespmem:$0x640] =	vst v63  }
0x12: {  	(ifvalue) =	ssetifvalue $0x7FFFFFFF  }
0x13: {  	[tilespmem:s15], [sflag:$0x1] =	stream.indirect_vreg.gather [hbm4b:s2+s10], $0x1, v2, vm0, $0x4038;
	[tilespmem:$0x640] =	vst v63  }
0x14: {  	s29 =	sadd.s32 $0x10, s15;
	(ifvalue) =	ssetifvalue $0x7FFFFFFF  }
0x15: {  	[tilespmem:s29], [sflag:$0x1] =	stream.indirect_vreg.gather [hbm4b:s2+s10], $0x1, v0, vm0, $0x4038;
	[tilespmem:$0x640] =	vst v63  }
0x16: {  	_ =	swait.ge [sflag:s4], $0x190  }
0x17: {  	s30 =	sshrl.u32 s13, $0x3;
	[sflag:s4] =	ssyncset.done $0x0  }
0x18: {  	s31 =	sand.u32 $0x7, s13;
	s15 =	sadd.s32 s8, s30;
	[sflag:s4] =	ssyncadd.s32 $0xFFFFFE70  }
0x19: {  	[hbm4b:s15+s31] =	stream.linear.scatter [tilespmem:s14], [sflag:$0x3], $0x190, $0x38;
	[tilespmem:$0x640] =	vst v63  }
.LBB2_5:
0x1a: {  	s15 =	sadd.s32 $0x3200, s11  }
0x1b: {  	p1 =	sgt.s32 s15, $0x4E1F  }
0x1c: {  	s15 =	smov.u32 @p1 s5;
	p1 =	sne.s32 s12, s9  }
.Ltmp1:
0x1d: {  	p0 =	slt.u32 s12, $0x2;
	(pc) =	sbr.rel @!p1 .LBB2_6-.Ltmp1, $4  }
0x1e: {  	s14 =	simm.s32 @!p0 $0x3  }
0x1f: {  	_ =	swait.ge @!p0 [sflag:s14], $0x190  }
0x20: {  	s16 =	sadd.s32 $0x1, s12;
	s13 =	smov.u32 s11;
	[sflag:s14] =	ssyncset.done @!p0 $0x0  }
0x21: {  	s12 =	smov.u32 s16;
	s11 =	smov.u32 s15;
	[sflag:s14] =	ssyncadd.s32 @!p0 $0xFFFFFE70  }
.LBB2_1:
0x22: {  	p0 =	sge.u32 s12, s7  }
0x23: {  	s14 =	sxor.u32 @!p0 $0x1, s12  }
0x24: {  	s14 =	smul.u32 @!p0 $0x640, s14  }
0x25: {  	s31 =	sadd.s32 $0xFFFFFFFF, s12;
	s15 =	sshrl.u32 @!p0 s11, $0x3  }
0x26: {  	s16 =	sand.u32 @!p0 $0x7, s11;
	s15 =	sadd.s32 @!p0 s3, s15;
	s14 =	sshra.s32 @!p0 s14, $0x2  }
0x27: {  	[tilespmem:s14], [sflag:$0x2] =	stream.linear.gather @!p0 [hbm4b:s15+s16], $0x190, $0x38;
	[tilespmem:$0x640] =	vst v63  }
0x28: {  	p0 =	sge.u32 s31, s7  }
.Ltmp2:
0x29: {  	_ = 	snop;
	(pc) =	sbr.rel @p0 .LBB2_5-.Ltmp2, $1  }
0x2a: {  	_ =	sdelay $0x3  }
0x2b: {  	s14 =	sand.u32 $0x1, s12  }
0x2c: {  	_ =	swait.ge [sflag:s6], $0x190;
	p0 =	seq.s32 s14, $0x1;
	s14 =	simm.s32 $0x190  }
0x2d: {  	[sflag:s6] =	ssyncset.done $0x0;
	s14 =	simm.s32 @!p0 $0x0  }
0x2e: {  	[sflag:s6] =	ssyncadd.s32 $0xFFFFFE70;
	(ifvalue) =	ssetifvalue $0x7FFFFFFF;
	v0 =	vld.msk [tilespmem:s14+$0x0 ss:$0x1], $0xffff;
	_ =	sdelay $0x4  }
0x2f: {  	s15 =	sadd.s32 $0x10, s14;
	vm1 =	vgt.s32 v0, $0x0  }
0x30: {  	v2 =	vld.msk [tilespmem:s15+$0x0 ss:$0x1], $0xffff;
	v1 =	vnsel vm1, $0x0, v0  }
0x31: {  	v1 =	vmin.u32 v1, $0x4E1F;
	_ =	sdelay $0x2  }
0x32: {  	s17 =	simm.s32 $0x20;
	s14 =	sadd.s32 $0x320, s14;
	s16 =	sadd.s32 $0x10, s15  }
0x33: {  	s15 =	sadd.s32 $0x10, s14;
	s18 =	smov.u32 s14;
	v0 =	vld.msk [tilespmem:s16+$0x0 ss:$0x1], $0xffff;
	vm1 =	vgt.s32 v2, $0x0;
	(ifvalue) =	ssetifvalue $0x7FFFFFFF  }
.LBB2_3:
0x34: {  	[tilespmem:s18], [sflag:$0x1] =	stream.indirect_vreg.gather [hbm4b:s2+s10], $0x1, v1, vm0, $0x4038;
	[tilespmem:$0x640] =	vst v63  }
0x35: {  	s17 =	sadd.s32 $0x10, s17  }
0x36: {  	v2 =	vnsel vm1, $0x0, v2;
	p0 =	slt.u32 s17, $0x180  }
.Ltmp3:
0x37: {  	s18 =	smov.u32 s15;
	v1 =	vmin.u32 v2, $0x4E1F;
	(pc) =	sbr.rel @p0 .LBB2_3-.Ltmp3, $3  }
0x38: {  	_ =	sdelay $0x1  }
0x39: {  	s16 =	sadd.s32 $0x10, s16  }
0x3a: {  	vm1 =	vgt.s32 v0, $0x0;
	s15 =	sadd.s32 $0x10, s15;
	v2 =	vmov v0;
	(ifvalue) =	ssetifvalue $0x7FFFFFFF;
	v0 =	vld.msk [tilespmem:s16+$0x0 ss:$0x1], $0xffff  }
.Ltmp4:
0x3b: {  	_ = 	snop;
	(pc) =	sbr.rel .LBB2_4-.Ltmp4, $1  }
0x3c: {  	_ =	sdelay $0x3  }
.LBB2_6:
0x3d: {  	_ =	sfence.sel $0x180000  }
0x3e: {  	s2 =	simm.s32 $0x2;
	[bflag:$0x0] =	sbarrier.arrive $0xFFFF  }
0x3f: {  	s30 =	simm.s32 $0x3;
	[sflag:s2] =	ssyncpa.u1 $0x1  }
0x40: {  	s31 =	simm.s32 $0x1;
	[sflag:s30] =	ssyncpa.u1 $0x1  }
0x41: {  	[sflag:s31] =	ssyncpa.u1 $0x1  }
0x42: {  	p0 =	sne.s32 s1, $0x0;
	_ =	strace $0x9000004A  }
0x43: {  	s0 =	sadd.s32 @!p0 $0x100000, s0;
	[bflag:$0x2] =	sbarrier.arrive $0xFFFF  }
0x44: {  	[sflag:s0] =	ssyncadd.tile.s32 @!p0 $0x1;
	_ =	shalt  }
.Lfunc_end2:
_tile_overlayer_lowered:
.L_overlay_start_2:
0x45: {  	(tag) =	ssettag $0x2  }
0x46: {  	s0 =	rddreg [dreg:$0x0];
	s2 =	stileid.u32  }
0x47: {  	s1 =	rddreg [dreg:$0x1];
	p0 =	sne.s32 s2, $0x0  }
0x48: {  	s3 =	rddreg [dreg:$0x2];
	[bflag:$0x3] =	sbarrier.arrive $0xFFFF;
	s2 =	simm.s32 @!p0 $0x1C01  }
0x49: {  	[timem:s3], [sflag:s2] =	dma.local @!p0 [hbm:s0], s1  }
0x4a: {  	s0 =	simm.s32 @!p0 $0x1  }
0x4b: {  	_ =	swait.ge @!p0 [sflag:s0], s1  }
0x4c: {  	s1 =	ssub.s32 @!p0 $0x0, s1;
	[sflag:s0] =	ssyncset.done @!p0 $0x0  }
0x4d: {  	[sflag:s0] =	ssyncadd.s32 @!p0 s1  }
0x4e: {  	[bflag:$0x3] =	sbarrier.arrive $0xFFFF  }
0x4f: {  	_ =	shalt  }

// kernel: gather_offload_async_start.2
scs
__scs_entry_jumppad:
0x0: {  	(pc) =	sbr.rel $0x88, $3  }
0x1: {  	(tag) =	ssettag $0x0;
	lr =	simm.s32 $0x1  }
0x2: {  	[smem:$0x3F9D] =	sst lr;
	_ =	strace $0xD0000000  }
0x3: {  	_ = 	snop  }
0x4: {  	_ = 	snop  }
0x5: {  	_ = 	snop  }
0x6: {  	_ = 	snop  }
0x7: {  	_ = 	snop  }
__scs_overlays_trampoline_lowered:
0x8: {  	[smem:$0x3FAC] =	sst s0  }
0x9: {  	[smem:$0x3FAD] =	sst s1  }
0xa: {  	[smem:$0x3FAE] =	sst s2  }
0xb: {  	[smem:$0x3FAF] =	sst s3  }
0xc: {  	[smem:$0x3FB0] =	sst s4  }
0xd: {  	[smem:$0x3FB1] =	sst s5  }
0xe: {  	[smem:$0x3FB2] =	sst s6  }
0xf: {  	[smem:$0x3FB3] =	sst s7  }
0x10: {  	[smem:$0x3FB4] =	sst s8  }
0x11: {  	[smem:$0x3FB5] =	sst s9;
	s0 =	simm.s32 @!p0 $0x0  }
0x12: {  	s1 =	sld [smem:$0x3F9B];
	s0 =	simm.s32 @p0 $0x1  }
0x13: {  	[smem:$0x3FB6] =	sst s0;
	s0 =	simm.s32 @!p1 $0x0  }
0x14: {  	s2 =	sld [smem:$0x3F9A];
	s0 =	simm.s32 @p1 $0x1  }
0x15: {  	[smem:$0x3FB7] =	sst s0;
	s0 =	simm.s32 @!p2 $0x0  }
0x16: {  	s3 =	sld [smem:$0x3FDB];
	s0 =	simm.s32 @p2 $0x1  }
0x17: {  	s4 =	simm.s32 $0x1BF5;
	[smem:$0x3FB9] =	sst s0  }
0x18: {  	s0 =	sld [smem:$0x3F9C];
	_ =	swait.ge [sflag:s4], $0x0  }
0x19: {  	s7 =	sld [smem:$0x3F9D]  }
0x1a: {  	s8 =	sadd.s32 $0xFFFFE003, lr  }
0x1b: {  	s9 =	sadd.s32 $0xFFFFFEF7, lr;
	s5 =	simm.s32 $0xFFFFFFFF;
	p2 =	slt.u32 s8, $0xFFFFF086  }
0x1c: {  	p1 =	slt.u32 s9, $0xF7A;
	s5 =	simm.s32 @!p2 $0x0  }
0x1d: {  	s5 =	simm.s32 @p1 $0x1;
	p0 =	seq.s32 s7, s2  }
0x1e: {  	s7 =	smul.u32 @!p0 $0xF7A, s2;
	p2 =	seq.s32 @!p0 s5, $0x0  }
0x1f: {  	s9 =	smul.u32 $0xF7A, s1;
	s8 =	simm.s32 @!p0 $0x1BF5;
	p2 =	por !p2, p0  }
0x20: {  	[sflag:s8] =	ssyncset.s32 @!p0 $0xFFFFF086;
	s6 =	sadd.s32 @!p0 s3, s7;
	s7 =	simm.s32 @!p0 $0x108  }
0x21: {  	s3 =	sadd.s32 s3, s9;
	s6 =	sadd.s32 @!p0 $0x88, s6;
	s7 =	simm.s32 @p2 $0x1082  }
0x22: {  	[simem:s7], [sflag:s8] =	dma.local @!p0 [hbm:s6], $0xF7A  }
0x23: {  	s9 =	sor.u32 $0xD0000000, s2;
	s6 =	simm.s32 $0x108;
	_ =	swait.ge @!p0 [sflag:s8], $0x0  }
0x24: {  	s3 =	sadd.s32 $0x88, s3;
	s6 =	simm.s32 @!p1 $0x1082;
	[sflag:s4] =	ssyncset.s32 $0xFFFFF086  }
0x25: {  	[simem:s6], [sflag:s4] =	dma.local [hbm:s3], $0xF7A  }
0x26: {  	[smem:$0x3F9D] =	sst s1;
	(tag) =	ssettag s2;
	_ =	strace s9  }
0x27: {  	s1 =	sld [smem:$0x3FAD]  }
0x28: {  	s2 =	sld [smem:$0x3FAE]  }
0x29: {  	s4 =	sld [smem:$0x3FB0]  }
0x2a: {  	p0 =	seq.s32 s5, $0x0;
	s5 =	sld [smem:$0x3FB1]  }
0x2b: {  	s6 =	sld [smem:$0x3FB2]  }
0x2c: {  	s7 =	sld [smem:$0x3FB3]  }
0x2d: {  	s3 =	simm.s32 $0x108;
	s8 =	sld [smem:$0x3FB4]  }
0x2e: {  	s3 =	simm.s32 @!p0 $0x1082;
	s9 =	sld [smem:$0x3FB5]  }
0x2f: {  	lr =	sadd.s32 s0, s3;
	s0 =	sld [smem:$0x3FAC]  }
0x30: {  	s3 =	sld [smem:$0x3FAF]  }
0x31: {  	[smem:$0x3FB8] =	sst s10  }
0x32: {  	s10 =	sld [smem:$0x3FB6];
	_ =	sdelay $0x3  }
0x33: {  	p0 =	seq.s32 s10, $0x1;
	s10 =	sld [smem:$0x3FB8];
	_ =	sdelay $0x3  }
0x34: {  	[smem:$0x3FB8] =	sst s10  }
0x35: {  	s10 =	sld [smem:$0x3FB7];
	_ =	sdelay $0x3  }
0x36: {  	p1 =	seq.s32 s10, $0x1;
	s10 =	sld [smem:$0x3FB8];
	_ =	sdelay $0x3  }
0x37: {  	[smem:$0x3FB8] =	sst s10  }
0x38: {  	s10 =	sld [smem:$0x3FB9]  }
0x39: {  	_ = 	snop;
	(pc) =	sbr.ind lr, $3  }
0x3a: {  	_ = 	snop  }
0x3b: {  	_ = 	snop  }
0x3c: {  	p2 =	seq.s32 s10, $0x1;
	s10 =	sld [smem:$0x3FB8]  }
0x3d: {  	_ =	shalt  }
0x3e: {  	_ =	shalt  }
0x3f: {  	_ =	shalt  }
0x40: {  	_ =	shalt  }
0x41: {  	_ =	shalt  }
0x42: {  	_ =	shalt  }
0x43: {  	_ =	shalt  }
0x44: {  	_ =	shalt  }
0x45: {  	_ =	shalt  }
0x46: {  	_ =	shalt  }
0x47: {  	_ =	shalt  }
0x48: {  	_ =	shalt  }
0x49: {  	_ =	shalt  }
0x4a: {  	_ =	shalt  }
0x4b: {  	_ =	shalt  }
0x4c: {  	_ =	shalt  }
0x4d: {  	_ =	shalt  }
0x4e: {  	_ =	shalt  }
0x4f: {  	_ =	shalt  }
0x50: {  	_ =	shalt  }
0x51: {  	_ =	shalt  }
0x52: {  	_ =	shalt  }
0x53: {  	_ =	shalt  }
0x54: {  	_ =	shalt  }
0x55: {  	_ =	shalt  }
0x56: {  	_ =	shalt  }
0x57: {  	_ =	shalt  }
0x58: {  	_ =	shalt  }
0x59: {  	_ =	shalt  }
0x5a: {  	_ =	shalt  }
0x5b: {  	_ =	shalt  }
0x5c: {  	_ =	shalt  }
0x5d: {  	_ =	shalt  }
0x5e: {  	_ =	shalt  }
0x5f: {  	_ =	shalt  }
0x60: {  	_ =	shalt  }
0x61: {  	_ =	shalt  }
0x62: {  	_ =	shalt  }
0x63: {  	_ =	shalt  }
0x64: {  	_ =	shalt  }
0x65: {  	_ =	shalt  }
0x66: {  	_ =	shalt  }
0x67: {  	_ =	shalt  }
0x68: {  	_ =	shalt  }
0x69: {  	_ =	shalt  }
0x6a: {  	_ =	shalt  }
0x6b: {  	_ =	shalt  }
0x6c: {  	_ =	shalt  }
0x6d: {  	_ =	shalt  }
0x6e: {  	_ =	shalt  }
0x6f: {  	_ =	shalt  }
0x70: {  	_ =	shalt  }
0x71: {  	_ =	shalt  }
0x72: {  	_ =	shalt  }
0x73: {  	_ =	shalt  }
0x74: {  	_ =	shalt  }
0x75: {  	_ =	shalt  }
0x76: {  	_ =	shalt  }
0x77: {  	_ =	shalt  }
0x78: {  	_ =	shalt  }
0x79: {  	_ =	shalt  }
0x7a: {  	_ =	shalt  }
0x7b: {  	_ =	shalt  }
0x7c: {  	_ =	shalt  }
0x7d: {  	_ =	shalt  }
0x7e: {  	_ =	shalt  }
0x7f: {  	_ =	shalt  }
0x80: {  	_ =	shalt  }
0x81: {  	_ =	shalt  }
0x82: {  	_ =	shalt  }
0x83: {  	_ =	shalt  }
0x84: {  	_ =	shalt  }
0x85: {  	_ =	shalt  }
0x86: {  	_ =	shalt  }
0x87: {  	_ =	shalt  }
.Lfunc_end0:
.L_simem_size_0:
called_computation.2_lowered:
.L_overlay_start_0:
0x88: {  	s2 =	sld [smem:$0x3FD9]  }
0x89: {  	s3 =	sld [smem:$0x3FFE];
	_ =	sdelay $0x1  }
0x8a: {  	s1 =	srdreg.scid  }
0x8b: {  	s0 =	sand.u32 $0x1, s1  }
0x8c: {  	s14 =	sshll.u32 s0, $0xA;
	s2 =	sadd.s32 s3, s2  }
0x8d: {  	s2 =	sadd.s32 s2, s14  }
0x8e: {  	[smem:$0x3FC4] =	sst s2  }
0x8f: {  	_ = 	snop  }
0x90: {  	s2 =	sld [smem:$0x3FD0];
	_ =	sdelay $0x2  }
0x91: {  	s15 =	simm.s32 $0xB;
	s4 =	simm.s32 $0x10  }
0x92: {  	[smem:s4], [sflag:s15] =	dma.local [hbm:s2], $0x1  }
0x93: {  	_ =	swait.eq [sflag:s15], $0x1  }
0x94: {  	[sflag:s15] =	ssyncset.done $0x0  }
0x95: {  	s16 =	sld [smem:$0x10];
	[sflag:s15] =	ssyncadd.s32 $0xFFFFFFFF  }
0x96: {  	s17 =	sld [smem:$0x11];
	(tm) =	ssettm $0x1  }
0x97: {  	s18 =	sld [smem:$0x3FFB];
	_ =	sdelay $0x3  }
0x98: {  	_ =	strace s18  }
0x99: {  	s4 =	sld [smem:$0x3FFC];
	_ =	sdelay $0x3  }
0x9a: {  	_ =	strace s4  }
0x9b: {  	s4 =	sld [smem:$0x3FFD];
	_ =	sdelay $0x3  }
0x9c: {  	_ =	strace s4  }
0x9d: {  	_ =	strace $0x8FFFFFFF  }
0x9e: {  	s19 =	sld [smem:$0x3FDB];
	_ =	sdelay $0x1  }
0x9f: {  	s5 =	simm.s32 $_scs_section_size  }
0xa0: {  	s6 =	simm.s32 $_size__tile_overlayer_lowered;
	s7 =	simm.s32 $_tile_overlayer_lowered  }
0xa1: {  	s22 =	simm.s32 $0x1BFF;
	s21 =	sshll.u32 s7, $0x1;
	s4 =	sadd.s32 s5, s19  }
0xa2: {  	s8 =	simm.s32 $0x0;
	s20 =	sshll.u32 s6, $0x1;
	s6 =	sadd.s32 s21, s4  }
0xa3: {  	[timem:s8], [sflag:s22] =	dma.local [hbm:s6], s20  }
0xa4: {  	_ =	swait.ge [sflag:s22], s20  }
0xa5: {  	s5 =	ssub.s32 $0x0, s20;
	[sflag:s22] =	ssyncset.done $0x0  }
0xa6: {  	[sflag:s22] =	ssyncadd.s32 s5;
	_ =	sdelay $0x1  }
0xa7: {  	s23 =	simm.s32 $0x1B8B  }
0xa8: {  	_ =	swait.ge [sflag:s23], $0x1  }
0xa9: {  	[sflag:s23] =	ssyncset.done $0x0  }
0xaa: {  	s25 =	simm.s32 $0x1B8E;
	s24 =	sld [smem:$0x3FFE];
	[sflag:s23] =	ssyncadd.s32 $0xFFFFFFFF  }
0xab: {  	s26 =	simm.s32 $execute0_lowered;
	[smem:$0x3FD2] =	sst s25  }
0xac: {  	s6 =	sshll.u32 s26, $0x1;
	_ =	strace $0x8000004F;
	[dreg:$0x1] =	wrdreg $0xFFFFFFFF  }
0xad: {  	s28 =	simm.s32 $_size_execute0_lowered;
	s4 =	sadd.s32 s4, s6;
	[dreg:$0x0] =	wrdreg $0x0  }
0xae: {  	s6 =	sshll.u32 s28, $0x1;
	[dreg:$0x2] =	wrdreg s4  }
0xaf: {  	[dreg:$0x3] =	wrdreg s6  }
0xb0: {  	[dreg:$0x4] =	wrdreg $0xC0  }
0xb1: {  	_ =	task [dreg:s8], $0x5FFFF  }
0xb2: {  	[dreg:$0x1] =	wrdreg $0xFFFFFFFF  }
0xb3: {  	[dreg:$0x0] =	wrdreg $0x60  }
0xb4: {  	[dreg:$0x2] =	wrdreg s24  }
0xb5: {  	[dreg:$0x3] =	wrdreg s17  }
0xb6: {  	[dreg:$0x4] =	wrdreg s16  }
0xb7: {  	[dreg:$0x5] =	wrdreg $0x9  }
0xb8: {  	_ =	task.clear_ibuf [dreg:s8], $0x6FFFF;
	_ =	strace $0x9000004F  }
0xb9: {  	s29 =	simm.s32 $0x9;
	_ =	strace $0x80000051  }
0xba: {  	_ =	swait.ge [sflag:s29], $0x1  }
0xbb: {  	[sflag:s29] =	ssyncadd.s32 $0xFFFFFFFF  }
0xbc: {  	_ =	strace $0x90000051  }
0xbd: {  	_ =	sfence  }
0xbe: {  	s30 =	sld [smem:$0x0];
	_ =	sdelay $0x2  }
0xbf: {  	s31 =	sshll.u32 s1, $0xD;
	s1 =	sshrl.u32 s1, $0x2  }
0xc0: {  	s3 =	sand.u32 $0x4000, s31;
	s1 =	sadd.s32 s1, s30  }
0xc1: {  	s0 =	sor.u32 s3, s0;
	s1 =	sshll.u32 s1, $0x11  }
0xc2: {  	s0 =	sor.u32 s1, s0  }
0xc3: {  	s0 =	sadd.s32 $0x8F2B, s0  }
0xc4: {  	[sflag:s0] =	ssyncadd.remote.s32 $0x1  }
0xc5: {  	_ =	sfence.sel $0xFFFF  }
0xc6: {  	[dreg:$0x0] =	wrdreg $0xFFFFFFFF;
	(pc) =	sbr.abs _section_cstart, $3  }
0xc7: {  	[dreg:$0x1] =	wrdreg $0xFFFFFFFF  }
0xc8: {  	_ =	task.clear_ibuf [dreg:s8], $0x2FFFF;
	_ =	strace $0x9FFFFFFF  }
0xc9: {  	(tm) =	ssettm $0x7FFFFFFF  }
tec
execute0_lowered:
.L_overlay_start_1:
0x0: {  	(tag) =	ssettag $0x1  }
0x1: {  	s2 =	rddreg [dreg:$0x0]  }
0x2: {  	s3 =	rddreg [dreg:$0x1];
	s0 =	stileid.u32  }
0x3: {  	s1 =	srdreg.scid;
	s4 =	rddreg [dreg:$0x2];
	s9 =	simm.s32 $0x1  }
0x4: {  	s10 =	simm.s32 $0x3;
	s5 =	sand.u32 $0x1, s1;
	s6 =	sshll.u32 s0, $0x1  }
0x5: {  	s13 =	simm.s32 $0x0;
	s12 =	simm.s32 $0x0;
	s7 =	sor.u32 s6, s5  }
0x6: {  	s1 =	rddreg [dreg:$0x3];
	_ =	strace $0x80000050;
	s5 =	smul.u32 $0x50, s7  }
0x7: {  	s6 =	simm.s32 $0x1;
	p0 =	slt.u32 s7, $0x13;
	s7 =	simm.s32 $0xA00  }
.Ltmp0:
0x8: {  	s7 =	simm.s32 @!p0 $0x0;
	s8 =	ssub.s32 $0xFA0, s5;
	(pc) =	sbr.rel .LBB2_1-.Ltmp0, $4  }
0x9: {  	s9 =	simm.s32 @!p0 $0x0;
	p0 =	sne.s32 s8, s7;
	s8 =	simm.s32 $0x1  }
0xa: {  	[sflag:s6] =	ssyncpa.u1 $0x0;
	s7 =	simm.s32 $0x2;
	s8 =	simm.s32 @!p0 $0x0  }
0xb: {  	s11 =	smov.u32 s5;
	[sflag:s7] =	ssyncpa.u1 $0x0;
	s8 =	sadd.s32 s9, s8  }
0xc: {  	vm0 =	vmmov $0xffff;
	[sflag:s10] =	ssyncpa.u1 $0x0;
	s10 =	simm.s32 $0x0;
	s9 =	sadd.s32 $0x1, s8  }
.LBB2_4:
0xd: {  	v2 =	vnsel vm1, $0x0, v2  }
0xe: {  	vm1 =	vgt.s32 v0, $0x0;
	v2 =	vmin.u32 v2, $0x4E1F  }
0xf: {  	v0 =	vnsel vm1, $0x0, v0  }
0x10: {  	v0 =	vmin.u32 v0, $0x4E1F  }
0x11: {  	[tilespmem:s18], [sflag:$0x1] =	stream.indirect_vreg.gather [hbm4b:s2+s10], $0x1, v1, vm0, $0x4038;
	[tilespmem:$0x140] =	vst v63  }
0x12: {  	(ifvalue) =	ssetifvalue $0x7FFFFFFF  }
0x13: {  	[tilespmem:s15], [sflag:$0x1] =	stream.indirect_vreg.gather [hbm4b:s2+s10], $0x1, v2, vm0, $0x4038;
	[tilespmem:$0x140] =	vst v63  }
0x14: {  	s29 =	sadd.s32 $0x10, s15;
	(ifvalue) =	ssetifvalue $0x7FFFFFFF  }
0x15: {  	[tilespmem:s29], [sflag:$0x1] =	stream.indirect_vreg.gather [hbm4b:s2+s10], $0x1, v0, vm0, $0x4038;
	[tilespmem:$0x140] =	vst v63  }
0x16: {  	_ =	swait.ge [sflag:s6], $0x50  }
0x17: {  	s30 =	sshrl.u32 s13, $0x3;
	[sflag:s6] =	ssyncset.done $0x0  }
0x18: {  	s31 =	sand.u32 $0x7, s13;
	s15 =	sadd.s32 s4, s30;
	[sflag:s6] =	ssyncadd.s32 $0xFFFFFFB0  }
0x19: {  	[hbm4b:s15+s31] =	stream.linear.scatter [tilespmem:s14], [sflag:$0x3], $0x50, $0x38;
	[tilespmem:$0x140] =	vst v63  }
.LBB2_5:
0x1a: {  	s15 =	sadd.s32 $0xA00, s11  }
0x1b: {  	p1 =	sgt.s32 s15, $0xF9F  }
0x1c: {  	s15 =	smov.u32 @p1 s5;
	p1 =	sne.s32 s12, s9  }
.Ltmp1:
0x1d: {  	p0 =	slt.u32 s12, $0x2;
	(pc) =	sbr.rel @!p1 .LBB2_6-.Ltmp1, $4  }
0x1e: {  	s14 =	simm.s32 @!p0 $0x3  }
0x1f: {  	_ =	swait.ge @!p0 [sflag:s14], $0x50  }
0x20: {  	s16 =	sadd.s32 $0x1, s12;
	s13 =	smov.u32 s11;
	[sflag:s14] =	ssyncset.done @!p0 $0x0  }
0x21: {  	s12 =	smov.u32 s16;
	s11 =	smov.u32 s15;
	[sflag:s14] =	ssyncadd.s32 @!p0 $0xFFFFFFB0  }
.LBB2_1:
0x22: {  	p0 =	sge.u32 s12, s8  }
0x23: {  	s14 =	sxor.u32 @!p0 $0x1, s12  }
0x24: {  	s14 =	smul.u32 @!p0 $0x140, s14  }
0x25: {  	s31 =	sadd.s32 $0xFFFFFFFF, s12;
	s15 =	sshrl.u32 @!p0 s11, $0x3  }
0x26: {  	s16 =	sand.u32 @!p0 $0x7, s11;
	s15 =	sadd.s32 @!p0 s3, s15;
	s14 =	sshra.s32 @!p0 s14, $0x2  }
0x27: {  	[tilespmem:s14], [sflag:$0x2] =	stream.linear.gather @!p0 [hbm4b:s15+s16], $0x50, $0x38;
	[tilespmem:$0x140] =	vst v63  }
0x28: {  	p0 =	sge.u32 s31, s8  }
.Ltmp2:
0x29: {  	_ = 	snop;
	(pc) =	sbr.rel @p0 .LBB2_5-.Ltmp2, $1  }
0x2a: {  	_ =	sdelay $0x3  }
0x2b: {  	s14 =	sand.u32 $0x1, s12  }
0x2c: {  	_ =	swait.ge [sflag:s7], $0x50;
	p0 =	seq.s32 s14, $0x1;
	s14 =	simm.s32 $0x50  }
0x2d: {  	[sflag:s7] =	ssyncset.done $0x0;
	s14 =	simm.s32 @!p0 $0x0  }
0x2e: {  	[sflag:s7] =	ssyncadd.s32 $0xFFFFFFB0;
	(ifvalue) =	ssetifvalue $0x7FFFFFFF;
	v0 =	vld.msk [tilespmem:s14+$0x0 ss:$0x1], $0xffff;
	_ =	sdelay $0x4  }
0x2f: {  	s15 =	sadd.s32 $0x10, s14;
	vm1 =	vgt.s32 v0, $0x0  }
0x30: {  	v2 =	vld.msk [tilespmem:s15+$0x0 ss:$0x1], $0xffff;
	v1 =	vnsel vm1, $0x0, v0  }
0x31: {  	v1 =	vmin.u32 v1, $0x4E1F;
	_ =	sdelay $0x2  }
0x32: {  	s17 =	simm.s32 $0x20;
	s14 =	sor.u32 $0xA0, s14;
	s16 =	sadd.s32 $0x10, s15  }
0x33: {  	s15 =	sadd.s32 $0x10, s14;
	s18 =	smov.u32 s14;
	v0 =	vld.msk [tilespmem:s16+$0x0 ss:$0x1], $0xffff;
	vm1 =	vgt.s32 v2, $0x0;
	(ifvalue) =	ssetifvalue $0x7FFFFFFF  }
.LBB2_3:
0x34: {  	[tilespmem:s18], [sflag:$0x1] =	stream.indirect_vreg.gather [hbm4b:s2+s10], $0x1, v1, vm0, $0x4038;
	[tilespmem:$0x140] =	vst v63  }
0x35: {  	s17 =	sadd.s32 $0x10, s17  }
0x36: {  	v2 =	vnsel vm1, $0x0, v2;
	p0 =	slt.u32 s17, $0x40  }
.Ltmp3:
0x37: {  	s18 =	smov.u32 s15;
	v1 =	vmin.u32 v2, $0x4E1F;
	(pc) =	sbr.rel @p0 .LBB2_3-.Ltmp3, $3  }
0x38: {  	_ =	sdelay $0x1  }
0x39: {  	s16 =	sadd.s32 $0x10, s16  }
0x3a: {  	vm1 =	vgt.s32 v0, $0x0;
	s15 =	sadd.s32 $0x10, s15;
	v2 =	vmov v0;
	(ifvalue) =	ssetifvalue $0x7FFFFFFF;
	v0 =	vld.msk [tilespmem:s16+$0x0 ss:$0x1], $0xffff  }
.Ltmp4:
0x3b: {  	_ = 	snop;
	(pc) =	sbr.rel .LBB2_4-.Ltmp4, $1  }
0x3c: {  	_ =	sdelay $0x3  }
.LBB2_6:
0x3d: {  	_ =	sfence.sel $0x180000  }
0x3e: {  	s2 =	simm.s32 $0x2;
	[bflag:$0x0] =	sbarrier.arrive $0xFFFF  }
0x3f: {  	s30 =	simm.s32 $0x3;
	[sflag:s2] =	ssyncpa.u1 $0x1  }
0x40: {  	s31 =	simm.s32 $0x1;
	[sflag:s30] =	ssyncpa.u1 $0x1  }
0x41: {  	[sflag:s31] =	ssyncpa.u1 $0x1  }
0x42: {  	p0 =	sne.s32 s0, $0x0;
	_ =	strace $0x90000050  }
0x43: {  	s0 =	sadd.s32 @!p0 $0x100000, s1;
	[bflag:$0x2] =	sbarrier.arrive $0xFFFF  }
0x44: {  	[sflag:s0] =	ssyncadd.tile.s32 @!p0 $0x1;
	_ =	shalt  }
.Lfunc_end2:
_tile_overlayer_lowered:
.L_overlay_start_2:
0x45: {  	(tag) =	ssettag $0x2  }
0x46: {  	s0 =	rddreg [dreg:$0x0];
	s2 =	stileid.u32  }
0x47: {  	s1 =	rddreg [dreg:$0x1];
	p0 =	sne.s32 s2, $0x0  }
0x48: {  	s3 =	rddreg [dreg:$0x2];
	[bflag:$0x3] =	sbarrier.arrive $0xFFFF;
	s2 =	simm.s32 @!p0 $0x1C01  }
0x49: {  	[timem:s3], [sflag:s2] =	dma.local @!p0 [hbm:s0], s1  }
0x4a: {  	s0 =	simm.s32 @!p0 $0x1  }
0x4b: {  	_ =	swait.ge @!p0 [sflag:s0], s1  }
0x4c: {  	s1 =	ssub.s32 @!p0 $0x0, s1;
	[sflag:s0] =	ssyncset.done @!p0 $0x0  }
0x4d: {  	[sflag:s0] =	ssyncadd.s32 @!p0 s1  }
0x4e: {  	[bflag:$0x3] =	sbarrier.arrive $0xFFFF  }
0x4f: {  	_ =	shalt  }

// kernel: gather_offload_async_start.3
scs
__scs_entry_jumppad:
0x0: {  	(pc) =	sbr.rel $0x88, $3  }
0x1: {  	(tag) =	ssettag $0x0;
	lr =	simm.s32 $0x1  }
0x2: {  	[smem:$0x3F9D] =	sst lr;
	_ =	strace $0xD0000000  }
0x3: {  	_ = 	snop  }
0x4: {  	_ = 	snop  }
0x5: {  	_ = 	snop  }
0x6: {  	_ = 	snop  }
0x7: {  	_ = 	snop  }
__scs_overlays_trampoline_lowered:
0x8: {  	[smem:$0x3FAC] =	sst s0  }
0x9: {  	[smem:$0x3FAD] =	sst s1  }
0xa: {  	[smem:$0x3FAE] =	sst s2  }
0xb: {  	[smem:$0x3FAF] =	sst s3  }
0xc: {  	[smem:$0x3FB0] =	sst s4  }
0xd: {  	[smem:$0x3FB1] =	sst s5  }
0xe: {  	[smem:$0x3FB2] =	sst s6  }
0xf: {  	[smem:$0x3FB3] =	sst s7  }
0x10: {  	[smem:$0x3FB4] =	sst s8  }
0x11: {  	[smem:$0x3FB5] =	sst s9;
	s0 =	simm.s32 @!p0 $0x0  }
0x12: {  	s1 =	sld [smem:$0x3F9B];
	s0 =	simm.s32 @p0 $0x1  }
0x13: {  	[smem:$0x3FB6] =	sst s0;
	s0 =	simm.s32 @!p1 $0x0  }
0x14: {  	s2 =	sld [smem:$0x3F9A];
	s0 =	simm.s32 @p1 $0x1  }
0x15: {  	[smem:$0x3FB7] =	sst s0;
	s0 =	simm.s32 @!p2 $0x0  }
0x16: {  	s3 =	sld [smem:$0x3FDB];
	s0 =	simm.s32 @p2 $0x1  }
0x17: {  	s4 =	simm.s32 $0x1BF5;
	[smem:$0x3FB9] =	sst s0  }
0x18: {  	s0 =	sld [smem:$0x3F9C];
	_ =	swait.ge [sflag:s4], $0x0  }
0x19: {  	s7 =	sld [smem:$0x3F9D]  }
0x1a: {  	s8 =	sadd.s32 $0xFFFFE003, lr  }
0x1b: {  	s9 =	sadd.s32 $0xFFFFFEF7, lr;
	s5 =	simm.s32 $0xFFFFFFFF;
	p2 =	slt.u32 s8, $0xFFFFF086  }
0x1c: {  	p1 =	slt.u32 s9, $0xF7A;
	s5 =	simm.s32 @!p2 $0x0  }
0x1d: {  	s5 =	simm.s32 @p1 $0x1;
	p0 =	seq.s32 s7, s2  }
0x1e: {  	s7 =	smul.u32 @!p0 $0xF7A, s2;
	p2 =	seq.s32 @!p0 s5, $0x0  }
0x1f: {  	s9 =	smul.u32 $0xF7A, s1;
	s8 =	simm.s32 @!p0 $0x1BF5;
	p2 =	por !p2, p0  }
0x20: {  	[sflag:s8] =	ssyncset.s32 @!p0 $0xFFFFF086;
	s6 =	sadd.s32 @!p0 s3, s7;
	s7 =	simm.s32 @!p0 $0x108  }
0x21: {  	s3 =	sadd.s32 s3, s9;
	s6 =	sadd.s32 @!p0 $0x88, s6;
	s7 =	simm.s32 @p2 $0x1082  }
0x22: {  	[simem:s7], [sflag:s8] =	dma.local @!p0 [hbm:s6], $0xF7A  }
0x23: {  	s9 =	sor.u32 $0xD0000000, s2;
	s6 =	simm.s32 $0x108;
	_ =	swait.ge @!p0 [sflag:s8], $0x0  }
0x24: {  	s3 =	sadd.s32 $0x88, s3;
	s6 =	simm.s32 @!p1 $0x1082;
	[sflag:s4] =	ssyncset.s32 $0xFFFFF086  }
0x25: {  	[simem:s6], [sflag:s4] =	dma.local [hbm:s3], $0xF7A  }
0x26: {  	[smem:$0x3F9D] =	sst s1;
	(tag) =	ssettag s2;
	_ =	strace s9  }
0x27: {  	s1 =	sld [smem:$0x3FAD]  }
0x28: {  	s2 =	sld [smem:$0x3FAE]  }
0x29: {  	s4 =	sld [smem:$0x3FB0]  }
0x2a: {  	p0 =	seq.s32 s5, $0x0;
	s5 =	sld [smem:$0x3FB1]  }
0x2b: {  	s6 =	sld [smem:$0x3FB2]  }
0x2c: {  	s7 =	sld [smem:$0x3FB3]  }
0x2d: {  	s3 =	simm.s32 $0x108;
	s8 =	sld [smem:$0x3FB4]  }
0x2e: {  	s3 =	simm.s32 @!p0 $0x1082;
	s9 =	sld [smem:$0x3FB5]  }
0x2f: {  	lr =	sadd.s32 s0, s3;
	s0 =	sld [smem:$0x3FAC]  }
0x30: {  	s3 =	sld [smem:$0x3FAF]  }
0x31: {  	[smem:$0x3FB8] =	sst s10  }
0x32: {  	s10 =	sld [smem:$0x3FB6];
	_ =	sdelay $0x3  }
0x33: {  	p0 =	seq.s32 s10, $0x1;
	s10 =	sld [smem:$0x3FB8];
	_ =	sdelay $0x3  }
0x34: {  	[smem:$0x3FB8] =	sst s10  }
0x35: {  	s10 =	sld [smem:$0x3FB7];
	_ =	sdelay $0x3  }
0x36: {  	p1 =	seq.s32 s10, $0x1;
	s10 =	sld [smem:$0x3FB8];
	_ =	sdelay $0x3  }
0x37: {  	[smem:$0x3FB8] =	sst s10  }
0x38: {  	s10 =	sld [smem:$0x3FB9]  }
0x39: {  	_ = 	snop;
	(pc) =	sbr.ind lr, $3  }
0x3a: {  	_ = 	snop  }
0x3b: {  	_ = 	snop  }
0x3c: {  	p2 =	seq.s32 s10, $0x1;
	s10 =	sld [smem:$0x3FB8]  }
0x3d: {  	_ =	shalt  }
0x3e: {  	_ =	shalt  }
0x3f: {  	_ =	shalt  }
0x40: {  	_ =	shalt  }
0x41: {  	_ =	shalt  }
0x42: {  	_ =	shalt  }
0x43: {  	_ =	shalt  }
0x44: {  	_ =	shalt  }
0x45: {  	_ =	shalt  }
0x46: {  	_ =	shalt  }
0x47: {  	_ =	shalt  }
0x48: {  	_ =	shalt  }
0x49: {  	_ =	shalt  }
0x4a: {  	_ =	shalt  }
0x4b: {  	_ =	shalt  }
0x4c: {  	_ =	shalt  }
0x4d: {  	_ =	shalt  }
0x4e: {  	_ =	shalt  }
0x4f: {  	_ =	shalt  }
0x50: {  	_ =	shalt  }
0x51: {  	_ =	shalt  }
0x52: {  	_ =	shalt  }
0x53: {  	_ =	shalt  }
0x54: {  	_ =	shalt  }
0x55: {  	_ =	shalt  }
0x56: {  	_ =	shalt  }
0x57: {  	_ =	shalt  }
0x58: {  	_ =	shalt  }
0x59: {  	_ =	shalt  }
0x5a: {  	_ =	shalt  }
0x5b: {  	_ =	shalt  }
0x5c: {  	_ =	shalt  }
0x5d: {  	_ =	shalt  }
0x5e: {  	_ =	shalt  }
0x5f: {  	_ =	shalt  }
0x60: {  	_ =	shalt  }
0x61: {  	_ =	shalt  }
0x62: {  	_ =	shalt  }
0x63: {  	_ =	shalt  }
0x64: {  	_ =	shalt  }
0x65: {  	_ =	shalt  }
0x66: {  	_ =	shalt  }
0x67: {  	_ =	shalt  }
0x68: {  	_ =	shalt  }
0x69: {  	_ =	shalt  }
0x6a: {  	_ =	shalt  }
0x6b: {  	_ =	shalt  }
0x6c: {  	_ =	shalt  }
0x6d: {  	_ =	shalt  }
0x6e: {  	_ =	shalt  }
0x6f: {  	_ =	shalt  }
0x70: {  	_ =	shalt  }
0x71: {  	_ =	shalt  }
0x72: {  	_ =	shalt  }
0x73: {  	_ =	shalt  }
0x74: {  	_ =	shalt  }
0x75: {  	_ =	shalt  }
0x76: {  	_ =	shalt  }
0x77: {  	_ =	shalt  }
0x78: {  	_ =	shalt  }
0x79: {  	_ =	shalt  }
0x7a: {  	_ =	shalt  }
0x7b: {  	_ =	shalt  }
0x7c: {  	_ =	shalt  }
0x7d: {  	_ =	shalt  }
0x7e: {  	_ =	shalt  }
0x7f: {  	_ =	shalt  }
0x80: {  	_ =	shalt  }
0x81: {  	_ =	shalt  }
0x82: {  	_ =	shalt  }
0x83: {  	_ =	shalt  }
0x84: {  	_ =	shalt  }
0x85: {  	_ =	shalt  }
0x86: {  	_ =	shalt  }
0x87: {  	_ =	shalt  }
.Lfunc_end0:
.L_simem_size_0:
called_computation.3_lowered:
.L_overlay_start_0:
0x88: {  	s2 =	sld [smem:$0x3FD9]  }
0x89: {  	s3 =	sld [smem:$0x3FFE];
	_ =	sdelay $0x1  }
0x8a: {  	s1 =	srdreg.scid  }
0x8b: {  	s0 =	sand.u32 $0x1, s1  }
0x8c: {  	s14 =	sshll.u32 s0, $0xA;
	s2 =	sadd.s32 s3, s2  }
0x8d: {  	s2 =	sadd.s32 s2, s14  }
0x8e: {  	[smem:$0x3FC4] =	sst s2  }
0x8f: {  	_ = 	snop  }
0x90: {  	s2 =	sld [smem:$0x3FD0];
	_ =	sdelay $0x2  }
0x91: {  	s4 =	simm.s32 $0xB;
	s5 =	simm.s32 $0x10;
	s15 =	sld [smem:$0x3FC9]  }
0x92: {  	[smem:s5], [sflag:s4] =	dma.local [hbm:s2], $0x1  }
0x93: {  	_ =	swait.eq [sflag:s4], $0x1  }
0x94: {  	[sflag:s4] =	ssyncset.done $0x0  }
0x95: {  	[sflag:s4] =	ssyncadd.s32 $0xFFFFFFFF  }
0x96: {  	s16 =	sld [smem:$0x11];
	(tm) =	ssettm $0x1  }
0x97: {  	s17 =	sld [smem:$0x3FFB];
	_ =	sdelay $0x3  }
0x98: {  	_ =	strace s17  }
0x99: {  	s4 =	sld [smem:$0x3FFC];
	_ =	sdelay $0x3  }
0x9a: {  	_ =	strace s4  }
0x9b: {  	s4 =	sld [smem:$0x3FFD];
	_ =	sdelay $0x3  }
0x9c: {  	_ =	strace s4  }
0x9d: {  	_ =	strace $0x8FFFFFFF  }
0x9e: {  	s18 =	sld [smem:$0x3FDB];
	_ =	sdelay $0x1  }
0x9f: {  	s19 =	simm.s32 $_scs_section_size  }
0xa0: {  	s6 =	simm.s32 $_size__tile_overlayer_lowered;
	s7 =	simm.s32 $_tile_overlayer_lowered  }
0xa1: {  	s22 =	simm.s32 $0x1BFF;
	s21 =	sshll.u32 s7, $0x1;
	s4 =	sadd.s32 s19, s18  }
0xa2: {  	s8 =	simm.s32 $0x0;
	s20 =	sshll.u32 s6, $0x1;
	s6 =	sadd.s32 s21, s4  }
0xa3: {  	[timem:s8], [sflag:s22] =	dma.local [hbm:s6], s20  }
0xa4: {  	_ =	swait.ge [sflag:s22], s20  }
0xa5: {  	s5 =	ssub.s32 $0x0, s20;
	[sflag:s22] =	ssyncset.done $0x0  }
0xa6: {  	[sflag:s22] =	ssyncadd.s32 s5;
	_ =	sdelay $0x1  }
0xa7: {  	s23 =	simm.s32 $0x1B8B  }
0xa8: {  	_ =	swait.ge [sflag:s23], $0x1  }
0xa9: {  	[sflag:s23] =	ssyncset.done $0x0  }
0xaa: {  	s25 =	simm.s32 $0x1B8E;
	s24 =	sld [smem:$0x3FFE];
	[sflag:s23] =	ssyncadd.s32 $0xFFFFFFFF  }
0xab: {  	s26 =	simm.s32 $execute0_lowered;
	[smem:$0x3FD2] =	sst s25  }
0xac: {  	s6 =	sshll.u32 s26, $0x1;
	_ =	strace $0x80000052;
	[dreg:$0x1] =	wrdreg $0xFFFFFFFF  }
0xad: {  	s28 =	simm.s32 $_size_execute0_lowered;
	s4 =	sadd.s32 s4, s6;
	[dreg:$0x0] =	wrdreg $0x0  }
0xae: {  	s6 =	sshll.u32 s28, $0x1;
	[dreg:$0x2] =	wrdreg s4  }
0xaf: {  	[dreg:$0x3] =	wrdreg s6  }
0xb0: {  	[dreg:$0x4] =	wrdreg $0xC0  }
0xb1: {  	_ =	task [dreg:s8], $0x5FFFF  }
0xb2: {  	[dreg:$0x1] =	wrdreg $0xFFFFFFFF  }
0xb3: {  	[dreg:$0x0] =	wrdreg $0x60  }
0xb4: {  	[dreg:$0x2] =	wrdreg s15  }
0xb5: {  	[dreg:$0x3] =	wrdreg s16  }
0xb6: {  	[dreg:$0x4] =	wrdreg s24  }
0xb7: {  	[dreg:$0x5] =	wrdreg $0x9  }
0xb8: {  	_ =	task.clear_ibuf [dreg:s8], $0x6FFFF;
	_ =	strace $0x90000052  }
0xb9: {  	s29 =	simm.s32 $0x9;
	_ =	strace $0x80000054  }
0xba: {  	_ =	swait.ge [sflag:s29], $0x1  }
0xbb: {  	[sflag:s29] =	ssyncadd.s32 $0xFFFFFFFF  }
0xbc: {  	_ =	strace $0x90000054  }
0xbd: {  	_ =	sfence  }
0xbe: {  	s30 =	sld [smem:$0x0];
	_ =	sdelay $0x2  }
0xbf: {  	s31 =	sshll.u32 s1, $0xD;
	s1 =	sshrl.u32 s1, $0x2  }
0xc0: {  	s3 =	sand.u32 $0x4000, s31;
	s1 =	sadd.s32 s1, s30  }
0xc1: {  	s0 =	sor.u32 s3, s0;
	s1 =	sshll.u32 s1, $0x11  }
0xc2: {  	s0 =	sor.u32 s1, s0  }
0xc3: {  	s0 =	sadd.s32 $0x8F2B, s0  }
0xc4: {  	[sflag:s0] =	ssyncadd.remote.s32 $0x1  }
0xc5: {  	_ =	sfence.sel $0xFFFF  }
0xc6: {  	[dreg:$0x0] =	wrdreg $0xFFFFFFFF;
	(pc) =	sbr.abs _section_cstart, $3  }
0xc7: {  	[dreg:$0x1] =	wrdreg $0xFFFFFFFF  }
0xc8: {  	_ =	task.clear_ibuf [dreg:s8], $0x2FFFF;
	_ =	strace $0x9FFFFFFF  }
0xc9: {  	(tm) =	ssettm $0x7FFFFFFF  }
tec
execute0_lowered:
.L_overlay_start_1:
0x0: {  	(tag) =	ssettag $0x1  }
0x1: {  	s2 =	rddreg [dreg:$0x0]  }
0x2: {  	s3 =	rddreg [dreg:$0x1];
	s0 =	stileid.u32  }
0x3: {  	s1 =	srdreg.scid;
	s4 =	rddreg [dreg:$0x2];
	s9 =	simm.s32 $0x1  }
0x4: {  	s10 =	simm.s32 $0x3;
	s5 =	sand.u32 $0x1, s1;
	s6 =	sshll.u32 s0, $0x1  }
0x5: {  	s13 =	simm.s32 $0x0;
	s12 =	simm.s32 $0x0;
	s7 =	sor.u32 s6, s5  }
0x6: {  	s1 =	rddreg [dreg:$0x3];
	_ =	strace $0x80000053;
	s5 =	smul.u32 $0x50, s7  }
0x7: {  	s6 =	simm.s32 $0x1;
	p0 =	slt.u32 s7, $0x13;
	s7 =	simm.s32 $0xA00  }
.Ltmp0:
0x8: {  	s7 =	simm.s32 @!p0 $0x0;
	s8 =	ssub.s32 $0xFA0, s5;
	(pc) =	sbr.rel .LBB2_1-.Ltmp0, $4  }
0x9: {  	s9 =	simm.s32 @!p0 $0x0;
	p0 =	sne.s32 s8, s7;
	s8 =	simm.s32 $0x1  }
0xa: {  	[sflag:s6] =	ssyncpa.u1 $0x0;
	s7 =	simm.s32 $0x2;
	s8 =	simm.s32 @!p0 $0x0  }
0xb: {  	s11 =	smov.u32 s5;
	[sflag:s7] =	ssyncpa.u1 $0x0;
	s8 =	sadd.s32 s9, s8  }
0xc: {  	vm0 =	vmmov $0xffff;
	[sflag:s10] =	ssyncpa.u1 $0x0;
	s10 =	simm.s32 $0x0;
	s9 =	sadd.s32 $0x1, s8  }
.LBB2_4:
0xd: {  	v2 =	vnsel vm1, $0x0, v2  }
0xe: {  	vm1 =	vgt.s32 v0, $0x0;
	v2 =	vmin.u32 v2, $0x4E1F  }
0xf: {  	v0 =	vnsel vm1, $0x0, v0  }
0x10: {  	v0 =	vmin.u32 v0, $0x4E1F  }
0x11: {  	[tilespmem:s18], [sflag:$0x1] =	stream.indirect_vreg.gather [hbm4b:s2+s10], $0x1, v1, vm0, $0x4038;
	[tilespmem:$0x140] =	vst v63  }
0x12: {  	(ifvalue) =	ssetifvalue $0x7FFFFFFF  }
0x13: {  	[tilespmem:s15], [sflag:$0x1] =	stream.indirect_vreg.gather [hbm4b:s2+s10], $0x1, v2, vm0, $0x4038;
	[tilespmem:$0x140] =	vst v63  }
0x14: {  	s29 =	sadd.s32 $0x10, s15;
	(ifvalue) =	ssetifvalue $0x7FFFFFFF  }
0x15: {  	[tilespmem:s29], [sflag:$0x1] =	stream.indirect_vreg.gather [hbm4b:s2+s10], $0x1, v0, vm0, $0x4038;
	[tilespmem:$0x140] =	vst v63  }
0x16: {  	_ =	swait.ge [sflag:s6], $0x50  }
0x17: {  	s30 =	sshrl.u32 s13, $0x3;
	[sflag:s6] =	ssyncset.done $0x0  }
0x18: {  	s31 =	sand.u32 $0x7, s13;
	s15 =	sadd.s32 s4, s30;
	[sflag:s6] =	ssyncadd.s32 $0xFFFFFFB0  }
0x19: {  	[hbm4b:s15+s31] =	stream.linear.scatter [tilespmem:s14], [sflag:$0x3], $0x50, $0x38;
	[tilespmem:$0x140] =	vst v63  }
.LBB2_5:
0x1a: {  	s15 =	sadd.s32 $0xA00, s11  }
0x1b: {  	p1 =	sgt.s32 s15, $0xF9F  }
0x1c: {  	s15 =	smov.u32 @p1 s5;
	p1 =	sne.s32 s12, s9  }
.Ltmp1:
0x1d: {  	p0 =	slt.u32 s12, $0x2;
	(pc) =	sbr.rel @!p1 .LBB2_6-.Ltmp1, $4  }
0x1e: {  	s14 =	simm.s32 @!p0 $0x3  }
0x1f: {  	_ =	swait.ge @!p0 [sflag:s14], $0x50  }
0x20: {  	s16 =	sadd.s32 $0x1, s12;
	s13 =	smov.u32 s11;
	[sflag:s14] =	ssyncset.done @!p0 $0x0  }
0x21: {  	s12 =	smov.u32 s16;
	s11 =	smov.u32 s15;
	[sflag:s14] =	ssyncadd.s32 @!p0 $0xFFFFFFB0  }
.LBB2_1:
0x22: {  	p0 =	sge.u32 s12, s8  }
0x23: {  	s14 =	sxor.u32 @!p0 $0x1, s12  }
0x24: {  	s14 =	smul.u32 @!p0 $0x140, s14  }
0x25: {  	s31 =	sadd.s32 $0xFFFFFFFF, s12;
	s15 =	sshrl.u32 @!p0 s11, $0x3  }
0x26: {  	s16 =	sand.u32 @!p0 $0x7, s11;
	s15 =	sadd.s32 @!p0 s3, s15;
	s14 =	sshra.s32 @!p0 s14, $0x2  }
0x27: {  	[tilespmem:s14], [sflag:$0x2] =	stream.linear.gather @!p0 [hbm4b:s15+s16], $0x50, $0x38;
	[tilespmem:$0x140] =	vst v63  }
0x28: {  	p0 =	sge.u32 s31, s8  }
.Ltmp2:
0x29: {  	_ = 	snop;
	(pc) =	sbr.rel @p0 .LBB2_5-.Ltmp2, $1  }
0x2a: {  	_ =	sdelay $0x3  }
0x2b: {  	s14 =	sand.u32 $0x1, s12  }
0x2c: {  	_ =	swait.ge [sflag:s7], $0x50;
	p0 =	seq.s32 s14, $0x1;
	s14 =	simm.s32 $0x50  }
0x2d: {  	[sflag:s7] =	ssyncset.done $0x0;
	s14 =	simm.s32 @!p0 $0x0  }
0x2e: {  	[sflag:s7] =	ssyncadd.s32 $0xFFFFFFB0;
	(ifvalue) =	ssetifvalue $0x7FFFFFFF;
	v0 =	vld.msk [tilespmem:s14+$0x0 ss:$0x1], $0xffff;
	_ =	sdelay $0x4  }
0x2f: {  	s15 =	sadd.s32 $0x10, s14;
	vm1 =	vgt.s32 v0, $0x0  }
0x30: {  	v2 =	vld.msk [tilespmem:s15+$0x0 ss:$0x1], $0xffff;
	v1 =	vnsel vm1, $0x0, v0  }
0x31: {  	v1 =	vmin.u32 v1, $0x4E1F;
	_ =	sdelay $0x2  }
0x32: {  	s17 =	simm.s32 $0x20;
	s14 =	sor.u32 $0xA0, s14;
	s16 =	sadd.s32 $0x10, s15  }
0x33: {  	s15 =	sadd.s32 $0x10, s14;
	s18 =	smov.u32 s14;
	v0 =	vld.msk [tilespmem:s16+$0x0 ss:$0x1], $0xffff;
	vm1 =	vgt.s32 v2, $0x0;
	(ifvalue) =	ssetifvalue $0x7FFFFFFF  }
.LBB2_3:
0x34: {  	[tilespmem:s18], [sflag:$0x1] =	stream.indirect_vreg.gather [hbm4b:s2+s10], $0x1, v1, vm0, $0x4038;
	[tilespmem:$0x140] =	vst v63  }
0x35: {  	s17 =	sadd.s32 $0x10, s17  }
0x36: {  	v2 =	vnsel vm1, $0x0, v2;
	p0 =	slt.u32 s17, $0x40  }
.Ltmp3:
0x37: {  	s18 =	smov.u32 s15;
	v1 =	vmin.u32 v2, $0x4E1F;
	(pc) =	sbr.rel @p0 .LBB2_3-.Ltmp3, $3  }
0x38: {  	_ =	sdelay $0x1  }
0x39: {  	s16 =	sadd.s32 $0x10, s16  }
0x3a: {  	vm1 =	vgt.s32 v0, $0x0;
	s15 =	sadd.s32 $0x10, s15;
	v2 =	vmov v0;
	(ifvalue) =	ssetifvalue $0x7FFFFFFF;
	v0 =	vld.msk [tilespmem:s16+$0x0 ss:$0x1], $0xffff  }
.Ltmp4:
0x3b: {  	_ = 	snop;
	(pc) =	sbr.rel .LBB2_4-.Ltmp4, $1  }
0x3c: {  	_ =	sdelay $0x3  }
.LBB2_6:
0x3d: {  	_ =	sfence.sel $0x180000  }
0x3e: {  	s2 =	simm.s32 $0x2;
	[bflag:$0x0] =	sbarrier.arrive $0xFFFF  }
0x3f: {  	s30 =	simm.s32 $0x3;
	[sflag:s2] =	ssyncpa.u1 $0x1  }
0x40: {  	s31 =	simm.s32 $0x1;
	[sflag:s30] =	ssyncpa.u1 $0x1  }
0x41: {  	[sflag:s31] =	ssyncpa.u1 $0x1  }
0x42: {  	p0 =	sne.s32 s0, $0x0;
	_ =	strace $0x90000053  }
0x43: {  	s0 =	sadd.s32 @!p0 $0x100000, s1;
	[bflag:$0x2] =	sbarrier.arrive $0xFFFF  }
0x44: {  	[sflag:s0] =	ssyncadd.tile.s32 @!p0 $0x1;
	_ =	shalt  }
.Lfunc_end2:
_tile_overlayer_lowered:
.L_overlay_start_2:
0x45: {  	(tag) =	ssettag $0x2  }
0x46: {  	s0 =	rddreg [dreg:$0x0];
	s2 =	stileid.u32  }
0x47: {  	s1 =	rddreg [dreg:$0x1];
	p0 =	sne.s32 s2, $0x0  }
0x48: {  	s3 =	rddreg [dreg:$0x2];
	[bflag:$0x3] =	sbarrier.arrive $0xFFFF;
	s2 =	simm.s32 @!p0 $0x1C01  }
0x49: {  	[timem:s3], [sflag:s2] =	dma.local @!p0 [hbm:s0], s1  }
0x4a: {  	s0 =	simm.s32 @!p0 $0x1  }
0x4b: {  	_ =	swait.ge @!p0 [sflag:s0], s1  }
0x4c: {  	s1 =	ssub.s32 @!p0 $0x0, s1;
	[sflag:s0] =	ssyncset.done @!p0 $0x0  }
0x4d: {  	[sflag:s0] =	ssyncadd.s32 @!p0 s1  }
0x4e: {  	[bflag:$0x3] =	sbarrier.arrive $0xFFFF  }
0x4f: {  	_ =	shalt  }

// kernel: gather_offload_async_start.4
scs
__scs_entry_jumppad:
0x0: {  	(pc) =	sbr.rel $0x88, $3  }
0x1: {  	(tag) =	ssettag $0x0;
	lr =	simm.s32 $0x1  }
0x2: {  	[smem:$0x3F9D] =	sst lr;
	_ =	strace $0xD0000000  }
0x3: {  	_ = 	snop  }
0x4: {  	_ = 	snop  }
0x5: {  	_ = 	snop  }
0x6: {  	_ = 	snop  }
0x7: {  	_ = 	snop  }
__scs_overlays_trampoline_lowered:
0x8: {  	[smem:$0x3FAC] =	sst s0  }
0x9: {  	[smem:$0x3FAD] =	sst s1  }
0xa: {  	[smem:$0x3FAE] =	sst s2  }
0xb: {  	[smem:$0x3FAF] =	sst s3  }
0xc: {  	[smem:$0x3FB0] =	sst s4  }
0xd: {  	[smem:$0x3FB1] =	sst s5  }
0xe: {  	[smem:$0x3FB2] =	sst s6  }
0xf: {  	[smem:$0x3FB3] =	sst s7  }
0x10: {  	[smem:$0x3FB4] =	sst s8  }
0x11: {  	[smem:$0x3FB5] =	sst s9;
	s0 =	simm.s32 @!p0 $0x0  }
0x12: {  	s1 =	sld [smem:$0x3F9B];
	s0 =	simm.s32 @p0 $0x1  }
0x13: {  	[smem:$0x3FB6] =	sst s0;
	s0 =	simm.s32 @!p1 $0x0  }
0x14: {  	s2 =	sld [smem:$0x3F9A];
	s0 =	simm.s32 @p1 $0x1  }
0x15: {  	[smem:$0x3FB7] =	sst s0;
	s0 =	simm.s32 @!p2 $0x0  }
0x16: {  	s3 =	sld [smem:$0x3FDB];
	s0 =	simm.s32 @p2 $0x1  }
0x17: {  	s4 =	simm.s32 $0x1BF5;
	[smem:$0x3FB9] =	sst s0  }
0x18: {  	s0 =	sld [smem:$0x3F9C];
	_ =	swait.ge [sflag:s4], $0x0  }
0x19: {  	s7 =	sld [smem:$0x3F9D]  }
0x1a: {  	s8 =	sadd.s32 $0xFFFFE003, lr  }
0x1b: {  	s9 =	sadd.s32 $0xFFFFFEF7, lr;
	s5 =	simm.s32 $0xFFFFFFFF;
	p2 =	slt.u32 s8, $0xFFFFF086  }
0x1c: {  	p1 =	slt.u32 s9, $0xF7A;
	s5 =	simm.s32 @!p2 $0x0  }
0x1d: {  	s5 =	simm.s32 @p1 $0x1;
	p0 =	seq.s32 s7, s2  }
0x1e: {  	s7 =	smul.u32 @!p0 $0xF7A, s2;
	p2 =	seq.s32 @!p0 s5, $0x0  }
0x1f: {  	s9 =	smul.u32 $0xF7A, s1;
	s8 =	simm.s32 @!p0 $0x1BF5;
	p2 =	por !p2, p0  }
0x20: {  	[sflag:s8] =	ssyncset.s32 @!p0 $0xFFFFF086;
	s6 =	sadd.s32 @!p0 s3, s7;
	s7 =	simm.s32 @!p0 $0x108  }
0x21: {  	s3 =	sadd.s32 s3, s9;
	s6 =	sadd.s32 @!p0 $0x88, s6;
	s7 =	simm.s32 @p2 $0x1082  }
0x22: {  	[simem:s7], [sflag:s8] =	dma.local @!p0 [hbm:s6], $0xF7A  }
0x23: {  	s9 =	sor.u32 $0xD0000000, s2;
	s6 =	simm.s32 $0x108;
	_ =	swait.ge @!p0 [sflag:s8], $0x0  }
0x24: {  	s3 =	sadd.s32 $0x88, s3;
	s6 =	simm.s32 @!p1 $0x1082;
	[sflag:s4] =	ssyncset.s32 $0xFFFFF086  }
0x25: {  	[simem:s6], [sflag:s4] =	dma.local [hbm:s3], $0xF7A  }
0x26: {  	[smem:$0x3F9D] =	sst s1;
	(tag) =	ssettag s2;
	_ =	strace s9  }
0x27: {  	s1 =	sld [smem:$0x3FAD]  }
0x28: {  	s2 =	sld [smem:$0x3FAE]  }
0x29: {  	s4 =	sld [smem:$0x3FB0]  }
0x2a: {  	p0 =	seq.s32 s5, $0x0;
	s5 =	sld [smem:$0x3FB1]  }
0x2b: {  	s6 =	sld [smem:$0x3FB2]  }
0x2c: {  	s7 =	sld [smem:$0x3FB3]  }
0x2d: {  	s3 =	simm.s32 $0x108;
	s8 =	sld [smem:$0x3FB4]  }
0x2e: {  	s3 =	simm.s32 @!p0 $0x1082;
	s9 =	sld [smem:$0x3FB5]  }
0x2f: {  	lr =	sadd.s32 s0, s3;
	s0 =	sld [smem:$0x3FAC]  }
0x30: {  	s3 =	sld [smem:$0x3FAF]  }
0x31: {  	[smem:$0x3FB8] =	sst s10  }
0x32: {  	s10 =	sld [smem:$0x3FB6];
	_ =	sdelay $0x3  }
0x33: {  	p0 =	seq.s32 s10, $0x1;
	s10 =	sld [smem:$0x3FB8];
	_ =	sdelay $0x3  }
0x34: {  	[smem:$0x3FB8] =	sst s10  }
0x35: {  	s10 =	sld [smem:$0x3FB7];
	_ =	sdelay $0x3  }
0x36: {  	p1 =	seq.s32 s10, $0x1;
	s10 =	sld [smem:$0x3FB8];
	_ =	sdelay $0x3  }
0x37: {  	[smem:$0x3FB8] =	sst s10  }
0x38: {  	s10 =	sld [smem:$0x3FB9]  }
0x39: {  	_ = 	snop;
	(pc) =	sbr.ind lr, $3  }
0x3a: {  	_ = 	snop  }
0x3b: {  	_ = 	snop  }
0x3c: {  	p2 =	seq.s32 s10, $0x1;
	s10 =	sld [smem:$0x3FB8]  }
0x3d: {  	_ =	shalt  }
0x3e: {  	_ =	shalt  }
0x3f: {  	_ =	shalt  }
0x40: {  	_ =	shalt  }
0x41: {  	_ =	shalt  }
0x42: {  	_ =	shalt  }
0x43: {  	_ =	shalt  }
0x44: {  	_ =	shalt  }
0x45: {  	_ =	shalt  }
0x46: {  	_ =	shalt  }
0x47: {  	_ =	shalt  }
0x48: {  	_ =	shalt  }
0x49: {  	_ =	shalt  }
0x4a: {  	_ =	shalt  }
0x4b: {  	_ =	shalt  }
0x4c: {  	_ =	shalt  }
0x4d: {  	_ =	shalt  }
0x4e: {  	_ =	shalt  }
0x4f: {  	_ =	shalt  }
0x50: {  	_ =	shalt  }
0x51: {  	_ =	shalt  }
0x52: {  	_ =	shalt  }
0x53: {  	_ =	shalt  }
0x54: {  	_ =	shalt  }
0x55: {  	_ =	shalt  }
0x56: {  	_ =	shalt  }
0x57: {  	_ =	shalt  }
0x58: {  	_ =	shalt  }
0x59: {  	_ =	shalt  }
0x5a: {  	_ =	shalt  }
0x5b: {  	_ =	shalt  }
0x5c: {  	_ =	shalt  }
0x5d: {  	_ =	shalt  }
0x5e: {  	_ =	shalt  }
0x5f: {  	_ =	shalt  }
0x60: {  	_ =	shalt  }
0x61: {  	_ =	shalt  }
0x62: {  	_ =	shalt  }
0x63: {  	_ =	shalt  }
0x64: {  	_ =	shalt  }
0x65: {  	_ =	shalt  }
0x66: {  	_ =	shalt  }
0x67: {  	_ =	shalt  }
0x68: {  	_ =	shalt  }
0x69: {  	_ =	shalt  }
0x6a: {  	_ =	shalt  }
0x6b: {  	_ =	shalt  }
0x6c: {  	_ =	shalt  }
0x6d: {  	_ =	shalt  }
0x6e: {  	_ =	shalt  }
0x6f: {  	_ =	shalt  }
0x70: {  	_ =	shalt  }
0x71: {  	_ =	shalt  }
0x72: {  	_ =	shalt  }
0x73: {  	_ =	shalt  }
0x74: {  	_ =	shalt  }
0x75: {  	_ =	shalt  }
0x76: {  	_ =	shalt  }
0x77: {  	_ =	shalt  }
0x78: {  	_ =	shalt  }
0x79: {  	_ =	shalt  }
0x7a: {  	_ =	shalt  }
0x7b: {  	_ =	shalt  }
0x7c: {  	_ =	shalt  }
0x7d: {  	_ =	shalt  }
0x7e: {  	_ =	shalt  }
0x7f: {  	_ =	shalt  }
0x80: {  	_ =	shalt  }
0x81: {  	_ =	shalt  }
0x82: {  	_ =	shalt  }
0x83: {  	_ =	shalt  }
0x84: {  	_ =	shalt  }
0x85: {  	_ =	shalt  }
0x86: {  	_ =	shalt  }
0x87: {  	_ =	shalt  }
.Lfunc_end0:
.L_simem_size_0:
called_computation.4_lowered:
.L_overlay_start_0:
0x88: {  	s2 =	sld [smem:$0x3FD9]  }
0x89: {  	s3 =	sld [smem:$0x3FFE];
	_ =	sdelay $0x1  }
0x8a: {  	s1 =	srdreg.scid  }
0x8b: {  	s0 =	sand.u32 $0x1, s1  }
0x8c: {  	s16 =	sshll.u32 s0, $0xA;
	s2 =	sadd.s32 s3, s2  }
0x8d: {  	s2 =	sadd.s32 s2, s16  }
0x8e: {  	[smem:$0x3FC4] =	sst s2  }
0x8f: {  	_ = 	snop  }
0x90: {  	s17 =	sld [smem:$0x3FD0];
	_ =	sdelay $0x2  }
0x91: {  	s5 =	simm.s32 $0xB;
	s4 =	simm.s32 $0x10;
	s2 =	sld [smem:$0x3FC8]  }
0x92: {  	[smem:s4], [sflag:s5] =	dma.local [hbm:s17], $0x1  }
0x93: {  	_ =	swait.eq [sflag:s5], $0x1  }
0x94: {  	[sflag:s5] =	ssyncset.done $0x0  }
0x95: {  	s18 =	sld [smem:$0x10];
	[sflag:s5] =	ssyncadd.s32 $0xFFFFFFFF  }
0x96: {  	s19 =	sld [smem:$0x11];
	(tm) =	ssettm $0x1  }
0x97: {  	s20 =	sld [smem:$0x3FFB];
	_ =	sdelay $0x3  }
0x98: {  	_ =	strace s20  }
0x99: {  	s3 =	sld [smem:$0x3FFC];
	_ =	sdelay $0x3  }
0x9a: {  	_ =	strace s3  }
0x9b: {  	s3 =	sld [smem:$0x3FFD];
	_ =	sdelay $0x3  }
0x9c: {  	_ =	strace s3  }
0x9d: {  	_ =	strace $0x8FFFFFFF  }
0x9e: {  	s21 =	sld [smem:$0x3FDB];
	_ =	sdelay $0x1  }
0x9f: {  	s6 =	simm.s32 $_scs_section_size  }
0xa0: {  	s7 =	simm.s32 $_size__tile_overlayer_lowered;
	s8 =	simm.s32 $_tile_overlayer_lowered  }
0xa1: {  	s9 =	simm.s32 $0x1BFF;
	s22 =	sshll.u32 s8, $0x1;
	s6 =	sadd.s32 s6, s21  }
0xa2: {  	s23 =	simm.s32 $0x0;
	s7 =	sshll.u32 s7, $0x1;
	s8 =	sadd.s32 s22, s6  }
0xa3: {  	[timem:s23], [sflag:s9] =	dma.local [hbm:s8], s7  }
0xa4: {  	_ =	swait.ge [sflag:s9], s7  }
0xa5: {  	s7 =	ssub.s32 $0x0, s7;
	[sflag:s9] =	ssyncset.done $0x0  }
0xa6: {  	[sflag:s9] =	ssyncadd.s32 s7;
	_ =	sdelay $0x1  }
0xa7: {  	s24 =	simm.s32 $0x1B8B  }
0xa8: {  	_ =	swait.ge [sflag:s24], $0x1  }
0xa9: {  	[sflag:s24] =	ssyncset.done $0x0  }
0xaa: {  	[sflag:s24] =	ssyncadd.s32 $0xFFFFFFFF  }
0xab: {  	s7 =	sld [smem:$0x0]  }
0xac: {  	s8 =	sand.u32 $0xFFFFFFFE, s1  }
0xad: {  	p0 =	sne.s32 s1, s8  }
0xae: {  	s8 =	sshll.u32 @p0 s8, $0xE  }
0xaf: {  	s8 =	sadd.s32 @p0 $0x11B8D, s8;
	s9 =	sshll.u32 @p0 s7, $0x11  }
0xb0: {  	s8 =	sor.u32 @p0 s9, s8  }
0xb1: {  	[sflag:s8] =	ssyncadd.remote.s32 @p0 $0x1;
	_ =	sdelay $0x1  }
0xb2: {  	s8 =	simm.s32 @p0 $0x1B8D  }
0xb3: {  	_ =	swait.eq @p0 [sflag:s8], $0x1  }
0xb4: {  	[sflag:s8] =	ssyncadd.s32 @p0 $0xFFFFFFFF  }
0xb5: {  	s9 =	sshll.u32 @!p0 s1, $0xE  }
0xb6: {  	s9 =	sor.u32 @!p0 $0x4000, s9;
	s8 =	simm.s32 @!p0 $0x1B8D  }
0xb7: {  	s7 =	sshll.u32 @!p0 s7, $0x11;
	s9 =	sadd.s32 @!p0 $0x11B8D, s9;
	_ =	swait.eq @!p0 [sflag:s8], $0x1  }
0xb8: {  	s7 =	sor.u32 @!p0 s7, s9;
	[sflag:s8] =	ssyncadd.s32 @!p0 $0xFFFFFFFF  }
0xb9: {  	s25 =	simm.s32 $0x1B8E;
	[sflag:s7] =	ssyncadd.remote.s32 @!p0 $0x1  }
0xba: {  	s26 =	simm.s32 $execute0_lowered;
	[smem:$0x3FD2] =	sst s25  }
0xbb: {  	s7 =	sshll.u32 s26, $0x1;
	_ =	strace $0x80000055;
	[dreg:$0x1] =	wrdreg $0xFFFFFFFF  }
0xbc: {  	s28 =	simm.s32 $_size_execute0_lowered;
	s6 =	sadd.s32 s6, s7;
	[dreg:$0x0] =	wrdreg $0x0  }
0xbd: {  	s7 =	sshll.u32 s28, $0x1;
	[dreg:$0x2] =	wrdreg s6  }
0xbe: {  	[dreg:$0x3] =	wrdreg s7  }
0xbf: {  	[dreg:$0x4] =	wrdreg $0xC0  }
0xc0: {  	_ =	task [dreg:s23], $0x5FFFF  }
0xc1: {  	[dreg:$0x1] =	wrdreg $0xFFFFFFFF  }
0xc2: {  	[dreg:$0x0] =	wrdreg $0x60  }
0xc3: {  	[dreg:$0x2] =	wrdreg s2  }
0xc4: {  	[dreg:$0x3] =	wrdreg s19  }
0xc5: {  	[dreg:$0x4] =	wrdreg s18  }
0xc6: {  	[dreg:$0x5] =	wrdreg $0xA  }
0xc7: {  	_ =	task.clear_ibuf [dreg:s23], $0x6FFFF;
	_ =	strace $0x90000055  }
0xc8: {  	s29 =	simm.s32 $0xA;
	_ =	strace $0x80000057  }
0xc9: {  	_ =	swait.ge [sflag:s29], $0x1  }
0xca: {  	[sflag:s29] =	ssyncadd.s32 $0xFFFFFFFF  }
0xcb: {  	_ =	strace $0x90000057  }
0xcc: {  	_ =	sfence  }
0xcd: {  	s30 =	sld [smem:$0x0];
	_ =	sdelay $0x2  }
0xce: {  	s31 =	sshll.u32 s1, $0xD;
	s1 =	sshrl.u32 s1, $0x2  }
0xcf: {  	s4 =	sand.u32 $0x4000, s31;
	s1 =	sadd.s32 s1, s30  }
0xd0: {  	s0 =	sor.u32 s4, s0;
	s1 =	sshll.u32 s1, $0x11  }
0xd1: {  	s0 =	sor.u32 s1, s0  }
0xd2: {  	s0 =	sadd.s32 $0x8F2B, s0  }
0xd3: {  	[sflag:s0] =	ssyncadd.remote.s32 $0x1  }
0xd4: {  	_ =	sfence.sel $0xFFFF  }
0xd5: {  	[dreg:$0x0] =	wrdreg $0xFFFFFFFF;
	(pc) =	sbr.abs _section_cstart, $3  }
0xd6: {  	[dreg:$0x1] =	wrdreg $0xFFFFFFFF  }
0xd7: {  	_ =	task.clear_ibuf [dreg:s23], $0x2FFFF;
	_ =	strace $0x9FFFFFFF  }
0xd8: {  	(tm) =	ssettm $0x7FFFFFFF  }
0xd9: {  	_ =	shalt  }
tec
execute0_lowered:
.L_overlay_start_1:
0x0: {  	(tag) =	ssettag $0x1  }
0x1: {  	s2 =	rddreg [dreg:$0x0]  }
0x2: {  	s3 =	rddreg [dreg:$0x1];
	s0 =	stileid.u32  }
0x3: {  	s1 =	srdreg.scid;
	s4 =	rddreg [dreg:$0x2];
	s9 =	simm.s32 $0x1  }
0x4: {  	s10 =	simm.s32 $0x3;
	s5 =	sand.u32 $0x1, s1;
	s6 =	sshll.u32 s0, $0x1  }
0x5: {  	s13 =	simm.s32 $0x0;
	s12 =	simm.s32 $0x0;
	s7 =	sor.u32 s6, s5  }
0x6: {  	s1 =	rddreg [dreg:$0x3];
	_ =	strace $0x80000056;
	s5 =	smul.u32 $0x50, s7  }
0x7: {  	s6 =	simm.s32 $0x1;
	p0 =	slt.u32 s7, $0x13;
	s7 =	simm.s32 $0xA00  }
.Ltmp0:
0x8: {  	s7 =	simm.s32 @!p0 $0x0;
	s8 =	ssub.s32 $0xFA0, s5;
	(pc) =	sbr.rel .LBB2_1-.Ltmp0, $4  }
0x9: {  	s9 =	simm.s32 @!p0 $0x0;
	p0 =	sne.s32 s8, s7;
	s8 =	simm.s32 $0x1  }
0xa: {  	[sflag:s6] =	ssyncpa.u1 $0x0;
	s7 =	simm.s32 $0x2;
	s8 =	simm.s32 @!p0 $0x0  }
0xb: {  	s11 =	smov.u32 s5;
	[sflag:s7] =	ssyncpa.u1 $0x0;
	s8 =	sadd.s32 s9, s8  }
0xc: {  	vm0 =	vmmov $0xffff;
	[sflag:s10] =	ssyncpa.u1 $0x0;
	s10 =	simm.s32 $0x0;
	s9 =	sadd.s32 $0x1, s8  }
.LBB2_4:
0xd: {  	v2 =	vnsel vm1, $0x0, v2  }
0xe: {  	vm1 =	vgt.s32 v0, $0x0;
	v2 =	vmin.u32 v2, $0x4E1F  }
0xf: {  	v0 =	vnsel vm1, $0x0, v0  }
0x10: {  	v0 =	vmin.u32 v0, $0x4E1F  }
0x11: {  	[tilespmem:s18], [sflag:$0x1] =	stream.indirect_vreg.gather [hbm4b:s2+s10], $0x1, v1, vm0, $0x4038;
	[tilespmem:$0x140] =	vst v63  }
0x12: {  	(ifvalue) =	ssetifvalue $0x7FFFFFFF  }
0x13: {  	[tilespmem:s15], [sflag:$0x1] =	stream.indirect_vreg.gather [hbm4b:s2+s10], $0x1, v2, vm0, $0x4038;
	[tilespmem:$0x140] =	vst v63  }
0x14: {  	s29 =	sadd.s32 $0x10, s15;
	(ifvalue) =	ssetifvalue $0x7FFFFFFF  }
0x15: {  	[tilespmem:s29], [sflag:$0x1] =	stream.indirect_vreg.gather [hbm4b:s2+s10], $0x1, v0, vm0, $0x4038;
	[tilespmem:$0x140] =	vst v63  }
0x16: {  	_ =	swait.ge [sflag:s6], $0x50  }
0x17: {  	s30 =	sshrl.u32 s13, $0x3;
	[sflag:s6] =	ssyncset.done $0x0  }
0x18: {  	s31 =	sand.u32 $0x7, s13;
	s15 =	sadd.s32 s4, s30;
	[sflag:s6] =	ssyncadd.s32 $0xFFFFFFB0  }
0x19: {  	[hbm4b:s15+s31] =	stream.linear.scatter [tilespmem:s14], [sflag:$0x3], $0x50, $0x38;
	[tilespmem:$0x140] =	vst v63  }
.LBB2_5:
0x1a: {  	s15 =	sadd.s32 $0xA00, s11  }
0x1b: {  	p1 =	sgt.s32 s15, $0xF9F  }
0x1c: {  	s15 =	smov.u32 @p1 s5;
	p1 =	sne.s32 s12, s9  }
.Ltmp1:
0x1d: {  	p0 =	slt.u32 s12, $0x2;
	(pc) =	sbr.rel @!p1 .LBB2_6-.Ltmp1, $4  }
0x1e: {  	s14 =	simm.s32 @!p0 $0x3  }
0x1f: {  	_ =	swait.ge @!p0 [sflag:s14], $0x50  }
0x20: {  	s16 =	sadd.s32 $0x1, s12;
	s13 =	smov.u32 s11;
	[sflag:s14] =	ssyncset.done @!p0 $0x0  }
0x21: {  	s12 =	smov.u32 s16;
	s11 =	smov.u32 s15;
	[sflag:s14] =	ssyncadd.s32 @!p0 $0xFFFFFFB0  }
.LBB2_1:
0x22: {  	p0 =	sge.u32 s12, s8  }
0x23: {  	s14 =	sxor.u32 @!p0 $0x1, s12  }
0x24: {  	s14 =	smul.u32 @!p0 $0x140, s14  }
0x25: {  	s31 =	sadd.s32 $0xFFFFFFFF, s12;
	s15 =	sshrl.u32 @!p0 s11, $0x3  }
0x26: {  	s16 =	sand.u32 @!p0 $0x7, s11;
	s15 =	sadd.s32 @!p0 s3, s15;
	s14 =	sshra.s32 @!p0 s14, $0x2  }
0x27: {  	[tilespmem:s14], [sflag:$0x2] =	stream.linear.gather @!p0 [hbm4b:s15+s16], $0x50, $0x38;
	[tilespmem:$0x140] =	vst v63  }
0x28: {  	p0 =	sge.u32 s31, s8  }
.Ltmp2:
0x29: {  	_ = 	snop;
	(pc) =	sbr.rel @p0 .LBB2_5-.Ltmp2, $1  }
0x2a: {  	_ =	sdelay $0x3  }
0x2b: {  	s14 =	sand.u32 $0x1, s12  }
0x2c: {  	_ =	swait.ge [sflag:s7], $0x50;
	p0 =	seq.s32 s14, $0x1;
	s14 =	simm.s32 $0x50  }
0x2d: {  	[sflag:s7] =	ssyncset.done $0x0;
	s14 =	simm.s32 @!p0 $0x0  }
0x2e: {  	[sflag:s7] =	ssyncadd.s32 $0xFFFFFFB0;
	(ifvalue) =	ssetifvalue $0x7FFFFFFF;
	v0 =	vld.msk [tilespmem:s14+$0x0 ss:$0x1], $0xffff;
	_ =	sdelay $0x4  }
0x2f: {  	s15 =	sadd.s32 $0x10, s14;
	vm1 =	vgt.s32 v0, $0x0  }
0x30: {  	v2 =	vld.msk [tilespmem:s15+$0x0 ss:$0x1], $0xffff;
	v1 =	vnsel vm1, $0x0, v0  }
0x31: {  	v1 =	vmin.u32 v1, $0x4E1F;
	_ =	sdelay $0x2  }
0x32: {  	s17 =	simm.s32 $0x20;
	s14 =	sor.u32 $0xA0, s14;
	s16 =	sadd.s32 $0x10, s15  }
0x33: {  	s15 =	sadd.s32 $0x10, s14;
	s18 =	smov.u32 s14;
	v0 =	vld.msk [tilespmem:s16+$0x0 ss:$0x1], $0xffff;
	vm1 =	vgt.s32 v2, $0x0;
	(ifvalue) =	ssetifvalue $0x7FFFFFFF  }
.LBB2_3:
0x34: {  	[tilespmem:s18], [sflag:$0x1] =	stream.indirect_vreg.gather [hbm4b:s2+s10], $0x1, v1, vm0, $0x4038;
	[tilespmem:$0x140] =	vst v63  }
0x35: {  	s17 =	sadd.s32 $0x10, s17  }
0x36: {  	v2 =	vnsel vm1, $0x0, v2;
	p0 =	slt.u32 s17, $0x40  }
.Ltmp3:
0x37: {  	s18 =	smov.u32 s15;
	v1 =	vmin.u32 v2, $0x4E1F;
	(pc) =	sbr.rel @p0 .LBB2_3-.Ltmp3, $3  }
0x38: {  	_ =	sdelay $0x1  }
0x39: {  	s16 =	sadd.s32 $0x10, s16  }
0x3a: {  	vm1 =	vgt.s32 v0, $0x0;
	s15 =	sadd.s32 $0x10, s15;
	v2 =	vmov v0;
	(ifvalue) =	ssetifvalue $0x7FFFFFFF;
	v0 =	vld.msk [tilespmem:s16+$0x0 ss:$0x1], $0xffff  }
.Ltmp4:
0x3b: {  	_ = 	snop;
	(pc) =	sbr.rel .LBB2_4-.Ltmp4, $1  }
0x3c: {  	_ =	sdelay $0x3  }
.LBB2_6:
0x3d: {  	_ =	sfence.sel $0x180000  }
0x3e: {  	s2 =	simm.s32 $0x2;
	[bflag:$0x0] =	sbarrier.arrive $0xFFFF  }
0x3f: {  	s30 =	simm.s32 $0x3;
	[sflag:s2] =	ssyncpa.u1 $0x1  }
0x40: {  	s31 =	simm.s32 $0x1;
	[sflag:s30] =	ssyncpa.u1 $0x1  }
0x41: {  	[sflag:s31] =	ssyncpa.u1 $0x1  }
0x42: {  	p0 =	sne.s32 s0, $0x0;
	_ =	strace $0x90000056  }
0x43: {  	s0 =	sadd.s32 @!p0 $0x100000, s1;
	[bflag:$0x2] =	sbarrier.arrive $0xFFFF  }
0x44: {  	[sflag:s0] =	ssyncadd.tile.s32 @!p0 $0x1;
	_ =	shalt  }
.Lfunc_end2:
_tile_overlayer_lowered:
.L_overlay_start_2:
0x45: {  	(tag) =	ssettag $0x2  }
0x46: {  	s0 =	rddreg [dreg:$0x0];
	s2 =	stileid.u32  }
0x47: {  	s1 =	rddreg [dreg:$0x1];
	p0 =	sne.s32 s2, $0x0  }
0x48: {  	s3 =	rddreg [dreg:$0x2];
	[bflag:$0x3] =	sbarrier.arrive $0xFFFF;
	s2 =	simm.s32 @!p0 $0x1C01  }
0x49: {  	[timem:s3], [sflag:s2] =	dma.local @!p0 [hbm:s0], s1  }
0x4a: {  	s0 =	simm.s32 @!p0 $0x1  }
0x4b: {  	_ =	swait.ge @!p0 [sflag:s0], s1  }
0x4c: {  	s1 =	ssub.s32 @!p0 $0x0, s1;
	[sflag:s0] =	ssyncset.done @!p0 $0x0  }
0x4d: {  	[sflag:s0] =	ssyncadd.s32 @!p0 s1  }
0x4e: {  	[bflag:$0x3] =	sbarrier.arrive $0xFFFF  }
0x4f: {  	_ =	shalt  }

// kernel: gather_offload_async_start.5
scs
__scs_entry_jumppad:
0x0: {  	(pc) =	sbr.rel $0x88, $3  }
0x1: {  	(tag) =	ssettag $0x0;
	lr =	simm.s32 $0x1  }
0x2: {  	[smem:$0x3F9D] =	sst lr;
	_ =	strace $0xD0000000  }
0x3: {  	_ = 	snop  }
0x4: {  	_ = 	snop  }
0x5: {  	_ = 	snop  }
0x6: {  	_ = 	snop  }
0x7: {  	_ = 	snop  }
__scs_overlays_trampoline_lowered:
0x8: {  	[smem:$0x3FAC] =	sst s0  }
0x9: {  	[smem:$0x3FAD] =	sst s1  }
0xa: {  	[smem:$0x3FAE] =	sst s2  }
0xb: {  	[smem:$0x3FAF] =	sst s3  }
0xc: {  	[smem:$0x3FB0] =	sst s4  }
0xd: {  	[smem:$0x3FB1] =	sst s5  }
0xe: {  	[smem:$0x3FB2] =	sst s6  }
0xf: {  	[smem:$0x3FB3] =	sst s7  }
0x10: {  	[smem:$0x3FB4] =	sst s8  }
0x11: {  	[smem:$0x3FB5] =	sst s9;
	s0 =	simm.s32 @!p0 $0x0  }
0x12: {  	s1 =	sld [smem:$0x3F9B];
	s0 =	simm.s32 @p0 $0x1  }
0x13: {  	[smem:$0x3FB6] =	sst s0;
	s0 =	simm.s32 @!p1 $0x0  }
0x14: {  	s2 =	sld [smem:$0x3F9A];
	s0 =	simm.s32 @p1 $0x1  }
0x15: {  	[smem:$0x3FB7] =	sst s0;
	s0 =	simm.s32 @!p2 $0x0  }
0x16: {  	s3 =	sld [smem:$0x3FDB];
	s0 =	simm.s32 @p2 $0x1  }
0x17: {  	s4 =	simm.s32 $0x1BF5;
	[smem:$0x3FB9] =	sst s0  }
0x18: {  	s0 =	sld [smem:$0x3F9C];
	_ =	swait.ge [sflag:s4], $0x0  }
0x19: {  	s7 =	sld [smem:$0x3F9D]  }
0x1a: {  	s8 =	sadd.s32 $0xFFFFE003, lr  }
0x1b: {  	s9 =	sadd.s32 $0xFFFFFEF7, lr;
	s5 =	simm.s32 $0xFFFFFFFF;
	p2 =	slt.u32 s8, $0xFFFFF086  }
0x1c: {  	p1 =	slt.u32 s9, $0xF7A;
	s5 =	simm.s32 @!p2 $0x0  }
0x1d: {  	s5 =	simm.s32 @p1 $0x1;
	p0 =	seq.s32 s7, s2  }
0x1e: {  	s7 =	smul.u32 @!p0 $0xF7A, s2;
	p2 =	seq.s32 @!p0 s5, $0x0  }
0x1f: {  	s9 =	smul.u32 $0xF7A, s1;
	s8 =	simm.s32 @!p0 $0x1BF5;
	p2 =	por !p2, p0  }
0x20: {  	[sflag:s8] =	ssyncset.s32 @!p0 $0xFFFFF086;
	s6 =	sadd.s32 @!p0 s3, s7;
	s7 =	simm.s32 @!p0 $0x108  }
0x21: {  	s3 =	sadd.s32 s3, s9;
	s6 =	sadd.s32 @!p0 $0x88, s6;
	s7 =	simm.s32 @p2 $0x1082  }
0x22: {  	[simem:s7], [sflag:s8] =	dma.local @!p0 [hbm:s6], $0xF7A  }
0x23: {  	s9 =	sor.u32 $0xD0000000, s2;
	s6 =	simm.s32 $0x108;
	_ =	swait.ge @!p0 [sflag:s8], $0x0  }
0x24: {  	s3 =	sadd.s32 $0x88, s3;
	s6 =	simm.s32 @!p1 $0x1082;
	[sflag:s4] =	ssyncset.s32 $0xFFFFF086  }
0x25: {  	[simem:s6], [sflag:s4] =	dma.local [hbm:s3], $0xF7A  }
0x26: {  	[smem:$0x3F9D] =	sst s1;
	(tag) =	ssettag s2;
	_ =	strace s9  }
0x27: {  	s1 =	sld [smem:$0x3FAD]  }
0x28: {  	s2 =	sld [smem:$0x3FAE]  }
0x29: {  	s4 =	sld [smem:$0x3FB0]  }
0x2a: {  	p0 =	seq.s32 s5, $0x0;
	s5 =	sld [smem:$0x3FB1]  }
0x2b: {  	s6 =	sld [smem:$0x3FB2]  }
0x2c: {  	s7 =	sld [smem:$0x3FB3]  }
0x2d: {  	s3 =	simm.s32 $0x108;
	s8 =	sld [smem:$0x3FB4]  }
0x2e: {  	s3 =	simm.s32 @!p0 $0x1082;
	s9 =	sld [smem:$0x3FB5]  }
0x2f: {  	lr =	sadd.s32 s0, s3;
	s0 =	sld [smem:$0x3FAC]  }
0x30: {  	s3 =	sld [smem:$0x3FAF]  }
0x31: {  	[smem:$0x3FB8] =	sst s10  }
0x32: {  	s10 =	sld [smem:$0x3FB6];
	_ =	sdelay $0x3  }
0x33: {  	p0 =	seq.s32 s10, $0x1;
	s10 =	sld [smem:$0x3FB8];
	_ =	sdelay $0x3  }
0x34: {  	[smem:$0x3FB8] =	sst s10  }
0x35: {  	s10 =	sld [smem:$0x3FB7];
	_ =	sdelay $0x3  }
0x36: {  	p1 =	seq.s32 s10, $0x1;
	s10 =	sld [smem:$0x3FB8];
	_ =	sdelay $0x3  }
0x37: {  	[smem:$0x3FB8] =	sst s10  }
0x38: {  	s10 =	sld [smem:$0x3FB9]  }
0x39: {  	_ = 	snop;
	(pc) =	sbr.ind lr, $3  }
0x3a: {  	_ = 	snop  }
0x3b: {  	_ = 	snop  }
0x3c: {  	p2 =	seq.s32 s10, $0x1;
	s10 =	sld [smem:$0x3FB8]  }
0x3d: {  	_ =	shalt  }
0x3e: {  	_ =	shalt  }
0x3f: {  	_ =	shalt  }
0x40: {  	_ =	shalt  }
0x41: {  	_ =	shalt  }
0x42: {  	_ =	shalt  }
0x43: {  	_ =	shalt  }
0x44: {  	_ =	shalt  }
0x45: {  	_ =	shalt  }
0x46: {  	_ =	shalt  }
0x47: {  	_ =	shalt  }
0x48: {  	_ =	shalt  }
0x49: {  	_ =	shalt  }
0x4a: {  	_ =	shalt  }
0x4b: {  	_ =	shalt  }
0x4c: {  	_ =	shalt  }
0x4d: {  	_ =	shalt  }
0x4e: {  	_ =	shalt  }
0x4f: {  	_ =	shalt  }
0x50: {  	_ =	shalt  }
0x51: {  	_ =	shalt  }
0x52: {  	_ =	shalt  }
0x53: {  	_ =	shalt  }
0x54: {  	_ =	shalt  }
0x55: {  	_ =	shalt  }
0x56: {  	_ =	shalt  }
0x57: {  	_ =	shalt  }
0x58: {  	_ =	shalt  }
0x59: {  	_ =	shalt  }
0x5a: {  	_ =	shalt  }
0x5b: {  	_ =	shalt  }
0x5c: {  	_ =	shalt  }
0x5d: {  	_ =	shalt  }
0x5e: {  	_ =	shalt  }
0x5f: {  	_ =	shalt  }
0x60: {  	_ =	shalt  }
0x61: {  	_ =	shalt  }
0x62: {  	_ =	shalt  }
0x63: {  	_ =	shalt  }
0x64: {  	_ =	shalt  }
0x65: {  	_ =	shalt  }
0x66: {  	_ =	shalt  }
0x67: {  	_ =	shalt  }
0x68: {  	_ =	shalt  }
0x69: {  	_ =	shalt  }
0x6a: {  	_ =	shalt  }
0x6b: {  	_ =	shalt  }
0x6c: {  	_ =	shalt  }
0x6d: {  	_ =	shalt  }
0x6e: {  	_ =	shalt  }
0x6f: {  	_ =	shalt  }
0x70: {  	_ =	shalt  }
0x71: {  	_ =	shalt  }
0x72: {  	_ =	shalt  }
0x73: {  	_ =	shalt  }
0x74: {  	_ =	shalt  }
0x75: {  	_ =	shalt  }
0x76: {  	_ =	shalt  }
0x77: {  	_ =	shalt  }
0x78: {  	_ =	shalt  }
0x79: {  	_ =	shalt  }
0x7a: {  	_ =	shalt  }
0x7b: {  	_ =	shalt  }
0x7c: {  	_ =	shalt  }
0x7d: {  	_ =	shalt  }
0x7e: {  	_ =	shalt  }
0x7f: {  	_ =	shalt  }
0x80: {  	_ =	shalt  }
0x81: {  	_ =	shalt  }
0x82: {  	_ =	shalt  }
0x83: {  	_ =	shalt  }
0x84: {  	_ =	shalt  }
0x85: {  	_ =	shalt  }
0x86: {  	_ =	shalt  }
0x87: {  	_ =	shalt  }
.Lfunc_end0:
.L_simem_size_0:
called_computation.5_lowered:
.L_overlay_start_0:
0x88: {  	s2 =	sld [smem:$0x3FD9]  }
0x89: {  	s3 =	sld [smem:$0x3FFE];
	_ =	sdelay $0x1  }
0x8a: {  	s1 =	srdreg.scid  }
0x8b: {  	s0 =	sand.u32 $0x1, s1  }
0x8c: {  	s14 =	sshll.u32 s0, $0xA;
	s2 =	sadd.s32 s3, s2  }
0x8d: {  	s2 =	sadd.s32 s2, s14  }
0x8e: {  	[smem:$0x3FC4] =	sst s2  }
0x8f: {  	_ = 	snop  }
0x90: {  	s2 =	sld [smem:$0x3FD0];
	_ =	sdelay $0x2  }
0x91: {  	s4 =	simm.s32 $0xB;
	s5 =	simm.s32 $0x10;
	s15 =	sld [smem:$0x3FC7]  }
0x92: {  	[smem:s5], [sflag:s4] =	dma.local [hbm:s2], $0x1  }
0x93: {  	_ =	swait.eq [sflag:s4], $0x1  }
0x94: {  	[sflag:s4] =	ssyncset.done $0x0  }
0x95: {  	[sflag:s4] =	ssyncadd.s32 $0xFFFFFFFF  }
0x96: {  	s16 =	sld [smem:$0x11];
	(tm) =	ssettm $0x1  }
0x97: {  	s17 =	sld [smem:$0x3FFB];
	_ =	sdelay $0x3  }
0x98: {  	_ =	strace s17  }
0x99: {  	s4 =	sld [smem:$0x3FFC];
	_ =	sdelay $0x3  }
0x9a: {  	_ =	strace s4  }
0x9b: {  	s4 =	sld [smem:$0x3FFD];
	_ =	sdelay $0x3  }
0x9c: {  	_ =	strace s4  }
0x9d: {  	_ =	strace $0x8FFFFFFF  }
0x9e: {  	s18 =	sld [smem:$0x3FDB];
	_ =	sdelay $0x1  }
0x9f: {  	s19 =	simm.s32 $_scs_section_size  }
0xa0: {  	s6 =	simm.s32 $_size__tile_overlayer_lowered;
	s7 =	simm.s32 $_tile_overlayer_lowered  }
0xa1: {  	s22 =	simm.s32 $0x1BFF;
	s21 =	sshll.u32 s7, $0x1;
	s4 =	sadd.s32 s19, s18  }
0xa2: {  	s8 =	simm.s32 $0x0;
	s20 =	sshll.u32 s6, $0x1;
	s6 =	sadd.s32 s21, s4  }
0xa3: {  	[timem:s8], [sflag:s22] =	dma.local [hbm:s6], s20  }
0xa4: {  	_ =	swait.ge [sflag:s22], s20  }
0xa5: {  	s5 =	ssub.s32 $0x0, s20;
	[sflag:s22] =	ssyncset.done $0x0  }
0xa6: {  	[sflag:s22] =	ssyncadd.s32 s5;
	_ =	sdelay $0x1  }
0xa7: {  	s23 =	simm.s32 $0x1B8B  }
0xa8: {  	_ =	swait.ge [sflag:s23], $0x1  }
0xa9: {  	[sflag:s23] =	ssyncset.done $0x0  }
0xaa: {  	s25 =	simm.s32 $0x1B8E;
	s24 =	sld [smem:$0x3FFE];
	[sflag:s23] =	ssyncadd.s32 $0xFFFFFFFF  }
0xab: {  	s26 =	simm.s32 $execute0_lowered;
	[smem:$0x3FD2] =	sst s25  }
0xac: {  	s6 =	sshll.u32 s26, $0x1;
	_ =	strace $0x80000058;
	[dreg:$0x1] =	wrdreg $0xFFFFFFFF  }
0xad: {  	s28 =	simm.s32 $_size_execute0_lowered;
	s4 =	sadd.s32 s4, s6;
	[dreg:$0x0] =	wrdreg $0x0  }
0xae: {  	s6 =	sshll.u32 s28, $0x1;
	[dreg:$0x2] =	wrdreg s4  }
0xaf: {  	[dreg:$0x3] =	wrdreg s6  }
0xb0: {  	[dreg:$0x4] =	wrdreg $0xC0  }
0xb1: {  	_ =	task [dreg:s8], $0x5FFFF  }
0xb2: {  	[dreg:$0x1] =	wrdreg $0xFFFFFFFF  }
0xb3: {  	[dreg:$0x0] =	wrdreg $0x60  }
0xb4: {  	[dreg:$0x2] =	wrdreg s15  }
0xb5: {  	[dreg:$0x3] =	wrdreg s16  }
0xb6: {  	[dreg:$0x4] =	wrdreg s24  }
0xb7: {  	[dreg:$0x5] =	wrdreg $0x9  }
0xb8: {  	_ =	task.clear_ibuf [dreg:s8], $0x6FFFF;
	_ =	strace $0x90000058  }
0xb9: {  	s29 =	simm.s32 $0x9;
	_ =	strace $0x8000005A  }
0xba: {  	_ =	swait.ge [sflag:s29], $0x1  }
0xbb: {  	[sflag:s29] =	ssyncadd.s32 $0xFFFFFFFF  }
0xbc: {  	_ =	strace $0x9000005A  }
0xbd: {  	_ =	sfence  }
0xbe: {  	s30 =	sld [smem:$0x0];
	_ =	sdelay $0x2  }
0xbf: {  	s31 =	sshll.u32 s1, $0xD;
	s1 =	sshrl.u32 s1, $0x2  }
0xc0: {  	s3 =	sand.u32 $0x4000, s31;
	s1 =	sadd.s32 s1, s30  }
0xc1: {  	s0 =	sor.u32 s3, s0;
	s1 =	sshll.u32 s1, $0x11  }
0xc2: {  	s0 =	sor.u32 s1, s0  }
0xc3: {  	s0 =	sadd.s32 $0x8F2B, s0  }
0xc4: {  	[sflag:s0] =	ssyncadd.remote.s32 $0x1  }
0xc5: {  	_ =	sfence.sel $0xFFFF  }
0xc6: {  	[dreg:$0x0] =	wrdreg $0xFFFFFFFF;
	(pc) =	sbr.abs _section_cstart, $3  }
0xc7: {  	[dreg:$0x1] =	wrdreg $0xFFFFFFFF  }
0xc8: {  	_ =	task.clear_ibuf [dreg:s8], $0x2FFFF;
	_ =	strace $0x9FFFFFFF  }
0xc9: {  	(tm) =	ssettm $0x7FFFFFFF  }
tec
execute0_lowered:
.L_overlay_start_1:
0x0: {  	(tag) =	ssettag $0x1  }
0x1: {  	s2 =	rddreg [dreg:$0x0]  }
0x2: {  	s3 =	rddreg [dreg:$0x1];
	s0 =	stileid.u32  }
0x3: {  	s1 =	srdreg.scid;
	s4 =	rddreg [dreg:$0x2];
	s9 =	simm.s32 $0x1  }
0x4: {  	s10 =	simm.s32 $0x3;
	s5 =	sand.u32 $0x1, s1;
	s6 =	sshll.u32 s0, $0x1  }
0x5: {  	s13 =	simm.s32 $0x0;
	s12 =	simm.s32 $0x0;
	s7 =	sor.u32 s6, s5  }
0x6: {  	s1 =	rddreg [dreg:$0x3];
	_ =	strace $0x80000059;
	s5 =	smul.u32 $0x50, s7  }
0x7: {  	s6 =	simm.s32 $0x1;
	p0 =	slt.u32 s7, $0x13;
	s7 =	simm.s32 $0xA00  }
.Ltmp0:
0x8: {  	s7 =	simm.s32 @!p0 $0x0;
	s8 =	ssub.s32 $0xFA0, s5;
	(pc) =	sbr.rel .LBB2_1-.Ltmp0, $4  }
0x9: {  	s9 =	simm.s32 @!p0 $0x0;
	p0 =	sne.s32 s8, s7;
	s8 =	simm.s32 $0x1  }
0xa: {  	[sflag:s6] =	ssyncpa.u1 $0x0;
	s7 =	simm.s32 $0x2;
	s8 =	simm.s32 @!p0 $0x0  }
0xb: {  	s11 =	smov.u32 s5;
	[sflag:s7] =	ssyncpa.u1 $0x0;
	s8 =	sadd.s32 s9, s8  }
0xc: {  	vm0 =	vmmov $0xffff;
	[sflag:s10] =	ssyncpa.u1 $0x0;
	s10 =	simm.s32 $0x0;
	s9 =	sadd.s32 $0x1, s8  }
.LBB2_4:
0xd: {  	v2 =	vnsel vm1, $0x0, v2  }
0xe: {  	vm1 =	vgt.s32 v0, $0x0;
	v2 =	vmin.u32 v2, $0x4E1F  }
0xf: {  	v0 =	vnsel vm1, $0x0, v0  }
0x10: {  	v0 =	vmin.u32 v0, $0x4E1F  }
0x11: {  	[tilespmem:s18], [sflag:$0x1] =	stream.indirect_vreg.gather [hbm4b:s2+s10], $0x1, v1, vm0, $0x4038;
	[tilespmem:$0x140] =	vst v63  }
0x12: {  	(ifvalue) =	ssetifvalue $0x7FFFFFFF  }
0x13: {  	[tilespmem:s15], [sflag:$0x1] =	stream.indirect_vreg.gather [hbm4b:s2+s10], $0x1, v2, vm0, $0x4038;
	[tilespmem:$0x140] =	vst v63  }
0x14: {  	s29 =	sadd.s32 $0x10, s15;
	(ifvalue) =	ssetifvalue $0x7FFFFFFF  }
0x15: {  	[tilespmem:s29], [sflag:$0x1] =	stream.indirect_vreg.gather [hbm4b:s2+s10], $0x1, v0, vm0, $0x4038;
	[tilespmem:$0x140] =	vst v63  }
0x16: {  	_ =	swait.ge [sflag:s6], $0x50  }
0x17: {  	s30 =	sshrl.u32 s13, $0x3;
	[sflag:s6] =	ssyncset.done $0x0  }
0x18: {  	s31 =	sand.u32 $0x7, s13;
	s15 =	sadd.s32 s4, s30;
	[sflag:s6] =	ssyncadd.s32 $0xFFFFFFB0  }
0x19: {  	[hbm4b:s15+s31] =	stream.linear.scatter [tilespmem:s14], [sflag:$0x3], $0x50, $0x38;
	[tilespmem:$0x140] =	vst v63  }
.LBB2_5:
0x1a: {  	s15 =	sadd.s32 $0xA00, s11  }
0x1b: {  	p1 =	sgt.s32 s15, $0xF9F  }
0x1c: {  	s15 =	smov.u32 @p1 s5;
	p1 =	sne.s32 s12, s9  }
.Ltmp1:
0x1d: {  	p0 =	slt.u32 s12, $0x2;
	(pc) =	sbr.rel @!p1 .LBB2_6-.Ltmp1, $4  }
0x1e: {  	s14 =	simm.s32 @!p0 $0x3  }
0x1f: {  	_ =	swait.ge @!p0 [sflag:s14], $0x50  }
0x20: {  	s16 =	sadd.s32 $0x1, s12;
	s13 =	smov.u32 s11;
	[sflag:s14] =	ssyncset.done @!p0 $0x0  }
0x21: {  	s12 =	smov.u32 s16;
	s11 =	smov.u32 s15;
	[sflag:s14] =	ssyncadd.s32 @!p0 $0xFFFFFFB0  }
.LBB2_1:
0x22: {  	p0 =	sge.u32 s12, s8  }
0x23: {  	s14 =	sxor.u32 @!p0 $0x1, s12  }
0x24: {  	s14 =	smul.u32 @!p0 $0x140, s14  }
0x25: {  	s31 =	sadd.s32 $0xFFFFFFFF, s12;
	s15 =	sshrl.u32 @!p0 s11, $0x3  }
0x26: {  	s16 =	sand.u32 @!p0 $0x7, s11;
	s15 =	sadd.s32 @!p0 s3, s15;
	s14 =	sshra.s32 @!p0 s14, $0x2  }
0x27: {  	[tilespmem:s14], [sflag:$0x2] =	stream.linear.gather @!p0 [hbm4b:s15+s16], $0x50, $0x38;
	[tilespmem:$0x140] =	vst v63  }
0x28: {  	p0 =	sge.u32 s31, s8  }
.Ltmp2:
0x29: {  	_ = 	snop;
	(pc) =	sbr.rel @p0 .LBB2_5-.Ltmp2, $1  }
0x2a: {  	_ =	sdelay $0x3  }
0x2b: {  	s14 =	sand.u32 $0x1, s12  }
0x2c: {  	_ =	swait.ge [sflag:s7], $0x50;
	p0 =	seq.s32 s14, $0x1;
	s14 =	simm.s32 $0x50  }
0x2d: {  	[sflag:s7] =	ssyncset.done $0x0;
	s14 =	simm.s32 @!p0 $0x0  }
0x2e: {  	[sflag:s7] =	ssyncadd.s32 $0xFFFFFFB0;
	(ifvalue) =	ssetifvalue $0x7FFFFFFF;
	v0 =	vld.msk [tilespmem:s14+$0x0 ss:$0x1], $0xffff;
	_ =	sdelay $0x4  }
0x2f: {  	s15 =	sadd.s32 $0x10, s14;
	vm1 =	vgt.s32 v0, $0x0  }
0x30: {  	v2 =	vld.msk [tilespmem:s15+$0x0 ss:$0x1], $0xffff;
	v1 =	vnsel vm1, $0x0, v0  }
0x31: {  	v1 =	vmin.u32 v1, $0x4E1F;
	_ =	sdelay $0x2  }
0x32: {  	s17 =	simm.s32 $0x20;
	s14 =	sor.u32 $0xA0, s14;
	s16 =	sadd.s32 $0x10, s15  }
0x33: {  	s15 =	sadd.s32 $0x10, s14;
	s18 =	smov.u32 s14;
	v0 =	vld.msk [tilespmem:s16+$0x0 ss:$0x1], $0xffff;
	vm1 =	vgt.s32 v2, $0x0;
	(ifvalue) =	ssetifvalue $0x7FFFFFFF  }
.LBB2_3:
0x34: {  	[tilespmem:s18], [sflag:$0x1] =	stream.indirect_vreg.gather [hbm4b:s2+s10], $0x1, v1, vm0, $0x4038;
	[tilespmem:$0x140] =	vst v63  }
0x35: {  	s17 =	sadd.s32 $0x10, s17  }
0x36: {  	v2 =	vnsel vm1, $0x0, v2;
	p0 =	slt.u32 s17, $0x40  }
.Ltmp3:
0x37: {  	s18 =	smov.u32 s15;
	v1 =	vmin.u32 v2, $0x4E1F;
	(pc) =	sbr.rel @p0 .LBB2_3-.Ltmp3, $3  }
0x38: {  	_ =	sdelay $0x1  }
0x39: {  	s16 =	sadd.s32 $0x10, s16  }
0x3a: {  	vm1 =	vgt.s32 v0, $0x0;
	s15 =	sadd.s32 $0x10, s15;
	v2 =	vmov v0;
	(ifvalue) =	ssetifvalue $0x7FFFFFFF;
	v0 =	vld.msk [tilespmem:s16+$0x0 ss:$0x1], $0xffff  }
.Ltmp4:
0x3b: {  	_ = 	snop;
	(pc) =	sbr.rel .LBB2_4-.Ltmp4, $1  }
0x3c: {  	_ =	sdelay $0x3  }
.LBB2_6:
0x3d: {  	_ =	sfence.sel $0x180000  }
0x3e: {  	s2 =	simm.s32 $0x2;
	[bflag:$0x0] =	sbarrier.arrive $0xFFFF  }
0x3f: {  	s30 =	simm.s32 $0x3;
	[sflag:s2] =	ssyncpa.u1 $0x1  }
0x40: {  	s31 =	simm.s32 $0x1;
	[sflag:s30] =	ssyncpa.u1 $0x1  }
0x41: {  	[sflag:s31] =	ssyncpa.u1 $0x1  }
0x42: {  	p0 =	sne.s32 s0, $0x0;
	_ =	strace $0x90000059  }
0x43: {  	s0 =	sadd.s32 @!p0 $0x100000, s1;
	[bflag:$0x2] =	sbarrier.arrive $0xFFFF  }
0x44: {  	[sflag:s0] =	ssyncadd.tile.s32 @!p0 $0x1;
	_ =	shalt  }
.Lfunc_end2:
_tile_overlayer_lowered:
.L_overlay_start_2:
0x45: {  	(tag) =	ssettag $0x2  }
0x46: {  	s0 =	rddreg [dreg:$0x0];
	s2 =	stileid.u32  }
0x47: {  	s1 =	rddreg [dreg:$0x1];
	p0 =	sne.s32 s2, $0x0  }
0x48: {  	s3 =	rddreg [dreg:$0x2];
	[bflag:$0x3] =	sbarrier.arrive $0xFFFF;
	s2 =	simm.s32 @!p0 $0x1C01  }
0x49: {  	[timem:s3], [sflag:s2] =	dma.local @!p0 [hbm:s0], s1  }
0x4a: {  	s0 =	simm.s32 @!p0 $0x1  }
0x4b: {  	_ =	swait.ge @!p0 [sflag:s0], s1  }
0x4c: {  	s1 =	ssub.s32 @!p0 $0x0, s1;
	[sflag:s0] =	ssyncset.done @!p0 $0x0  }
0x4d: {  	[sflag:s0] =	ssyncadd.s32 @!p0 s1  }
0x4e: {  	[bflag:$0x3] =	sbarrier.arrive $0xFFFF  }
0x4f: {  	_ =	shalt  }

// kernel: gather_offload_async_start
scs
__scs_entry_jumppad:
0x0: {  	(pc) =	sbr.rel $0x88, $3  }
0x1: {  	(tag) =	ssettag $0x0;
	lr =	simm.s32 $0x1  }
0x2: {  	[smem:$0x3F9D] =	sst lr;
	_ =	strace $0xD0000000  }
0x3: {  	_ = 	snop  }
0x4: {  	_ = 	snop  }
0x5: {  	_ = 	snop  }
0x6: {  	_ = 	snop  }
0x7: {  	_ = 	snop  }
__scs_overlays_trampoline_lowered:
0x8: {  	[smem:$0x3FAC] =	sst s0  }
0x9: {  	[smem:$0x3FAD] =	sst s1  }
0xa: {  	[smem:$0x3FAE] =	sst s2  }
0xb: {  	[smem:$0x3FAF] =	sst s3  }
0xc: {  	[smem:$0x3FB0] =	sst s4  }
0xd: {  	[smem:$0x3FB1] =	sst s5  }
0xe: {  	[smem:$0x3FB2] =	sst s6  }
0xf: {  	[smem:$0x3FB3] =	sst s7  }
0x10: {  	[smem:$0x3FB4] =	sst s8  }
0x11: {  	[smem:$0x3FB5] =	sst s9;
	s0 =	simm.s32 @!p0 $0x0  }
0x12: {  	s1 =	sld [smem:$0x3F9B];
	s0 =	simm.s32 @p0 $0x1  }
0x13: {  	[smem:$0x3FB6] =	sst s0;
	s0 =	simm.s32 @!p1 $0x0  }
0x14: {  	s2 =	sld [smem:$0x3F9A];
	s0 =	simm.s32 @p1 $0x1  }
0x15: {  	[smem:$0x3FB7] =	sst s0;
	s0 =	simm.s32 @!p2 $0x0  }
0x16: {  	s3 =	sld [smem:$0x3FDB];
	s0 =	simm.s32 @p2 $0x1  }
0x17: {  	s4 =	simm.s32 $0x1BF5;
	[smem:$0x3FB9] =	sst s0  }
0x18: {  	s0 =	sld [smem:$0x3F9C];
	_ =	swait.ge [sflag:s4], $0x0  }
0x19: {  	s7 =	sld [smem:$0x3F9D]  }
0x1a: {  	s8 =	sadd.s32 $0xFFFFE003, lr  }
0x1b: {  	s9 =	sadd.s32 $0xFFFFFEF7, lr;
	s5 =	simm.s32 $0xFFFFFFFF;
	p2 =	slt.u32 s8, $0xFFFFF086  }
0x1c: {  	p1 =	slt.u32 s9, $0xF7A;
	s5 =	simm.s32 @!p2 $0x0  }
0x1d: {  	s5 =	simm.s32 @p1 $0x1;
	p0 =	seq.s32 s7, s2  }
0x1e: {  	s7 =	smul.u32 @!p0 $0xF7A, s2;
	p2 =	seq.s32 @!p0 s5, $0x0  }
0x1f: {  	s9 =	smul.u32 $0xF7A, s1;
	s8 =	simm.s32 @!p0 $0x1BF5;
	p2 =	por !p2, p0  }
0x20: {  	[sflag:s8] =	ssyncset.s32 @!p0 $0xFFFFF086;
	s6 =	sadd.s32 @!p0 s3, s7;
	s7 =	simm.s32 @!p0 $0x108  }
0x21: {  	s3 =	sadd.s32 s3, s9;
	s6 =	sadd.s32 @!p0 $0x88, s6;
	s7 =	simm.s32 @p2 $0x1082  }
0x22: {  	[simem:s7], [sflag:s8] =	dma.local @!p0 [hbm:s6], $0xF7A  }
0x23: {  	s9 =	sor.u32 $0xD0000000, s2;
	s6 =	simm.s32 $0x108;
	_ =	swait.ge @!p0 [sflag:s8], $0x0  }
0x24: {  	s3 =	sadd.s32 $0x88, s3;
	s6 =	simm.s32 @!p1 $0x1082;
	[sflag:s4] =	ssyncset.s32 $0xFFFFF086  }
0x25: {  	[simem:s6], [sflag:s4] =	dma.local [hbm:s3], $0xF7A  }
0x26: {  	[smem:$0x3F9D] =	sst s1;
	(tag) =	ssettag s2;
	_ =	strace s9  }
0x27: {  	s1 =	sld [smem:$0x3FAD]  }
0x28: {  	s2 =	sld [smem:$0x3FAE]  }
0x29: {  	s4 =	sld [smem:$0x3FB0]  }
0x2a: {  	p0 =	seq.s32 s5, $0x0;
	s5 =	sld [smem:$0x3FB1]  }
0x2b: {  	s6 =	sld [smem:$0x3FB2]  }
0x2c: {  	s7 =	sld [smem:$0x3FB3]  }
0x2d: {  	s3 =	simm.s32 $0x108;
	s8 =	sld [smem:$0x3FB4]  }
0x2e: {  	s3 =	simm.s32 @!p0 $0x1082;
	s9 =	sld [smem:$0x3FB5]  }
0x2f: {  	lr =	sadd.s32 s0, s3;
	s0 =	sld [smem:$0x3FAC]  }
0x30: {  	s3 =	sld [smem:$0x3FAF]  }
0x31: {  	[smem:$0x3FB8] =	sst s10  }
0x32: {  	s10 =	sld [smem:$0x3FB6];
	_ =	sdelay $0x3  }
0x33: {  	p0 =	seq.s32 s10, $0x1;
	s10 =	sld [smem:$0x3FB8];
	_ =	sdelay $0x3  }
0x34: {  	[smem:$0x3FB8] =	sst s10  }
0x35: {  	s10 =	sld [smem:$0x3FB7];
	_ =	sdelay $0x3  }
0x36: {  	p1 =	seq.s32 s10, $0x1;
	s10 =	sld [smem:$0x3FB8];
	_ =	sdelay $0x3  }
0x37: {  	[smem:$0x3FB8] =	sst s10  }
0x38: {  	s10 =	sld [smem:$0x3FB9]  }
0x39: {  	_ = 	snop;
	(pc) =	sbr.ind lr, $3  }
0x3a: {  	_ = 	snop  }
0x3b: {  	_ = 	snop  }
0x3c: {  	p2 =	seq.s32 s10, $0x1;
	s10 =	sld [smem:$0x3FB8]  }
0x3d: {  	_ =	shalt  }
0x3e: {  	_ =	shalt  }
0x3f: {  	_ =	shalt  }
0x40: {  	_ =	shalt  }
0x41: {  	_ =	shalt  }
0x42: {  	_ =	shalt  }
0x43: {  	_ =	shalt  }
0x44: {  	_ =	shalt  }
0x45: {  	_ =	shalt  }
0x46: {  	_ =	shalt  }
0x47: {  	_ =	shalt  }
0x48: {  	_ =	shalt  }
0x49: {  	_ =	shalt  }
0x4a: {  	_ =	shalt  }
0x4b: {  	_ =	shalt  }
0x4c: {  	_ =	shalt  }
0x4d: {  	_ =	shalt  }
0x4e: {  	_ =	shalt  }
0x4f: {  	_ =	shalt  }
0x50: {  	_ =	shalt  }
0x51: {  	_ =	shalt  }
0x52: {  	_ =	shalt  }
0x53: {  	_ =	shalt  }
0x54: {  	_ =	shalt  }
0x55: {  	_ =	shalt  }
0x56: {  	_ =	shalt  }
0x57: {  	_ =	shalt  }
0x58: {  	_ =	shalt  }
0x59: {  	_ =	shalt  }
0x5a: {  	_ =	shalt  }
0x5b: {  	_ =	shalt  }
0x5c: {  	_ =	shalt  }
0x5d: {  	_ =	shalt  }
0x5e: {  	_ =	shalt  }
0x5f: {  	_ =	shalt  }
0x60: {  	_ =	shalt  }
0x61: {  	_ =	shalt  }
0x62: {  	_ =	shalt  }
0x63: {  	_ =	shalt  }
0x64: {  	_ =	shalt  }
0x65: {  	_ =	shalt  }
0x66: {  	_ =	shalt  }
0x67: {  	_ =	shalt  }
0x68: {  	_ =	shalt  }
0x69: {  	_ =	shalt  }
0x6a: {  	_ =	shalt  }
0x6b: {  	_ =	shalt  }
0x6c: {  	_ =	shalt  }
0x6d: {  	_ =	shalt  }
0x6e: {  	_ =	shalt  }
0x6f: {  	_ =	shalt  }
0x70: {  	_ =	shalt  }
0x71: {  	_ =	shalt  }
0x72: {  	_ =	shalt  }
0x73: {  	_ =	shalt  }
0x74: {  	_ =	shalt  }
0x75: {  	_ =	shalt  }
0x76: {  	_ =	shalt  }
0x77: {  	_ =	shalt  }
0x78: {  	_ =	shalt  }
0x79: {  	_ =	shalt  }
0x7a: {  	_ =	shalt  }
0x7b: {  	_ =	shalt  }
0x7c: {  	_ =	shalt  }
0x7d: {  	_ =	shalt  }
0x7e: {  	_ =	shalt  }
0x7f: {  	_ =	shalt  }
0x80: {  	_ =	shalt  }
0x81: {  	_ =	shalt  }
0x82: {  	_ =	shalt  }
0x83: {  	_ =	shalt  }
0x84: {  	_ =	shalt  }
0x85: {  	_ =	shalt  }
0x86: {  	_ =	shalt  }
0x87: {  	_ =	shalt  }
.Lfunc_end0:
.L_simem_size_0:
called_computation_lowered:
.L_overlay_start_0:
0x88: {  	s2 =	sld [smem:$0x3FD9]  }
0x89: {  	s3 =	sld [smem:$0x3FFE];
	_ =	sdelay $0x1  }
0x8a: {  	s1 =	srdreg.scid  }
0x8b: {  	s0 =	sand.u32 $0x1, s1  }
0x8c: {  	s17 =	sshll.u32 s0, $0xA;
	s2 =	sadd.s32 s3, s2  }
0x8d: {  	s2 =	sadd.s32 s2, s17  }
0x8e: {  	[smem:$0x3FC4] =	sst s2  }
0x8f: {  	_ = 	snop  }
0x90: {  	s2 =	sld [smem:$0x3FC9];
	(tm) =	ssettm $0x1  }
0x91: {  	s18 =	sld [smem:$0x3FFB];
	_ =	sdelay $0x3  }
0x92: {  	_ =	strace s18  }
0x93: {  	s3 =	sld [smem:$0x3FFC];
	_ =	sdelay $0x3  }
0x94: {  	_ =	strace s3  }
0x95: {  	s3 =	sld [smem:$0x3FFD];
	_ =	sdelay $0x3  }
0x96: {  	_ =	strace s3  }
0x97: {  	_ =	strace $0x8FFFFFFF  }
0x98: {  	s19 =	sld [smem:$0x3FDB];
	_ =	sdelay $0x1  }
0x99: {  	s4 =	simm.s32 $_scs_section_size  }
0x9a: {  	s5 =	simm.s32 $_size__tile_overlayer_lowered;
	s6 =	simm.s32 $_tile_overlayer_lowered  }
0x9b: {  	s22 =	simm.s32 $0x1BFF;
	s21 =	sshll.u32 s6, $0x1;
	s3 =	sadd.s32 s4, s19  }
0x9c: {  	s7 =	simm.s32 $0x0;
	s20 =	sshll.u32 s5, $0x1;
	s5 =	sadd.s32 s21, s3  }
0x9d: {  	[timem:s7], [sflag:s22] =	dma.local [hbm:s5], s20  }
0x9e: {  	_ =	swait.ge [sflag:s22], s20  }
0x9f: {  	s4 =	ssub.s32 $0x0, s20;
	[sflag:s22] =	ssyncset.done $0x0  }
0xa0: {  	[sflag:s22] =	ssyncadd.s32 s4;
	_ =	sdelay $0x1  }
0xa1: {  	s23 =	simm.s32 $0x1B8B  }
0xa2: {  	_ =	swait.ge [sflag:s23], $0x1  }
0xa3: {  	[sflag:s23] =	ssyncset.done $0x0  }
0xa4: {  	s25 =	simm.s32 $0x1B8E;
	s24 =	sld [smem:$0x3FFE];
	[sflag:s23] =	ssyncadd.s32 $0xFFFFFFFF  }
0xa5: {  	s26 =	simm.s32 $execute0_lowered;
	[smem:$0x3FD2] =	sst s25  }
0xa6: {  	s5 =	sshll.u32 s26, $0x1;
	_ =	strace $0x80000046;
	[dreg:$0x1] =	wrdreg $0xFFFFFFFF  }
0xa7: {  	s28 =	simm.s32 $_size_execute0_lowered;
	s3 =	sadd.s32 s3, s5;
	[dreg:$0x0] =	wrdreg $0x0  }
0xa8: {  	s5 =	sshll.u32 s28, $0x1;
	[dreg:$0x2] =	wrdreg s3  }
0xa9: {  	[dreg:$0x3] =	wrdreg s5  }
0xaa: {  	[dreg:$0x4] =	wrdreg $0xC0  }
0xab: {  	_ =	task [dreg:s7], $0x5FFFF  }
0xac: {  	[dreg:$0x1] =	wrdreg $0xFFFFFFFF  }
0xad: {  	[dreg:$0x0] =	wrdreg $0x60  }
0xae: {  	[dreg:$0x2] =	wrdreg s2  }
0xaf: {  	[dreg:$0x3] =	wrdreg s24  }
0xb0: {  	[dreg:$0x4] =	wrdreg $0x9  }
0xb1: {  	_ =	task.clear_ibuf [dreg:s7], $0x5FFFF;
	_ =	strace $0x90000046  }
0xb2: {  	s29 =	simm.s32 $0x9;
	_ =	strace $0x80000048  }
0xb3: {  	_ =	swait.ge [sflag:s29], $0x1  }
0xb4: {  	[sflag:s29] =	ssyncadd.s32 $0xFFFFFFFF  }
0xb5: {  	_ =	strace $0x90000048  }
0xb6: {  	_ =	sfence  }
0xb7: {  	s30 =	sld [smem:$0x0];
	_ =	sdelay $0x2  }
0xb8: {  	s31 =	sshll.u32 s1, $0xD;
	s1 =	sshrl.u32 s1, $0x2  }
0xb9: {  	s3 =	sand.u32 $0x4000, s31;
	s1 =	sadd.s32 s1, s30  }
0xba: {  	s0 =	sor.u32 s3, s0;
	s1 =	sshll.u32 s1, $0x11  }
0xbb: {  	s0 =	sor.u32 s1, s0  }
0xbc: {  	s0 =	sadd.s32 $0x8F2B, s0  }
0xbd: {  	[sflag:s0] =	ssyncadd.remote.s32 $0x1  }
0xbe: {  	_ =	sfence.sel $0xFFFF  }
0xbf: {  	[dreg:$0x0] =	wrdreg $0xFFFFFFFF;
	(pc) =	sbr.abs _section_cstart, $3  }
0xc0: {  	[dreg:$0x1] =	wrdreg $0xFFFFFFFF  }
0xc1: {  	_ =	task.clear_ibuf [dreg:s7], $0x2FFFF;
	_ =	strace $0x9FFFFFFF  }
0xc2: {  	(tm) =	ssettm $0x7FFFFFFF  }
0xc3: {  	_ =	shalt  }
tec
execute0_lowered:
.L_overlay_start_1:
0x0: {  	(tag) =	ssettag $0x1  }
0x1: {  	s2 =	rddreg [dreg:$0x0]  }
0x2: {  	s8 =	rddreg [dreg:$0x1]  }
0x3: {  	s0 =	rddreg [dreg:$0x2];
	s1 =	stileid.u32  }
0x4: {  	s3 =	srdreg.scid;
	_ =	strace $0x80000047;
	s4 =	simm.s32 $0x1  }
0x5: {  	s7 =	simm.s32 $0x1;
	s9 =	simm.s32 $0x1;
	s10 =	simm.s32 $0x3  }
0x6: {  	s13 =	simm.s32 $0x0;
	s5 =	sand.u32 $0x1, s3;
	s6 =	sshll.u32 s1, $0x1  }
0x7: {  	s12 =	simm.s32 $0x0;
	s3 =	sadd.s32 $0xA00, s8;
	s5 =	sor.u32 s6, s5  }
.Ltmp0:
0x8: {  	[sflag:s4] =	ssyncpa.u1 $0x0;
	p0 =	slt.u32 s5, $0x13;
	(pc) =	sbr.rel .LBB2_1-.Ltmp0, $4  }
0x9: {  	s6 =	simm.s32 $0x2;
	s7 =	simm.s32 @!p0 $0x0;
	p0 =	sne.s32 s5, $0x12  }
0xa: {  	[sflag:s6] =	ssyncpa.u1 $0x0;
	s5 =	smul.u32 $0x190, s5;
	s9 =	simm.s32 @!p0 $0x0  }
0xb: {  	s8 =	sadd.s32 $0x1400, s8;
	[sflag:s10] =	ssyncpa.u1 $0x0;
	s7 =	sadd.s32 s9, s7  }
0xc: {  	vm0 =	vmmov $0xffff;
	s10 =	simm.s32 $0x0;
	s11 =	smov.u32 s5;
	s9 =	sadd.s32 $0x1, s7  }
.LBB2_4:
0xd: {  	v2 =	vnsel vm1, $0x0, v2  }
0xe: {  	vm1 =	vgt.s32 v0, $0x0;
	v2 =	vmin.u32 v2, $0x4E1F  }
0xf: {  	v0 =	vnsel vm1, $0x0, v0  }
0x10: {  	v0 =	vmin.u32 v0, $0x4E1F  }
0x11: {  	[tilespmem:s18], [sflag:$0x1] =	stream.indirect_vreg.gather [hbm4b:s2+s10], $0x1, v1, vm0, $0x4038;
	[tilespmem:$0x640] =	vst v63  }
0x12: {  	(ifvalue) =	ssetifvalue $0x7FFFFFFF  }
0x13: {  	[tilespmem:s15], [sflag:$0x1] =	stream.indirect_vreg.gather [hbm4b:s2+s10], $0x1, v2, vm0, $0x4038;
	[tilespmem:$0x640] =	vst v63  }
0x14: {  	s29 =	sadd.s32 $0x10, s15;
	(ifvalue) =	ssetifvalue $0x7FFFFFFF  }
0x15: {  	[tilespmem:s29], [sflag:$0x1] =	stream.indirect_vreg.gather [hbm4b:s2+s10], $0x1, v0, vm0, $0x4038;
	[tilespmem:$0x640] =	vst v63  }
0x16: {  	_ =	swait.ge [sflag:s4], $0x190  }
0x17: {  	s30 =	sshrl.u32 s13, $0x3;
	[sflag:s4] =	ssyncset.done $0x0  }
0x18: {  	s31 =	sand.u32 $0x7, s13;
	s15 =	sadd.s32 s8, s30;
	[sflag:s4] =	ssyncadd.s32 $0xFFFFFE70  }
0x19: {  	[hbm4b:s15+s31] =	stream.linear.scatter [tilespmem:s14], [sflag:$0x3], $0x190, $0x38;
	[tilespmem:$0x640] =	vst v63  }
.LBB2_5:
0x1a: {  	s15 =	sadd.s32 $0x3200, s11  }
0x1b: {  	p1 =	sgt.s32 s15, $0x4E1F  }
0x1c: {  	s15 =	smov.u32 @p1 s5;
	p1 =	sne.s32 s12, s9  }
.Ltmp1:
0x1d: {  	p0 =	slt.u32 s12, $0x2;
	(pc) =	sbr.rel @!p1 .LBB2_6-.Ltmp1, $4  }
0x1e: {  	s14 =	simm.s32 @!p0 $0x3  }
0x1f: {  	_ =	swait.ge @!p0 [sflag:s14], $0x190  }
0x20: {  	s16 =	sadd.s32 $0x1, s12;
	s13 =	smov.u32 s11;
	[sflag:s14] =	ssyncset.done @!p0 $0x0  }
0x21: {  	s12 =	smov.u32 s16;
	s11 =	smov.u32 s15;
	[sflag:s14] =	ssyncadd.s32 @!p0 $0xFFFFFE70  }
.LBB2_1:
0x22: {  	p0 =	sge.u32 s12, s7  }
0x23: {  	s14 =	sxor.u32 @!p0 $0x1, s12  }
0x24: {  	s14 =	smul.u32 @!p0 $0x640, s14  }
0x25: {  	s31 =	sadd.s32 $0xFFFFFFFF, s12;
	s15 =	sshrl.u32 @!p0 s11, $0x3  }
0x26: {  	s16 =	sand.u32 @!p0 $0x7, s11;
	s15 =	sadd.s32 @!p0 s3, s15;
	s14 =	sshra.s32 @!p0 s14, $0x2  }
0x27: {  	[tilespmem:s14], [sflag:$0x2] =	stream.linear.gather @!p0 [hbm4b:s15+s16], $0x190, $0x38;
	[tilespmem:$0x640] =	vst v63  }
0x28: {  	p0 =	sge.u32 s31, s7  }
.Ltmp2:
0x29: {  	_ = 	snop;
	(pc) =	sbr.rel @p0 .LBB2_5-.Ltmp2, $1  }
0x2a: {  	_ =	sdelay $0x3  }
0x2b: {  	s14 =	sand.u32 $0x1, s12  }
0x2c: {  	_ =	swait.ge [sflag:s6], $0x190;
	p0 =	seq.s32 s14, $0x1;
	s14 =	simm.s32 $0x190  }
0x2d: {  	[sflag:s6] =	ssyncset.done $0x0;
	s14 =	simm.s32 @!p0 $0x0  }
0x2e: {  	[sflag:s6] =	ssyncadd.s32 $0xFFFFFE70;
	(ifvalue) =	ssetifvalue $0x7FFFFFFF;
	v0 =	vld.msk [tilespmem:s14+$0x0 ss:$0x1], $0xffff;
	_ =	sdelay $0x4  }
0x2f: {  	s15 =	sadd.s32 $0x10, s14;
	vm1 =	vgt.s32 v0, $0x0  }
0x30: {  	v2 =	vld.msk [tilespmem:s15+$0x0 ss:$0x1], $0xffff;
	v1 =	vnsel vm1, $0x0, v0  }
0x31: {  	v1 =	vmin.u32 v1, $0x4E1F;
	_ =	sdelay $0x2  }
0x32: {  	s17 =	simm.s32 $0x20;
	s14 =	sadd.s32 $0x320, s14;
	s16 =	sadd.s32 $0x10, s15  }
0x33: {  	s15 =	sadd.s32 $0x10, s14;
	s18 =	smov.u32 s14;
	v0 =	vld.msk [tilespmem:s16+$0x0 ss:$0x1], $0xffff;
	vm1 =	vgt.s32 v2, $0x0;
	(ifvalue) =	ssetifvalue $0x7FFFFFFF  }
.LBB2_3:
0x34: {  	[tilespmem:s18], [sflag:$0x1] =	stream.indirect_vreg.gather [hbm4b:s2+s10], $0x1, v1, vm0, $0x4038;
	[tilespmem:$0x640] =	vst v63  }
0x35: {  	s17 =	sadd.s32 $0x10, s17  }
0x36: {  	v2 =	vnsel vm1, $0x0, v2;
	p0 =	slt.u32 s17, $0x180  }
.Ltmp3:
0x37: {  	s18 =	smov.u32 s15;
	v1 =	vmin.u32 v2, $0x4E1F;
	(pc) =	sbr.rel @p0 .LBB2_3-.Ltmp3, $3  }
0x38: {  	_ =	sdelay $0x1  }
0x39: {  	s16 =	sadd.s32 $0x10, s16  }
0x3a: {  	vm1 =	vgt.s32 v0, $0x0;
	s15 =	sadd.s32 $0x10, s15;
	v2 =	vmov v0;
	(ifvalue) =	ssetifvalue $0x7FFFFFFF;
	v0 =	vld.msk [tilespmem:s16+$0x0 ss:$0x1], $0xffff  }
.Ltmp4:
0x3b: {  	_ = 	snop;
	(pc) =	sbr.rel .LBB2_4-.Ltmp4, $1  }
0x3c: {  	_ =	sdelay $0x3  }
.LBB2_6:
0x3d: {  	_ =	sfence.sel $0x180000  }
0x3e: {  	s2 =	simm.s32 $0x2;
	[bflag:$0x0] =	sbarrier.arrive $0xFFFF  }
0x3f: {  	s30 =	simm.s32 $0x3;
	[sflag:s2] =	ssyncpa.u1 $0x1  }
0x40: {  	s31 =	simm.s32 $0x1;
	[sflag:s30] =	ssyncpa.u1 $0x1  }
0x41: {  	[sflag:s31] =	ssyncpa.u1 $0x1  }
0x42: {  	p0 =	sne.s32 s1, $0x0;
	_ =	strace $0x90000047  }
0x43: {  	s0 =	sadd.s32 @!p0 $0x100000, s0;
	[bflag:$0x2] =	sbarrier.arrive $0xFFFF  }
0x44: {  	[sflag:s0] =	ssyncadd.tile.s32 @!p0 $0x1;
	_ =	shalt  }
.Lfunc_end2:
_tile_overlayer_lowered:
.L_overlay_start_2:
0x45: {  	(tag) =	ssettag $0x2  }
0x46: {  	s0 =	rddreg [dreg:$0x0];
	s2 =	stileid.u32  }
0x47: {  	s1 =	rddreg [dreg:$0x1];
	p0 =	sne.s32 s2, $0x0  }
0x48: {  	s3 =	rddreg [dreg:$0x2];
	[bflag:$0x3] =	sbarrier.arrive $0xFFFF;
	s2 =	simm.s32 @!p0 $0x1C01  }
0x49: {  	[timem:s3], [sflag:s2] =	dma.local @!p0 [hbm:s0], s1  }
0x4a: {  	s0 =	simm.s32 @!p0 $0x1  }
0x4b: {  	_ =	swait.ge @!p0 [sflag:s0], s1  }
0x4c: {  	s1 =	ssub.s32 @!p0 $0x0, s1;
	[sflag:s0] =	ssyncset.done @!p0 $0x0  }
0x4d: {  	[sflag:s0] =	ssyncadd.s32 @!p0 s1  }
0x4e: {  	[bflag:$0x3] =	sbarrier.arrive $0xFFFF  }
0x4f: {  	_ =	shalt  }

// kernel: kernel.3.cloned.1.call-start
scs
__scs_entry_jumppad:
0x0: {  	(pc) =	sbr.rel $0x88, $3  }
0x1: {  	(tag) =	ssettag $0x0;
	lr =	simm.s32 $0x1  }
0x2: {  	[smem:$0x3F9D] =	sst lr;
	_ =	strace $0xD0000000  }
0x3: {  	_ = 	snop  }
0x4: {  	_ = 	snop  }
0x5: {  	_ = 	snop  }
0x6: {  	_ = 	snop  }
0x7: {  	_ = 	snop  }
__scs_overlays_trampoline_lowered:
0x8: {  	[smem:$0x3FAC] =	sst s0  }
0x9: {  	[smem:$0x3FAD] =	sst s1  }
0xa: {  	[smem:$0x3FAE] =	sst s2  }
0xb: {  	[smem:$0x3FAF] =	sst s3  }
0xc: {  	[smem:$0x3FB0] =	sst s4  }
0xd: {  	[smem:$0x3FB1] =	sst s5  }
0xe: {  	[smem:$0x3FB2] =	sst s6  }
0xf: {  	[smem:$0x3FB3] =	sst s7  }
0x10: {  	[smem:$0x3FB4] =	sst s8  }
0x11: {  	[smem:$0x3FB5] =	sst s9;
	s0 =	simm.s32 @!p0 $0x0  }
0x12: {  	s1 =	sld [smem:$0x3F9B];
	s0 =	simm.s32 @p0 $0x1  }
0x13: {  	[smem:$0x3FB6] =	sst s0;
	s0 =	simm.s32 @!p1 $0x0  }
0x14: {  	s2 =	sld [smem:$0x3F9A];
	s0 =	simm.s32 @p1 $0x1  }
0x15: {  	[smem:$0x3FB7] =	sst s0;
	s0 =	simm.s32 @!p2 $0x0  }
0x16: {  	s3 =	sld [smem:$0x3FDB];
	s0 =	simm.s32 @p2 $0x1  }
0x17: {  	s4 =	simm.s32 $0x1BF5;
	[smem:$0x3FB9] =	sst s0  }
0x18: {  	s0 =	sld [smem:$0x3F9C];
	_ =	swait.ge [sflag:s4], $0x0  }
0x19: {  	s7 =	sld [smem:$0x3F9D]  }
0x1a: {  	s8 =	sadd.s32 $0xFFFFE003, lr  }
0x1b: {  	s9 =	sadd.s32 $0xFFFFFEF7, lr;
	s5 =	simm.s32 $0xFFFFFFFF;
	p2 =	slt.u32 s8, $0xFFFFF086  }
0x1c: {  	p1 =	slt.u32 s9, $0xF7A;
	s5 =	simm.s32 @!p2 $0x0  }
0x1d: {  	s5 =	simm.s32 @p1 $0x1;
	p0 =	seq.s32 s7, s2  }
0x1e: {  	s7 =	smul.u32 @!p0 $0xF7A, s2;
	p2 =	seq.s32 @!p0 s5, $0x0  }
0x1f: {  	s9 =	smul.u32 $0xF7A, s1;
	s8 =	simm.s32 @!p0 $0x1BF5;
	p2 =	por !p2, p0  }
0x20: {  	[sflag:s8] =	ssyncset.s32 @!p0 $0xFFFFF086;
	s6 =	sadd.s32 @!p0 s3, s7;
	s7 =	simm.s32 @!p0 $0x108  }
0x21: {  	s3 =	sadd.s32 s3, s9;
	s6 =	sadd.s32 @!p0 $0x88, s6;
	s7 =	simm.s32 @p2 $0x1082  }
0x22: {  	[simem:s7], [sflag:s8] =	dma.local @!p0 [hbm:s6], $0xF7A  }
0x23: {  	s9 =	sor.u32 $0xD0000000, s2;
	s6 =	simm.s32 $0x108;
	_ =	swait.ge @!p0 [sflag:s8], $0x0  }
0x24: {  	s3 =	sadd.s32 $0x88, s3;
	s6 =	simm.s32 @!p1 $0x1082;
	[sflag:s4] =	ssyncset.s32 $0xFFFFF086  }
0x25: {  	[simem:s6], [sflag:s4] =	dma.local [hbm:s3], $0xF7A  }
0x26: {  	[smem:$0x3F9D] =	sst s1;
	(tag) =	ssettag s2;
	_ =	strace s9  }
0x27: {  	s1 =	sld [smem:$0x3FAD]  }
0x28: {  	s2 =	sld [smem:$0x3FAE]  }
0x29: {  	s4 =	sld [smem:$0x3FB0]  }
0x2a: {  	p0 =	seq.s32 s5, $0x0;
	s5 =	sld [smem:$0x3FB1]  }
0x2b: {  	s6 =	sld [smem:$0x3FB2]  }
0x2c: {  	s7 =	sld [smem:$0x3FB3]  }
0x2d: {  	s3 =	simm.s32 $0x108;
	s8 =	sld [smem:$0x3FB4]  }
0x2e: {  	s3 =	simm.s32 @!p0 $0x1082;
	s9 =	sld [smem:$0x3FB5]  }
0x2f: {  	lr =	sadd.s32 s0, s3;
	s0 =	sld [smem:$0x3FAC]  }
0x30: {  	s3 =	sld [smem:$0x3FAF]  }
0x31: {  	[smem:$0x3FB8] =	sst s10  }
0x32: {  	s10 =	sld [smem:$0x3FB6];
	_ =	sdelay $0x3  }
0x33: {  	p0 =	seq.s32 s10, $0x1;
	s10 =	sld [smem:$0x3FB8];
	_ =	sdelay $0x3  }
0x34: {  	[smem:$0x3FB8] =	sst s10  }
0x35: {  	s10 =	sld [smem:$0x3FB7];
	_ =	sdelay $0x3  }
0x36: {  	p1 =	seq.s32 s10, $0x1;
	s10 =	sld [smem:$0x3FB8];
	_ =	sdelay $0x3  }
0x37: {  	[smem:$0x3FB8] =	sst s10  }
0x38: {  	s10 =	sld [smem:$0x3FB9]  }
0x39: {  	_ = 	snop;
	(pc) =	sbr.ind lr, $3  }
0x3a: {  	_ = 	snop  }
0x3b: {  	_ = 	snop  }
0x3c: {  	p2 =	seq.s32 s10, $0x1;
	s10 =	sld [smem:$0x3FB8]  }
0x3d: {  	_ =	shalt  }
0x3e: {  	_ =	shalt  }
0x3f: {  	_ =	shalt  }
0x40: {  	_ =	shalt  }
0x41: {  	_ =	shalt  }
0x42: {  	_ =	shalt  }
0x43: {  	_ =	shalt  }
0x44: {  	_ =	shalt  }
0x45: {  	_ =	shalt  }
0x46: {  	_ =	shalt  }
0x47: {  	_ =	shalt  }
0x48: {  	_ =	shalt  }
0x49: {  	_ =	shalt  }
0x4a: {  	_ =	shalt  }
0x4b: {  	_ =	shalt  }
0x4c: {  	_ =	shalt  }
0x4d: {  	_ =	shalt  }
0x4e: {  	_ =	shalt  }
0x4f: {  	_ =	shalt  }
0x50: {  	_ =	shalt  }
0x51: {  	_ =	shalt  }
0x52: {  	_ =	shalt  }
0x53: {  	_ =	shalt  }
0x54: {  	_ =	shalt  }
0x55: {  	_ =	shalt  }
0x56: {  	_ =	shalt  }
0x57: {  	_ =	shalt  }
0x58: {  	_ =	shalt  }
0x59: {  	_ =	shalt  }
0x5a: {  	_ =	shalt  }
0x5b: {  	_ =	shalt  }
0x5c: {  	_ =	shalt  }
0x5d: {  	_ =	shalt  }
0x5e: {  	_ =	shalt  }
0x5f: {  	_ =	shalt  }
0x60: {  	_ =	shalt  }
0x61: {  	_ =	shalt  }
0x62: {  	_ =	shalt  }
0x63: {  	_ =	shalt  }
0x64: {  	_ =	shalt  }
0x65: {  	_ =	shalt  }
0x66: {  	_ =	shalt  }
0x67: {  	_ =	shalt  }
0x68: {  	_ =	shalt  }
0x69: {  	_ =	shalt  }
0x6a: {  	_ =	shalt  }
0x6b: {  	_ =	shalt  }
0x6c: {  	_ =	shalt  }
0x6d: {  	_ =	shalt  }
0x6e: {  	_ =	shalt  }
0x6f: {  	_ =	shalt  }
0x70: {  	_ =	shalt  }
0x71: {  	_ =	shalt  }
0x72: {  	_ =	shalt  }
0x73: {  	_ =	shalt  }
0x74: {  	_ =	shalt  }
0x75: {  	_ =	shalt  }
0x76: {  	_ =	shalt  }
0x77: {  	_ =	shalt  }
0x78: {  	_ =	shalt  }
0x79: {  	_ =	shalt  }
0x7a: {  	_ =	shalt  }
0x7b: {  	_ =	shalt  }
0x7c: {  	_ =	shalt  }
0x7d: {  	_ =	shalt  }
0x7e: {  	_ =	shalt  }
0x7f: {  	_ =	shalt  }
0x80: {  	_ =	shalt  }
0x81: {  	_ =	shalt  }
0x82: {  	_ =	shalt  }
0x83: {  	_ =	shalt  }
0x84: {  	_ =	shalt  }
0x85: {  	_ =	shalt  }
0x86: {  	_ =	shalt  }
0x87: {  	_ =	shalt  }
.Lfunc_end0:
.L_simem_size_0:
called_computation.6_lowered:
.L_overlay_start_0:
0x88: {  	s2 =	sld [smem:$0x3FD9]  }
0x89: {  	s3 =	sld [smem:$0x3FFE];
	_ =	sdelay $0x1  }
0x8a: {  	s1 =	srdreg.scid  }
0x8b: {  	s0 =	sand.u32 $0x1, s1  }
0x8c: {  	s14 =	sshll.u32 s0, $0xA;
	s2 =	sadd.s32 s3, s2  }
0x8d: {  	s2 =	sadd.s32 s2, s14  }
0x8e: {  	[smem:$0x3FC4] =	sst s2  }
0x8f: {  	_ = 	snop  }
0x90: {  	s2 =	sld [smem:$0x3FD0];
	_ =	sdelay $0x2  }
0x91: {  	s15 =	simm.s32 $0xB;
	s4 =	simm.s32 $0x10  }
0x92: {  	[smem:s4], [sflag:s15] =	dma.local [hbm:s2], $0x1  }
0x93: {  	_ =	swait.eq [sflag:s15], $0x1  }
0x94: {  	[sflag:s15] =	ssyncset.done $0x0  }
0x95: {  	s16 =	sld [smem:$0x10];
	[sflag:s15] =	ssyncadd.s32 $0xFFFFFFFF  }
0x96: {  	s17 =	sld [smem:$0x11];
	(tm) =	ssettm $0x1  }
0x97: {  	s18 =	sld [smem:$0x3FFB];
	_ =	sdelay $0x3  }
0x98: {  	_ =	strace s18  }
0x99: {  	s4 =	sld [smem:$0x3FFC];
	_ =	sdelay $0x3  }
0x9a: {  	_ =	strace s4  }
0x9b: {  	s4 =	sld [smem:$0x3FFD];
	_ =	sdelay $0x3  }
0x9c: {  	_ =	strace s4  }
0x9d: {  	_ =	strace $0x8FFFFFFF  }
0x9e: {  	s19 =	sld [smem:$0x3FDB];
	_ =	sdelay $0x1  }
0x9f: {  	s5 =	simm.s32 $_scs_section_size  }
0xa0: {  	s6 =	simm.s32 $_size__tile_overlayer_lowered;
	s7 =	simm.s32 $_tile_overlayer_lowered  }
0xa1: {  	s22 =	simm.s32 $0x1BFF;
	s21 =	sshll.u32 s7, $0x1;
	s4 =	sadd.s32 s5, s19  }
0xa2: {  	s8 =	simm.s32 $0x0;
	s20 =	sshll.u32 s6, $0x1;
	s6 =	sadd.s32 s21, s4  }
0xa3: {  	[timem:s8], [sflag:s22] =	dma.local [hbm:s6], s20  }
0xa4: {  	_ =	swait.ge [sflag:s22], s20  }
0xa5: {  	s5 =	ssub.s32 $0x0, s20;
	[sflag:s22] =	ssyncset.done $0x0  }
0xa6: {  	[sflag:s22] =	ssyncadd.s32 s5;
	_ =	sdelay $0x1  }
0xa7: {  	s23 =	simm.s32 $0x1B8B  }
0xa8: {  	_ =	swait.ge [sflag:s23], $0x1  }
0xa9: {  	[sflag:s23] =	ssyncset.done $0x0  }
0xaa: {  	s25 =	simm.s32 $0x1B8E;
	s24 =	sld [smem:$0x3FFE];
	[sflag:s23] =	ssyncadd.s32 $0xFFFFFFFF  }
0xab: {  	s26 =	simm.s32 $execute0_lowered;
	[smem:$0x3FD2] =	sst s25  }
0xac: {  	s6 =	sshll.u32 s26, $0x1;
	_ =	strace $0x8000004C;
	[dreg:$0x1] =	wrdreg $0xFFFFFFFF  }
0xad: {  	s28 =	simm.s32 $_size_execute0_lowered;
	s4 =	sadd.s32 s4, s6;
	[dreg:$0x0] =	wrdreg $0x0  }
0xae: {  	s6 =	sshll.u32 s28, $0x1;
	[dreg:$0x2] =	wrdreg s4  }
0xaf: {  	[dreg:$0x3] =	wrdreg s6  }
0xb0: {  	[dreg:$0x4] =	wrdreg $0xC0  }
0xb1: {  	_ =	task [dreg:s8], $0x5FFFF  }
0xb2: {  	[dreg:$0x1] =	wrdreg $0xFFFFFFFF  }
0xb3: {  	[dreg:$0x0] =	wrdreg $0x60  }
0xb4: {  	[dreg:$0x2] =	wrdreg s24  }
0xb5: {  	[dreg:$0x3] =	wrdreg s17  }
0xb6: {  	[dreg:$0x4] =	wrdreg s16  }
0xb7: {  	[dreg:$0x5] =	wrdreg $0x9  }
0xb8: {  	_ =	task.clear_ibuf [dreg:s8], $0x6FFFF;
	_ =	strace $0x9000004C  }
0xb9: {  	s29 =	simm.s32 $0x9;
	_ =	strace $0x8000004E  }
0xba: {  	_ =	swait.ge [sflag:s29], $0x1  }
0xbb: {  	[sflag:s29] =	ssyncadd.s32 $0xFFFFFFFF  }
0xbc: {  	_ =	strace $0x9000004E  }
0xbd: {  	_ =	sfence  }
0xbe: {  	s30 =	sld [smem:$0x0];
	_ =	sdelay $0x2  }
0xbf: {  	s31 =	sshll.u32 s1, $0xD;
	s1 =	sshrl.u32 s1, $0x2  }
0xc0: {  	s3 =	sand.u32 $0x4000, s31;
	s1 =	sadd.s32 s1, s30  }
0xc1: {  	s0 =	sor.u32 s3, s0;
	s1 =	sshll.u32 s1, $0x11  }
0xc2: {  	s0 =	sor.u32 s1, s0  }
0xc3: {  	s0 =	sadd.s32 $0x8F2B, s0  }
0xc4: {  	[sflag:s0] =	ssyncadd.remote.s32 $0x1  }
0xc5: {  	_ =	sfence.sel $0xFFFF  }
0xc6: {  	[dreg:$0x0] =	wrdreg $0xFFFFFFFF;
	(pc) =	sbr.abs _section_cstart, $3  }
0xc7: {  	[dreg:$0x1] =	wrdreg $0xFFFFFFFF  }
0xc8: {  	_ =	task.clear_ibuf [dreg:s8], $0x2FFFF;
	_ =	strace $0x9FFFFFFF  }
0xc9: {  	(tm) =	ssettm $0x7FFFFFFF  }
tec
execute0_lowered:
.L_overlay_start_1:
0x0: {  	(tag) =	ssettag $0x1  }
0x1: {  	s1 =	srdreg.scid  }
0x2: {  	s2 =	stileid.u32;
	s1 =	sand.u32 $0x1, s1  }
0x3: {  	s2 =	sor.u32 s2, s1  }
0x4: {  	p0 =	sne.s32 s2, $0x0  }
.Ltmp0:
0x5: {  	_ = 	snop;
	(pc) =	sbr.rel @!p0 .LBB2_1-.Ltmp0, $2  }
0x6: {  	_ =	sdelay $0x2  }
0x7: {  	s0 =	rddreg [dreg:$0x0];
	_ =	strace $0x8000004D  }
.LBB2_7:
0x8: {  	_ =	sfence.sel $0x180000  }
0x9: {  	[bflag:$0x0] =	sbarrier.arrive $0xFFFF  }
0xa: {  	_ =	strace $0x9000004D  }
0xb: {  	s0 =	stileid.u32;
	[bflag:$0x2] =	sbarrier.arrive $0xFFFF  }
0xc: {  	p0 =	sne.s32 s0, $0x0;
	s0 =	rddreg [dreg:$0x3]  }
0xd: {  	s0 =	sadd.s32 @!p0 $0x100000, s0  }
0xe: {  	[sflag:s0] =	ssyncadd.tile.s32 @!p0 $0x1;
	_ =	shalt  }
.LBB2_1:
0xf: {  	v9 =	vimm.s32 $0x76543210  }
0x10: {  	vm1 =	vmmov $0xff;
	v10 =	vimm.s32 $0x0;
	v9 =	vunpack.c.l.s4.s8 v9  }
0x11: {  	v10 =	vsel vm1, $0xFFFFFFFF, v10  }
0x12: {  	vm1 =	vmmov $0x1ff;
	[tilespmem:$0x1FF30] =	vst v10;
	v10 =	vimm.s32 $0x0;
	v9 =	vunpack.c.0.s8.s32 v9  }
0x13: {  	v10 =	vsel vm1, $0xFFFFFFFF, v10;
	vm1 =	vcmask $0x1F00  }
0x14: {  	[tilespmem:$0x1FF40] =	vst v10;
	v10 =	vimm.s32 $0x0;
	v9 =	vnsel vm1, $0x7, v9;
	vm1 =	vmmov $0x3ff  }
0x15: {  	v10 =	vsel vm1, $0xFFFFFFFF, v10  }
0x16: {  	vm1 =	vmmov $0x7ff;
	[tilespmem:$0x1FF50] =	vst v10;
	v10 =	vimm.s32 $0x0  }
0x17: {  	v10 =	vsel vm1, $0xFFFFFFFF, v10  }
0x18: {  	vm1 =	vmmov $0xfff;
	[tilespmem:$0x1FF60] =	vst v10;
	v10 =	vimm.s32 $0x0  }
0x19: {  	v10 =	vsel vm1, $0xFFFFFFFF, v10  }
0x1a: {  	vm1 =	vmmov $0x1fff;
	[tilespmem:$0x1FF70] =	vst v10;
	v10 =	vimm.s32 $0x0  }
0x1b: {  	v10 =	vsel vm1, $0xFFFFFFFF, v10  }
0x1c: {  	vm1 =	vmmov $0x3fff;
	[tilespmem:$0x1FF80] =	vst v10;
	v10 =	vimm.s32 $0x0  }
0x1d: {  	v10 =	vsel vm1, $0xFFFFFFFF, v10  }
0x1e: {  	vm1 =	vmmov $0x7fff;
	[tilespmem:$0x1FF90] =	vst v10;
	v10 =	vimm.s32 $0x0  }
0x1f: {  	v10 =	vsel vm1, $0xFFFFFFFF, v10  }
0x20: {  	vm1 =	vmmov $0x1;
	[tilespmem:$0x1FFA0] =	vst v10;
	v10 =	vimm.s32 $0x0  }
0x21: {  	v10 =	vsel vm1, $0xFFFFFFFF, v10  }
0x22: {  	vm0 =	vmmov $0x7;
	[tilespmem:$0x1FFB0] =	vst v10;
	v10 =	vimm.s32 $0x0  }
0x23: {  	v0 =	vlaneseq.u32;
	vm12 =	vcmask $0x3F04;
	v10 =	vsel vm0, $0xFFFFFFFF, v10  }
0x24: {  	v8 =	vimm.f32 $0.0e+00;
	vm11 =	vmmov $0xf;
	[tilespmem:$0x1FFC0] =	vst v10;
	v10 =	vimm.s32 $0x0  }
0x25: {  	vm10 =	vmxor vm10, vm10;
	vm3 =	vmmov $0x3;
	s1 =	ssub.s32 $0x2, s1;
	v10 =	vsel vm11, $0xFFFFFFFF, v10  }
.Ltmp1:
0x26: {  	vm9 =	vcmask $0xB08;
	vm14 =	vmmov $0x3f;
	s2 =	sadd.s32 $0xA00, s0;
	s3 =	sadd.s32 $0x1600, s0;
	[tilespmem:$0x1FFD0] =	vst v10;
	v10 =	vimm.s32 $0x0;
	(pc) =	sbr.rel .LBB2_2-.Ltmp1, $4  }
0x27: {  	vm13 =	vmmov $0x1f;
	vm15 =	vmmov $0x7f;
	s30 =	sadd.s32 $0x1400, s0;
	s4 =	simm.s32 $0x0;
	[dreg:$0x4] =	wrdreg s2;
	v10 =	vsel vm14, $0xFFFFFFFF, v10  }
0x28: {  	s10 =	simm.s32 $0x4E80;
	v1 =	vor.u32 $0x10, v0;
	v3 =	vmul.u32 $0xFFFFFFFF, v0;
	s29 =	sshrl.u32 s1, $0x1;
	[dreg:$0x5] =	wrdreg s3;
	[tilespmem:$0x1FFE0] =	vst v10;
	v10 =	vimm.s32 $0x0  }
0x29: {  	v2 =	vadd.s32 $0xFFFFFFFF, v0;
	v4 =	vadd.s32 $0x1, v0;
	[dreg:$0x6] =	wrdreg s30;
	s2 =	simm.s32 $0x1D580;
	s31 =	ssub.s32 s1, s29;
	v10 =	vsel vm15, $0xFFFFFFFF, v10  }
0x2a: {  	v5 =	vadd.s32 $0xF, v0;
	v7 =	vadd.s32 $0x11, v0;
	s3 =	simm.s32 $0x0;
	s1 =	simm.s32 $0x1;
	v6 =	vadd.s32 $0xFFFFFFF0, v3;
	[dreg:$0x7] =	wrdreg s31;
	[tilespmem:$0x1FFF0] =	vst v10  }
.LBB2_6:
0x2b: {  	s0 =	rddreg [dreg:$0x2];
	s1 =	simm.s32 $0x1  }
0x2c: {  	[hbm4b:s0+s4] =	stream.linear.scatter [tilespmem:s2], [sflag:$0x1], $0x1000, $0x38;
	[tilespmem:$0x1E600] =	vst v63  }
0x2d: {  	_ =	swait.ge [sflag:s1], $0x1000  }
0x2e: {  	s3 =	rddreg [dreg:$0x8]  }
0x2f: {  	s31 =	rddreg [dreg:$0x7];
	s3 =	sadd.s32 $0x1, s3  }
0x30: {  	p0 =	sne.s32 s3, s31  }
.Ltmp2:
0x31: {  	_ = 	snop;
	(pc) =	sbr.rel @!p0 .LBB2_7-.Ltmp2, $3  }
0x32: {  	_ =	sdelay $0x1  }
0x33: {  	[sflag:s1] =	ssyncset.done $0x0  }
0x34: {  	[sflag:s1] =	ssyncadd.s32 $0xFFFFF000  }
.LBB2_2:
0x35: {  	[dreg:$0x8] =	wrdreg s3  }
0x36: {  	s0 =	rddreg [dreg:$0x4]  }
0x37: {  	[tilespmem:s4], [sflag:$0x1] =	stream.linear.gather [hbm4b:s0+s4], $0x4E80, $0x38;
	[tilespmem:$0x1E600] =	vst v63  }
0x38: {  	_ =	swait.ge [sflag:s1], $0x4E80  }
0x39: {  	[sflag:s1] =	ssyncset.done $0x0  }
0x3a: {  	s28 =	rddreg [dreg:$0x5];
	[sflag:s1] =	ssyncadd.s32 $0xFFFFB180  }
0x3b: {  	[tilespmem:s10], [sflag:$0x1] =	stream.linear.gather [hbm4b:s28+s4], $0x18700, $0x38;
	[tilespmem:$0x1E600] =	vst v63  }
0x3c: {  	_ =	swait.ge [sflag:s1], $0x18700  }
0x3d: {  	[sflag:s1] =	ssyncset.done $0x0  }
0x3e: {  	[sflag:s1] =	ssyncadd.s32 $0xFFFE7900  }
0x3f: {  	s29 =	rddreg [dreg:$0x1]  }
0x40: {  	[tilespmem:s2], [sflag:$0x1] =	stream.linear.gather [hbm4b:s29+s4], $0x1000, $0x38;
	[tilespmem:$0x1E600] =	vst v63  }
0x41: {  	_ =	swait.ge [sflag:s1], $0x1000  }
0x42: {  	[sflag:s1] =	ssyncset.done $0x0  }
0x43: {  	s31 =	simm.s32 $0x1E580;
	s30 =	rddreg [dreg:$0x6];
	[sflag:s1] =	ssyncadd.s32 $0xFFFFF000  }
0x44: {  	[tilespmem:s31], [sflag:$0x1] =	stream.linear.gather [hbm4b:s30+s4], $0x80, $0x38;
	[tilespmem:$0x1E600] =	vst v63  }
0x45: {  	_ =	swait.ge [sflag:s1], $0x80  }
0x46: {  	[sflag:s1] =	ssyncset.done $0x0  }
0x47: {  	[sflag:s1] =	ssyncadd.s32 $0xFFFFFF80  }
0x48: {  	v10 =	vld [tilespmem:$0x1E580];
	_ =	sdelay $0x4  }
0x49: {  	(v2sf) =	vpush v10, $0x0;
	_ =	sdelay $0xa  }
.Ltmp3:
0x4a: {  	_ = 	snop;
	(pc) =	sbr.rel .LBB2_3-.Ltmp3, $3  }
0x4b: {  	_ =	sdelay $0x1  }
0x4c: {  	s20 =	simm.s32 $0x0  }
0x4d: {  	s0 =	simm.s32 $0x0;
	s1 =	simm.s32 $0x0;
	s14 =	spop (v2sf)  }
.LBB2_5:
0x4e: {  	s1 =	rddreg [dreg:$0xa]  }
0x4f: {  	s1 =	sadd.s32 $0x1, s1  }
0x50: {  	p0 =	sne.s32 s1, $0x32  }
.Ltmp4:
0x51: {  	_ = 	snop;
	(pc) =	sbr.rel @!p0 .LBB2_6-.Ltmp4, $2  }
0x52: {  	_ =	sdelay $0x2  }
0x53: {  	s0 =	sadd.s32 $0x190, s0  }
.LBB2_3:
0x54: {  	p0 =	sge.s32 s20, s14  }
.Ltmp5:
0x55: {  	_ = 	snop;
	(pc) =	sbr.rel @p0 .LBB2_5-.Ltmp5, $3  }
0x56: {  	_ =	sdelay $0x1  }
0x57: {  	[dreg:$0xa] =	wrdreg s1  }
0x58: {  	s17 =	simm.s32 $0x0;
	[dreg:$0x9] =	wrdreg s0  }
.LBB2_4:
0x59: {  	s18 =	sadd.s32 s17, s0  }
0x5a: {  	v10 =	vmov s18;
	_ =	sdelay $0x2  }
0x5b: {  	s0 =	sadd.s32 $0x1, s18  }
0x5c: {  	v11 =	vmov s0  }
0x5d: {  	v11 =	vand.u32 $0xFFFFFFF9, v11;
	v10 =	vld.idx.msk [tilespmem:v10+s4+$0x0], $0xffff  }
0x5e: {  	v11 =	vbroadcast v11, $0x0;
	_ =	sdelay $0x3  }
0x5f: {  	(v2sf) =	vpush v10, $0x0;
	_ =	sdelay $0x1  }
0x60: {  	v10 =	vld.idx.msk [tilespmem:v11+s4+$0x0], $0xffff;
	_ =	sdelay $0x3  }
0x61: {  	s7 =	sadd.s32 $0x2, s18  }
0x62: {  	(v2sf) =	vpush v10, $0x0;
	v10 =	vmov s7  }
0x63: {  	v10 =	vand.u32 $0xFFFFFFFA, v10  }
0x64: {  	v10 =	vbroadcast v10, $0x0  }
0x65: {  	s8 =	sadd.s32 $0x3, s18  }
0x66: {  	v11 =	vmov s8  }
0x67: {  	s1 =	sadd.s32 $0x4, s18;
	v11 =	vand.u32 $0xFFFFFFFB, v11  }
0x68: {  	v12 =	vmov s1;
	v11 =	vbroadcast v11, $0x0  }
0x69: {  	v12 =	vand.u32 $0xFFFFFFFC, v12  }
0x6a: {  	v12 =	vbroadcast v12, $0x0;
	v10 =	vld.idx.msk [tilespmem:v10+s4+$0x0], $0xffff;
	s9 =	spop (v2sf)  }
0x6b: {  	s21 =	sshra.s32 s9, $0x5  }
0x6c: {  	v13 =	vadd.s32 s21, v0  }
0x6d: {  	v14 =	vadd.s32 s21, v1  }
0x6e: {  	s11 =	sadd.s32 $0x5, s18;
	v11 =	vld.idx.msk [tilespmem:v11+s4+$0x0], $0xffff  }
0x6f: {  	(v2sf) =	vpush v10, $0x0;
	v10 =	vmov s11  }
0x70: {  	s2 =	sadd.s32 $0x6, s18;
	v12 =	vld.idx.msk [tilespmem:v12+s4+$0x0], $0xffff;
	s0 =	sand.u32 $0x1F, s9;
	v10 =	vand.u32 $0xFFFFFFFD, v10  }
0x71: {  	s3 =	sadd.s32 $0x7, s18;
	v15 =	vmov s2;
	s13 =	sadd.s32 $0x1, s0;
	v10 =	vbroadcast v10, $0x0;
	v13 =	vld.idx.msk [tilespmem:v13+s10+$0x0], $0xffff  }
0x72: {  	v50 =	vmov s3;
	v16 =	vmov s0;
	v18 =	vadd.s32 s13, v3;
	s12 =	spop (v2sf);
	v14 =	vld.idx.msk [tilespmem:v14+s10+$0x0], $0xffff  }
0x73: {  	vm1 =	vgt.s32 v16, v2;
	(v2sf) =	vpush v11, $0x0;
	v11 =	vand.u32 $0xFFFFFFFE, v15;
	s22 =	sshra.s32 s12, $0x5  }
0x74: {  	vm5 =	vgt.u32 v16, v5;
	v11 =	vbroadcast v11, $0x0;
	v45 =	vadd.s32 s22, v0  }
0x75: {  	v49 =	vadd.s32 s13, v6;
	vm7 =	vgt.u32 v16, v1;
	(v2sf) =	vpush v12, $0x0  }
0x76: {  	v46 =	vadd.s32 s22, v1;
	v17 =	vshra.s32 v13, $0x5;
	v13 =	vand.u32 $0x1F, v13  }
0x77: {  	v10 =	vld.idx.msk [tilespmem:v10+s4+$0x0], $0xffff;
	v48 =	vshra.s32 v14, $0x5;
	v14 =	vand.u32 $0x1F, v14;
	vm2 =	vgt.s32 v17, v18  }
0x78: {  	vm4 =	vgt.u32 v13, v4;
	vm6 =	vgt.s32 v48, v49;
	vm1 =	vmand vm1, vm2  }
0x79: {  	v47 =	vld.idx.msk [tilespmem:v45+s10+$0x0], $0xffff;
	vm8 =	vgt.u32 v14, v7;
	vm2 =	vgt.u32 v16, v0;
	vm1 =	vmand vm1, vm12  }
0x7a: {  	s15 =	sand.u32 $0x1F, s12;
	v11 =	vld.idx.msk [tilespmem:v11+s4+$0x0], $0xffff;
	vm2 =	vmand vm2, vm4;
	vm4 =	vmand vm5, vm6;
	vm5 =	vmand vm7, vm8  }
0x7b: {  	s16 =	sadd.s32 $0x1, s15;
	v51 =	vmov s15;
	vm1 =	vmor vm1, vm2;
	vm2 =	vmor vm4, vm5  }
0x7c: {  	v53 =	vadd.s32 s16, v3;
	(v2sf) =	vpush v10, $0x0;
	v10 =	vld.idx.msk [tilespmem:v46+s10+$0x0], $0xffff;
	vm1 =	vmor vm1, vm2  }
0x7d: {  	v57 =	vadd.s32 s16, v6;
	vm7 =	vgt.u32 v51, v1;
	v54 =	vsel vm1, $0x3F800000, v8  }
0x7e: {  	vm5 =	vgt.u32 v51, v5;
	v52 =	vshra.s32 v47, $0x5;
	v13 =	vand.u32 $0x1F, v47;
	(xrf0) =	vmax.scan.msk.f32 $0xffff, v54  }
0x7f: {  	s19 =	spop (v2sf);
	vm1 =	vgt.s32 v51, v2;
	vm2 =	vgt.s32 v52, v53;
	(v2sf) =	vpush v11, $0x0;
	v11 =	vld.idx.msk [tilespmem:v50+s4+$0x0], $0xffff  }
0x80: {  	vm4 =	vgt.u32 v13, v4;
	s24 =	sshra.s32 s19, $0x5;
	vm1 =	vmand vm1, vm2;
	vm2 =	vgt.u32 v51, v0  }
0x81: {  	v55 =	vadd.s32 s24, v0;
	v56 =	vshra.s32 v10, $0x5;
	v10 =	vand.u32 $0x1F, v10  }
0x82: {  	vm1 =	vmand vm1, vm12;
	vm6 =	vgt.s32 v56, v57;
	vm8 =	vgt.u32 v10, v7  }
0x83: {  	vm2 =	vmand vm2, vm4;
	vm4 =	vmand vm5, vm6;
	vm5 =	vmand vm7, vm8  }
0x84: {  	vm1 =	vmor vm1, vm2;
	(v2sf) =	vpush v11, $0x0;
	vm2 =	vmor vm4, vm5;
	v10, _, _ =	vpop (xrf0)  }
0x85: {  	v58 =	vadd.s32 s24, v1;
	vm1 =	vmor vm1, vm2;
	(v2sf) =	vpush v10, $0xF  }
0x86: {  	v10 =	vsel vm1, $0x3F800000, v8  }
0x87: {  	v11 =	vld.idx.msk [tilespmem:v55+s10+$0x0], $0xffff;
	(xrf0) =	vmax.scan.msk.f32 $0xffff, v10;
	_ =	sdelay $0x1  }
0x88: {  	s23 =	sand.u32 $0x1F, s19  }
0x89: {  	s25 =	sadd.s32 $0x1, s23;
	v10 =	vld.idx.msk [tilespmem:v58+s10+$0x0], $0xffff  }
0x8a: {  	v59 =	vmov s23;
	v61 =	vadd.s32 s25, v3;
	v63 =	vadd.s32 s25, v6  }
0x8b: {  	vm7 =	vgt.u32 v59, v1;
	vm5 =	vgt.u32 v59, v5;
	v60 =	vshra.s32 v11, $0x5  }
0x8c: {  	vm1 =	vgt.s32 v59, v2;
	v11 =	vand.u32 $0x1F, v11;
	vm2 =	vgt.s32 v60, v61;
	v62, _, _ =	vpop (xrf0)  }
0x8d: {  	p6 =	slt.s32 s20, s14;
	s1 =	sadd.s32 s0, s21;
	vm4 =	vgt.u32 v11, v4;
	vm1 =	vmand vm1, vm2;
	(v2sf) =	vpush v62, $0xF  }
0x8e: {  	[dreg:$0xb] =	wrdreg s13;
	s31 =	sadd.s32 s15, s22;
	s6 =	spop (v2sf);
	vm2 =	vgt.u32 v59, v0;
	v11 =	vshra.s32 v10, $0x5;
	v10 =	vand.u32 $0x1F, v10  }
0x8f: {  	p1 =	slt.s32 s21, s22;
	p3 =	slt.s32 s22, s21;
	s4 =	spop (v2sf);
	vm1 =	vmand vm1, vm12;
	vm6 =	vgt.s32 v11, v63;
	vm8 =	vgt.u32 v10, v7  }
0x90: {  	p5 =	sle.s32 s22, s1;
	p2 =	slt.s32 s1, s31;
	s8 =	spop (v2sf);
	vm2 =	vmand vm2, vm4;
	vm4 =	vmand vm5, vm6;
	vm5 =	vmand vm7, vm8  }
0x91: {  	p4 =	slt.s32 s31, s1;
	p1 =	por !p1, !p2;
	s11 =	spop (v2sf);
	vm1 =	vmor vm1, vm2;
	vm2 =	vmor vm4, vm5  }
0x92: {  	p3 =	por !p3, !p4;
	p4 =	sle.s32 s21, s31;
	vm1 =	vmor vm1, vm2;
	s5 =	spop (v2sf)  }
0x93: {  	p1 =	por !p1, !p1;
	p2 =	por !p3, !p3;
	v11 =	vsel vm1, $0x3F800000, v8;
	s26 =	spop (v2sf)  }
0x94: {  	p1 =	por !p1, !p5;
	p2 =	por !p2, !p4;
	(xrf0) =	vmax.scan.msk.f32 $0xffff, v11;
	p0 =	sgt.f32 s26, $0.0e+00  }
0x95: {  	[dreg:$0xc] =	wrdreg s16;
	p1 =	por !p1, !p1;
	p2 =	por !p2, !p2  }
0x96: {  	p4 =	por p1, p2;
	s28 =	sshra.s32 s6, $0x5;
	p0 =	por !p0, !p0  }
0x97: {  	s29 =	sand.u32 $0x1F, s6;
	s6 =	simm.s32 $0x1;
	p0 =	por !p6, !p0  }
0x98: {  	p2 =	slt.s32 s21, s24;
	s30 =	sadd.s32 $0x1, s29;
	p3 =	por !p0, !p0  }
0x99: {  	s26 =	sand.u32 $0x1F, s4;
	s0 =	simm.s32 @!p3 $0x0;
	p0 =	por !p4, !p3  }
0x9a: {  	v10 =	vadd.s32 s28, v0;
	v16, _, _ =	vpop (xrf0);
	s6 =	simm.s32 @!p3 $0x0;
	p4 =	slt.s32 s24, s21;
	s0 =	simm.s32 @p3 $0x1  }
0x9b: {  	(v2sf) =	vpush v16, $0xF;
	p0 =	por !p0, !p0;
	s7 =	sadd.s32 s6, s20;
	s6 =	simm.s32 $0x1  }
0x9c: {  	[smem:$0x7F5] =	sst s0;
	s9 =	spop (v2sf);
	s0 =	sadd.s32 s23, s24  }
0x9d: {  	v11 =	vadd.s32 s28, v1;
	[dreg:$0xd] =	wrdreg s7;
	p5 =	sgt.f32 s9, $0.0e+00;
	p3 =	slt.s32 s1, s0  }
0x9e: {  	p6 =	slt.s32 s7, s14;
	s9 =	sld [smem:$0x7F5];
	p1 =	por !p2, !p3  }
0x9f: {  	v10 =	vld.idx.msk [tilespmem:v10+s10+$0x0], $0xffff;
	p0 =	por p5, p0;
	p5 =	slt.s32 s0, s1;
	p1 =	por !p1, !p1  }
0xa0: {  	p0 =	por !p0, !p0;
	p2 =	por !p4, !p5;
	p4 =	sle.s32 s21, s0  }
0xa1: {  	p5 =	slt.s32 s22, s24;
	p0 =	por !p0, !p6;
	p6 =	sle.s32 s24, s1  }
0xa2: {  	v11 =	vld.idx.msk [tilespmem:v11+s10+$0x0], $0xffff;
	p2 =	por !p2, !p2;
	p1 =	por !p1, !p6;
	p6 =	slt.s32 s31, s0  }
0xa3: {  	v17 =	vmov s29;
	v19 =	vadd.s32 s30, v3;
	s16 =	sld [smem:$0x7F5];
	p2 =	por !p2, !p4;
	p3 =	por !p5, !p6  }
0xa4: {  	v20 =	vadd.s32 s30, v6;
	vm7 =	vgt.u32 v17, v1;
	v18 =	vshra.s32 v10, $0x5;
	p5 =	slt.s32 s24, s22;
	p6 =	slt.s32 s0, s31;
	p2 =	por !p2, !p2  }
0xa5: {  	vm1 =	vgt.s32 v17, v2;
	v10 =	vand.u32 $0x1F, v10;
	vm2 =	vgt.s32 v18, v19;
	p4 =	por !p5, !p6;
	p6 =	sle.s32 s24, s31;
	p3 =	por !p3, !p3  }
0xa6: {  	vm5 =	vgt.u32 v17, v5;
	vm4 =	vgt.u32 v10, v4;
	vm1 =	vmand vm1, vm2;
	p5 =	sle.s32 s22, s0;
	p3 =	por !p3, !p6;
	p6 =	por !p0, !p0  }
0xa7: {  	vm2 =	vgt.u32 v17, v0;
	v10 =	vshra.s32 v11, $0x5;
	v11 =	vand.u32 $0x1F, v11;
	p4 =	por !p4, !p4;
	p0 =	por !p1, !p1;
	s3 =	simm.s32 @!p6 $0x0  }
0xa8: {  	vm1 =	vmand vm1, vm12;
	vm6 =	vgt.s32 v10, v20;
	vm8 =	vgt.u32 v11, v7;
	p5 =	por !p4, !p5;
	p3 =	por !p3, !p3;
	p0 =	por p0, p2  }
0xa9: {  	vm2 =	vmand vm2, vm4;
	vm4 =	vmand vm5, vm6;
	vm5 =	vmand vm7, vm8;
	s6 =	simm.s32 @!p6 $0x0;
	s3 =	simm.s32 @p6 $0x1;
	p1 =	por !p5, !p5  }
0xaa: {  	vm1 =	vmor vm1, vm2;
	vm2 =	vmor vm4, vm5;
	s12 =	spop (v2sf);
	s7 =	sadd.s32 s6, s7;
	p5 =	slt.s32 s21, s28  }
0xab: {  	vm1 =	vmor vm1, vm2;
	[smem:$0x7F6] =	sst s3;
	p1 =	por p3, p1;
	p3 =	seq.s32 s9, $0x1  }
0xac: {  	v10 =	vsel vm1, $0x3F800000, v8;
	p4 =	sgt.f32 s12, $0.0e+00;
	s3 =	sadd.s32 s29, s28;
	[dreg:$0xe] =	wrdreg s7  }
0xad: {  	(xrf0) =	vmax.scan.msk.f32 $0xffff, v10;
	s12 =	sshra.s32 s4, $0x5;
	s29 =	sld [smem:$0x7F5];
	p0 =	por !p0, !p3  }
0xae: {  	p1 =	por !p1, !p6;
	p6 =	slt.s32 s1, s3;
	p3 =	slt.s32 s7, s14  }
0xaf: {  	s23 =	sld [smem:$0x7F6];
	p0 =	por !p0, !p0;
	p1 =	por !p1, !p1  }
0xb0: {  	s4 =	sadd.s32 s26, s12;
	p0 =	por p0, p1;
	p1 =	por !p5, !p6  }
0xb1: {  	p5 =	slt.s32 s28, s21;
	p6 =	slt.s32 s3, s1;
	p0 =	por p4, p0  }
0xb2: {  	p4 =	sle.s32 s28, s1;
	p1 =	por !p1, !p1;
	p2 =	por !p5, !p6  }
0xb3: {  	v10, _, _ =	vpop (xrf0);
	p5 =	sle.s32 s21, s3;
	p6 =	slt.s32 s22, s28;
	p0 =	por !p0, !p0  }
0xb4: {  	(v2sf) =	vpush v10, $0xF;
	p1 =	por !p1, !p4;
	p2 =	por !p2, !p2;
	p0 =	por !p0, !p3  }
0xb5: {  	p4 =	sle.s32 s28, s31;
	p1 =	por !p1, !p1;
	s2 =	simm.s32 @!p0 $0x0  }
0xb6: {  	p2 =	por !p2, !p5;
	p5 =	slt.s32 s28, s22;
	s2 =	simm.s32 @p0 $0x1  }
0xb7: {  	p2 =	por !p2, !p2;
	p0 =	slt.s32 s31, s3;
	[smem:$0x7EE] =	sst s2  }
0xb8: {  	p3 =	por !p6, !p0;
	p6 =	slt.s32 s3, s31;
	p0 =	por p1, p2  }
0xb9: {  	p1 =	slt.s32 s28, s24;
	p3 =	por !p3, !p3;
	s2 =	simm.s32 @!p0 $0x0  }
0xba: {  	p5 =	por !p5, !p6;
	p6 =	slt.s32 s0, s3;
	s13 =	sld [smem:$0x7EE]  }
0xbb: {  	s2 =	simm.s32 @p0 $0x1;
	p2 =	por !p3, !p4;
	p4 =	sle.s32 s22, s3  }
0xbc: {  	p3 =	por !p5, !p5;
	p5 =	slt.s32 s24, s28;
	p0 =	slt.s32 s3, s0  }
0xbd: {  	[smem:$0x7EF] =	sst s2;
	p3 =	por !p3, !p4;
	p6 =	por !p5, !p6  }
0xbe: {  	p0 =	por !p1, !p0;
	p2 =	por !p2, !p2;
	p5 =	sle.s32 s28, s0  }
0xbf: {  	s2 =	simm.s32 $0x1;
	p3 =	por !p3, !p3;
	p4 =	por !p6, !p6  }
0xc0: {  	p0 =	por !p0, !p0;
	p6 =	sle.s32 s24, s3;
	s19 =	sld [smem:$0x7EF]  }
0xc1: {  	p1 =	por p2, p3;
	p0 =	por !p0, !p6;
	p6 =	seq.s32 s13, $0x1  }
0xc2: {  	p4 =	por !p4, !p5;
	s13 =	sld [smem:$0x7F6];
	p5 =	por !p6, !p6  }
0xc3: {  	s15 =	spop (v2sf);
	p2 =	por !p4, !p4;
	p0 =	por !p0, !p0  }
0xc4: {  	p4 =	seq.s32 s16, $0x1;
	p6 =	seq.s32 s19, $0x1;
	p0 =	por p2, p0  }
0xc5: {  	s9 =	simm.s32 @!p5 $0x0;
	p3 =	por !p6, !p4;
	p6 =	seq.s32 s23, $0x1  }
0xc6: {  	s2 =	simm.s32 @!p5 $0x0;
	s9 =	simm.s32 @p5 $0x1;
	p1 =	por !p1, !p6  }
0xc7: {  	p0 =	por !p0, !p5;
	p4 =	por !p3, !p3;
	p1 =	por !p1, !p1  }
0xc8: {  	p6 =	sgt.f32 s15, $0.0e+00;
	p0 =	por !p0, !p0;
	p1 =	por p4, p1  }
0xc9: {  	s2 =	sadd.s32 s2, s7;
	p5 =	slt.s32 s1, s4;
	p0 =	por p1, p0  }
0xca: {  	s7 =	sshra.s32 s8, $0x5;
	s23 =	sld [smem:$0x7F6];
	p0 =	por p6, p0  }
0xcb: {  	[smem:$0x7F8] =	sst s9;
	p3 =	slt.s32 s2, s14;
	p0 =	por !p0, !p0  }
0xcc: {  	s8 =	sand.u32 $0x1F, s8;
	[dreg:$0xf] =	wrdreg s2;
	p0 =	por !p0, !p3  }
0xcd: {  	s16 =	sld [smem:$0x7F8];
	p4 =	slt.s32 s21, s12;
	s6 =	simm.s32 @!p0 $0x0  }
0xce: {  	v10 =	vadd.s32 s12, v0;
	p6 =	slt.s32 s12, s21;
	p3 =	slt.s32 s4, s1;
	s6 =	simm.s32 @p0 $0x1  }
0xcf: {  	p0 =	por !p4, !p5;
	p4 =	por !p6, !p3;
	p5 =	sle.s32 s12, s1  }
0xd0: {  	v11 =	vadd.s32 s12, v1;
	p6 =	sle.s32 s21, s4;
	p3 =	slt.s32 s4, s31;
	[smem:$0x7F0] =	sst s6  }
0xd1: {  	p0 =	por !p0, !p0;
	p1 =	por !p4, !p4;
	s6 =	sadd.s32 $0x1, s26  }
0xd2: {  	p0 =	por !p0, !p5;
	p1 =	por !p1, !p6;
	p5 =	slt.s32 s22, s12  }
0xd3: {  	v10 =	vld.idx.msk [tilespmem:v10+s10+$0x0], $0xffff;
	p6 =	slt.s32 s31, s4;
	p2 =	por !p0, !p0;
	p1 =	por !p1, !p1  }
0xd4: {  	p0 =	slt.s32 s12, s22;
	p4 =	por p2, p1;
	p2 =	por !p5, !p6  }
0xd5: {  	v11 =	vld.idx.msk [tilespmem:v11+s10+$0x0], $0xffff;
	p0 =	por !p0, !p3;
	p5 =	sle.s32 s22, s4;
	p6 =	slt.s32 s24, s12  }
0xd6: {  	v21 =	vmov s26;
	p1 =	por !p2, !p2;
	p3 =	por !p0, !p0;
	p2 =	sle.s32 s12, s31  }
0xd7: {  	vm7 =	vgt.u32 v21, v1;
	p0 =	slt.s32 s0, s4;
	p1 =	por !p1, !p2;
	p3 =	por !p3, !p5  }
0xd8: {  	vm5 =	vgt.u32 v21, v5;
	v22 =	vshra.s32 v10, $0x5;
	v10 =	vand.u32 $0x1F, v10;
	p0 =	por !p6, !p0;
	p5 =	slt.s32 s12, s24;
	p6 =	slt.s32 s4, s0  }
0xd9: {  	vm1 =	vgt.s32 v21, v2;
	vm4 =	vgt.u32 v10, v4;
	v23 =	vadd.s32 s6, v3;
	p1 =	por !p1, !p1;
	p2 =	por !p3, !p3;
	p0 =	por !p0, !p0  }
0xda: {  	v10 =	vshra.s32 v11, $0x5;
	v11 =	vand.u32 $0x1F, v11;
	vm2 =	vgt.s32 v22, v23;
	p3 =	sle.s32 s12, s0;
	p5 =	por !p5, !p6;
	p6 =	sle.s32 s24, s4  }
0xdb: {  	vm8 =	vgt.u32 v11, v7;
	v24 =	vadd.s32 s6, v6;
	vm1 =	vmand vm1, vm2;
	p1 =	por p1, p2;
	p0 =	por !p0, !p3;
	p2 =	por !p5, !p5  }
0xdc: {  	vm6 =	vgt.s32 v10, v24;
	vm2 =	vgt.u32 v21, v0;
	vm1 =	vmand vm1, vm12;
	p5 =	slt.s32 s28, s12;
	p2 =	por !p2, !p6;
	p6 =	slt.s32 s3, s4  }
0xdd: {  	s15 =	sld [smem:$0x7F0];
	vm2 =	vmand vm2, vm4;
	vm4 =	vmand vm5, vm6;
	vm5 =	vmand vm7, vm8;
	p0 =	por !p0, !p0;
	p3 =	por !p5, !p6  }
0xde: {  	v10 =	vadd.s32 s7, v0;
	vm1 =	vmor vm1, vm2;
	vm2 =	vmor vm4, vm5;
	p5 =	slt.s32 s12, s28;
	p6 =	slt.s32 s4, s3;
	p2 =	por !p2, !p2  }
0xdf: {  	vm1 =	vmor vm1, vm2;
	p5 =	por !p5, !p6;
	p3 =	por !p3, !p3;
	p6 =	sle.s32 s12, s3  }
0xe0: {  	v11 =	vsel vm1, $0x3F800000, v8;
	p3 =	por !p3, !p6;
	p5 =	por !p5, !p5;
	p6 =	sle.s32 s28, s4  }
0xe1: {  	(xrf0) =	vmax.scan.msk.f32 $0xffff, v11;
	v11 =	vadd.s32 s7, v1;
	p0 =	por p0, p2;
	p5 =	por !p5, !p6;
	p6 =	seq.s32 s29, $0x1  }
0xe2: {  	p3 =	por !p3, !p3;
	p4 =	por !p4, !p6;
	p6 =	seq.s32 s13, $0x1  }
0xe3: {  	v10 =	vld.idx.msk [tilespmem:v10+s10+$0x0], $0xffff;
	p5 =	por !p5, !p5;
	s13 =	sadd.s32 $0x1, s8;
	p1 =	por !p1, !p6  }
0xe4: {  	p4 =	por !p4, !p4;
	p6 =	seq.s32 s16, $0x1;
	p1 =	por !p1, !p1  }
0xe5: {  	p0 =	por !p0, !p6;
	p1 =	por p4, p1;
	p4 =	seq.s32 s15, $0x1  }
0xe6: {  	v26 =	vmov s8;
	v11 =	vld.idx.msk [tilespmem:v11+s10+$0x0], $0xffff;
	p5 =	por p3, p5;
	p0 =	por !p0, !p0;
	p3 =	por !p4, !p4  }
0xe7: {  	vm7 =	vgt.u32 v26, v1;
	vm5 =	vgt.u32 v26, v5;
	s15 =	sld [smem:$0x7F5];
	p0 =	por p1, p0;
	s9 =	simm.s32 @!p3 $0x0  }
0xe8: {  	vm1 =	vgt.s32 v26, v2;
	v27 =	vshra.s32 v10, $0x5;
	v25, _, _ =	vpop (xrf0);
	v28 =	vadd.s32 s13, v3;
	p1 =	slt.s32 s21, s7;
	p2 =	por !p5, !p3;
	s9 =	simm.s32 @p3 $0x1  }
0xe9: {  	v10 =	vand.u32 $0x1F, v10;
	(v2sf) =	vpush v25, $0xF;
	vm2 =	vgt.s32 v27, v28;
	p5 =	por !p2, !p2;
	[smem:$0x7F9] =	sst s9;
	s9 =	sadd.s32 s8, s7  }
0xea: {  	vm4 =	vgt.u32 v10, v4;
	v29 =	vadd.s32 s13, v6;
	vm1 =	vmand vm1, vm2;
	p3 =	slt.s32 s7, s21;
	p4 =	por p0, p5;
	p2 =	slt.s32 s1, s9  }
0xeb: {  	vm2 =	vgt.u32 v26, v0;
	v10 =	vshra.s32 v11, $0x5;
	v11 =	vand.u32 $0x1F, v11;
	s8 =	simm.s32 $0x1;
	p5 =	slt.s32 s9, s1;
	p0 =	por !p1, !p2  }
0xec: {  	vm1 =	vmand vm1, vm12;
	vm6 =	vgt.s32 v10, v29;
	vm8 =	vgt.u32 v11, v7;
	p1 =	por !p3, !p5;
	p3 =	sle.s32 s7, s1;
	p0 =	por !p0, !p0  }
0xed: {  	vm2 =	vmand vm2, vm4;
	vm4 =	vmand vm5, vm6;
	vm5 =	vmand vm7, vm8;
	p5 =	sle.s32 s21, s9;
	p1 =	por !p1, !p1;
	p0 =	por !p0, !p3  }
0xee: {  	vm1 =	vmor vm1, vm2;
	vm2 =	vmor vm4, vm5;
	p1 =	por !p1, !p5;
	p3 =	slt.s32 s22, s7;
	p5 =	slt.s32 s31, s9  }
0xef: {  	vm1 =	vmor vm1, vm2;
	p2 =	por !p3, !p5;
	p3 =	slt.s32 s7, s22;
	p5 =	slt.s32 s9, s31  }
0xf0: {  	v10 =	vsel vm1, $0x3F800000, v8;
	p3 =	por !p3, !p5;
	p2 =	por !p2, !p2;
	p5 =	sle.s32 s7, s31  }
0xf1: {  	(xrf0) =	vmax.scan.msk.f32 $0xffff, v10;
	p2 =	por !p2, !p5;
	p3 =	por !p3, !p3;
	p5 =	sle.s32 s22, s9  }
0xf2: {  	p0 =	por !p0, !p0;
	p1 =	por !p1, !p1;
	p3 =	por !p3, !p5  }
0xf3: {  	p0 =	por p0, p1;
	p2 =	por !p2, !p2;
	p5 =	por !p3, !p3  }
0xf4: {  	p3 =	slt.s32 s24, s7;
	p1 =	por p2, p5;
	p5 =	slt.s32 s0, s9  }
0xf5: {  	p2 =	por !p3, !p5;
	p3 =	slt.s32 s7, s24;
	p5 =	slt.s32 s9, s0  }
0xf6: {  	p3 =	por !p3, !p5;
	p2 =	por !p2, !p2;
	p5 =	sle.s32 s7, s0  }
0xf7: {  	v10, _, _ =	vpop (xrf0);
	p2 =	por !p2, !p5;
	p3 =	por !p3, !p3;
	p5 =	sle.s32 s24, s9  }
0xf8: {  	s19 =	spop (v2sf);
	(v2sf) =	vpush v10, $0xF;
	p3 =	por !p3, !p5;
	p5 =	seq.s32 s15, $0x1  }
0xf9: {  	s26 =	sld [smem:$0x7F9];
	p0 =	por !p0, !p5;
	p5 =	seq.s32 s23, $0x1  }
0xfa: {  	p2 =	por !p2, !p2;
	p1 =	por !p1, !p5;
	p5 =	sgt.f32 s19, $0.0e+00  }
0xfb: {  	s15 =	sshra.s32 s11, $0x5;
	p0 =	por !p0, !p0;
	p1 =	por !p1, !p1  }
0xfc: {  	p3 =	por !p3, !p3;
	p4 =	por p5, p4;
	p0 =	por p0, p1  }
0xfd: {  	p1 =	por p2, p3;
	p3 =	slt.s32 s28, s7;
	p5 =	slt.s32 s3, s9  }
0xfe: {  	p2 =	por !p3, !p5;
	p3 =	seq.s32 s26, $0x1;
	p1 =	por !p1, !p6  }
0xff: {  	p6 =	sle.s32 s7, s3;
	s26 =	sld [smem:$0x7F5];
	s8 =	simm.s32 @!p3 $0x0  }
0x100: {  	p3 =	por !p4, !p4;
	p4 =	por !p1, !p1;
	p2 =	por !p2, !p2  }
0x101: {  	s16 =	sadd.s32 s8, s2;
	p0 =	por p0, p4;
	p2 =	por !p2, !p6  }
0x102: {  	p4 =	slt.s32 s9, s3;
	p6 =	slt.s32 s4, s9;
	p5 =	slt.s32 s16, s14  }
0x103: {  	s8 =	sld [smem:$0x7F9];
	p2 =	por !p2, !p2;
	p1 =	por !p3, !p5  }
0x104: {  	p3 =	slt.s32 s7, s28;
	p5 =	slt.s32 s12, s7;
	s2 =	simm.s32 @!p1 $0x0  }
0x105: {  	p3 =	por !p3, !p4;
	p5 =	por !p5, !p6;
	p4 =	sle.s32 s28, s9  }
0x106: {  	p6 =	sle.s32 s12, s9;
	s2 =	simm.s32 @p1 $0x1;
	p1 =	slt.s32 s7, s12  }
0x107: {  	[smem:$0x7F1] =	sst s2;
	s2 =	simm.s32 @!p0 $0x0;
	s19 =	spop (v2sf)  }
0x108: {  	s2 =	simm.s32 @p0 $0x1;
	p0 =	slt.s32 s9, s4;
	s29 =	sld [smem:$0x7F1]  }
0x109: {  	[smem:$0x7F2] =	sst s2;
	p0 =	por !p1, !p0;
	p1 =	por !p3, !p3  }
0x10a: {  	p3 =	por !p5, !p5;
	p5 =	sle.s32 s7, s4;
	p0 =	por !p0, !p0  }
0x10b: {  	p1 =	por !p1, !p4;
	p3 =	por !p3, !p5;
	p4 =	seq.s32 s8, $0x1  }
0x10c: {  	p5 =	sgt.f32 s19, $0.0e+00;
	s23 =	sld [smem:$0x7F2];
	s8 =	simm.s32 $0x1  }
0x10d: {  	p0 =	por !p0, !p6;
	p1 =	por !p1, !p1;
	p6 =	por !p3, !p3  }
0x10e: {  	p3 =	seq.s32 s29, $0x1;
	s29 =	sld [smem:$0x7F6];
	p0 =	por !p0, !p0  }
0x10f: {  	v10 =	vadd.s32 s15, v0;
	p1 =	por p2, p1;
	p3 =	por !p3, !p3;
	p0 =	por p6, p0  }
0x110: {  	v11 =	vadd.s32 s15, v1;
	s2 =	simm.s32 @!p3 $0x0;
	p1 =	por !p1, !p4;
	p6 =	seq.s32 s23, $0x1  }
0x111: {  	s23 =	sand.u32 $0x1F, s11;
	p1 =	por !p1, !p1;
	p0 =	por !p0, !p3  }
0x112: {  	s8 =	simm.s32 @!p3 $0x0;
	p1 =	por p6, p1;
	p0 =	por !p0, !p0  }
0x113: {  	s2 =	simm.s32 @p3 $0x1;
	s11 =	sadd.s32 s8, s16;
	p0 =	por p1, p0  }
0x114: {  	v10 =	vld.idx.msk [tilespmem:v10+s10+$0x0], $0xffff;
	s19 =	sadd.s32 s23, s15;
	s8 =	sadd.s32 $0x1, s23;
	p0 =	por p5, p0  }
0x115: {  	v11 =	vld.idx.msk [tilespmem:v11+s10+$0x0], $0xffff;
	v30 =	vmov s23;
	s23 =	sld [smem:$0x7F8];
	p4 =	slt.s32 s11, s14;
	p0 =	por !p0, !p0  }
0x116: {  	[smem:$0x7FA] =	sst s2;
	p6 =	slt.s32 s1, s19;
	p0 =	por !p0, !p4  }
0x117: {  	p5 =	slt.s32 s21, s15;
	p4 =	slt.s32 s15, s21;
	s2 =	simm.s32 @!p0 $0x0  }
0x118: {  	s2 =	simm.s32 @p0 $0x1;
	p0 =	por !p5, !p6;
	p5 =	slt.s32 s19, s1  }
0x119: {  	v31 =	vshra.s32 v10, $0x5;
	v10 =	vand.u32 $0x1F, v10;
	p6 =	sle.s32 s15, s1;
	p2 =	por !p4, !p5;
	p1 =	por !p0, !p0  }
0x11a: {  	vm4 =	vgt.u32 v10, v4;
	v10 =	vshra.s32 v11, $0x5;
	v11 =	vand.u32 $0x1F, v11;
	p0 =	sle.s32 s21, s19;
	p4 =	slt.s32 s22, s15;
	p5 =	slt.s32 s31, s19  }
0x11b: {  	vm8 =	vgt.u32 v11, v7;
	v32 =	vadd.s32 s8, v3;
	p1 =	por !p1, !p6;
	p2 =	por !p2, !p2;
	p3 =	por !p4, !p5  }
0x11c: {  	vm1 =	vgt.s32 v30, v2;
	vm5 =	vgt.u32 v30, v5;
	vm2 =	vgt.s32 v31, v32;
	p6 =	slt.s32 s15, s22;
	p2 =	por !p2, !p0;
	p0 =	slt.s32 s19, s31  }
0x11d: {  	v33 =	vadd.s32 s8, v6;
	vm7 =	vgt.u32 v30, v1;
	vm1 =	vmand vm1, vm2;
	p5 =	slt.s32 s0, s19;
	p3 =	por !p3, !p3;
	p4 =	por !p6, !p0  }
0x11e: {  	vm6 =	vgt.s32 v10, v33;
	vm2 =	vgt.u32 v30, v0;
	vm1 =	vmand vm1, vm12;
	p6 =	sle.s32 s15, s31;
	p0 =	sle.s32 s22, s19;
	p4 =	por !p4, !p4  }
0x11f: {  	vm2 =	vmand vm2, vm4;
	vm4 =	vmand vm5, vm6;
	vm5 =	vmand vm7, vm8;
	p1 =	por !p1, !p1;
	p3 =	por !p3, !p6;
	p4 =	por !p4, !p0  }
0x120: {  	vm1 =	vmor vm1, vm2;
	vm2 =	vmor vm4, vm5;
	p2 =	por !p2, !p2;
	p6 =	por !p3, !p3;
	p0 =	por !p4, !p4  }
0x121: {  	vm1 =	vmor vm1, vm2;
	p1 =	por p1, p2;
	p4 =	slt.s32 s24, s15;
	p2 =	por p6, p0  }
0x122: {  	v10 =	vsel vm1, $0x3F800000, v8;
	p3 =	por !p4, !p5;
	p6 =	slt.s32 s15, s24;
	p0 =	slt.s32 s19, s0  }
0x123: {  	(xrf0) =	vmax.scan.msk.f32 $0xffff, v10;
	p5 =	slt.s32 s28, s15;
	p4 =	por !p6, !p0;
	p3 =	por !p3, !p3  }
0x124: {  	p6 =	sle.s32 s15, s0;
	p0 =	sle.s32 s24, s19;
	p4 =	por !p4, !p4  }
0x125: {  	p3 =	por !p3, !p6;
	p6 =	por !p4, !p0;
	p0 =	slt.s32 s3, s19  }
0x126: {  	[smem:$0x7F3] =	sst s2;
	p3 =	por !p3, !p3;
	p4 =	por !p5, !p0  }
0x127: {  	p5 =	slt.s32 s15, s28;
	p0 =	slt.s32 s19, s3;
	p6 =	por !p6, !p6  }
0x128: {  	p0 =	por !p5, !p0;
	p4 =	por !p4, !p4;
	p5 =	sle.s32 s15, s3  }
0x129: {  	v10, _, _ =	vpop (xrf0);
	p4 =	por !p4, !p5;
	p0 =	por !p0, !p0;
	p5 =	sle.s32 s28, s19  }
0x12a: {  	(v2sf) =	vpush v10, $0xF;
	p0 =	por !p0, !p5;
	p5 =	seq.s32 s26, $0x1;
	p4 =	por !p4, !p4  }
0x12b: {  	s26 =	sld [smem:$0x7F9];
	p1 =	por !p1, !p5;
	p5 =	seq.s32 s29, $0x1  }
0x12c: {  	p0 =	por !p0, !p0;
	s29 =	sld [smem:$0x7F3];
	p2 =	por !p2, !p5  }
0x12d: {  	p1 =	por !p1, !p1;
	p5 =	por p3, p6;
	p0 =	por p4, p0  }
0x12e: {  	p6 =	seq.s32 s23, $0x1;
	p4 =	slt.s32 s12, s15;
	p2 =	por !p2, !p2  }
0x12f: {  	s23 =	sshra.s32 s5, $0x5;
	p1 =	por p1, p2;
	p2 =	por !p5, !p6  }
0x130: {  	p5 =	slt.s32 s4, s19;
	p6 =	seq.s32 s26, $0x1;
	s26 =	sld [smem:$0x7FA]  }
0x131: {  	p3 =	por !p4, !p5;
	p2 =	por !p2, !p2;
	p0 =	por !p0, !p6  }
0x132: {  	p4 =	sle.s32 s15, s4;
	p5 =	slt.s32 s15, s12;
	p6 =	slt.s32 s19, s4  }
0x133: {  	v11 =	vadd.s32 s23, v1;
	p1 =	por p1, p2;
	p0 =	por !p0, !p0;
	p3 =	por !p3, !p3  }
0x134: {  	p0 =	por p1, p0;
	p1 =	por !p3, !p4;
	p4 =	por !p5, !p6  }
0x135: {  	p3 =	sle.s32 s12, s19;
	p5 =	slt.s32 s9, s19;
	p6 =	slt.s32 s15, s7  }
0x136: {  	s2 =	simm.s32 @!p0 $0x0;
	p2 =	por !p4, !p4;
	p4 =	slt.s32 s7, s15  }
0x137: {  	p1 =	por !p1, !p1;
	s2 =	simm.s32 @p0 $0x1;
	p0 =	slt.s32 s19, s9  }
0x138: {  	v10 =	vadd.s32 s23, v0;
	v11 =	vld.idx.msk [tilespmem:v11+s10+$0x0], $0xffff;
	p2 =	por !p2, !p3;
	p5 =	por !p4, !p5;
	p4 =	seq.s32 s26, $0x1  }
0x139: {  	s26 =	spop (v2sf);
	[smem:$0x7F4] =	sst s2;
	p0 =	por !p6, !p0  }
0x13a: {  	p2 =	por !p2, !p2;
	p3 =	por !p5, !p5;
	p6 =	sle.s32 s15, s9  }
0x13b: {  	p5 =	sle.s32 s7, s19;
	p0 =	por !p0, !p0;
	p1 =	por p1, p2  }
0x13c: {  	p6 =	por !p3, !p6;
	p3 =	seq.s32 s29, $0x1;
	s29 =	sld [smem:$0x7F4]  }
0x13d: {  	v10 =	vld.idx.msk [tilespmem:v10+s10+$0x0], $0xffff;
	p0 =	por !p0, !p5;
	p2 =	por !p6, !p6;
	p3 =	por !p3, !p3;
	v39 =	vshra.s32 v11, $0x5;
	v11 =	vand.u32 $0x1F, v11  }
0x13e: {  	v37 =	vmov s1;
	vm1 =	veq.s32 v0, $0x0;
	p1 =	por !p1, !p4;
	p5 =	sgt.f32 s26, $0.0e+00;
	s26 =	simm.s32 $0x1;
	vm7 =	vgt.u32 v11, v7;
	v11 =	vld [tilespmem:$0x1FF30]  }
0x13f: {  	v38 =	vsel vm1, s21, v37;
	p0 =	por !p0, !p0;
	s2 =	simm.s32 @!p3 $0x0;
	s26 =	simm.s32 @!p3 $0x0  }
0x140: {  	v13 =	vsel vm9, s22, v38;
	p0 =	por p2, p0;
	p6 =	seq.s32 s29, $0x1;
	s29 =	sand.u32 $0x1F, s5  }
0x141: {  	v13 =	vnsel vm0, s31, v13;
	s5 =	sadd.s32 s26, s11;
	s26 =	sadd.s32 s29, s23;
	v34 =	vmov s29;
	s29 =	sadd.s32 $0x1, s29  }
0x142: {  	p1 =	por !p1, !p1;
	v35 =	vshra.s32 v10, $0x5;
	v10 =	vand.u32 $0x1F, v10;
	s2 =	simm.s32 @p3 $0x1;
	p0 =	por !p0, !p3;
	v36 =	vadd.s32 s29, v3  }
0x143: {  	[smem:$0x7FB] =	sst s2;
	p1 =	por p6, p1;
	p0 =	por !p0, !p0;
	vm2 =	vgt.s32 v34, v2;
	vm4 =	vgt.s32 v35, v36;
	vm0 =	vnez.u8 v11;
	v11 =	vld [tilespmem:$0x1FF40]  }
0x144: {  	p2 =	slt.s32 s5, s14;
	p3 =	slt.s32 s21, s23;
	p0 =	por p1, p0;
	vm1 =	vmand vm2, vm4;
	vm4 =	vgt.u32 v10, v4;
	v10 =	vnsel vm11, s24, v13  }
0x145: {  	p4 =	slt.s32 s1, s26;
	p6 =	slt.s32 s26, s1;
	p0 =	por p5, p0;
	v10 =	vnsel vm13, s0, v10  }
0x146: {  	p3 =	por !p3, !p4;
	p5 =	slt.s32 s23, s21;
	p0 =	por !p0, !p0;
	v10 =	vnsel vm14, s28, v10  }
0x147: {  	p4 =	por !p5, !p6;
	p5 =	sle.s32 s23, s1;
	p6 =	sle.s32 s21, s26;
	v10 =	vnsel vm15, s3, v10  }
0x148: {  	p0 =	por !p0, !p2;
	p1 =	por !p4, !p4;
	p4 =	slt.s32 s31, s26;
	v10 =	vnsel vm0, s12, v10;
	vm0 =	vnez.u8 v11;
	v11 =	vld [tilespmem:$0x1FF50]  }
0x149: {  	s2 =	simm.s32 @!p0 $0x0;
	p1 =	por !p1, !p6;
	p6 =	slt.s32 s26, s31  }
0x14a: {  	s2 =	simm.s32 @p0 $0x1;
	p0 =	por !p3, !p3;
	p3 =	slt.s32 s22, s23  }
0x14b: {  	p0 =	por !p0, !p5;
	p2 =	por !p3, !p4;
	p5 =	slt.s32 s23, s22  }
0x14c: {  	v40 =	vadd.s32 s29, v6;
	vm6 =	vgt.u32 v34, v1;
	p1 =	por !p1, !p1;
	p3 =	por !p5, !p6;
	p2 =	por !p2, !p2  }
0x14d: {  	vm2 =	vgt.u32 v34, v0;
	p5 =	sle.s32 s23, s31;
	p6 =	sle.s32 s22, s26;
	p3 =	por !p3, !p3;
	v10 =	vnsel vm0, s4, v10;
	vm0 =	vnez.u8 v11;
	v11 =	vld [tilespmem:$0x1FF60]  }
0x14e: {  	vm5 =	vgt.s32 v39, v40;
	vm2 =	vmand vm2, vm4;
	vm4 =	vgt.u32 v34, v5;
	p0 =	por !p0, !p0;
	p2 =	por !p2, !p5;
	p3 =	por !p3, !p6  }
0x14f: {  	vm1 =	vmand vm1, vm12;
	vm4 =	vmand vm4, vm5;
	vm5 =	vmand vm6, vm7;
	p5 =	por p0, p1;
	p1 =	por !p2, !p2;
	p2 =	por !p3, !p3  }
0x150: {  	vm1 =	vmor vm1, vm2;
	vm2 =	vmor vm4, vm5;
	p6 =	slt.s32 s0, s26;
	p3 =	slt.s32 s24, s23;
	p4 =	por p1, p2  }
0x151: {  	vm1 =	vmor vm1, vm2;
	p0 =	por !p3, !p6;
	p2 =	slt.s32 s23, s24;
	p3 =	slt.s32 s26, s0  }
0x152: {  	v41 =	vld [tilespmem:$0x1FF70];
	p6 =	sle.s32 s23, s0;
	p1 =	por !p2, !p3;
	p0 =	por !p0, !p0;
	v10 =	vnsel vm0, s7, v10;
	vm0 =	vnez.u8 v11;
	v11 =	vsel vm1, $0x3F800000, v8  }
0x153: {  	p3 =	por !p0, !p6;
	p2 =	por !p1, !p1;
	p6 =	sle.s32 s24, s26;
	(xrf0) =	vmax.scan.msk.f32 $0xffff, v11;
	v11 =	vld [tilespmem:$0x1FF80]  }
0x154: {  	p1 =	slt.s32 s28, s23;
	p2 =	por !p2, !p6;
	p6 =	slt.s32 s3, s26  }
0x155: {  	p0 =	por !p1, !p6;
	p1 =	slt.s32 s23, s28;
	p6 =	slt.s32 s26, s3  }
0x156: {  	p6 =	por !p1, !p6;
	p0 =	por !p0, !p0;
	p1 =	sle.s32 s23, s3  }
0x157: {  	p1 =	por !p0, !p1;
	p0 =	por !p6, !p6;
	p6 =	sle.s32 s28, s26;
	v10 =	vnsel vm0, s9, v10;
	vm0 =	vnez.u8 v41  }
0x158: {  	p0 =	por !p0, !p6;
	v10 =	vnsel vm0, s15, v10;
	vm0 =	vnez.u8 v11;
	v11 =	vld [tilespmem:$0x1FF90]  }
0x159: {  	[smem:$0x7FC] =	sst s2;
	s2 =	simm.s32 @!p0 $0x0  }
0x15a: {  	s2 =	simm.s32 @p0 $0x1  }
0x15b: {  	[smem:$0x7F7] =	sst s2  }
0x15c: {  	s2 =	sld [smem:$0x7F5]  }
0x15d: {  	v10 =	vnsel vm0, s19, v10;
	vm0 =	vnez.u8 v11;
	v11 =	vld [tilespmem:$0x1FFA0];
	_ =	sdelay $0x1  }
0x15e: {  	p0 =	seq.s32 s2, $0x1;
	s2 =	sld [smem:$0x7F6];
	_ =	sdelay $0x1  }
0x15f: {  	p3 =	por !p3, !p3;
	p2 =	por !p2, !p2  }
0x160: {  	v48 =	vmov s20;
	p2 =	por p3, p2;
	p6 =	seq.s32 s2, $0x1;
	s2 =	rddreg [dreg:$0xc];
	v10 =	vnsel vm0, s23, v10;
	vm0 =	vnez.u8 v11  }
0x161: {  	vm15 =	vmmov vm10;
	p1 =	por !p1, !p1;
	p5 =	por !p5, !p0;
	v11 =	vmov s29;
	s29 =	sld [smem:$0x7F8];
	v10 =	vnsel vm0, s26, v10  }
0x162: {  	vm15 =	vmneg @p0 vm15;
	p0 =	slt.s32 s4, s26;
	p4 =	por !p4, !p6;
	vm0 =	vmmov vm10;
	vm6 =	veq.s32 v10, s22;
	s22 =	sld [smem:$0x7F7]  }
0x163: {  	v47 =	vimm.s32 $0x0;
	p5 =	por !p5, !p5;
	v42 =	vmov s2;
	s2 =	rddreg [dreg:$0xb];
	p4 =	por !p4, !p4;
	vm0 =	vmneg @p6 vm0  }
0x164: {  	vm5 =	vmmov vm10;
	p5 =	por p5, p4;
	p4 =	slt.s32 s23, s12;
	vm7 =	veq.s32 v10, s31;
	s31 =	sld [smem:$0x7F9];
	vm6 =	vmand vm6, vm0  }
0x165: {  	vm4 =	veq.s32 v10, s21;
	s21 =	sld [smem:$0x7FA];
	p3 =	seq.s32 s29, $0x1;
	v44 =	vnsel vm6, $0x0, v42;
	vm6 =	vmand vm7, vm0;
	p6 =	seq.s32 s22, $0x1  }
0x166: {  	vm2 =	veq.s32 v10, s1;
	vm4 =	vmand vm4, vm15;
	s29 =	rddreg [dreg:$0xd];
	p2 =	por !p2, !p3;
	v12 =	vnsel vm6, $0x0, v42;
	p6 =	por !p6, !p6  }
0x167: {  	vm2 =	vmand vm2, vm15;
	p2 =	por !p2, !p2;
	v45 =	vmax.u32 v44, s2;
	v46 =	vmax.u32 v12, s2;
	p1 =	por p1, p6;
	p6 =	slt.s32 s12, s23  }
0x168: {  	vm5 =	vmneg @p3 vm5;
	s22 =	sld [smem:$0x7FB];
	v13 =	vsel vm4, v45, v44;
	v12 =	vsel vm2, v46, v12;
	p3 =	por !p6, !p0;
	p6 =	seq.s32 s31, $0x1  }
0x169: {  	v51 =	vimm.s32 $0x0;
	v43, _, _ =	vpop (xrf0);
	v14 =	vmax.u32 v13, s25;
	p0 =	por p5, p2;
	p5 =	slt.s32 s26, s4;
	v15 =	vmax.u32 v12, s25;
	s25 =	sld [smem:$0x7FC]  }
0x16a: {  	vm8 =	vmmov vm10;
	vm11 =	vmmov vm10;
	(v2sf) =	vpush v43, $0xF;
	p1 =	por !p1, !p6;
	p2 =	por !p3, !p3;
	p3 =	sle.s32 s23, s4  }
0x16b: {  	vm14 =	vmmov vm10;
	vm1 =	veq.s32 v10, s19;
	vm12 =	vmmov vm0;
	p4 =	por !p4, !p5;
	p5 =	slt.s32 s9, s26;
	p1 =	por !p1, !p1  }
0x16c: {  	v16 =	vsel vm1, $0xFFFFFFFF, v47;
	vm6 =	veq.s32 v10, s24;
	vm11 =	vmneg @p6 vm11;
	p6 =	slt.s32 s23, s7;
	p0 =	por p0, p1;
	p1 =	por !p2, !p3  }
0x16d: {  	vm1 =	vcmask $0x300;
	vm4 =	vmand vm6, vm5;
	vm2 =	veq.s32 v10, s0;
	p3 =	sle.s32 s12, s26;
	p2 =	por !p4, !p4;
	p4 =	slt.s32 s7, s23  }
0x16e: {  	vm0 =	veq.s32 v10, s15;
	vm2 =	vmand vm2, vm5;
	v13 =	vsel vm4, v14, v13;
	s1 =	simm.s32 @!p0 $0x0;
	p2 =	por !p2, !p3;
	p5 =	por !p4, !p5  }
0x16f: {  	vm6 =	veq.s32 v10, s28;
	v12 =	vsel vm2, v15, v12;
	vm4 =	vgt.s32 v13, s30;
	p1 =	por !p1, !p1;
	s1 =	simm.s32 @p0 $0x1;
	p0 =	slt.s32 s26, s9  }
0x170: {  	vm2 =	veq.s32 v10, s3;
	vm7 =	vgt.s32 v12, s30;
	v14 =	vnsel vm4, s30, v13;
	p2 =	por !p2, !p2;
	p3 =	por !p5, !p5;
	p5 =	sle.s32 s7, s26  }
0x171: {  	vm4 =	vmand vm6, vm11;
	vm6 =	veq.s32 v10, s12;
	vm2 =	vmand vm2, vm11;
	p0 =	por !p6, !p0;
	p6 =	sle.s32 s23, s9;
	p1 =	por p1, p2  }
0x172: {  	v15 =	vnsel vm7, s30, v12;
	v13 =	vsel vm4, v14, v13;
	vm4 =	veq.s32 v10, s4;
	p0 =	por !p0, !p0;
	p6 =	por !p3, !p6;
	p3 =	seq.s32 s21, $0x1  }
0x173: {  	vm7 =	veq.s32 v10, s9;
	v12 =	vsel vm2, v15, v12;
	vm2 =	vgt.s32 v13, s6;
	p4 =	slt.s32 s19, s26;
	p0 =	por !p0, !p5;
	p1 =	por !p1, !p3  }
0x174: {  	v14 =	vnsel vm2, s6, v13;
	vm2 =	vgt.s32 v12, s6;
	p2 =	por !p6, !p6;
	vm14 =	vmneg @p3 vm14;
	p3 =	slt.s32 s15, s23;
	p0 =	por !p0, !p0  }
0x175: {  	v15 =	vnsel vm2, s6, v12;
	p5 =	slt.s32 s23, s15;
	p6 =	slt.s32 s26, s19;
	vm2 =	vmand vm6, vm14;
	vm4 =	vmand vm4, vm14;
	p0 =	por p2, p0  }
0x176: {  	vm6 =	veq.s32 v10, s7;
	p2 =	por !p3, !p4;
	v13 =	vsel vm2, v14, v13;
	v12 =	vsel vm4, v15, v12;
	p4 =	por !p5, !p6;
	p5 =	seq.s32 s22, $0x1  }
0x177: {  	s31 =	rddreg [dreg:$0xf];
	vm8 =	vmneg @p5 vm8;
	vm2 =	vgt.s32 v13, s13;
	vm4 =	vgt.s32 v12, s13  }
0x178: {  	s30 =	rddreg [dreg:$0xe];
	v14 =	vnsel vm2, s13, v13;
	v15 =	vnsel vm4, s13, v12;
	vm2 =	vmand vm6, vm8  }
0x179: {  	s24 =	spop (v2sf);
	s0 =	simm.s32 $0x1;
	[smem:$0x7FD] =	sst s1;
	vm7 =	vmand vm7, vm8;
	vm6 =	vmmov vm12;
	vm4 =	vcmask $0x2F28  }
0x17a: {  	s28 =	sld [smem:$0x7FD];
	p6 =	sle.s32 s15, s26;
	p3 =	por !p0, !p5;
	v13 =	vsel vm2, v14, v13;
	v12 =	vsel vm7, v15, v12;
	v14 =	vnsel vm1, $0x0, v48  }
0x17b: {  	p5 =	sle.s32 s23, s19;
	p2 =	por !p2, !p2;
	p4 =	por !p4, !p4;
	vm1 =	veq.s32 v10, s26;
	vm2 =	vgt.s32 v13, s8;
	vm7 =	vgt.s32 v12, s8  }
0x17c: {  	p1 =	por !p1, !p1;
	p0 =	por !p2, !p5;
	p6 =	por !p4, !p6;
	v17 =	vsel vm1, $0xFFFFFFFF, v51;
	vm1 =	vcmask $0x704;
	v49 =	vnsel vm2, s8, v13  }
0x17d: {  	p5 =	seq.s32 s25, $0x1;
	p0 =	por !p0, !p0;
	p2 =	por !p6, !p6;
	v50 =	vnsel vm7, s8, v12;
	v14 =	vsel vm1, s29, v14;
	vm1 =	vcmask $0xF08  }
0x17e: {  	p6 =	seq.s32 s28, $0x1;
	p0 =	por p0, p2;
	p2 =	por !p5, !p5;
	v14 =	vsel vm9, s30, v14;
	vm12 =	vmand vm12, vm1;
	vm1 =	vcmask $0xF0C  }
0x17f: {  	p3 =	por !p3, !p3;
	p1 =	por p6, p1;
	p0 =	por !p0, !p2;
	vm2 =	vmand vm15, vm3;
	v14 =	vsel vm1, s31, v14;
	vm1 =	vcmask $0x1710  }
0x180: {  	p4 =	sgt.f32 s24, $0.0e+00;
	p1 =	por p1, p3;
	p0 =	por !p0, !p0;
	vm2 =	vmor vm2, vm12;
	vm12 =	vmand vm5, vm1;
	vm1 =	vcmask $0x1310  }
0x181: {  	vm7 =	veq.s32 v10, s23;
	s0 =	simm.s32 @!p2 $0x0;
	p0 =	por p1, p0;
	v14 =	vsel vm1, s16, v14;
	vm1 =	vcmask $0x1F18  }
0x182: {  	[tilespmem:$0x1FF10] =	vst v16;
	s0 =	sadd.s32 s0, s5;
	p0 =	por p4, p0;
	vm2 =	vmor vm2, vm12;
	vm12 =	vmand vm11, vm1;
	vm1 =	vcmask $0x1714  }
0x183: {  	v52 =	vld [tilespmem:$0x1FF10];
	p6 =	slt.s32 s0, s14;
	p0 =	por !p0, !p0;
	v14 =	vsel vm1, s11, v14;
	vm12 =	vmor vm2, vm12;
	vm2 =	vcmask $0x2720  }
0x184: {  	p0 =	por !p0, !p6;
	vm1 =	vmmov vm13;
	vm13 =	vmand vm14, vm2;
	vm2 =	vmmov vm10  }
0x185: {  	v53 =	vld [tilespmem:$0x1FFB0];
	p0 =	por !p0, !p0;
	vm2 =	vmneg @p2 vm2;
	vm12 =	vmor vm12, vm13;
	vm13 =	vmand vm8, vm4  }
0x186: {  	vm4 =	vmmov vm3;
	vm3 =	vmmov vm10;
	vm10 =	vmneg @p0 vm10  }
0x187: {  	vm12 =	vmor vm12, vm13;
	vm13 =	vcmask $0x3730;
	vm0 =	vmand vm0, vm2  }
0x188: {  	vm13 =	vmand vm2, vm13;
	v13 =	vsel vm0, v49, v13;
	vm0 =	vnez.u8 v52  }
0x189: {  	vm12 =	vmor vm12, vm13;
	vm13 =	vcmask $0x3F38;
	vm0 =	vmand vm0, vm2  }
0x18a: {  	vm13 =	vmand vm10, vm13;
	v12 =	vsel vm0, v50, v12;
	vm0 =	vnez.u8 v53  }
0x18b: {  	vm12 =	vmor vm12, vm13;
	vm13 =	vmmov vm1;
	vm1 =	vcmask $0x704  }
0x18c: {  	v56 =	vld.idx.msk [tilespmem:v10+s10+$0x0], $0xffff;
	[tilespmem:$0x1FF20] =	vst v17;
	vm5 =	vmand vm5, vm9;
	vm0 =	vmand vm15, vm0;
	vm1 =	vmand vm6, vm1  }
0x18d: {  	v59 =	vld [tilespmem:$0x1FF20];
	vm0 =	vmor vm0, vm1;
	vm1 =	vmand vm7, vm10;
	vm7 =	vcmask $0xF0C  }
0x18e: {  	v55 =	vnsel vm1, $0x0, v11;
	vm0 =	vmor vm0, vm5;
	vm1 =	vmand vm11, vm7  }
0x18f: {  	vm5 =	vcmask $0x1310;
	vm0 =	vmor vm0, vm1;
	vm1 =	vgt.s32 v13, v55  }
0x190: {  	vm5 =	vmand vm14, vm5;
	v13 =	vsel vm1, v13, v55;
	vm1 =	vcmask $0x1714  }
0x191: {  	v60 =	vshra.s32 v56, $0x5;
	vm0 =	vmor vm0, vm5;
	vm1 =	vmand vm8, vm1  }
0x192: {  	vm5 =	vcmask $0x1B18;
	vm0 =	vmor vm0, vm1;
	vm1 =	vnez.u8 v59  }
0x193: {  	vm7 =	vcmask $0x1F1C;
	vm2 =	vmand vm2, vm5;
	vm1 =	vmand vm1, vm10  }
0x194: {  	vm0 =	vmor vm0, vm2;
	v11 =	vnsel vm1, $0x0, v11;
	vm1 =	vmand vm10, vm7  }
0x195: {  	vm2 =	vgt.s32 v60, v13;
	vm0 =	vmor vm0, vm1;
	vm1 =	vgt.s32 v12, v11  }
0x196: {  	v54 =	vld [tilespmem:$0x1FFF0];
	v62 =	vand.u32 $0x1F, v56;
	v61 =	vsel vm2, v60, v13;
	v11 =	vsel vm1, v12, v11  }
0x197: {  	v57 =	vld [tilespmem:$0x1FFD0];
	v12 =	vshll.u32 v61, $0x5;
	v11 =	vmax.u32 v62, v11  }
0x198: {  	v58 =	vld [tilespmem:$0x1FFE0];
	s1 =	simm.s32 $0x1;
	v14 =	vsel vm5, s5, v14;
	v11 =	vor.u32 v11, v12  }
0x199: {  	s1 =	simm.s32 @!p0 $0x0;
	p0 =	sne.s32 s17, $0x188;
	v14 =	vsel vm7, s0, v14;
	[tilespmem:v10+s10+$0x0] =	vst.idx.msk vm12, v11;
	v10 =	vld [tilespmem:$0x1FFC0]  }
.Ltmp6:
0x19a: {  	_ = 	snop;
	(pc) =	sbr.rel @p0 .LBB2_4-.Ltmp6, $4  }
0x19b: {  	_ = 	snop  }
0x19c: {  	v63 =	vor.u32 s18, v9;
	vm15 =	vnez.u8 v54  }
0x19d: {  	s2 =	simm.s32 $0x1D580;
	s4 =	simm.s32 $0x0;
	vm11 =	vnez.u8 v57;
	vm14 =	vnez.u8 v58;
	vm10 =	vmmov vm3  }
0x19e: {  	s20 =	sadd.s32 s1, s0;
	s17 =	sadd.s32 $0x8, s17;
	s0 =	rddreg [dreg:$0x9];
	vm3 =	vmmov vm4;
	vm12 =	vcmask $0x3F04;
	[tilespmem:v14+s2+$0x0] =	vst.idx.msk vm0, v63;
	vm0 =	vnez.u8 v10  }
.Ltmp7:
0x19f: {  	_ = 	snop;
	(pc) =	sbr.rel .LBB2_5-.Ltmp7, $1  }
0x1a0: {  	_ =	sdelay $0x3  }
.Lfunc_end2:
_tile_overlayer_lowered:
.L_overlay_start_2:
0x1a1: {  	(tag) =	ssettag $0x2  }
0x1a2: {  	s0 =	rddreg [dreg:$0x0];
	s2 =	stileid.u32  }
0x1a3: {  	s1 =	rddreg [dreg:$0x1];
	p0 =	sne.s32 s2, $0x0  }
0x1a4: {  	s3 =	rddreg [dreg:$0x2];
	[bflag:$0x3] =	sbarrier.arrive $0xFFFF;
	s2 =	simm.s32 @!p0 $0x1C01  }
0x1a5: {  	[timem:s3], [sflag:s2] =	dma.local @!p0 [hbm:s0], s1  }
0x1a6: {  	s0 =	simm.s32 @!p0 $0x1  }
0x1a7: {  	_ =	swait.ge @!p0 [sflag:s0], s1  }
0x1a8: {  	s1 =	ssub.s32 @!p0 $0x0, s1;
	[sflag:s0] =	ssyncset.done @!p0 $0x0  }
0x1a9: {  	[sflag:s0] =	ssyncadd.s32 @!p0 s1  }
0x1aa: {  	[bflag:$0x3] =	sbarrier.arrive $0xFFFF  }
0x1ab: {  	_ =	shalt  }

</sc_bundles>
